<compile_context>
chip_gen: v7x
topology: tpu7x:2x2x1
jax: 0.10.2.dev20260603
libtpu: 0.0.44.dev20260713+nightly
codegen_flags: <defaults>
</compile_context>

<pallas_src>
import functools

import jax
import jax.numpy as jnp
from jax import lax
from jax.experimental import pallas as pl
from jax.experimental.pallas import tpu as pltpu
from jax.experimental.pallas import tpu_sc as plsc

_N = 10000
_E = 320000
_DIN = 128
_DE = 16
_DOUT = 128

_NC, _NS, _L = 2, 16, 16
_EPT = _E // (_NC * _NS)
_EPC = _E // _NC
_SUB = 2000
_NSUB = _EPT // _SUB
_NP = 10240
_RPT = _NP // _NS

_SC_PARAMS = pltpu.CompilerParams(needs_layout_passes=False,
                                  use_tc_tiling_on_sc=False)
_MESH = plsc.VectorSubcoreMesh(core_axis_name="c", subcore_axis_name="s",
                               num_cores=_NC, num_subcores=_NS)


def _sc_denom(sp8_hbm, ei_hbm, eexp_hbm, dpart_hbm, dstl_hbm,
              ssrc_v, sdst_v, src_v, dst_v, eexp_v, zb_v, denom_sh):
  c = lax.axis_index("c")
  s = lax.axis_index("s")
  r0 = s * _RPT
  ofs = c * _EPC + s * _EPT

  def zbody(i, carry):
    zb_v[pl.ds(i * _L, _L)] = jnp.zeros((_L,), jnp.float32)
    return carry
  lax.fori_loop(0, _RPT // _L, zbody, 0)
  pltpu.sync_copy(zb_v, denom_sh.at[pl.ds(r0, _RPT)])
  pltpu.sync_copy(sp8_hbm.at[0], ssrc_v)
  pltpu.sync_copy(sp8_hbm.at[1], sdst_v)
  pltpu.sync_copy(ei_hbm.at[0, pl.ds(ofs, _EPT)], src_v)
  pltpu.sync_copy(ei_hbm.at[1, pl.ds(ofs, _EPT)], dst_v)
  plsc.subcore_barrier()

  def body(i, carry):
    sl = pl.ds(i * _L, _L)
    vs = plsc.load_gather(ssrc_v, [src_v[sl]])
    vd = plsc.load_gather(sdst_v, [dst_v[sl]])
    eexp_v[sl] = jnp.exp(jnp.maximum(vs + vd, 0.0))
    return carry
  lax.fori_loop(0, _EPT // _L, body, 0)

  pltpu.sync_copy(eexp_v, eexp_hbm.at[pl.ds(ofs, _EPT)])
  pltpu.sync_copy(dst_v, dstl_hbm.at[pl.ds(ofs, _EPT)])
  pltpu.sync_copy(eexp_v, denom_sh.at[dst_v], add=True)
  plsc.subcore_barrier()
  pltpu.sync_copy(denom_sh.at[pl.ds(r0, _RPT)], dpart_hbm.at[c, pl.ds(r0, _RPT)])


_sc_denom_call = functools.partial(
    pl.kernel,
    out_type=(jax.ShapeDtypeStruct((_E,), jnp.float32),
              jax.ShapeDtypeStruct((_NC, _NP), jnp.float32),
              jax.ShapeDtypeStruct((_E,), jnp.int32)),
    mesh=_MESH,
    compiler_params=_SC_PARAMS,
    scratch_types=[
        pltpu.VMEM((_N,), jnp.float32),
        pltpu.VMEM((_N,), jnp.float32),
        pltpu.VMEM((_EPT,), jnp.int32),
        pltpu.VMEM((_EPT,), jnp.int32),
        pltpu.VMEM((_EPT,), jnp.float32),
        pltpu.VMEM((_RPT,), jnp.float32),
        pltpu.VMEM_SHARED((_NP,), jnp.float32),
    ],
)(_sc_denom)


_SPLIT = 159744
_RMAX = 1264


def _chunks(cnt, k=4):
  g = cnt // 16
  out = []
  for i in range(k):
    gi = g // k + (1 if i < g % k else 0)
    out.append(gi * 16)
  return out


def _make_zsum(base, total):
  cnt = total // (_NC * _NS)
  epc = total // _NC
  sizes = _chunks(cnt)

  def _sc_zsum(dstl_hbm, eexp_hbm, ef_hbm, *args):
    if base == 0:
      zpart_hbm = args[0]
      (dst_v, eexp_v, raw0_v, raw1_v, sc0_v, sc1_v, zb_v, d0_v, d1_v, z_sh,
       lsem, ssem) = args[1:]
    else:
      zinit_hbm, dpart_hbm, zpart_hbm = args[0], args[1], args[2]
      (dst_v, eexp_v, raw0_v, raw1_v, sc0_v, sc1_v, zb_v, d0_v, d1_v, z_sh,
       lsem, ssem) = args[3:]
    c = lax.axis_index("c")
    s = lax.axis_index("s")
    r0 = s * _RPT
    ofs_l = c * epc + s * cnt
    ofs_g = base + ofs_l
    raws = (raw0_v, raw1_v)
    sbufs = (sc0_v, sc1_v)

    cd = pltpu.async_copy(dstl_hbm.at[pl.ds(ofs_g, cnt)], dst_v, lsem)
    ce = pltpu.async_copy(eexp_hbm.at[pl.ds(ofs_g, cnt)], eexp_v, lsem)
    loads = [pltpu.async_copy(ef_hbm.at[pl.ds(ofs_l // 8, sizes[0] // 8)],
                              raw0_v.at[pl.ds(0, sizes[0] // 8)], lsem)]
    if base == 0:
      def zbody(i, carry):
        zb_v[i, :] = jnp.zeros((_L,), jnp.float32)
        return carry
      lax.fori_loop(0, _RPT, zbody, 0)
      pltpu.sync_copy(zb_v, z_sh.at[pl.ds(r0, _RPT)])
    else:
      cz = pltpu.async_copy(zinit_hbm.at[c, pl.ds(r0, _RPT)],
                            z_sh.at[pl.ds(r0, _RPT)], lsem)
      c0 = pltpu.async_copy(dpart_hbm.at[0, pl.ds(r0, _RPT)], d0_v, lsem)
      c1 = pltpu.async_copy(dpart_hbm.at[1, pl.ds(r0, _RPT)], d1_v, lsem)
      cz.wait()
      c0.wait()
      c1.wait()
    cd.wait()
    ce.wait()
    plsc.subcore_barrier()

    scatters = []
    off = 0
    for j, sz in enumerate(sizes):
      raw = raws[j % 2]
      sbuf = sbufs[j % 2]
      loads[j].wait()
      if j + 1 < len(sizes):
        nsz = sizes[j + 1]
        loads.append(pltpu.async_copy(
            ef_hbm.at[pl.ds((ofs_l + off + sz) // 8, nsz // 8)],
            raws[(j + 1) % 2].at[pl.ds(0, nsz // 8)], lsem))

      def sbody(g, carry, off=off, raw=raw, sbuf=sbuf):
        a = eexp_v[pl.ds(off + g * _L, _L)]
        for k in range(_L):
          e = g * _L + k
          r = g * 2 + (k // 8)
          sbuf[e, :] = raw[r, pl.ds((k % 8) * _L, _L)] * a[k]
        return carry
      lax.fori_loop(0, sz // _L, sbody, 0)

      if j >= 1:
        scatters[j - 1].wait()
      scatters.append(pltpu.async_copy(
          sbuf.at[pl.ds(0, sz)], z_sh.at[dst_v.at[pl.ds(off, sz)]], ssem,
          add=True))
      off += sz

    scatters[-1].wait()
    plsc.subcore_barrier()
    if base == 0:
      pltpu.sync_copy(z_sh.at[pl.ds(r0, _RPT)],
                      zpart_hbm.at[c, pl.ds(r0, _RPT)])
    else:
      pltpu.sync_copy(z_sh.at[pl.ds(r0, _RPT)], zb_v)
      def dbody(g, carry):
        dv = d0_v[pl.ds(g * _L, _L)] + d1_v[pl.ds(g * _L, _L)]
        w = jnp.where(dv > 0.0, 1.0 / dv, 0.0)
        for k in range(_L):
          r = g * _L + k
          zb_v[r, :] = zb_v[r, :] * w[k]
        return carry
      lax.fori_loop(0, _RPT // _L, dbody, 0)
      pltpu.sync_copy(zb_v, zpart_hbm.at[c, pl.ds(r0, _RPT)])

  return functools.partial(
      pl.kernel,
      out_type=jax.ShapeDtypeStruct((_NC, _NP, _DE), jnp.float32),
      mesh=_MESH,
      compiler_params=_SC_PARAMS,
      scratch_types=[
          pltpu.VMEM((cnt,), jnp.int32),
          pltpu.VMEM((cnt,), jnp.float32),
          pltpu.VMEM((_RMAX // 8, 128), jnp.float32),
          pltpu.VMEM((_RMAX // 8, 128), jnp.float32),
          pltpu.VMEM((_RMAX, _DE), jnp.float32),
          pltpu.VMEM((_RMAX, _DE), jnp.float32),
          pltpu.VMEM((_RPT, _DE), jnp.float32),
          pltpu.VMEM((_RPT,), jnp.float32),
          pltpu.VMEM((_RPT,), jnp.float32),
          pltpu.VMEM_SHARED((_NP, _DE), jnp.float32),
          pltpu.SemaphoreType.DMA,
          pltpu.SemaphoreType.DMA,
      ],
  )(_sc_zsum)


_sc_zsum_calls = (_make_zsum(0, _SPLIT), _make_zsum(_SPLIT, _E - _SPLIT))


def _s_tc(x_ref, a_ref, b_ref, o_ref):
  o_ref[...] = lax.dot_general(a_ref[...], x_ref[...], (((1,), (1,)), ((), ())),
                               preferred_element_type=jnp.float32) + b_ref[...]


def _out_tc(x_ref, za_ref, zb_ref, w_ref, b_ref, o_ref):
  nb = x_ref.shape[0]
  z = za_ref[...] + zb_ref[...]
  dn = (((1,), (1,)), ((), ()))
  acc = lax.dot_general(x_ref[...], w_ref[:, :_DIN], dn,
                        preferred_element_type=jnp.float32)
  acc += lax.dot_general(z, w_ref[:, _DIN:], dn,
                         preferred_element_type=jnp.float32)
  o_ref[...] = jnp.maximum(acc + b_ref[...], 0.0).reshape(nb, 1, _DOUT)


def kernel(nfeats, efeats, edge_index, W_w, W_b, A_w, A_b):
  ei = edge_index.astype(jnp.int32)
  ef0 = efeats[:_SPLIT].reshape(_SPLIT // 8, 128).astype(jnp.float32)
  ef1 = efeats[_SPLIT:].reshape((_E - _SPLIT) // 8, 128).astype(jnp.float32)
  X2d = nfeats.reshape(_N, _DIN)

  A8 = jnp.zeros((8, _DIN), jnp.float32)
  A8 = A8.at[0].set(A_w[0, :_DIN]).at[1].set(A_w[0, _DIN:])
  sp8 = pl.pallas_call(
      _s_tc,
      out_shape=jax.ShapeDtypeStruct((8, _N), jnp.float32),
  )(X2d, A8, jnp.zeros((8, 1), jnp.float32).at[1, 0].set(A_b[0]))

  eexp, dpart, dstl = _sc_denom_call(sp8, ei)
  zpart0 = _sc_zsum_calls[0](dstl, eexp, ef0)
  zpart = _sc_zsum_calls[1](dstl, eexp, ef1, zpart0, dpart)

  out = pl.pallas_call(
      _out_tc,
      grid=(10,),
      in_specs=[
          pl.BlockSpec((_N // 10, _DIN), lambda i: (i, 0)),
          pl.BlockSpec((_N // 10, _DE), lambda i: (i, 0)),
          pl.BlockSpec((_N // 10, _DE), lambda i: (i, 0)),
          pl.BlockSpec((_DOUT, _DIN + _DE), lambda i: (0, 0)),
          pl.BlockSpec((1, _DOUT), lambda i: (0, 0)),
      ],
      out_specs=pl.BlockSpec((_N // 10, 1, _DOUT), lambda i: (i, 0, 0)),
      out_shape=jax.ShapeDtypeStruct((_N, 1, _DOUT), jnp.float32),
  )(X2d, zpart[0, :_N], zpart[1, :_N],
    W_w, W_b.reshape(1, _DOUT))
  return out

# --- scband reference (transcript-rebuilt; emitter-appended) ---
"""Pipeline reference for scband-gatlayer-76510547411436 (READ-ONLY COPY).

The authoritative reference and input builder live on the scoring server;
editing this copy changes nothing except your own understanding.
"""

import jax, jax.numpy as jnp
import numpy as np

N = 10000
E = 320000
D_IN = 128
D_E = 16
D_OUT = 128


def setup_inputs(seed: int = 0) -> dict:
    key = jax.random.key(seed)
    k1, k2, k3, k4, k5, k6 = jax.random.split(key, 6)
    nfeats = jax.random.normal(k1, (N, 1, D_IN), dtype=jnp.float32)
    efeats = jax.random.normal(k2, (E, 1, D_E), dtype=jnp.float32)
    edge_index = jax.random.randint(k3, (2, E), 0, N)
    # learned params (W_apply: Linear(ndim_in+edim -> ndim_out), attn_fc: Linear(2*ndim_in -> 1))
    W_w = jax.random.normal(k4, (D_OUT, D_IN + D_E), dtype=jnp.float32) * 0.05
    W_b = jnp.zeros((D_OUT,), dtype=jnp.float32)
    A_w = jax.random.normal(k5, (1, 2 * D_IN), dtype=jnp.float32) * 0.05
    A_b = jnp.zeros((1,), dtype=jnp.float32)
    return {"nfeats": nfeats, "efeats": efeats, "edge_index": edge_index,
            "W_w": W_w, "W_b": W_b, "A_w": A_w, "A_b": A_b}


def reference(nfeats, efeats, edge_index, W_w, W_b, A_w, A_b):
    src = edge_index[0]
    dst = edge_index[1]
    # edge_attention: e = relu(attn_fc(cat([h_src, h_dst], dim=2)))
    h_src = jnp.take(nfeats, src, axis=0)   # [E, 1, D_IN]
    h_dst = jnp.take(nfeats, dst, axis=0)   # [E, 1, D_IN]
    cat_e = jnp.concatenate([h_src, h_dst], axis=2)  # [E, 1, 2*D_IN]
    e = jax.nn.relu(jnp.einsum('eij,kj->eik', cat_e, A_w) + A_b)  # [E, 1, 1]
    # reduce_func: per-dst-node softmax over incoming edges (mailbox softmax)
    e_max = jax.ops.segment_max(e, dst, num_segments=N)  # [N, 1, 1]
    e_max = jnp.where(jnp.isfinite(e_max), e_max, 0.0)
    e_max = jax.lax.stop_gradient(e_max)
    e_exp = jnp.exp(e - jnp.take(e_max, dst, axis=0))    # [E, 1, 1]
    denom = jax.ops.segment_sum(e_exp, dst, num_segments=N)  # [N, 1, 1]
    alpha = e_exp / jnp.take(denom, dst, axis=0)          # [E, 1, 1]
    # message m = edge feature h_e; z = sum(alpha * m) per dst node
    z = jax.ops.segment_sum(alpha * efeats, dst, num_segments=N)  # [N, 1, D_E]
    # h' = relu(W_apply(cat([h, z], dim=2)))
    hz = jnp.concatenate([nfeats, z], axis=2)  # [N, 1, D_IN + D_E]
    out = jax.nn.relu(jnp.einsum('nij,kj->nik', hz, W_w) + W_b)  # [N, 1, D_OUT]
    return out

if __name__ == "__main__":
    import jax
    _d = setup_inputs()
    print(jax.jit(kernel)(*tuple(_d.values())))

</pallas_src>

<mosaic_0001>
#map = affine_map<(d0, d1) -> (0, 0)>
#map1 = affine_map<(d0, d1) -> (0)>
module attributes {stable_mosaic.version = 14 : i64} {
  func.func @_sc_denom(%arg0: i32, %arg1: i32, %arg2: memref<8x10000xf32, #tpu.memory_space<hbm>>, %arg3: memref<2x320000xi32, #tpu.memory_space<hbm>>, %arg4: memref<320000xf32, #tpu.memory_space<hbm>>, %arg5: memref<2x10240xf32, #tpu.memory_space<hbm>>, %arg6: memref<320000xi32, #tpu.memory_space<hbm>>, %arg7: memref<10000xf32, #tpu.memory_space<vmem>>, %arg8: memref<10000xf32, #tpu.memory_space<vmem>>, %arg9: memref<10000xi32, #tpu.memory_space<vmem>>, %arg10: memref<10000xi32, #tpu.memory_space<vmem>>, %arg11: memref<10000xf32, #tpu.memory_space<vmem>>, %arg12: memref<640xf32, #tpu.memory_space<vmem>>, %arg13: memref<10240xf32, #tpu.memory_space<vmem_shared>>) attributes {dimension_semantics = [#tpu.dimension_semantics<core_parallel>, #tpu.dimension_semantics<subcore_parallel>], iteration_bounds = array<i64: 2, 16>, scalar_prefetch = 0 : i64, scratch_operands = 7 : i64, tpu.core_type = #tpu.core_type<sc_vector_subcore>, window_params = [{transform_indices = #map}, {transform_indices = #map}, {transform_indices = #map1}, {transform_indices = #map}, {transform_indices = #map1}]} {
    %mul3A = arith.constant 640 : i32
    %mul3A_0 = arith.muli %arg1, %mul3A : i32
    %mul3A_1 = arith.constant 160000 : i32
    %mul3A_2 = arith.muli %arg0, %mul3A_1 : i32
    %mul3A_3 = arith.constant 10000 : i32
    %mul3A_4 = arith.muli %arg1, %mul3A_3 : i32
    %add3A = arith.addi %mul3A_2, %mul3A_4 : i32
    %scan3A = arith.constant 0 : i32
    %scan3A_5 = arith.constant 0 : i32
    %scan3A_6 = arith.constant 40 : i32
    %scan3A_7 = arith.addi %scan3A_5, %scan3A_6 : i32
    %scan3A_8 = arith.constant 1 : i32
    scf.for %scan3A_20 = %scan3A_5 to %scan3A_7 step %scan3A_8  : i32 {
      %broadcast_in_dim3A = arith.constant 0.000000e+00 : f32
      %broadcast_in_dim3A_21 = vector.broadcast %broadcast_in_dim3A : f32 to vector<16xf32>
      %mul3A_22 = arith.constant 16 : i32
      %mul3A_23 = arith.muli %scan3A_20, %mul3A_22 : i32
      %swap3A = arith.index_cast %mul3A_23 : i32 to index
      %swap3A_24 = tpu.vector_load %arg12[%swap3A] {strides = array<i32>} : memref<640xf32, #tpu.memory_space<vmem>>, vector<16xf32>,
      tpu.vector_store %arg12[%swap3A], %broadcast_in_dim3A_21 {strides = array<i32>} : memref<640xf32, #tpu.memory_space<vmem>>, vector<16xf32>,
    }
    %scan3A_9 = arith.constant 40 : i32
    "tpu.region"() ({
      %run_scoped3A_20 = tpu.sem_alloc : memref<!tpu.dma_semaphore, #tpu.memory_space<semaphore_mem>>
      %dma_start3A = tpu.memref_slice %arg13[%mul3A_0] : memref<10240xf32, #tpu.memory_space<vmem_shared>> -> memref<640xf32, #tpu.memory_space<vmem_shared>>
      %dma_start3A_21 = tpu.memref_slice %arg13[%mul3A_0] : memref<10240xf32, #tpu.memory_space<vmem_shared>> -> memref<640xf32, #tpu.memory_space<vmem_shared>>
      tpu.enqueue_dma source(%arg12 : memref<640xf32, #tpu.memory_space<vmem>>) target(%dma_start3A_21 : memref<640xf32, #tpu.memory_space<vmem_shared>>) target_semaphore(%run_scoped3A_20 : memref<!tpu.dma_semaphore, #tpu.memory_space<semaphore_mem>>)
      %dma_wait3A = tpu.memref_slice %arg13[%mul3A_0] : memref<10240xf32, #tpu.memory_space<vmem_shared>> -> memref<640xf32, #tpu.memory_space<vmem_shared>>
      %dma_wait3A_22 = tpu.memref_slice %arg13[%mul3A_0] : memref<10240xf32, #tpu.memory_space<vmem_shared>> -> memref<640xf32, #tpu.memory_space<vmem_shared>>
      tpu.wait_dma2 semaphore(%run_scoped3A_20 : memref<!tpu.dma_semaphore, #tpu.memory_space<semaphore_mem>>) src(%arg12 : memref<640xf32, #tpu.memory_space<vmem>>) dst(%dma_wait3A_22 : memref<640xf32, #tpu.memory_space<vmem_shared>>)
      tpu.yield
    }) : () -> ()
    %run_scoped3A = arith.constant 0 : i32
    "tpu.region"() ({
      %run_scoped3A_20 = tpu.sem_alloc : memref<!tpu.dma_semaphore, #tpu.memory_space<semaphore_mem>>
      %dma_start3A = arith.constant 0 : i32
      %dma_start3A_21 = tpu.memref_slice %arg2[%run_scoped3A, %dma_start3A] : memref<8x10000xf32, #tpu.memory_space<hbm>> -> memref<1x10000xf32, #tpu.memory_space<hbm>>
      %dma_start3A_22 = tpu.memref_squeeze %dma_start3A_21 : memref<1x10000xf32, #tpu.memory_space<hbm>> -> memref<10000xf32, #tpu.memory_space<hbm>>
      %dma_start3A_23 = arith.constant 0 : i32
      %dma_start3A_24 = tpu.memref_slice %arg2[%run_scoped3A, %dma_start3A_23] : memref<8x10000xf32, #tpu.memory_space<hbm>> -> memref<1x10000xf32, #tpu.memory_space<hbm>>
      %dma_start3A_25 = tpu.memref_squeeze %dma_start3A_24 : memref<1x10000xf32, #tpu.memory_space<hbm>> -> memref<10000xf32, #tpu.memory_space<hbm>>
      tpu.enqueue_dma source(%dma_start3A_25 : memref<10000xf32, #tpu.memory_space<hbm>>) target(%arg7 : memref<10000xf32, #tpu.memory_space<vmem>>) target_semaphore(%run_scoped3A_20 : memref<!tpu.dma_semaphore, #tpu.memory_space<semaphore_mem>>)
      %dma_wait3A = arith.constant 0 : i32
      %dma_wait3A_26 = tpu.memref_slice %arg2[%run_scoped3A, %dma_wait3A] : memref<8x10000xf32, #tpu.memory_space<hbm>> -> memref<1x10000xf32, #tpu.memory_space<hbm>>
      %dma_wait3A_27 = tpu.memref_squeeze %dma_wait3A_26 : memref<1x10000xf32, #tpu.memory_space<hbm>> -> memref<10000xf32, #tpu.memory_space<hbm>>
      %dma_wait3A_28 = arith.constant 0 : i32
      %dma_wait3A_29 = tpu.memref_slice %arg2[%run_scoped3A, %dma_wait3A_28] : memref<8x10000xf32, #tpu.memory_space<hbm>> -> memref<1x10000xf32, #tpu.memory_space<hbm>>
      %dma_wait3A_30 = tpu.memref_squeeze %dma_wait3A_29 : memref<1x10000xf32, #tpu.memory_space<hbm>> -> memref<10000xf32, #tpu.memory_space<hbm>>
      tpu.wait_dma2 semaphore(%run_scoped3A_20 : memref<!tpu.dma_semaphore, #tpu.memory_space<semaphore_mem>>) src(%dma_wait3A_30 : memref<10000xf32, #tpu.memory_space<hbm>>) dst(%arg7 : memref<10000xf32, #tpu.memory_space<vmem>>)
      tpu.yield
    }) : () -> ()
    %run_scoped3A_10 = arith.constant 1 : i32
    "tpu.region"() ({
      %run_scoped3A_20 = tpu.sem_alloc : memref<!tpu.dma_semaphore, #tpu.memory_space<semaphore_mem>>
      %dma_start3A = arith.constant 0 : i32
      %dma_start3A_21 = tpu.memref_slice %arg2[%run_scoped3A_10, %dma_start3A] : memref<8x10000xf32, #tpu.memory_space<hbm>> -> memref<1x10000xf32, #tpu.memory_space<hbm>>
      %dma_start3A_22 = tpu.memref_squeeze %dma_start3A_21 : memref<1x10000xf32, #tpu.memory_space<hbm>> -> memref<10000xf32, #tpu.memory_space<hbm>>
      %dma_start3A_23 = arith.constant 0 : i32
      %dma_start3A_24 = tpu.memref_slice %arg2[%run_scoped3A_10, %dma_start3A_23] : memref<8x10000xf32, #tpu.memory_space<hbm>> -> memref<1x10000xf32, #tpu.memory_space<hbm>>
      %dma_start3A_25 = tpu.memref_squeeze %dma_start3A_24 : memref<1x10000xf32, #tpu.memory_space<hbm>> -> memref<10000xf32, #tpu.memory_space<hbm>>
      tpu.enqueue_dma source(%dma_start3A_25 : memref<10000xf32, #tpu.memory_space<hbm>>) target(%arg8 : memref<10000xf32, #tpu.memory_space<vmem>>) target_semaphore(%run_scoped3A_20 : memref<!tpu.dma_semaphore, #tpu.memory_space<semaphore_mem>>)
      %dma_wait3A = arith.constant 0 : i32
      %dma_wait3A_26 = tpu.memref_slice %arg2[%run_scoped3A_10, %dma_wait3A] : memref<8x10000xf32, #tpu.memory_space<hbm>> -> memref<1x10000xf32, #tpu.memory_space<hbm>>
      %dma_wait3A_27 = tpu.memref_squeeze %dma_wait3A_26 : memref<1x10000xf32, #tpu.memory_space<hbm>> -> memref<10000xf32, #tpu.memory_space<hbm>>
      %dma_wait3A_28 = arith.constant 0 : i32
      %dma_wait3A_29 = tpu.memref_slice %arg2[%run_scoped3A_10, %dma_wait3A_28] : memref<8x10000xf32, #tpu.memory_space<hbm>> -> memref<1x10000xf32, #tpu.memory_space<hbm>>
      %dma_wait3A_30 = tpu.memref_squeeze %dma_wait3A_29 : memref<1x10000xf32, #tpu.memory_space<hbm>> -> memref<10000xf32, #tpu.memory_space<hbm>>
      tpu.wait_dma2 semaphore(%run_scoped3A_20 : memref<!tpu.dma_semaphore, #tpu.memory_space<semaphore_mem>>) src(%dma_wait3A_30 : memref<10000xf32, #tpu.memory_space<hbm>>) dst(%arg8 : memref<10000xf32, #tpu.memory_space<vmem>>)
      tpu.yield
    }) : () -> ()
    %run_scoped3A_11 = arith.constant 0 : i32
    "tpu.region"() ({
      %run_scoped3A_20 = tpu.sem_alloc : memref<!tpu.dma_semaphore, #tpu.memory_space<semaphore_mem>>
      %dma_start3A = tpu.memref_slice %arg3[%run_scoped3A_11, %add3A] : memref<2x320000xi32, #tpu.memory_space<hbm>> -> memref<1x10000xi32, #tpu.memory_space<hbm>>
      %dma_start3A_21 = tpu.memref_squeeze %dma_start3A : memref<1x10000xi32, #tpu.memory_space<hbm>> -> memref<10000xi32, #tpu.memory_space<hbm>>
      %dma_start3A_22 = tpu.memref_slice %arg3[%run_scoped3A_11, %add3A] : memref<2x320000xi32, #tpu.memory_space<hbm>> -> memref<1x10000xi32, #tpu.memory_space<hbm>>
      %dma_start3A_23 = tpu.memref_squeeze %dma_start3A_22 : memref<1x10000xi32, #tpu.memory_space<hbm>> -> memref<10000xi32, #tpu.memory_space<hbm>>
      tpu.enqueue_dma source(%dma_start3A_23 : memref<10000xi32, #tpu.memory_space<hbm>>) target(%arg9 : memref<10000xi32, #tpu.memory_space<vmem>>) target_semaphore(%run_scoped3A_20 : memref<!tpu.dma_semaphore, #tpu.memory_space<semaphore_mem>>)
      %dma_wait3A = tpu.memref_slice %arg3[%run_scoped3A_11, %add3A] : memref<2x320000xi32, #tpu.memory_space<hbm>> -> memref<1x10000xi32, #tpu.memory_space<hbm>>
      %dma_wait3A_24 = tpu.memref_squeeze %dma_wait3A : memref<1x10000xi32, #tpu.memory_space<hbm>> -> memref<10000xi32, #tpu.memory_space<hbm>>
      %dma_wait3A_25 = tpu.memref_slice %arg3[%run_scoped3A_11, %add3A] : memref<2x320000xi32, #tpu.memory_space<hbm>> -> memref<1x10000xi32, #tpu.memory_space<hbm>>
      %dma_wait3A_26 = tpu.memref_squeeze %dma_wait3A_25 : memref<1x10000xi32, #tpu.memory_space<hbm>> -> memref<10000xi32, #tpu.memory_space<hbm>>
      tpu.wait_dma2 semaphore(%run_scoped3A_20 : memref<!tpu.dma_semaphore, #tpu.memory_space<semaphore_mem>>) src(%dma_wait3A_26 : memref<10000xi32, #tpu.memory_space<hbm>>) dst(%arg9 : memref<10000xi32, #tpu.memory_space<vmem>>)
      tpu.yield
    }) : () -> ()
    %run_scoped3A_12 = arith.constant 1 : i32
    "tpu.region"() ({
      %run_scoped3A_20 = tpu.sem_alloc : memref<!tpu.dma_semaphore, #tpu.memory_space<semaphore_mem>>
      %dma_start3A = tpu.memref_slice %arg3[%run_scoped3A_12, %add3A] : memref<2x320000xi32, #tpu.memory_space<hbm>> -> memref<1x10000xi32, #tpu.memory_space<hbm>>
      %dma_start3A_21 = tpu.memref_squeeze %dma_start3A : memref<1x10000xi32, #tpu.memory_space<hbm>> -> memref<10000xi32, #tpu.memory_space<hbm>>
      %dma_start3A_22 = tpu.memref_slice %arg3[%run_scoped3A_12, %add3A] : memref<2x320000xi32, #tpu.memory_space<hbm>> -> memref<1x10000xi32, #tpu.memory_space<hbm>>
      %dma_start3A_23 = tpu.memref_squeeze %dma_start3A_22 : memref<1x10000xi32, #tpu.memory_space<hbm>> -> memref<10000xi32, #tpu.memory_space<hbm>>
      tpu.enqueue_dma source(%dma_start3A_23 : memref<10000xi32, #tpu.memory_space<hbm>>) target(%arg10 : memref<10000xi32, #tpu.memory_space<vmem>>) target_semaphore(%run_scoped3A_20 : memref<!tpu.dma_semaphore, #tpu.memory_space<semaphore_mem>>)
      %dma_wait3A = tpu.memref_slice %arg3[%run_scoped3A_12, %add3A] : memref<2x320000xi32, #tpu.memory_space<hbm>> -> memref<1x10000xi32, #tpu.memory_space<hbm>>
      %dma_wait3A_24 = tpu.memref_squeeze %dma_wait3A : memref<1x10000xi32, #tpu.memory_space<hbm>> -> memref<10000xi32, #tpu.memory_space<hbm>>
      %dma_wait3A_25 = tpu.memref_slice %arg3[%run_scoped3A_12, %add3A] : memref<2x320000xi32, #tpu.memory_space<hbm>> -> memref<1x10000xi32, #tpu.memory_space<hbm>>
      %dma_wait3A_26 = tpu.memref_squeeze %dma_wait3A_25 : memref<1x10000xi32, #tpu.memory_space<hbm>> -> memref<10000xi32, #tpu.memory_space<hbm>>
      tpu.wait_dma2 semaphore(%run_scoped3A_20 : memref<!tpu.dma_semaphore, #tpu.memory_space<semaphore_mem>>) src(%dma_wait3A_26 : memref<10000xi32, #tpu.memory_space<hbm>>) dst(%arg10 : memref<10000xi32, #tpu.memory_space<vmem>>)
      tpu.yield
    }) : () -> ()
    %barrier3A = arith.constant 0 : index
    tpu.barrier barrier_id(%barrier3A)
    %scan3A_13 = arith.constant 0 : i32
    %scan3A_14 = arith.constant 0 : i32
    %scan3A_15 = arith.constant 625 : i32
    %scan3A_16 = arith.addi %scan3A_14, %scan3A_15 : i32
    %scan3A_17 = arith.constant 1 : i32
    scf.for %scan3A_20 = %scan3A_14 to %scan3A_16 step %scan3A_17  : i32 {
      %mul3A_21 = arith.constant 16 : i32
      %mul3A_22 = arith.muli %scan3A_20, %mul3A_21 : i32
      %get3A = arith.index_cast %mul3A_22 : i32 to index
      %get3A_23 = tpu.vector_load %arg9[%get3A] {strides = array<i32>} : memref<10000xi32, #tpu.memory_space<vmem>>, vector<16xi32>,
      %gather3A = tpu.vector_load_idx %arg7[%get3A_23] : memref<10000xf32, #tpu.memory_space<vmem>>[vector<16xi32>], vector<16xf32>,
      %get3A_24 = arith.index_cast %mul3A_22 : i32 to index
      %get3A_25 = tpu.vector_load %arg10[%get3A_24] {strides = array<i32>} : memref<10000xi32, #tpu.memory_space<vmem>>, vector<16xi32>,
      %gather3A_26 = tpu.vector_load_idx %arg8[%get3A_25] : memref<10000xf32, #tpu.memory_space<vmem>>[vector<16xi32>], vector<16xf32>,
      %add3A_27 = arith.addf %gather3A, %gather3A_26 : vector<16xf32>
      %max3A = arith.constant 0.000000e+00 : f32
      %max3A_28 = vector.broadcast %max3A : f32 to vector<16xf32>
      %max3A_29 = arith.maximumf %add3A_27, %max3A_28 : vector<16xf32>
      %exp3A = math.exp %max3A_29 : vector<16xf32>
      %swap3A = arith.index_cast %mul3A_22 : i32 to index
      %swap3A_30 = tpu.vector_load %arg11[%swap3A] {strides = array<i32>} : memref<10000xf32, #tpu.memory_space<vmem>>, vector<16xf32>,
      tpu.vector_store %arg11[%swap3A], %exp3A {strides = array<i32>} : memref<10000xf32, #tpu.memory_space<vmem>>, vector<16xf32>,
    }
    %scan3A_18 = arith.constant 625 : i32
    "tpu.region"() ({
      %run_scoped3A_20 = tpu.sem_alloc : memref<!tpu.dma_semaphore, #tpu.memory_space<semaphore_mem>>
      %dma_start3A = tpu.memref_slice %arg4[%add3A] : memref<320000xf32, #tpu.memory_space<hbm>> -> memref<10000xf32, #tpu.memory_space<hbm>>
      %dma_start3A_21 = tpu.memref_slice %arg4[%add3A] : memref<320000xf32, #tpu.memory_space<hbm>> -> memref<10000xf32, #tpu.memory_space<hbm>>
      tpu.enqueue_dma source(%arg11 : memref<10000xf32, #tpu.memory_space<vmem>>) target(%dma_start3A_21 : memref<10000xf32, #tpu.memory_space<hbm>>) target_semaphore(%run_scoped3A_20 : memref<!tpu.dma_semaphore, #tpu.memory_space<semaphore_mem>>)
      %dma_wait3A = tpu.memref_slice %arg4[%add3A] : memref<320000xf32, #tpu.memory_space<hbm>> -> memref<10000xf32, #tpu.memory_space<hbm>>
      %dma_wait3A_22 = tpu.memref_slice %arg4[%add3A] : memref<320000xf32, #tpu.memory_space<hbm>> -> memref<10000xf32, #tpu.memory_space<hbm>>
      tpu.wait_dma2 semaphore(%run_scoped3A_20 : memref<!tpu.dma_semaphore, #tpu.memory_space<semaphore_mem>>) src(%arg11 : memref<10000xf32, #tpu.memory_space<vmem>>) dst(%dma_wait3A_22 : memref<10000xf32, #tpu.memory_space<hbm>>)
      tpu.yield
    }) : () -> ()
    "tpu.region"() ({
      %run_scoped3A_20 = tpu.sem_alloc : memref<!tpu.dma_semaphore, #tpu.memory_space<semaphore_mem>>
      %dma_start3A = tpu.memref_slice %arg6[%add3A] : memref<320000xi32, #tpu.memory_space<hbm>> -> memref<10000xi32, #tpu.memory_space<hbm>>
      %dma_start3A_21 = tpu.memref_slice %arg6[%add3A] : memref<320000xi32, #tpu.memory_space<hbm>> -> memref<10000xi32, #tpu.memory_space<hbm>>
      tpu.enqueue_dma source(%arg10 : memref<10000xi32, #tpu.memory_space<vmem>>) target(%dma_start3A_21 : memref<10000xi32, #tpu.memory_space<hbm>>) target_semaphore(%run_scoped3A_20 : memref<!tpu.dma_semaphore, #tpu.memory_space<semaphore_mem>>)
      %dma_wait3A = tpu.memref_slice %arg6[%add3A] : memref<320000xi32, #tpu.memory_space<hbm>> -> memref<10000xi32, #tpu.memory_space<hbm>>
      %dma_wait3A_22 = tpu.memref_slice %arg6[%add3A] : memref<320000xi32, #tpu.memory_space<hbm>> -> memref<10000xi32, #tpu.memory_space<hbm>>
      tpu.wait_dma2 semaphore(%run_scoped3A_20 : memref<!tpu.dma_semaphore, #tpu.memory_space<semaphore_mem>>) src(%arg10 : memref<10000xi32, #tpu.memory_space<vmem>>) dst(%dma_wait3A_22 : memref<10000xi32, #tpu.memory_space<hbm>>)
      tpu.yield
    }) : () -> ()
    "tpu.region"() ({
      %run_scoped3A_20 = tpu.sem_alloc : memref<!tpu.dma_semaphore, #tpu.memory_space<semaphore_mem>>
      %dma_start3A = arith.constant 0 : i32
      %dma_start3A_21 = tpu.memref_slice %arg13[%dma_start3A] : memref<10240xf32, #tpu.memory_space<vmem_shared>> -> memref<10240xf32, #tpu.memory_space<vmem_shared>>
      tpu.enqueue_indirect_dma source(%arg11 : memref<10000xf32, #tpu.memory_space<vmem>>) target(%dma_start3A_21 : memref<10240xf32, #tpu.memory_space<vmem_shared>>) offsets(%arg10 : memref<10000xi32, #tpu.memory_space<vmem>>) semaphore(%run_scoped3A_20 : memref<!tpu.dma_semaphore, #tpu.memory_space<semaphore_mem>>) {add = true}
      %dma_wait3A = arith.constant 0 : i32
      %dma_wait3A_22 = tpu.memref_slice %arg13[%dma_wait3A] : memref<10240xf32, #tpu.memory_space<vmem_shared>> -> memref<10240xf32, #tpu.memory_space<vmem_shared>>
      tpu.wait_indirect_dma semaphore(%run_scoped3A_20 : memref<!tpu.dma_semaphore, #tpu.memory_space<semaphore_mem>>) src(%arg11 : memref<10000xf32, #tpu.memory_space<vmem>>) dst(%dma_wait3A_22 : memref<10240xf32, #tpu.memory_space<vmem_shared>>)
      tpu.yield
    }) : () -> ()
    %barrier3A_19 = arith.constant 0 : index
    tpu.barrier barrier_id(%barrier3A_19)
    "tpu.region"() ({
      %run_scoped3A_20 = tpu.sem_alloc : memref<!tpu.dma_semaphore, #tpu.memory_space<semaphore_mem>>
      %dma_start3A = tpu.memref_slice %arg5[%arg0, %mul3A_0] : memref<2x10240xf32, #tpu.memory_space<hbm>> -> memref<1x640xf32, #tpu.memory_space<hbm>>
      %dma_start3A_21 = tpu.memref_squeeze %dma_start3A : memref<1x640xf32, #tpu.memory_space<hbm>> -> memref<640xf32, #tpu.memory_space<hbm>>
      %dma_start3A_22 = tpu.memref_slice %arg13[%mul3A_0] : memref<10240xf32, #tpu.memory_space<vmem_shared>> -> memref<640xf32, #tpu.memory_space<vmem_shared>>
      tpu.enqueue_dma source(%dma_start3A_22 : memref<640xf32, #tpu.memory_space<vmem_shared>>) target(%dma_start3A_21 : memref<640xf32, #tpu.memory_space<hbm>>) target_semaphore(%run_scoped3A_20 : memref<!tpu.dma_semaphore, #tpu.memory_space<semaphore_mem>>)
      %dma_wait3A = tpu.memref_slice %arg5[%arg0, %mul3A_0] : memref<2x10240xf32, #tpu.memory_space<hbm>> -> memref<1x640xf32, #tpu.memory_space<hbm>>
      %dma_wait3A_23 = tpu.memref_squeeze %dma_wait3A : memref<1x640xf32, #tpu.memory_space<hbm>> -> memref<640xf32, #tpu.memory_space<hbm>>
      %dma_wait3A_24 = tpu.memref_slice %arg13[%mul3A_0] : memref<10240xf32, #tpu.memory_space<vmem_shared>> -> memref<640xf32, #tpu.memory_space<vmem_shared>>
      tpu.wait_dma2 semaphore(%run_scoped3A_20 : memref<!tpu.dma_semaphore, #tpu.memory_space<semaphore_mem>>) src(%dma_wait3A_24 : memref<640xf32, #tpu.memory_space<vmem_shared>>) dst(%dma_wait3A_23 : memref<640xf32, #tpu.memory_space<hbm>>)
      tpu.yield
    }) : () -> ()
    return
  }
}

#map = affine_map<(d0, d1) -> (0)>
#map1 = affine_map<(d0, d1) -> (0, 0)>
#map2 = affine_map<(d0, d1) -> (0, 0, 0)>
module attributes {stable_mosaic.version = 14 : i64} {
  func.func @_sc_zsum(%arg0: i32, %arg1: i32, %arg2: memref<320000xi32, #tpu.memory_space<hbm>>, %arg3: memref<320000xf32, #tpu.memory_space<hbm>>, %arg4: memref<19968x128xf32, #tpu.memory_space<hbm>>, %arg5: memref<2x10240x16xf32, #tpu.memory_space<hbm>>, %arg6: memref<4992xi32, #tpu.memory_space<vmem>>, %arg7: memref<4992xf32, #tpu.memory_space<vmem>>, %arg8: memref<158x128xf32, #tpu.memory_space<vmem>>, %arg9: memref<158x128xf32, #tpu.memory_space<vmem>>, %arg10: memref<1264x16xf32, #tpu.memory_space<vmem>>, %arg11: memref<1264x16xf32, #tpu.memory_space<vmem>>, %arg12: memref<640x16xf32, #tpu.memory_space<vmem>>, %arg13: memref<640xf32, #tpu.memory_space<vmem>>, %arg14: memref<640xf32, #tpu.memory_space<vmem>>, %arg15: memref<10240x16xf32, #tpu.memory_space<vmem_shared>>, %arg16: memref<!tpu.dma_semaphore, #tpu.memory_space<semaphore_mem>>, %arg17: memref<!tpu.dma_semaphore, #tpu.memory_space<semaphore_mem>>) attributes {dimension_semantics = [#tpu.dimension_semantics<core_parallel>, #tpu.dimension_semantics<subcore_parallel>], iteration_bounds = array<i64: 2, 16>, scalar_prefetch = 0 : i64, scratch_operands = 12 : i64, tpu.core_type = #tpu.core_type<sc_vector_subcore>, window_params = [{transform_indices = #map}, {transform_indices = #map}, {transform_indices = #map1}, {transform_indices = #map2}]} {
    %mul3A = arith.constant 640 : i32
    %mul3A_0 = arith.muli %arg1, %mul3A : i32
    %mul3A_1 = arith.constant 79872 : i32
    %mul3A_2 = arith.muli %arg0, %mul3A_1 : i32
    %mul3A_3 = arith.constant 4992 : i32
    %mul3A_4 = arith.muli %arg1, %mul3A_3 : i32
    %add3A = arith.addi %mul3A_2, %mul3A_4 : i32
    %add3A_5 = arith.constant 0 : i32
    %add3A_6 = arith.addi %add3A_5, %add3A : i32
    %dma_start3A = tpu.memref_slice %arg2[%add3A_6] : memref<320000xi32, #tpu.memory_space<hbm>> -> memref<4992xi32, #tpu.memory_space<hbm>>
    %dma_start3A_7 = tpu.memref_slice %arg2[%add3A_6] : memref<320000xi32, #tpu.memory_space<hbm>> -> memref<4992xi32, #tpu.memory_space<hbm>>
    tpu.enqueue_dma source(%dma_start3A_7 : memref<4992xi32, #tpu.memory_space<hbm>>) target(%arg6 : memref<4992xi32, #tpu.memory_space<vmem>>) target_semaphore(%arg16 : memref<!tpu.dma_semaphore, #tpu.memory_space<semaphore_mem>>)
    %dma_start3A_8 = tpu.memref_slice %arg3[%add3A_6] : memref<320000xf32, #tpu.memory_space<hbm>> -> memref<4992xf32, #tpu.memory_space<hbm>>
    %dma_start3A_9 = tpu.memref_slice %arg3[%add3A_6] : memref<320000xf32, #tpu.memory_space<hbm>> -> memref<4992xf32, #tpu.memory_space<hbm>>
    tpu.enqueue_dma source(%dma_start3A_9 : memref<4992xf32, #tpu.memory_space<hbm>>) target(%arg7 : memref<4992xf32, #tpu.memory_space<vmem>>) target_semaphore(%arg16 : memref<!tpu.dma_semaphore, #tpu.memory_space<semaphore_mem>>)
    %jit3A = arith.constant 8 : i32
    %div3A = arith.divsi %add3A, %jit3A : i32
    %sign3A = arith.constant 0 : i32
    %sign3A_10 = arith.cmpi sgt, %add3A, %sign3A : i32
    %sign3A_11 = arith.extui %sign3A_10 : i1 to i32
    %sign3A_12 = arith.constant 0 : i32
    %sign3A_13 = arith.cmpi slt, %add3A, %sign3A_12 : i32
    %sign3A_14 = arith.extui %sign3A_13 : i1 to i32
    %sign3A_15 = arith.subi %sign3A_11, %sign3A_14 : i32
    %sign3A_16 = arith.constant 0 : i32
    %sign3A_17 = arith.cmpi sgt, %jit3A, %sign3A_16 : i32
    %sign3A_18 = arith.extui %sign3A_17 : i1 to i32
    %sign3A_19 = arith.constant 0 : i32
    %sign3A_20 = arith.cmpi slt, %jit3A, %sign3A_19 : i32
    %sign3A_21 = arith.extui %sign3A_20 : i1 to i32
    %sign3A_22 = arith.subi %sign3A_18, %sign3A_21 : i32
    %ne3A = arith.cmpi ne, %sign3A_15, %sign3A_22 : i32
    %rem3A = arith.remsi %add3A, %jit3A : i32
    %ne3A_23 = arith.constant 0 : i32
    %ne3A_24 = arith.cmpi ne, %rem3A, %ne3A_23 : i32
    %and3A = arith.andi %ne3A, %ne3A_24 : i1
    %sub3A = arith.constant 1 : i32
    %sub3A_25 = arith.subi %div3A, %sub3A : i32
    %select_n3A = arith.select %and3A, %sub3A_25, %div3A : i32
    %dma_start3A_26 = arith.constant 0 : i32
    %dma_start3A_27 = arith.constant 0 : i32
    %dma_start3A_28 = tpu.memref_slice %arg8[%dma_start3A_26, %dma_start3A_27] : memref<158x128xf32, #tpu.memory_space<vmem>> -> memref<156x128xf32, #tpu.memory_space<vmem>>
    %dma_start3A_29 = arith.constant 0 : i32
    %dma_start3A_30 = tpu.memref_slice %arg4[%select_n3A, %dma_start3A_29] : memref<19968x128xf32, #tpu.memory_space<hbm>> -> memref<156x128xf32, #tpu.memory_space<hbm>>
    %dma_start3A_31 = arith.constant 0 : i32
    %dma_start3A_32 = arith.constant 0 : i32
    %dma_start3A_33 = tpu.memref_slice %arg8[%dma_start3A_31, %dma_start3A_32] : memref<158x128xf32, #tpu.memory_space<vmem>> -> memref<156x128xf32, #tpu.memory_space<vmem>>
    %dma_start3A_34 = arith.constant 0 : i32
    %dma_start3A_35 = tpu.memref_slice %arg4[%select_n3A, %dma_start3A_34] : memref<19968x128xf32, #tpu.memory_space<hbm>> -> memref<156x128xf32, #tpu.memory_space<hbm>>
    tpu.enqueue_dma source(%dma_start3A_35 : memref<156x128xf32, #tpu.memory_space<hbm>>) target(%dma_start3A_33 : memref<156x128xf32, #tpu.memory_space<vmem>>) target_semaphore(%arg16 : memref<!tpu.dma_semaphore, #tpu.memory_space<semaphore_mem>>)
    %scan3A = arith.constant 0 : i32
    %scan3A_36 = arith.constant 0 : i32
    %scan3A_37 = arith.constant 640 : i32
    %scan3A_38 = arith.addi %scan3A_36, %scan3A_37 : i32
    %scan3A_39 = arith.constant 1 : i32
    scf.for %scan3A_287 = %scan3A_36 to %scan3A_38 step %scan3A_39  : i32 {
      %broadcast_in_dim3A = arith.constant 0.000000e+00 : f32
      %broadcast_in_dim3A_288 = vector.broadcast %broadcast_in_dim3A : f32 to vector<16xf32>
      %swap3A = arith.index_cast %scan3A_287 : i32 to index
      %swap3A_289 = arith.constant 0 : index
      %swap3A_290 = tpu.vector_load %arg12[%swap3A, %swap3A_289] {strides = array<i32>} : memref<640x16xf32, #tpu.memory_space<vmem>>, vector<16xf32>,
      tpu.vector_store %arg12[%swap3A, %swap3A_289], %broadcast_in_dim3A_288 {strides = array<i32>} : memref<640x16xf32, #tpu.memory_space<vmem>>, vector<16xf32>,
    }
    %scan3A_40 = arith.constant 640 : i32
    "tpu.region"() ({
      %run_scoped3A = tpu.sem_alloc : memref<!tpu.dma_semaphore, #tpu.memory_space<semaphore_mem>>
      %dma_start3A_287 = arith.constant 0 : i32
      %dma_start3A_288 = tpu.memref_slice %arg15[%mul3A_0, %dma_start3A_287] : memref<10240x16xf32, #tpu.memory_space<vmem_shared>> -> memref<640x16xf32, #tpu.memory_space<vmem_shared>>
      %dma_start3A_289 = arith.constant 0 : i32
      %dma_start3A_290 = tpu.memref_slice %arg15[%mul3A_0, %dma_start3A_289] : memref<10240x16xf32, #tpu.memory_space<vmem_shared>> -> memref<640x16xf32, #tpu.memory_space<vmem_shared>>
      tpu.enqueue_dma source(%arg12 : memref<640x16xf32, #tpu.memory_space<vmem>>) target(%dma_start3A_290 : memref<640x16xf32, #tpu.memory_space<vmem_shared>>) target_semaphore(%run_scoped3A : memref<!tpu.dma_semaphore, #tpu.memory_space<semaphore_mem>>)
      %dma_wait3A_291 = arith.constant 0 : i32
      %dma_wait3A_292 = tpu.memref_slice %arg15[%mul3A_0, %dma_wait3A_291] : memref<10240x16xf32, #tpu.memory_space<vmem_shared>> -> memref<640x16xf32, #tpu.memory_space<vmem_shared>>
      %dma_wait3A_293 = arith.constant 0 : i32
      %dma_wait3A_294 = tpu.memref_slice %arg15[%mul3A_0, %dma_wait3A_293] : memref<10240x16xf32, #tpu.memory_space<vmem_shared>> -> memref<640x16xf32, #tpu.memory_space<vmem_shared>>
      tpu.wait_dma2 semaphore(%run_scoped3A : memref<!tpu.dma_semaphore, #tpu.memory_space<semaphore_mem>>) src(%arg12 : memref<640x16xf32, #tpu.memory_space<vmem>>) dst(%dma_wait3A_294 : memref<640x16xf32, #tpu.memory_space<vmem_shared>>)
      tpu.yield
    }) : () -> ()
    %dma_wait3A = tpu.memref_slice %arg2[%add3A_6] : memref<320000xi32, #tpu.memory_space<hbm>> -> memref<4992xi32, #tpu.memory_space<hbm>>
    %dma_wait3A_41 = tpu.memref_slice %arg2[%add3A_6] : memref<320000xi32, #tpu.memory_space<hbm>> -> memref<4992xi32, #tpu.memory_space<hbm>>
    tpu.wait_dma2 semaphore(%arg16 : memref<!tpu.dma_semaphore, #tpu.memory_space<semaphore_mem>>) src(%dma_wait3A_41 : memref<4992xi32, #tpu.memory_space<hbm>>) dst(%arg6 : memref<4992xi32, #tpu.memory_space<vmem>>)
    %dma_wait3A_42 = tpu.memref_slice %arg3[%add3A_6] : memref<320000xf32, #tpu.memory_space<hbm>> -> memref<4992xf32, #tpu.memory_space<hbm>>
    %dma_wait3A_43 = tpu.memref_slice %arg3[%add3A_6] : memref<320000xf32, #tpu.memory_space<hbm>> -> memref<4992xf32, #tpu.memory_space<hbm>>
    tpu.wait_dma2 semaphore(%arg16 : memref<!tpu.dma_semaphore, #tpu.memory_space<semaphore_mem>>) src(%dma_wait3A_43 : memref<4992xf32, #tpu.memory_space<hbm>>) dst(%arg7 : memref<4992xf32, #tpu.memory_space<vmem>>)
    %barrier3A = arith.constant 0 : index
    tpu.barrier barrier_id(%barrier3A)
    %dma_wait3A_44 = arith.constant 0 : i32
    %dma_wait3A_45 = arith.constant 0 : i32
    %dma_wait3A_46 = tpu.memref_slice %arg8[%dma_wait3A_44, %dma_wait3A_45] : memref<158x128xf32, #tpu.memory_space<vmem>> -> memref<156x128xf32, #tpu.memory_space<vmem>>
    %dma_wait3A_47 = arith.constant 0 : i32
    %dma_wait3A_48 = tpu.memref_slice %arg4[%select_n3A, %dma_wait3A_47] : memref<19968x128xf32, #tpu.memory_space<hbm>> -> memref<156x128xf32, #tpu.memory_space<hbm>>
    %dma_wait3A_49 = arith.constant 0 : i32
    %dma_wait3A_50 = arith.constant 0 : i32
    %dma_wait3A_51 = tpu.memref_slice %arg8[%dma_wait3A_49, %dma_wait3A_50] : memref<158x128xf32, #tpu.memory_space<vmem>> -> memref<156x128xf32, #tpu.memory_space<vmem>>
    %dma_wait3A_52 = arith.constant 0 : i32
    %dma_wait3A_53 = tpu.memref_slice %arg4[%select_n3A, %dma_wait3A_52] : memref<19968x128xf32, #tpu.memory_space<hbm>> -> memref<156x128xf32, #tpu.memory_space<hbm>>
    tpu.wait_dma2 semaphore(%arg16 : memref<!tpu.dma_semaphore, #tpu.memory_space<semaphore_mem>>) src(%dma_wait3A_53 : memref<156x128xf32, #tpu.memory_space<hbm>>) dst(%dma_wait3A_51 : memref<156x128xf32, #tpu.memory_space<vmem>>)
    %add3A_54 = arith.constant 0 : i32
    %add3A_55 = arith.addi %add3A, %add3A_54 : i32
    %add3A_56 = arith.constant 1248 : i32
    %add3A_57 = arith.addi %add3A_55, %add3A_56 : i32
    %jit3A_58 = arith.constant 8 : i32
    %div3A_59 = arith.divsi %add3A_57, %jit3A_58 : i32
    %sign3A_60 = arith.constant 0 : i32
    %sign3A_61 = arith.cmpi sgt, %add3A_57, %sign3A_60 : i32
    %sign3A_62 = arith.extui %sign3A_61 : i1 to i32
    %sign3A_63 = arith.constant 0 : i32
    %sign3A_64 = arith.cmpi slt, %add3A_57, %sign3A_63 : i32
    %sign3A_65 = arith.extui %sign3A_64 : i1 to i32
    %sign3A_66 = arith.subi %sign3A_62, %sign3A_65 : i32
    %sign3A_67 = arith.constant 0 : i32
    %sign3A_68 = arith.cmpi sgt, %jit3A_58, %sign3A_67 : i32
    %sign3A_69 = arith.extui %sign3A_68 : i1 to i32
    %sign3A_70 = arith.constant 0 : i32
    %sign3A_71 = arith.cmpi slt, %jit3A_58, %sign3A_70 : i32
    %sign3A_72 = arith.extui %sign3A_71 : i1 to i32
    %sign3A_73 = arith.subi %sign3A_69, %sign3A_72 : i32
    %ne3A_74 = arith.cmpi ne, %sign3A_66, %sign3A_73 : i32
    %rem3A_75 = arith.remsi %add3A_57, %jit3A_58 : i32
    %ne3A_76 = arith.constant 0 : i32
    %ne3A_77 = arith.cmpi ne, %rem3A_75, %ne3A_76 : i32
    %and3A_78 = arith.andi %ne3A_74, %ne3A_77 : i1
    %sub3A_79 = arith.constant 1 : i32
    %sub3A_80 = arith.subi %div3A_59, %sub3A_79 : i32
    %select_n3A_81 = arith.select %and3A_78, %sub3A_80, %div3A_59 : i32
    %dma_start3A_82 = arith.constant 0 : i32
    %dma_start3A_83 = arith.constant 0 : i32
    %dma_start3A_84 = tpu.memref_slice %arg9[%dma_start3A_82, %dma_start3A_83] : memref<158x128xf32, #tpu.memory_space<vmem>> -> memref<156x128xf32, #tpu.memory_space<vmem>>
    %dma_start3A_85 = arith.constant 0 : i32
    %dma_start3A_86 = tpu.memref_slice %arg4[%select_n3A_81, %dma_start3A_85] : memref<19968x128xf32, #tpu.memory_space<hbm>> -> memref<156x128xf32, #tpu.memory_space<hbm>>
    %dma_start3A_87 = arith.constant 0 : i32
    %dma_start3A_88 = arith.constant 0 : i32
    %dma_start3A_89 = tpu.memref_slice %arg9[%dma_start3A_87, %dma_start3A_88] : memref<158x128xf32, #tpu.memory_space<vmem>> -> memref<156x128xf32, #tpu.memory_space<vmem>>
    %dma_start3A_90 = arith.constant 0 : i32
    %dma_start3A_91 = tpu.memref_slice %arg4[%select_n3A_81, %dma_start3A_90] : memref<19968x128xf32, #tpu.memory_space<hbm>> -> memref<156x128xf32, #tpu.memory_space<hbm>>
    tpu.enqueue_dma source(%dma_start3A_91 : memref<156x128xf32, #tpu.memory_space<hbm>>) target(%dma_start3A_89 : memref<156x128xf32, #tpu.memory_space<vmem>>) target_semaphore(%arg16 : memref<!tpu.dma_semaphore, #tpu.memory_space<semaphore_mem>>)
    %scan3A_92 = arith.constant 0 : i32
    %scan3A_93 = arith.constant 0 : i32
    %scan3A_94 = arith.constant 78 : i32
    %scan3A_95 = arith.addi %scan3A_93, %scan3A_94 : i32
    %scan3A_96 = arith.constant 1 : i32
    scf.for %scan3A_287 = %scan3A_93 to %scan3A_95 step %scan3A_96  : i32 {
      %mul3A_288 = arith.constant 16 : i32
      %mul3A_289 = arith.muli %scan3A_287, %mul3A_288 : i32
      %add3A_290 = arith.constant 0 : i32
      %add3A_291 = arith.addi %add3A_290, %mul3A_289 : i32
      %get3A = arith.index_cast %add3A_291 : i32 to index
      %get3A_292 = tpu.vector_load %arg7[%get3A] {strides = array<i32>} : memref<4992xf32, #tpu.memory_space<vmem>>, vector<16xf32>,
      %mul3A_293 = arith.constant 16 : i32
      %mul3A_294 = arith.muli %scan3A_287, %mul3A_293 : i32
      %add3A_295 = arith.constant 0 : i32
      %add3A_296 = arith.addi %mul3A_294, %add3A_295 : i32
      %mul3A_297 = arith.constant 2 : i32
      %mul3A_298 = arith.muli %scan3A_287, %mul3A_297 : i32
      %add3A_299 = arith.constant 0 : i32
      %add3A_300 = arith.addi %mul3A_298, %add3A_299 : i32
      %get3A_301 = arith.index_cast %add3A_300 : i32 to index
      %get3A_302 = arith.constant 0 : index
      %get3A_303 = tpu.vector_load %arg8[%get3A_301, %get3A_302] {strides = array<i32>} : memref<158x128xf32, #tpu.memory_space<vmem>>, vector<16xf32>,
      %slice3A = vector.extract_strided_slice %get3A_292 {offsets = [0], sizes = [1], strides = [1]} : vector<16xf32> to vector<1xf32>
      %squeeze3A = vector.extract %slice3A[0] : f32 from vector<1xf32>
      %mul3A_304 = vector.broadcast %squeeze3A : f32 to vector<16xf32>
      %mul3A_305 = arith.mulf %get3A_303, %mul3A_304 : vector<16xf32>
      %swap3A = arith.index_cast %add3A_296 : i32 to index
      %swap3A_306 = arith.constant 0 : index
      %swap3A_307 = tpu.vector_load %arg10[%swap3A, %swap3A_306] {strides = array<i32>} : memref<1264x16xf32, #tpu.memory_space<vmem>>, vector<16xf32>,
      tpu.vector_store %arg10[%swap3A, %swap3A_306], %mul3A_305 {strides = array<i32>} : memref<1264x16xf32, #tpu.memory_space<vmem>>, vector<16xf32>,
      %mul3A_308 = arith.constant 16 : i32
      %mul3A_309 = arith.muli %scan3A_287, %mul3A_308 : i32
      %add3A_310 = arith.constant 1 : i32
      %add3A_311 = arith.addi %mul3A_309, %add3A_310 : i32
      %mul3A_312 = arith.constant 2 : i32
      %mul3A_313 = arith.muli %scan3A_287, %mul3A_312 : i32
      %add3A_314 = arith.constant 0 : i32
      %add3A_315 = arith.addi %mul3A_313, %add3A_314 : i32
      %get3A_316 = arith.index_cast %add3A_315 : i32 to index
      %get3A_317 = arith.constant 16 : index
      %get3A_318 = tpu.vector_load %arg8[%get3A_316, %get3A_317] {strides = array<i32>} : memref<158x128xf32, #tpu.memory_space<vmem>>, vector<16xf32>,
      %slice3A_319 = vector.extract_strided_slice %get3A_292 {offsets = [1], sizes = [1], strides = [1]} : vector<16xf32> to vector<1xf32>
      %squeeze3A_320 = vector.extract %slice3A_319[0] : f32 from vector<1xf32>
      %mul3A_321 = vector.broadcast %squeeze3A_320 : f32 to vector<16xf32>
      %mul3A_322 = arith.mulf %get3A_318, %mul3A_321 : vector<16xf32>
      %swap3A_323 = arith.index_cast %add3A_311 : i32 to index
      %swap3A_324 = arith.constant 0 : index
      %swap3A_325 = tpu.vector_load %arg10[%swap3A_323, %swap3A_324] {strides = array<i32>} : memref<1264x16xf32, #tpu.memory_space<vmem>>, vector<16xf32>,
      tpu.vector_store %arg10[%swap3A_323, %swap3A_324], %mul3A_322 {strides = array<i32>} : memref<1264x16xf32, #tpu.memory_space<vmem>>, vector<16xf32>,
      %mul3A_326 = arith.constant 16 : i32
      %mul3A_327 = arith.muli %scan3A_287, %mul3A_326 : i32
      %add3A_328 = arith.constant 2 : i32
      %add3A_329 = arith.addi %mul3A_327, %add3A_328 : i32
      %mul3A_330 = arith.constant 2 : i32
      %mul3A_331 = arith.muli %scan3A_287, %mul3A_330 : i32
      %add3A_332 = arith.constant 0 : i32
      %add3A_333 = arith.addi %mul3A_331, %add3A_332 : i32
      %get3A_334 = arith.index_cast %add3A_333 : i32 to index
      %get3A_335 = arith.constant 32 : index
      %get3A_336 = tpu.vector_load %arg8[%get3A_334, %get3A_335] {strides = array<i32>} : memref<158x128xf32, #tpu.memory_space<vmem>>, vector<16xf32>,
      %slice3A_337 = vector.extract_strided_slice %get3A_292 {offsets = [2], sizes = [1], strides = [1]} : vector<16xf32> to vector<1xf32>
      %squeeze3A_338 = vector.extract %slice3A_337[0] : f32 from vector<1xf32>
      %mul3A_339 = vector.broadcast %squeeze3A_338 : f32 to vector<16xf32>
      %mul3A_340 = arith.mulf %get3A_336, %mul3A_339 : vector<16xf32>
      %swap3A_341 = arith.index_cast %add3A_329 : i32 to index
      %swap3A_342 = arith.constant 0 : index
      %swap3A_343 = tpu.vector_load %arg10[%swap3A_341, %swap3A_342] {strides = array<i32>} : memref<1264x16xf32, #tpu.memory_space<vmem>>, vector<16xf32>,
      tpu.vector_store %arg10[%swap3A_341, %swap3A_342], %mul3A_340 {strides = array<i32>} : memref<1264x16xf32, #tpu.memory_space<vmem>>, vector<16xf32>,
      %mul3A_344 = arith.constant 16 : i32
      %mul3A_345 = arith.muli %scan3A_287, %mul3A_344 : i32
      %add3A_346 = arith.constant 3 : i32
      %add3A_347 = arith.addi %mul3A_345, %add3A_346 : i32
      %mul3A_348 = arith.constant 2 : i32
      %mul3A_349 = arith.muli %scan3A_287, %mul3A_348 : i32
      %add3A_350 = arith.constant 0 : i32
      %add3A_351 = arith.addi %mul3A_349, %add3A_350 : i32
      %get3A_352 = arith.index_cast %add3A_351 : i32 to index
      %get3A_353 = arith.constant 48 : index
      %get3A_354 = tpu.vector_load %arg8[%get3A_352, %get3A_353] {strides = array<i32>} : memref<158x128xf32, #tpu.memory_space<vmem>>, vector<16xf32>,
      %slice3A_355 = vector.extract_strided_slice %get3A_292 {offsets = [3], sizes = [1], strides = [1]} : vector<16xf32> to vector<1xf32>
      %squeeze3A_356 = vector.extract %slice3A_355[0] : f32 from vector<1xf32>
      %mul3A_357 = vector.broadcast %squeeze3A_356 : f32 to vector<16xf32>
      %mul3A_358 = arith.mulf %get3A_354, %mul3A_357 : vector<16xf32>
      %swap3A_359 = arith.index_cast %add3A_347 : i32 to index
      %swap3A_360 = arith.constant 0 : index
      %swap3A_361 = tpu.vector_load %arg10[%swap3A_359, %swap3A_360] {strides = array<i32>} : memref<1264x16xf32, #tpu.memory_space<vmem>>, vector<16xf32>,
      tpu.vector_store %arg10[%swap3A_359, %swap3A_360], %mul3A_358 {strides = array<i32>} : memref<1264x16xf32, #tpu.memory_space<vmem>>, vector<16xf32>,
      %mul3A_362 = arith.constant 16 : i32
      %mul3A_363 = arith.muli %scan3A_287, %mul3A_362 : i32
      %add3A_364 = arith.constant 4 : i32
      %add3A_365 = arith.addi %mul3A_363, %add3A_364 : i32
      %mul3A_366 = arith.constant 2 : i32
      %mul3A_367 = arith.muli %scan3A_287, %mul3A_366 : i32
      %add3A_368 = arith.constant 0 : i32
      %add3A_369 = arith.addi %mul3A_367, %add3A_368 : i32
      %get3A_370 = arith.index_cast %add3A_369 : i32 to index
      %get3A_371 = arith.constant 64 : index
      %get3A_372 = tpu.vector_load %arg8[%get3A_370, %get3A_371] {strides = array<i32>} : memref<158x128xf32, #tpu.memory_space<vmem>>, vector<16xf32>,
      %slice3A_373 = vector.extract_strided_slice %get3A_292 {offsets = [4], sizes = [1], strides = [1]} : vector<16xf32> to vector<1xf32>
      %squeeze3A_374 = vector.extract %slice3A_373[0] : f32 from vector<1xf32>
      %mul3A_375 = vector.broadcast %squeeze3A_374 : f32 to vector<16xf32>
      %mul3A_376 = arith.mulf %get3A_372, %mul3A_375 : vector<16xf32>
      %swap3A_377 = arith.index_cast %add3A_365 : i32 to index
      %swap3A_378 = arith.constant 0 : index
      %swap3A_379 = tpu.vector_load %arg10[%swap3A_377, %swap3A_378] {strides = array<i32>} : memref<1264x16xf32, #tpu.memory_space<vmem>>, vector<16xf32>,
      tpu.vector_store %arg10[%swap3A_377, %swap3A_378], %mul3A_376 {strides = array<i32>} : memref<1264x16xf32, #tpu.memory_space<vmem>>, vector<16xf32>,
      %mul3A_380 = arith.constant 16 : i32
      %mul3A_381 = arith.muli %scan3A_287, %mul3A_380 : i32
      %add3A_382 = arith.constant 5 : i32
      %add3A_383 = arith.addi %mul3A_381, %add3A_382 : i32
      %mul3A_384 = arith.constant 2 : i32
      %mul3A_385 = arith.muli %scan3A_287, %mul3A_384 : i32
      %add3A_386 = arith.constant 0 : i32
      %add3A_387 = arith.addi %mul3A_385, %add3A_386 : i32
      %get3A_388 = arith.index_cast %add3A_387 : i32 to index
      %get3A_389 = arith.constant 80 : index
      %get3A_390 = tpu.vector_load %arg8[%get3A_388, %get3A_389] {strides = array<i32>} : memref<158x128xf32, #tpu.memory_space<vmem>>, vector<16xf32>,
      %slice3A_391 = vector.extract_strided_slice %get3A_292 {offsets = [5], sizes = [1], strides = [1]} : vector<16xf32> to vector<1xf32>
      %squeeze3A_392 = vector.extract %slice3A_391[0] : f32 from vector<1xf32>
      %mul3A_393 = vector.broadcast %squeeze3A_392 : f32 to vector<16xf32>
      %mul3A_394 = arith.mulf %get3A_390, %mul3A_393 : vector<16xf32>
      %swap3A_395 = arith.index_cast %add3A_383 : i32 to index
      %swap3A_396 = arith.constant 0 : index
      %swap3A_397 = tpu.vector_load %arg10[%swap3A_395, %swap3A_396] {strides = array<i32>} : memref<1264x16xf32, #tpu.memory_space<vmem>>, vector<16xf32>,
      tpu.vector_store %arg10[%swap3A_395, %swap3A_396], %mul3A_394 {strides = array<i32>} : memref<1264x16xf32, #tpu.memory_space<vmem>>, vector<16xf32>,
      %mul3A_398 = arith.constant 16 : i32
      %mul3A_399 = arith.muli %scan3A_287, %mul3A_398 : i32
      %add3A_400 = arith.constant 6 : i32
      %add3A_401 = arith.addi %mul3A_399, %add3A_400 : i32
      %mul3A_402 = arith.constant 2 : i32
      %mul3A_403 = arith.muli %scan3A_287, %mul3A_402 : i32
      %add3A_404 = arith.constant 0 : i32
      %add3A_405 = arith.addi %mul3A_403, %add3A_404 : i32
      %get3A_406 = arith.index_cast %add3A_405 : i32 to index
      %get3A_407 = arith.constant 96 : index
      %get3A_408 = tpu.vector_load %arg8[%get3A_406, %get3A_407] {strides = array<i32>} : memref<158x128xf32, #tpu.memory_space<vmem>>, vector<16xf32>,
      %slice3A_409 = vector.extract_strided_slice %get3A_292 {offsets = [6], sizes = [1], strides = [1]} : vector<16xf32> to vector<1xf32>
      %squeeze3A_410 = vector.extract %slice3A_409[0] : f32 from vector<1xf32>
      %mul3A_411 = vector.broadcast %squeeze3A_410 : f32 to vector<16xf32>
      %mul3A_412 = arith.mulf %get3A_408, %mul3A_411 : vector<16xf32>
      %swap3A_413 = arith.index_cast %add3A_401 : i32 to index
      %swap3A_414 = arith.constant 0 : index
      %swap3A_415 = tpu.vector_load %arg10[%swap3A_413, %swap3A_414] {strides = array<i32>} : memref<1264x16xf32, #tpu.memory_space<vmem>>, vector<16xf32>,
      tpu.vector_store %arg10[%swap3A_413, %swap3A_414], %mul3A_412 {strides = array<i32>} : memref<1264x16xf32, #tpu.memory_space<vmem>>, vector<16xf32>,
      %mul3A_416 = arith.constant 16 : i32
      %mul3A_417 = arith.muli %scan3A_287, %mul3A_416 : i32
      %add3A_418 = arith.constant 7 : i32
      %add3A_419 = arith.addi %mul3A_417, %add3A_418 : i32
      %mul3A_420 = arith.constant 2 : i32
      %mul3A_421 = arith.muli %scan3A_287, %mul3A_420 : i32
      %add3A_422 = arith.constant 0 : i32
      %add3A_423 = arith.addi %mul3A_421, %add3A_422 : i32
      %get3A_424 = arith.index_cast %add3A_423 : i32 to index
      %get3A_425 = arith.constant 112 : index
      %get3A_426 = tpu.vector_load %arg8[%get3A_424, %get3A_425] {strides = array<i32>} : memref<158x128xf32, #tpu.memory_space<vmem>>, vector<16xf32>,
      %slice3A_427 = vector.extract_strided_slice %get3A_292 {offsets = [7], sizes = [1], strides = [1]} : vector<16xf32> to vector<1xf32>
      %squeeze3A_428 = vector.extract %slice3A_427[0] : f32 from vector<1xf32>
      %mul3A_429 = vector.broadcast %squeeze3A_428 : f32 to vector<16xf32>
      %mul3A_430 = arith.mulf %get3A_426, %mul3A_429 : vector<16xf32>
      %swap3A_431 = arith.index_cast %add3A_419 : i32 to index
      %swap3A_432 = arith.constant 0 : index
      %swap3A_433 = tpu.vector_load %arg10[%swap3A_431, %swap3A_432] {strides = array<i32>} : memref<1264x16xf32, #tpu.memory_space<vmem>>, vector<16xf32>,
      tpu.vector_store %arg10[%swap3A_431, %swap3A_432], %mul3A_430 {strides = array<i32>} : memref<1264x16xf32, #tpu.memory_space<vmem>>, vector<16xf32>,
      %mul3A_434 = arith.constant 16 : i32
      %mul3A_435 = arith.muli %scan3A_287, %mul3A_434 : i32
      %add3A_436 = arith.constant 8 : i32
      %add3A_437 = arith.addi %mul3A_435, %add3A_436 : i32
      %mul3A_438 = arith.constant 2 : i32
      %mul3A_439 = arith.muli %scan3A_287, %mul3A_438 : i32
      %add3A_440 = arith.constant 1 : i32
      %add3A_441 = arith.addi %mul3A_439, %add3A_440 : i32
      %get3A_442 = arith.index_cast %add3A_441 : i32 to index
      %get3A_443 = arith.constant 0 : index
      %get3A_444 = tpu.vector_load %arg8[%get3A_442, %get3A_443] {strides = array<i32>} : memref<158x128xf32, #tpu.memory_space<vmem>>, vector<16xf32>,
      %slice3A_445 = vector.extract_strided_slice %get3A_292 {offsets = [8], sizes = [1], strides = [1]} : vector<16xf32> to vector<1xf32>
      %squeeze3A_446 = vector.extract %slice3A_445[0] : f32 from vector<1xf32>
      %mul3A_447 = vector.broadcast %squeeze3A_446 : f32 to vector<16xf32>
      %mul3A_448 = arith.mulf %get3A_444, %mul3A_447 : vector<16xf32>
      %swap3A_449 = arith.index_cast %add3A_437 : i32 to index
      %swap3A_450 = arith.constant 0 : index
      %swap3A_451 = tpu.vector_load %arg10[%swap3A_449, %swap3A_450] {strides = array<i32>} : memref<1264x16xf32, #tpu.memory_space<vmem>>, vector<16xf32>,
      tpu.vector_store %arg10[%swap3A_449, %swap3A_450], %mul3A_448 {strides = array<i32>} : memref<1264x16xf32, #tpu.memory_space<vmem>>, vector<16xf32>,
      %mul3A_452 = arith.constant 16 : i32
      %mul3A_453 = arith.muli %scan3A_287, %mul3A_452 : i32
      %add3A_454 = arith.constant 9 : i32
      %add3A_455 = arith.addi %mul3A_453, %add3A_454 : i32
      %mul3A_456 = arith.constant 2 : i32
      %mul3A_457 = arith.muli %scan3A_287, %mul3A_456 : i32
      %add3A_458 = arith.constant 1 : i32
      %add3A_459 = arith.addi %mul3A_457, %add3A_458 : i32
      %get3A_460 = arith.index_cast %add3A_459 : i32 to index
      %get3A_461 = arith.constant 16 : index
      %get3A_462 = tpu.vector_load %arg8[%get3A_460, %get3A_461] {strides = array<i32>} : memref<158x128xf32, #tpu.memory_space<vmem>>, vector<16xf32>,
      %slice3A_463 = vector.extract_strided_slice %get3A_292 {offsets = [9], sizes = [1], strides = [1]} : vector<16xf32> to vector<1xf32>
      %squeeze3A_464 = vector.extract %slice3A_463[0] : f32 from vector<1xf32>
      %mul3A_465 = vector.broadcast %squeeze3A_464 : f32 to vector<16xf32>
      %mul3A_466 = arith.mulf %get3A_462, %mul3A_465 : vector<16xf32>
      %swap3A_467 = arith.index_cast %add3A_455 : i32 to index
      %swap3A_468 = arith.constant 0 : index
      %swap3A_469 = tpu.vector_load %arg10[%swap3A_467, %swap3A_468] {strides = array<i32>} : memref<1264x16xf32, #tpu.memory_space<vmem>>, vector<16xf32>,
      tpu.vector_store %arg10[%swap3A_467, %swap3A_468], %mul3A_466 {strides = array<i32>} : memref<1264x16xf32, #tpu.memory_space<vmem>>, vector<16xf32>,
      %mul3A_470 = arith.constant 16 : i32
      %mul3A_471 = arith.muli %scan3A_287, %mul3A_470 : i32
      %add3A_472 = arith.constant 10 : i32
      %add3A_473 = arith.addi %mul3A_471, %add3A_472 : i32
      %mul3A_474 = arith.constant 2 : i32
      %mul3A_475 = arith.muli %scan3A_287, %mul3A_474 : i32
      %add3A_476 = arith.constant 1 : i32
      %add3A_477 = arith.addi %mul3A_475, %add3A_476 : i32
      %get3A_478 = arith.index_cast %add3A_477 : i32 to index
      %get3A_479 = arith.constant 32 : index
      %get3A_480 = tpu.vector_load %arg8[%get3A_478, %get3A_479] {strides = array<i32>} : memref<158x128xf32, #tpu.memory_space<vmem>>, vector<16xf32>,
      %slice3A_481 = vector.extract_strided_slice %get3A_292 {offsets = [10], sizes = [1], strides = [1]} : vector<16xf32> to vector<1xf32>
      %squeeze3A_482 = vector.extract %slice3A_481[0] : f32 from vector<1xf32>
      %mul3A_483 = vector.broadcast %squeeze3A_482 : f32 to vector<16xf32>
      %mul3A_484 = arith.mulf %get3A_480, %mul3A_483 : vector<16xf32>
      %swap3A_485 = arith.index_cast %add3A_473 : i32 to index
      %swap3A_486 = arith.constant 0 : index
      %swap3A_487 = tpu.vector_load %arg10[%swap3A_485, %swap3A_486] {strides = array<i32>} : memref<1264x16xf32, #tpu.memory_space<vmem>>, vector<16xf32>,
      tpu.vector_store %arg10[%swap3A_485, %swap3A_486], %mul3A_484 {strides = array<i32>} : memref<1264x16xf32, #tpu.memory_space<vmem>>, vector<16xf32>,
      %mul3A_488 = arith.constant 16 : i32
      %mul3A_489 = arith.muli %scan3A_287, %mul3A_488 : i32
      %add3A_490 = arith.constant 11 : i32
      %add3A_491 = arith.addi %mul3A_489, %add3A_490 : i32
      %mul3A_492 = arith.constant 2 : i32
      %mul3A_493 = arith.muli %scan3A_287, %mul3A_492 : i32
      %add3A_494 = arith.constant 1 : i32
      %add3A_495 = arith.addi %mul3A_493, %add3A_494 : i32
      %get3A_496 = arith.index_cast %add3A_495 : i32 to index
      %get3A_497 = arith.constant 48 : index
      %get3A_498 = tpu.vector_load %arg8[%get3A_496, %get3A_497] {strides = array<i32>} : memref<158x128xf32, #tpu.memory_space<vmem>>, vector<16xf32>,
      %slice3A_499 = vector.extract_strided_slice %get3A_292 {offsets = [11], sizes = [1], strides = [1]} : vector<16xf32> to vector<1xf32>
      %squeeze3A_500 = vector.extract %slice3A_499[0] : f32 from vector<1xf32>
      %mul3A_501 = vector.broadcast %squeeze3A_500 : f32 to vector<16xf32>
      %mul3A_502 = arith.mulf %get3A_498, %mul3A_501 : vector<16xf32>
      %swap3A_503 = arith.index_cast %add3A_491 : i32 to index
      %swap3A_504 = arith.constant 0 : index
      %swap3A_505 = tpu.vector_load %arg10[%swap3A_503, %swap3A_504] {strides = array<i32>} : memref<1264x16xf32, #tpu.memory_space<vmem>>, vector<16xf32>,
      tpu.vector_store %arg10[%swap3A_503, %swap3A_504], %mul3A_502 {strides = array<i32>} : memref<1264x16xf32, #tpu.memory_space<vmem>>, vector<16xf32>,
      %mul3A_506 = arith.constant 16 : i32
      %mul3A_507 = arith.muli %scan3A_287, %mul3A_506 : i32
      %add3A_508 = arith.constant 12 : i32
      %add3A_509 = arith.addi %mul3A_507, %add3A_508 : i32
      %mul3A_510 = arith.constant 2 : i32
      %mul3A_511 = arith.muli %scan3A_287, %mul3A_510 : i32
      %add3A_512 = arith.constant 1 : i32
      %add3A_513 = arith.addi %mul3A_511, %add3A_512 : i32
      %get3A_514 = arith.index_cast %add3A_513 : i32 to index
      %get3A_515 = arith.constant 64 : index
      %get3A_516 = tpu.vector_load %arg8[%get3A_514, %get3A_515] {strides = array<i32>} : memref<158x128xf32, #tpu.memory_space<vmem>>, vector<16xf32>,
      %slice3A_517 = vector.extract_strided_slice %get3A_292 {offsets = [12], sizes = [1], strides = [1]} : vector<16xf32> to vector<1xf32>
      %squeeze3A_518 = vector.extract %slice3A_517[0] : f32 from vector<1xf32>
      %mul3A_519 = vector.broadcast %squeeze3A_518 : f32 to vector<16xf32>
      %mul3A_520 = arith.mulf %get3A_516, %mul3A_519 : vector<16xf32>
      %swap3A_521 = arith.index_cast %add3A_509 : i32 to index
      %swap3A_522 = arith.constant 0 : index
      %swap3A_523 = tpu.vector_load %arg10[%swap3A_521, %swap3A_522] {strides = array<i32>} : memref<1264x16xf32, #tpu.memory_space<vmem>>, vector<16xf32>,
      tpu.vector_store %arg10[%swap3A_521, %swap3A_522], %mul3A_520 {strides = array<i32>} : memref<1264x16xf32, #tpu.memory_space<vmem>>, vector<16xf32>,
      %mul3A_524 = arith.constant 16 : i32
      %mul3A_525 = arith.muli %scan3A_287, %mul3A_524 : i32
      %add3A_526 = arith.constant 13 : i32
      %add3A_527 = arith.addi %mul3A_525, %add3A_526 : i32
      %mul3A_528 = arith.constant 2 : i32
      %mul3A_529 = arith.muli %scan3A_287, %mul3A_528 : i32
      %add3A_530 = arith.constant 1 : i32
      %add3A_531 = arith.addi %mul3A_529, %add3A_530 : i32
      %get3A_532 = arith.index_cast %add3A_531 : i32 to index
      %get3A_533 = arith.constant 80 : index
      %get3A_534 = tpu.vector_load %arg8[%get3A_532, %get3A_533] {strides = array<i32>} : memref<158x128xf32, #tpu.memory_space<vmem>>, vector<16xf32>,
      %slice3A_535 = vector.extract_strided_slice %get3A_292 {offsets = [13], sizes = [1], strides = [1]} : vector<16xf32> to vector<1xf32>
      %squeeze3A_536 = vector.extract %slice3A_535[0] : f32 from vector<1xf32>
      %mul3A_537 = vector.broadcast %squeeze3A_536 : f32 to vector<16xf32>
      %mul3A_538 = arith.mulf %get3A_534, %mul3A_537 : vector<16xf32>
      %swap3A_539 = arith.index_cast %add3A_527 : i32 to index
      %swap3A_540 = arith.constant 0 : index
      %swap3A_541 = tpu.vector_load %arg10[%swap3A_539, %swap3A_540] {strides = array<i32>} : memref<1264x16xf32, #tpu.memory_space<vmem>>, vector<16xf32>,
      tpu.vector_store %arg10[%swap3A_539, %swap3A_540], %mul3A_538 {strides = array<i32>} : memref<1264x16xf32, #tpu.memory_space<vmem>>, vector<16xf32>,
      %mul3A_542 = arith.constant 16 : i32
      %mul3A_543 = arith.muli %scan3A_287, %mul3A_542 : i32
      %add3A_544 = arith.constant 14 : i32
      %add3A_545 = arith.addi %mul3A_543, %add3A_544 : i32
      %mul3A_546 = arith.constant 2 : i32
      %mul3A_547 = arith.muli %scan3A_287, %mul3A_546 : i32
      %add3A_548 = arith.constant 1 : i32
      %add3A_549 = arith.addi %mul3A_547, %add3A_548 : i32
      %get3A_550 = arith.index_cast %add3A_549 : i32 to index
      %get3A_551 = arith.constant 96 : index
      %get3A_552 = tpu.vector_load %arg8[%get3A_550, %get3A_551] {strides = array<i32>} : memref<158x128xf32, #tpu.memory_space<vmem>>, vector<16xf32>,
      %slice3A_553 = vector.extract_strided_slice %get3A_292 {offsets = [14], sizes = [1], strides = [1]} : vector<16xf32> to vector<1xf32>
      %squeeze3A_554 = vector.extract %slice3A_553[0] : f32 from vector<1xf32>
      %mul3A_555 = vector.broadcast %squeeze3A_554 : f32 to vector<16xf32>
      %mul3A_556 = arith.mulf %get3A_552, %mul3A_555 : vector<16xf32>
      %swap3A_557 = arith.index_cast %add3A_545 : i32 to index
      %swap3A_558 = arith.constant 0 : index
      %swap3A_559 = tpu.vector_load %arg10[%swap3A_557, %swap3A_558] {strides = array<i32>} : memref<1264x16xf32, #tpu.memory_space<vmem>>, vector<16xf32>,
      tpu.vector_store %arg10[%swap3A_557, %swap3A_558], %mul3A_556 {strides = array<i32>} : memref<1264x16xf32, #tpu.memory_space<vmem>>, vector<16xf32>,
      %mul3A_560 = arith.constant 16 : i32
      %mul3A_561 = arith.muli %scan3A_287, %mul3A_560 : i32
      %add3A_562 = arith.constant 15 : i32
      %add3A_563 = arith.addi %mul3A_561, %add3A_562 : i32
      %mul3A_564 = arith.constant 2 : i32
      %mul3A_565 = arith.muli %scan3A_287, %mul3A_564 : i32
      %add3A_566 = arith.constant 1 : i32
      %add3A_567 = arith.addi %mul3A_565, %add3A_566 : i32
      %get3A_568 = arith.index_cast %add3A_567 : i32 to index
      %get3A_569 = arith.constant 112 : index
      %get3A_570 = tpu.vector_load %arg8[%get3A_568, %get3A_569] {strides = array<i32>} : memref<158x128xf32, #tpu.memory_space<vmem>>, vector<16xf32>,
      %slice3A_571 = vector.extract_strided_slice %get3A_292 {offsets = [15], sizes = [1], strides = [1]} : vector<16xf32> to vector<1xf32>
      %squeeze3A_572 = vector.extract %slice3A_571[0] : f32 from vector<1xf32>
      %mul3A_573 = vector.broadcast %squeeze3A_572 : f32 to vector<16xf32>
      %mul3A_574 = arith.mulf %get3A_570, %mul3A_573 : vector<16xf32>
      %swap3A_575 = arith.index_cast %add3A_563 : i32 to index
      %swap3A_576 = arith.constant 0 : index
      %swap3A_577 = tpu.vector_load %arg10[%swap3A_575, %swap3A_576] {strides = array<i32>} : memref<1264x16xf32, #tpu.memory_space<vmem>>, vector<16xf32>,
      tpu.vector_store %arg10[%swap3A_575, %swap3A_576], %mul3A_574 {strides = array<i32>} : memref<1264x16xf32, #tpu.memory_space<vmem>>, vector<16xf32>,
    }
    %scan3A_97 = arith.constant 78 : i32
    %dma_start3A_98 = arith.constant 0 : i32
    %dma_start3A_99 = arith.constant 0 : i32
    %dma_start3A_100 = tpu.memref_slice %arg10[%dma_start3A_98, %dma_start3A_99] : memref<1264x16xf32, #tpu.memory_space<vmem>> -> memref<1248x16xf32, #tpu.memory_space<vmem>>
    %dma_start3A_101 = arith.constant 0 : i32
    %dma_start3A_102 = tpu.memref_slice %arg6[%dma_start3A_101] : memref<4992xi32, #tpu.memory_space<vmem>> -> memref<1248xi32, #tpu.memory_space<vmem>>
    %dma_start3A_103 = arith.constant 0 : i32
    %dma_start3A_104 = arith.constant 0 : i32
    %dma_start3A_105 = tpu.memref_slice %arg15[%dma_start3A_103, %dma_start3A_104] : memref<10240x16xf32, #tpu.memory_space<vmem_shared>> -> memref<10240x16xf32, #tpu.memory_space<vmem_shared>>
    tpu.enqueue_indirect_dma source(%dma_start3A_100 : memref<1248x16xf32, #tpu.memory_space<vmem>>) target(%dma_start3A_105 : memref<10240x16xf32, #tpu.memory_space<vmem_shared>>) offsets(%dma_start3A_102 : memref<1248xi32, #tpu.memory_space<vmem>>) semaphore(%arg17 : memref<!tpu.dma_semaphore, #tpu.memory_space<semaphore_mem>>) {add = true}
    %dma_wait3A_106 = arith.constant 0 : i32
    %dma_wait3A_107 = arith.constant 0 : i32
    %dma_wait3A_108 = tpu.memref_slice %arg9[%dma_wait3A_106, %dma_wait3A_107] : memref<158x128xf32, #tpu.memory_space<vmem>> -> memref<156x128xf32, #tpu.memory_space<vmem>>
    %dma_wait3A_109 = arith.constant 0 : i32
    %dma_wait3A_110 = tpu.memref_slice %arg4[%select_n3A_81, %dma_wait3A_109] : memref<19968x128xf32, #tpu.memory_space<hbm>> -> memref<156x128xf32, #tpu.memory_space<hbm>>
    %dma_wait3A_111 = arith.constant 0 : i32
    %dma_wait3A_112 = arith.constant 0 : i32
    %dma_wait3A_113 = tpu.memref_slice %arg9[%dma_wait3A_111, %dma_wait3A_112] : memref<158x128xf32, #tpu.memory_space<vmem>> -> memref<156x128xf32, #tpu.memory_space<vmem>>
    %dma_wait3A_114 = arith.constant 0 : i32
    %dma_wait3A_115 = tpu.memref_slice %arg4[%select_n3A_81, %dma_wait3A_114] : memref<19968x128xf32, #tpu.memory_space<hbm>> -> memref<156x128xf32, #tpu.memory_space<hbm>>
    tpu.wait_dma2 semaphore(%arg16 : memref<!tpu.dma_semaphore, #tpu.memory_space<semaphore_mem>>) src(%dma_wait3A_115 : memref<156x128xf32, #tpu.memory_space<hbm>>) dst(%dma_wait3A_113 : memref<156x128xf32, #tpu.memory_space<vmem>>)
    %add3A_116 = arith.constant 1248 : i32
    %add3A_117 = arith.addi %add3A, %add3A_116 : i32
    %add3A_118 = arith.constant 1248 : i32
    %add3A_119 = arith.addi %add3A_117, %add3A_118 : i32
    %jit3A_120 = arith.constant 8 : i32
    %div3A_121 = arith.divsi %add3A_119, %jit3A_120 : i32
    %sign3A_122 = arith.constant 0 : i32
    %sign3A_123 = arith.cmpi sgt, %add3A_119, %sign3A_122 : i32
    %sign3A_124 = arith.extui %sign3A_123 : i1 to i32
    %sign3A_125 = arith.constant 0 : i32
    %sign3A_126 = arith.cmpi slt, %add3A_119, %sign3A_125 : i32
    %sign3A_127 = arith.extui %sign3A_126 : i1 to i32
    %sign3A_128 = arith.subi %sign3A_124, %sign3A_127 : i32
    %sign3A_129 = arith.constant 0 : i32
    %sign3A_130 = arith.cmpi sgt, %jit3A_120, %sign3A_129 : i32
    %sign3A_131 = arith.extui %sign3A_130 : i1 to i32
    %sign3A_132 = arith.constant 0 : i32
    %sign3A_133 = arith.cmpi slt, %jit3A_120, %sign3A_132 : i32
    %sign3A_134 = arith.extui %sign3A_133 : i1 to i32
    %sign3A_135 = arith.subi %sign3A_131, %sign3A_134 : i32
    %ne3A_136 = arith.cmpi ne, %sign3A_128, %sign3A_135 : i32
    %rem3A_137 = arith.remsi %add3A_119, %jit3A_120 : i32
    %ne3A_138 = arith.constant 0 : i32
    %ne3A_139 = arith.cmpi ne, %rem3A_137, %ne3A_138 : i32
    %and3A_140 = arith.andi %ne3A_136, %ne3A_139 : i1
    %sub3A_141 = arith.constant 1 : i32
    %sub3A_142 = arith.subi %div3A_121, %sub3A_141 : i32
    %select_n3A_143 = arith.select %and3A_140, %sub3A_142, %div3A_121 : i32
    %dma_start3A_144 = arith.constant 0 : i32
    %dma_start3A_145 = arith.constant 0 : i32
    %dma_start3A_146 = tpu.memref_slice %arg8[%dma_start3A_144, %dma_start3A_145] : memref<158x128xf32, #tpu.memory_space<vmem>> -> memref<156x128xf32, #tpu.memory_space<vmem>>
    %dma_start3A_147 = arith.constant 0 : i32
    %dma_start3A_148 = tpu.memref_slice %arg4[%select_n3A_143, %dma_start3A_147] : memref<19968x128xf32, #tpu.memory_space<hbm>> -> memref<156x128xf32, #tpu.memory_space<hbm>>
    %dma_start3A_149 = arith.constant 0 : i32
    %dma_start3A_150 = arith.constant 0 : i32
    %dma_start3A_151 = tpu.memref_slice %arg8[%dma_start3A_149, %dma_start3A_150] : memref<158x128xf32, #tpu.memory_space<vmem>> -> memref<156x128xf32, #tpu.memory_space<vmem>>
    %dma_start3A_152 = arith.constant 0 : i32
    %dma_start3A_153 = tpu.memref_slice %arg4[%select_n3A_143, %dma_start3A_152] : memref<19968x128xf32, #tpu.memory_space<hbm>> -> memref<156x128xf32, #tpu.memory_space<hbm>>
    tpu.enqueue_dma source(%dma_start3A_153 : memref<156x128xf32, #tpu.memory_space<hbm>>) target(%dma_start3A_151 : memref<156x128xf32, #tpu.memory_space<vmem>>) target_semaphore(%arg16 : memref<!tpu.dma_semaphore, #tpu.memory_space<semaphore_mem>>)
    %scan3A_154 = arith.constant 0 : i32
    %scan3A_155 = arith.constant 0 : i32
    %scan3A_156 = arith.constant 78 : i32
    %scan3A_157 = arith.addi %scan3A_155, %scan3A_156 : i32
    %scan3A_158 = arith.constant 1 : i32
    scf.for %scan3A_287 = %scan3A_155 to %scan3A_157 step %scan3A_158  : i32 {
      %mul3A_288 = arith.constant 16 : i32
      %mul3A_289 = arith.muli %scan3A_287, %mul3A_288 : i32
      %add3A_290 = arith.constant 1248 : i32
      %add3A_291 = arith.addi %add3A_290, %mul3A_289 : i32
      %get3A = arith.index_cast %add3A_291 : i32 to index
      %get3A_292 = tpu.vector_load %arg7[%get3A] {strides = array<i32>} : memref<4992xf32, #tpu.memory_space<vmem>>, vector<16xf32>,
      %mul3A_293 = arith.constant 16 : i32
      %mul3A_294 = arith.muli %scan3A_287, %mul3A_293 : i32
      %add3A_295 = arith.constant 0 : i32
      %add3A_296 = arith.addi %mul3A_294, %add3A_295 : i32
      %mul3A_297 = arith.constant 2 : i32
      %mul3A_298 = arith.muli %scan3A_287, %mul3A_297 : i32
      %add3A_299 = arith.constant 0 : i32
      %add3A_300 = arith.addi %mul3A_298, %add3A_299 : i32
      %get3A_301 = arith.index_cast %add3A_300 : i32 to index
      %get3A_302 = arith.constant 0 : index
      %get3A_303 = tpu.vector_load %arg9[%get3A_301, %get3A_302] {strides = array<i32>} : memref<158x128xf32, #tpu.memory_space<vmem>>, vector<16xf32>,
      %slice3A = vector.extract_strided_slice %get3A_292 {offsets = [0], sizes = [1], strides = [1]} : vector<16xf32> to vector<1xf32>
      %squeeze3A = vector.extract %slice3A[0] : f32 from vector<1xf32>
      %mul3A_304 = vector.broadcast %squeeze3A : f32 to vector<16xf32>
      %mul3A_305 = arith.mulf %get3A_303, %mul3A_304 : vector<16xf32>
      %swap3A = arith.index_cast %add3A_296 : i32 to index
      %swap3A_306 = arith.constant 0 : index
      %swap3A_307 = tpu.vector_load %arg11[%swap3A, %swap3A_306] {strides = array<i32>} : memref<1264x16xf32, #tpu.memory_space<vmem>>, vector<16xf32>,
      tpu.vector_store %arg11[%swap3A, %swap3A_306], %mul3A_305 {strides = array<i32>} : memref<1264x16xf32, #tpu.memory_space<vmem>>, vector<16xf32>,
      %mul3A_308 = arith.constant 16 : i32
      %mul3A_309 = arith.muli %scan3A_287, %mul3A_308 : i32
      %add3A_310 = arith.constant 1 : i32
      %add3A_311 = arith.addi %mul3A_309, %add3A_310 : i32
      %mul3A_312 = arith.constant 2 : i32
      %mul3A_313 = arith.muli %scan3A_287, %mul3A_312 : i32
      %add3A_314 = arith.constant 0 : i32
      %add3A_315 = arith.addi %mul3A_313, %add3A_314 : i32
      %get3A_316 = arith.index_cast %add3A_315 : i32 to index
      %get3A_317 = arith.constant 16 : index
      %get3A_318 = tpu.vector_load %arg9[%get3A_316, %get3A_317] {strides = array<i32>} : memref<158x128xf32, #tpu.memory_space<vmem>>, vector<16xf32>,
      %slice3A_319 = vector.extract_strided_slice %get3A_292 {offsets = [1], sizes = [1], strides = [1]} : vector<16xf32> to vector<1xf32>
      %squeeze3A_320 = vector.extract %slice3A_319[0] : f32 from vector<1xf32>
      %mul3A_321 = vector.broadcast %squeeze3A_320 : f32 to vector<16xf32>
      %mul3A_322 = arith.mulf %get3A_318, %mul3A_321 : vector<16xf32>
      %swap3A_323 = arith.index_cast %add3A_311 : i32 to index
      %swap3A_324 = arith.constant 0 : index
      %swap3A_325 = tpu.vector_load %arg11[%swap3A_323, %swap3A_324] {strides = array<i32>} : memref<1264x16xf32, #tpu.memory_space<vmem>>, vector<16xf32>,
      tpu.vector_store %arg11[%swap3A_323, %swap3A_324], %mul3A_322 {strides = array<i32>} : memref<1264x16xf32, #tpu.memory_space<vmem>>, vector<16xf32>,
      %mul3A_326 = arith.constant 16 : i32
      %mul3A_327 = arith.muli %scan3A_287, %mul3A_326 : i32
      %add3A_328 = arith.constant 2 : i32
      %add3A_329 = arith.addi %mul3A_327, %add3A_328 : i32
      %mul3A_330 = arith.constant 2 : i32
      %mul3A_331 = arith.muli %scan3A_287, %mul3A_330 : i32
      %add3A_332 = arith.constant 0 : i32
      %add3A_333 = arith.addi %mul3A_331, %add3A_332 : i32
      %get3A_334 = arith.index_cast %add3A_333 : i32 to index
      %get3A_335 = arith.constant 32 : index
      %get3A_336 = tpu.vector_load %arg9[%get3A_334, %get3A_335] {strides = array<i32>} : memref<158x128xf32, #tpu.memory_space<vmem>>, vector<16xf32>,
      %slice3A_337 = vector.extract_strided_slice %get3A_292 {offsets = [2], sizes = [1], strides = [1]} : vector<16xf32> to vector<1xf32>
      %squeeze3A_338 = vector.extract %slice3A_337[0] : f32 from vector<1xf32>
      %mul3A_339 = vector.broadcast %squeeze3A_338 : f32 to vector<16xf32>
      %mul3A_340 = arith.mulf %get3A_336, %mul3A_339 : vector<16xf32>
      %swap3A_341 = arith.index_cast %add3A_329 : i32 to index
      %swap3A_342 = arith.constant 0 : index
      %swap3A_343 = tpu.vector_load %arg11[%swap3A_341, %swap3A_342] {strides = array<i32>} : memref<1264x16xf32, #tpu.memory_space<vmem>>, vector<16xf32>,
      tpu.vector_store %arg11[%swap3A_341, %swap3A_342], %mul3A_340 {strides = array<i32>} : memref<1264x16xf32, #tpu.memory_space<vmem>>, vector<16xf32>,
      %mul3A_344 = arith.constant 16 : i32
      %mul3A_345 = arith.muli %scan3A_287, %mul3A_344 : i32
      %add3A_346 = arith.constant 3 : i32
      %add3A_347 = arith.addi %mul3A_345, %add3A_346 : i32
      %mul3A_348 = arith.constant 2 : i32
      %mul3A_349 = arith.muli %scan3A_287, %mul3A_348 : i32
      %add3A_350 = arith.constant 0 : i32
      %add3A_351 = arith.addi %mul3A_349, %add3A_350 : i32
      %get3A_352 = arith.index_cast %add3A_351 : i32 to index
      %get3A_353 = arith.constant 48 : index
      %get3A_354 = tpu.vector_load %arg9[%get3A_352, %get3A_353] {strides = array<i32>} : memref<158x128xf32, #tpu.memory_space<vmem>>, vector<16xf32>,
      %slice3A_355 = vector.extract_strided_slice %get3A_292 {offsets = [3], sizes = [1], strides = [1]} : vector<16xf32> to vector<1xf32>
      %squeeze3A_356 = vector.extract %slice3A_355[0] : f32 from vector<1xf32>
      %mul3A_357 = vector.broadcast %squeeze3A_356 : f32 to vector<16xf32>
      %mul3A_358 = arith.mulf %get3A_354, %mul3A_357 : vector<16xf32>
      %swap3A_359 = arith.index_cast %add3A_347 : i32 to index
      %swap3A_360 = arith.constant 0 : index
      %swap3A_361 = tpu.vector_load %arg11[%swap3A_359, %swap3A_360] {strides = array<i32>} : memref<1264x16xf32, #tpu.memory_space<vmem>>, vector<16xf32>,
      tpu.vector_store %arg11[%swap3A_359, %swap3A_360], %mul3A_358 {strides = array<i32>} : memref<1264x16xf32, #tpu.memory_space<vmem>>, vector<16xf32>,
      %mul3A_362 = arith.constant 16 : i32
      %mul3A_363 = arith.muli %scan3A_287, %mul3A_362 : i32
      %add3A_364 = arith.constant 4 : i32
      %add3A_365 = arith.addi %mul3A_363, %add3A_364 : i32
      %mul3A_366 = arith.constant 2 : i32
      %mul3A_367 = arith.muli %scan3A_287, %mul3A_366 : i32
      %add3A_368 = arith.constant 0 : i32
      %add3A_369 = arith.addi %mul3A_367, %add3A_368 : i32
      %get3A_370 = arith.index_cast %add3A_369 : i32 to index
      %get3A_371 = arith.constant 64 : index
      %get3A_372 = tpu.vector_load %arg9[%get3A_370, %get3A_371] {strides = array<i32>} : memref<158x128xf32, #tpu.memory_space<vmem>>, vector<16xf32>,
      %slice3A_373 = vector.extract_strided_slice %get3A_292 {offsets = [4], sizes = [1], strides = [1]} : vector<16xf32> to vector<1xf32>
      %squeeze3A_374 = vector.extract %slice3A_373[0] : f32 from vector<1xf32>
      %mul3A_375 = vector.broadcast %squeeze3A_374 : f32 to vector<16xf32>
      %mul3A_376 = arith.mulf %get3A_372, %mul3A_375 : vector<16xf32>
      %swap3A_377 = arith.index_cast %add3A_365 : i32 to index
      %swap3A_378 = arith.constant 0 : index
      %swap3A_379 = tpu.vector_load %arg11[%swap3A_377, %swap3A_378] {strides = array<i32>} : memref<1264x16xf32, #tpu.memory_space<vmem>>, vector<16xf32>,
      tpu.vector_store %arg11[%swap3A_377, %swap3A_378], %mul3A_376 {strides = array<i32>} : memref<1264x16xf32, #tpu.memory_space<vmem>>, vector<16xf32>,
      %mul3A_380 = arith.constant 16 : i32
      %mul3A_381 = arith.muli %scan3A_287, %mul3A_380 : i32
      %add3A_382 = arith.constant 5 : i32
      %add3A_383 = arith.addi %mul3A_381, %add3A_382 : i32
      %mul3A_384 = arith.constant 2 : i32
      %mul3A_385 = arith.muli %scan3A_287, %mul3A_384 : i32
      %add3A_386 = arith.constant 0 : i32
      %add3A_387 = arith.addi %mul3A_385, %add3A_386 : i32
      %get3A_388 = arith.index_cast %add3A_387 : i32 to index
      %get3A_389 = arith.constant 80 : index
      %get3A_390 = tpu.vector_load %arg9[%get3A_388, %get3A_389] {strides = array<i32>} : memref<158x128xf32, #tpu.memory_space<vmem>>, vector<16xf32>,
      %slice3A_391 = vector.extract_strided_slice %get3A_292 {offsets = [5], sizes = [1], strides = [1]} : vector<16xf32> to vector<1xf32>
      %squeeze3A_392 = vector.extract %slice3A_391[0] : f32 from vector<1xf32>
      %mul3A_393 = vector.broadcast %squeeze3A_392 : f32 to vector<16xf32>
      %mul3A_394 = arith.mulf %get3A_390, %mul3A_393 : vector<16xf32>
      %swap3A_395 = arith.index_cast %add3A_383 : i32 to index
      %swap3A_396 = arith.constant 0 : index
      %swap3A_397 = tpu.vector_load %arg11[%swap3A_395, %swap3A_396] {strides = array<i32>} : memref<1264x16xf32, #tpu.memory_space<vmem>>, vector<16xf32>,
      tpu.vector_store %arg11[%swap3A_395, %swap3A_396], %mul3A_394 {strides = array<i32>} : memref<1264x16xf32, #tpu.memory_space<vmem>>, vector<16xf32>,
      %mul3A_398 = arith.constant 16 : i32
      %mul3A_399 = arith.muli %scan3A_287, %mul3A_398 : i32
      %add3A_400 = arith.constant 6 : i32
      %add3A_401 = arith.addi %mul3A_399, %add3A_400 : i32
      %mul3A_402 = arith.constant 2 : i32
      %mul3A_403 = arith.muli %scan3A_287, %mul3A_402 : i32
      %add3A_404 = arith.constant 0 : i32
      %add3A_405 = arith.addi %mul3A_403, %add3A_404 : i32
      %get3A_406 = arith.index_cast %add3A_405 : i32 to index
      %get3A_407 = arith.constant 96 : index
      %get3A_408 = tpu.vector_load %arg9[%get3A_406, %get3A_407] {strides = array<i32>} : memref<158x128xf32, #tpu.memory_space<vmem>>, vector<16xf32>,
      %slice3A_409 = vector.extract_strided_slice %get3A_292 {offsets = [6], sizes = [1], strides = [1]} : vector<16xf32> to vector<1xf32>
      %squeeze3A_410 = vector.extract %slice3A_409[0] : f32 from vector<1xf32>
      %mul3A_411 = vector.broadcast %squeeze3A_410 : f32 to vector<16xf32>
      %mul3A_412 = arith.mulf %get3A_408, %mul3A_411 : vector<16xf32>
      %swap3A_413 = arith.index_cast %add3A_401 : i32 to index
      %swap3A_414 = arith.constant 0 : index
      %swap3A_415 = tpu.vector_load %arg11[%swap3A_413, %swap3A_414] {strides = array<i32>} : memref<1264x16xf32, #tpu.memory_space<vmem>>, vector<16xf32>,
      tpu.vector_store %arg11[%swap3A_413, %swap3A_414], %mul3A_412 {strides = array<i32>} : memref<1264x16xf32, #tpu.memory_space<vmem>>, vector<16xf32>,
      %mul3A_416 = arith.constant 16 : i32
      %mul3A_417 = arith.muli %scan3A_287, %mul3A_416 : i32
      %add3A_418 = arith.constant 7 : i32
      %add3A_419 = arith.addi %mul3A_417, %add3A_418 : i32
      %mul3A_420 = arith.constant 2 : i32
      %mul3A_421 = arith.muli %scan3A_287, %mul3A_420 : i32
      %add3A_422 = arith.constant 0 : i32
      %add3A_423 = arith.addi %mul3A_421, %add3A_422 : i32
      %get3A_424 = arith.index_cast %add3A_423 : i32 to index
      %get3A_425 = arith.constant 112 : index
      %get3A_426 = tpu.vector_load %arg9[%get3A_424, %get3A_425] {strides = array<i32>} : memref<158x128xf32, #tpu.memory_space<vmem>>, vector<16xf32>,
      %slice3A_427 = vector.extract_strided_slice %get3A_292 {offsets = [7], sizes = [1], strides = [1]} : vector<16xf32> to vector<1xf32>
      %squeeze3A_428 = vector.extract %slice3A_427[0] : f32 from vector<1xf32>
      %mul3A_429 = vector.broadcast %squeeze3A_428 : f32 to vector<16xf32>
      %mul3A_430 = arith.mulf %get3A_426, %mul3A_429 : vector<16xf32>
      %swap3A_431 = arith.index_cast %add3A_419 : i32 to index
      %swap3A_432 = arith.constant 0 : index
      %swap3A_433 = tpu.vector_load %arg11[%swap3A_431, %swap3A_432] {strides = array<i32>} : memref<1264x16xf32, #tpu.memory_space<vmem>>, vector<16xf32>,
      tpu.vector_store %arg11[%swap3A_431, %swap3A_432], %mul3A_430 {strides = array<i32>} : memref<1264x16xf32, #tpu.memory_space<vmem>>, vector<16xf32>,
      %mul3A_434 = arith.constant 16 : i32
      %mul3A_435 = arith.muli %scan3A_287, %mul3A_434 : i32
      %add3A_436 = arith.constant 8 : i32
      %add3A_437 = arith.addi %mul3A_435, %add3A_436 : i32
      %mul3A_438 = arith.constant 2 : i32
      %mul3A_439 = arith.muli %scan3A_287, %mul3A_438 : i32
      %add3A_440 = arith.constant 1 : i32
      %add3A_441 = arith.addi %mul3A_439, %add3A_440 : i32
      %get3A_442 = arith.index_cast %add3A_441 : i32 to index
      %get3A_443 = arith.constant 0 : index
      %get3A_444 = tpu.vector_load %arg9[%get3A_442, %get3A_443] {strides = array<i32>} : memref<158x128xf32, #tpu.memory_space<vmem>>, vector<16xf32>,
      %slice3A_445 = vector.extract_strided_slice %get3A_292 {offsets = [8], sizes = [1], strides = [1]} : vector<16xf32> to vector<1xf32>
      %squeeze3A_446 = vector.extract %slice3A_445[0] : f32 from vector<1xf32>
      %mul3A_447 = vector.broadcast %squeeze3A_446 : f32 to vector<16xf32>
      %mul3A_448 = arith.mulf %get3A_444, %mul3A_447 : vector<16xf32>
      %swap3A_449 = arith.index_cast %add3A_437 : i32 to index
      %swap3A_450 = arith.constant 0 : index
      %swap3A_451 = tpu.vector_load %arg11[%swap3A_449, %swap3A_450] {strides = array<i32>} : memref<1264x16xf32, #tpu.memory_space<vmem>>, vector<16xf32>,
      tpu.vector_store %arg11[%swap3A_449, %swap3A_450], %mul3A_448 {strides = array<i32>} : memref<1264x16xf32, #tpu.memory_space<vmem>>, vector<16xf32>,
      %mul3A_452 = arith.constant 16 : i32
      %mul3A_453 = arith.muli %scan3A_287, %mul3A_452 : i32
      %add3A_454 = arith.constant 9 : i32
      %add3A_455 = arith.addi %mul3A_453, %add3A_454 : i32
      %mul3A_456 = arith.constant 2 : i32
      %mul3A_457 = arith.muli %scan3A_287, %mul3A_456 : i32
      %add3A_458 = arith.constant 1 : i32
      %add3A_459 = arith.addi %mul3A_457, %add3A_458 : i32
      %get3A_460 = arith.index_cast %add3A_459 : i32 to index
      %get3A_461 = arith.constant 16 : index
      %get3A_462 = tpu.vector_load %arg9[%get3A_460, %get3A_461] {strides = array<i32>} : memref<158x128xf32, #tpu.memory_space<vmem>>, vector<16xf32>,
      %slice3A_463 = vector.extract_strided_slice %get3A_292 {offsets = [9], sizes = [1], strides = [1]} : vector<16xf32> to vector<1xf32>
      %squeeze3A_464 = vector.extract %slice3A_463[0] : f32 from vector<1xf32>
      %mul3A_465 = vector.broadcast %squeeze3A_464 : f32 to vector<16xf32>
      %mul3A_466 = arith.mulf %get3A_462, %mul3A_465 : vector<16xf32>
      %swap3A_467 = arith.index_cast %add3A_455 : i32 to index
      %swap3A_468 = arith.constant 0 : index
      %swap3A_469 = tpu.vector_load %arg11[%swap3A_467, %swap3A_468] {strides = array<i32>} : memref<1264x16xf32, #tpu.memory_space<vmem>>, vector<16xf32>,
      tpu.vector_store %arg11[%swap3A_467, %swap3A_468], %mul3A_466 {strides = array<i32>} : memref<1264x16xf32, #tpu.memory_space<vmem>>, vector<16xf32>,
      %mul3A_470 = arith.constant 16 : i32
      %mul3A_471 = arith.muli %scan3A_287, %mul3A_470 : i32
      %add3A_472 = arith.constant 10 : i32
      %add3A_473 = arith.addi %mul3A_471, %add3A_472 : i32
      %mul3A_474 = arith.constant 2 : i32
      %mul3A_475 = arith.muli %scan3A_287, %mul3A_474 : i32
      %add3A_476 = arith.constant 1 : i32
      %add3A_477 = arith.addi %mul3A_475, %add3A_476 : i32
      %get3A_478 = arith.index_cast %add3A_477 : i32 to index
      %get3A_479 = arith.constant 32 : index
      %get3A_480 = tpu.vector_load %arg9[%get3A_478, %get3A_479] {strides = array<i32>} : memref<158x128xf32, #tpu.memory_space<vmem>>, vector<16xf32>,
      %slice3A_481 = vector.extract_strided_slice %get3A_292 {offsets = [10], sizes = [1], strides = [1]} : vector<16xf32> to vector<1xf32>
      %squeeze3A_482 = vector.extract %slice3A_481[0] : f32 from vector<1xf32>
      %mul3A_483 = vector.broadcast %squeeze3A_482 : f32 to vector<16xf32>
      %mul3A_484 = arith.mulf %get3A_480, %mul3A_483 : vector<16xf32>
      %swap3A_485 = arith.index_cast %add3A_473 : i32 to index
      %swap3A_486 = arith.constant 0 : index
      %swap3A_487 = tpu.vector_load %arg11[%swap3A_485, %swap3A_486] {strides = array<i32>} : memref<1264x16xf32, #tpu.memory_space<vmem>>, vector<16xf32>,
      tpu.vector_store %arg11[%swap3A_485, %swap3A_486], %mul3A_484 {strides = array<i32>} : memref<1264x16xf32, #tpu.memory_space<vmem>>, vector<16xf32>,
      %mul3A_488 = arith.constant 16 : i32
      %mul3A_489 = arith.muli %scan3A_287, %mul3A_488 : i32
      %add3A_490 = arith.constant 11 : i32
      %add3A_491 = arith.addi %mul3A_489, %add3A_490 : i32
      %mul3A_492 = arith.constant 2 : i32
      %mul3A_493 = arith.muli %scan3A_287, %mul3A_492 : i32
      %add3A_494 = arith.constant 1 : i32
      %add3A_495 = arith.addi %mul3A_493, %add3A_494 : i32
      %get3A_496 = arith.index_cast %add3A_495 : i32 to index
      %get3A_497 = arith.constant 48 : index
      %get3A_498 = tpu.vector_load %arg9[%get3A_496, %get3A_497] {strides = array<i32>} : memref<158x128xf32, #tpu.memory_space<vmem>>, vector<16xf32>,
      %slice3A_499 = vector.extract_strided_slice %get3A_292 {offsets = [11], sizes = [1], strides = [1]} : vector<16xf32> to vector<1xf32>
      %squeeze3A_500 = vector.extract %slice3A_499[0] : f32 from vector<1xf32>
      %mul3A_501 = vector.broadcast %squeeze3A_500 : f32 to vector<16xf32>
      %mul3A_502 = arith.mulf %get3A_498, %mul3A_501 : vector<16xf32>
      %swap3A_503 = arith.index_cast %add3A_491 : i32 to index
      %swap3A_504 = arith.constant 0 : index
      %swap3A_505 = tpu.vector_load %arg11[%swap3A_503, %swap3A_504] {strides = array<i32>} : memref<1264x16xf32, #tpu.memory_space<vmem>>, vector<16xf32>,
      tpu.vector_store %arg11[%swap3A_503, %swap3A_504], %mul3A_502 {strides = array<i32>} : memref<1264x16xf32, #tpu.memory_space<vmem>>, vector<16xf32>,
      %mul3A_506 = arith.constant 16 : i32
      %mul3A_507 = arith.muli %scan3A_287, %mul3A_506 : i32
      %add3A_508 = arith.constant 12 : i32
      %add3A_509 = arith.addi %mul3A_507, %add3A_508 : i32
      %mul3A_510 = arith.constant 2 : i32
      %mul3A_511 = arith.muli %scan3A_287, %mul3A_510 : i32
      %add3A_512 = arith.constant 1 : i32
      %add3A_513 = arith.addi %mul3A_511, %add3A_512 : i32
      %get3A_514 = arith.index_cast %add3A_513 : i32 to index
      %get3A_515 = arith.constant 64 : index
      %get3A_516 = tpu.vector_load %arg9[%get3A_514, %get3A_515] {strides = array<i32>} : memref<158x128xf32, #tpu.memory_space<vmem>>, vector<16xf32>,
      %slice3A_517 = vector.extract_strided_slice %get3A_292 {offsets = [12], sizes = [1], strides = [1]} : vector<16xf32> to vector<1xf32>
      %squeeze3A_518 = vector.extract %slice3A_517[0] : f32 from vector<1xf32>
      %mul3A_519 = vector.broadcast %squeeze3A_518 : f32 to vector<16xf32>
      %mul3A_520 = arith.mulf %get3A_516, %mul3A_519 : vector<16xf32>
      %swap3A_521 = arith.index_cast %add3A_509 : i32 to index
      %swap3A_522 = arith.constant 0 : index
      %swap3A_523 = tpu.vector_load %arg11[%swap3A_521, %swap3A_522] {strides = array<i32>} : memref<1264x16xf32, #tpu.memory_space<vmem>>, vector<16xf32>,
      tpu.vector_store %arg11[%swap3A_521, %swap3A_522], %mul3A_520 {strides = array<i32>} : memref<1264x16xf32, #tpu.memory_space<vmem>>, vector<16xf32>,
      %mul3A_524 = arith.constant 16 : i32
      %mul3A_525 = arith.muli %scan3A_287, %mul3A_524 : i32
      %add3A_526 = arith.constant 13 : i32
      %add3A_527 = arith.addi %mul3A_525, %add3A_526 : i32
      %mul3A_528 = arith.constant 2 : i32
      %mul3A_529 = arith.muli %scan3A_287, %mul3A_528 : i32
      %add3A_530 = arith.constant 1 : i32
      %add3A_531 = arith.addi %mul3A_529, %add3A_530 : i32
      %get3A_532 = arith.index_cast %add3A_531 : i32 to index
      %get3A_533 = arith.constant 80 : index
      %get3A_534 = tpu.vector_load %arg9[%get3A_532, %get3A_533] {strides = array<i32>} : memref<158x128xf32, #tpu.memory_space<vmem>>, vector<16xf32>,
      %slice3A_535 = vector.extract_strided_slice %get3A_292 {offsets = [13], sizes = [1], strides = [1]} : vector<16xf32> to vector<1xf32>
      %squeeze3A_536 = vector.extract %slice3A_535[0] : f32 from vector<1xf32>
      %mul3A_537 = vector.broadcast %squeeze3A_536 : f32 to vector<16xf32>
      %mul3A_538 = arith.mulf %get3A_534, %mul3A_537 : vector<16xf32>
      %swap3A_539 = arith.index_cast %add3A_527 : i32 to index
      %swap3A_540 = arith.constant 0 : index
      %swap3A_541 = tpu.vector_load %arg11[%swap3A_539, %swap3A_540] {strides = array<i32>} : memref<1264x16xf32, #tpu.memory_space<vmem>>, vector<16xf32>,
      tpu.vector_store %arg11[%swap3A_539, %swap3A_540], %mul3A_538 {strides = array<i32>} : memref<1264x16xf32, #tpu.memory_space<vmem>>, vector<16xf32>,
      %mul3A_542 = arith.constant 16 : i32
      %mul3A_543 = arith.muli %scan3A_287, %mul3A_542 : i32
      %add3A_544 = arith.constant 14 : i32
      %add3A_545 = arith.addi %mul3A_543, %add3A_544 : i32
      %mul3A_546 = arith.constant 2 : i32
      %mul3A_547 = arith.muli %scan3A_287, %mul3A_546 : i32
      %add3A_548 = arith.constant 1 : i32
      %add3A_549 = arith.addi %mul3A_547, %add3A_548 : i32
      %get3A_550 = arith.index_cast %add3A_549 : i32 to index
      %get3A_551 = arith.constant 96 : index
      %get3A_552 = tpu.vector_load %arg9[%get3A_550, %get3A_551] {strides = array<i32>} : memref<158x128xf32, #tpu.memory_space<vmem>>, vector<16xf32>,
      %slice3A_553 = vector.extract_strided_slice %get3A_292 {offsets = [14], sizes = [1], strides = [1]} : vector<16xf32> to vector<1xf32>
      %squeeze3A_554 = vector.extract %slice3A_553[0] : f32 from vector<1xf32>
      %mul3A_555 = vector.broadcast %squeeze3A_554 : f32 to vector<16xf32>
      %mul3A_556 = arith.mulf %get3A_552, %mul3A_555 : vector<16xf32>
      %swap3A_557 = arith.index_cast %add3A_545 : i32 to index
      %swap3A_558 = arith.constant 0 : index
      %swap3A_559 = tpu.vector_load %arg11[%swap3A_557, %swap3A_558] {strides = array<i32>} : memref<1264x16xf32, #tpu.memory_space<vmem>>, vector<16xf32>,
      tpu.vector_store %arg11[%swap3A_557, %swap3A_558], %mul3A_556 {strides = array<i32>} : memref<1264x16xf32, #tpu.memory_space<vmem>>, vector<16xf32>,
      %mul3A_560 = arith.constant 16 : i32
      %mul3A_561 = arith.muli %scan3A_287, %mul3A_560 : i32
      %add3A_562 = arith.constant 15 : i32
      %add3A_563 = arith.addi %mul3A_561, %add3A_562 : i32
      %mul3A_564 = arith.constant 2 : i32
      %mul3A_565 = arith.muli %scan3A_287, %mul3A_564 : i32
      %add3A_566 = arith.constant 1 : i32
      %add3A_567 = arith.addi %mul3A_565, %add3A_566 : i32
      %get3A_568 = arith.index_cast %add3A_567 : i32 to index
      %get3A_569 = arith.constant 112 : index
      %get3A_570 = tpu.vector_load %arg9[%get3A_568, %get3A_569] {strides = array<i32>} : memref<158x128xf32, #tpu.memory_space<vmem>>, vector<16xf32>,
      %slice3A_571 = vector.extract_strided_slice %get3A_292 {offsets = [15], sizes = [1], strides = [1]} : vector<16xf32> to vector<1xf32>
      %squeeze3A_572 = vector.extract %slice3A_571[0] : f32 from vector<1xf32>
      %mul3A_573 = vector.broadcast %squeeze3A_572 : f32 to vector<16xf32>
      %mul3A_574 = arith.mulf %get3A_570, %mul3A_573 : vector<16xf32>
      %swap3A_575 = arith.index_cast %add3A_563 : i32 to index
      %swap3A_576 = arith.constant 0 : index
      %swap3A_577 = tpu.vector_load %arg11[%swap3A_575, %swap3A_576] {strides = array<i32>} : memref<1264x16xf32, #tpu.memory_space<vmem>>, vector<16xf32>,
      tpu.vector_store %arg11[%swap3A_575, %swap3A_576], %mul3A_574 {strides = array<i32>} : memref<1264x16xf32, #tpu.memory_space<vmem>>, vector<16xf32>,
    }
    %scan3A_159 = arith.constant 78 : i32
    %dma_wait3A_160 = arith.constant 0 : i32
    %dma_wait3A_161 = arith.constant 0 : i32
    %dma_wait3A_162 = tpu.memref_slice %arg10[%dma_wait3A_160, %dma_wait3A_161] : memref<1264x16xf32, #tpu.memory_space<vmem>> -> memref<1248x16xf32, #tpu.memory_space<vmem>>
    %dma_wait3A_163 = arith.constant 0 : i32
    %dma_wait3A_164 = tpu.memref_slice %arg6[%dma_wait3A_163] : memref<4992xi32, #tpu.memory_space<vmem>> -> memref<1248xi32, #tpu.memory_space<vmem>>
    %dma_wait3A_165 = arith.constant 0 : i32
    %dma_wait3A_166 = arith.constant 0 : i32
    %dma_wait3A_167 = tpu.memref_slice %arg15[%dma_wait3A_165, %dma_wait3A_166] : memref<10240x16xf32, #tpu.memory_space<vmem_shared>> -> memref<10240x16xf32, #tpu.memory_space<vmem_shared>>
    tpu.wait_indirect_dma semaphore(%arg17 : memref<!tpu.dma_semaphore, #tpu.memory_space<semaphore_mem>>) src(%dma_wait3A_162 : memref<1248x16xf32, #tpu.memory_space<vmem>>) dst(%dma_wait3A_167 : memref<10240x16xf32, #tpu.memory_space<vmem_shared>>)
    %dma_start3A_168 = arith.constant 0 : i32
    %dma_start3A_169 = arith.constant 0 : i32
    %dma_start3A_170 = tpu.memref_slice %arg11[%dma_start3A_168, %dma_start3A_169] : memref<1264x16xf32, #tpu.memory_space<vmem>> -> memref<1248x16xf32, #tpu.memory_space<vmem>>
    %dma_start3A_171 = arith.constant 1248 : i32
    %dma_start3A_172 = tpu.memref_slice %arg6[%dma_start3A_171] : memref<4992xi32, #tpu.memory_space<vmem>> -> memref<1248xi32, #tpu.memory_space<vmem>>
    %dma_start3A_173 = arith.constant 0 : i32
    %dma_start3A_174 = arith.constant 0 : i32
    %dma_start3A_175 = tpu.memref_slice %arg15[%dma_start3A_173, %dma_start3A_174] : memref<10240x16xf32, #tpu.memory_space<vmem_shared>> -> memref<10240x16xf32, #tpu.memory_space<vmem_shared>>
    tpu.enqueue_indirect_dma source(%dma_start3A_170 : memref<1248x16xf32, #tpu.memory_space<vmem>>) target(%dma_start3A_175 : memref<10240x16xf32, #tpu.memory_space<vmem_shared>>) offsets(%dma_start3A_172 : memref<1248xi32, #tpu.memory_space<vmem>>) semaphore(%arg17 : memref<!tpu.dma_semaphore, #tpu.memory_space<semaphore_mem>>) {add = true}
    %dma_wait3A_176 = arith.constant 0 : i32
    %dma_wait3A_177 = arith.constant 0 : i32
    %dma_wait3A_178 = tpu.memref_slice %arg8[%dma_wait3A_176, %dma_wait3A_177] : memref<158x128xf32, #tpu.memory_space<vmem>> -> memref<156x128xf32, #tpu.memory_space<vmem>>
    %dma_wait3A_179 = arith.constant 0 : i32
    %dma_wait3A_180 = tpu.memref_slice %arg4[%select_n3A_143, %dma_wait3A_179] : memref<19968x128xf32, #tpu.memory_space<hbm>> -> memref<156x128xf32, #tpu.memory_space<hbm>>
    %dma_wait3A_181 = arith.constant 0 : i32
    %dma_wait3A_182 = arith.constant 0 : i32
    %dma_wait3A_183 = tpu.memref_slice %arg8[%dma_wait3A_181, %dma_wait3A_182] : memref<158x128xf32, #tpu.memory_space<vmem>> -> memref<156x128xf32, #tpu.memory_space<vmem>>
    %dma_wait3A_184 = arith.constant 0 : i32
    %dma_wait3A_185 = tpu.memref_slice %arg4[%select_n3A_143, %dma_wait3A_184] : memref<19968x128xf32, #tpu.memory_space<hbm>> -> memref<156x128xf32, #tpu.memory_space<hbm>>
    tpu.wait_dma2 semaphore(%arg16 : memref<!tpu.dma_semaphore, #tpu.memory_space<semaphore_mem>>) src(%dma_wait3A_185 : memref<156x128xf32, #tpu.memory_space<hbm>>) dst(%dma_wait3A_183 : memref<156x128xf32, #tpu.memory_space<vmem>>)
    %add3A_186 = arith.constant 2496 : i32
    %add3A_187 = arith.addi %add3A, %add3A_186 : i32
    %add3A_188 = arith.constant 1248 : i32
    %add3A_189 = arith.addi %add3A_187, %add3A_188 : i32
    %jit3A_190 = arith.constant 8 : i32
    %div3A_191 = arith.divsi %add3A_189, %jit3A_190 : i32
    %sign3A_192 = arith.constant 0 : i32
    %sign3A_193 = arith.cmpi sgt, %add3A_189, %sign3A_192 : i32
    %sign3A_194 = arith.extui %sign3A_193 : i1 to i32
    %sign3A_195 = arith.constant 0 : i32
    %sign3A_196 = arith.cmpi slt, %add3A_189, %sign3A_195 : i32
    %sign3A_197 = arith.extui %sign3A_196 : i1 to i32
    %sign3A_198 = arith.subi %sign3A_194, %sign3A_197 : i32
    %sign3A_199 = arith.constant 0 : i32
    %sign3A_200 = arith.cmpi sgt, %jit3A_190, %sign3A_199 : i32
    %sign3A_201 = arith.extui %sign3A_200 : i1 to i32
    %sign3A_202 = arith.constant 0 : i32
    %sign3A_203 = arith.cmpi slt, %jit3A_190, %sign3A_202 : i32
    %sign3A_204 = arith.extui %sign3A_203 : i1 to i32
    %sign3A_205 = arith.subi %sign3A_201, %sign3A_204 : i32
    %ne3A_206 = arith.cmpi ne, %sign3A_198, %sign3A_205 : i32
    %rem3A_207 = arith.remsi %add3A_189, %jit3A_190 : i32
    %ne3A_208 = arith.constant 0 : i32
    %ne3A_209 = arith.cmpi ne, %rem3A_207, %ne3A_208 : i32
    %and3A_210 = arith.andi %ne3A_206, %ne3A_209 : i1
    %sub3A_211 = arith.constant 1 : i32
    %sub3A_212 = arith.subi %div3A_191, %sub3A_211 : i32
    %select_n3A_213 = arith.select %and3A_210, %sub3A_212, %div3A_191 : i32
    %dma_start3A_214 = arith.constant 0 : i32
    %dma_start3A_215 = arith.constant 0 : i32
    %dma_start3A_216 = tpu.memref_slice %arg9[%dma_start3A_214, %dma_start3A_215] : memref<158x128xf32, #tpu.memory_space<vmem>> -> memref<156x128xf32, #tpu.memory_space<vmem>>
    %dma_start3A_217 = arith.constant 0 : i32
    %dma_start3A_218 = tpu.memref_slice %arg4[%select_n3A_213, %dma_start3A_217] : memref<19968x128xf32, #tpu.memory_space<hbm>> -> memref<156x128xf32, #tpu.memory_space<hbm>>
    %dma_start3A_219 = arith.constant 0 : i32
    %dma_start3A_220 = arith.constant 0 : i32
    %dma_start3A_221 = tpu.memref_slice %arg9[%dma_start3A_219, %dma_start3A_220] : memref<158x128xf32, #tpu.memory_space<vmem>> -> memref<156x128xf32, #tpu.memory_space<vmem>>
    %dma_start3A_222 = arith.constant 0 : i32
    %dma_start3A_223 = tpu.memref_slice %arg4[%select_n3A_213, %dma_start3A_222] : memref<19968x128xf32, #tpu.memory_space<hbm>> -> memref<156x128xf32, #tpu.memory_space<hbm>>
    tpu.enqueue_dma source(%dma_start3A_223 : memref<156x128xf32, #tpu.memory_space<hbm>>) target(%dma_start3A_221 : memref<156x128xf32, #tpu.memory_space<vmem>>) target_semaphore(%arg16 : memref<!tpu.dma_semaphore, #tpu.memory_space<semaphore_mem>>)
    %scan3A_224 = arith.constant 0 : i32
    %scan3A_225 = arith.constant 0 : i32
    %scan3A_226 = arith.constant 78 : i32
    %scan3A_227 = arith.addi %scan3A_225, %scan3A_226 : i32
    %scan3A_228 = arith.constant 1 : i32
    scf.for %scan3A_287 = %scan3A_225 to %scan3A_227 step %scan3A_228  : i32 {
      %mul3A_288 = arith.constant 16 : i32
      %mul3A_289 = arith.muli %scan3A_287, %mul3A_288 : i32
      %add3A_290 = arith.constant 2496 : i32
      %add3A_291 = arith.addi %add3A_290, %mul3A_289 : i32
      %get3A = arith.index_cast %add3A_291 : i32 to index
      %get3A_292 = tpu.vector_load %arg7[%get3A] {strides = array<i32>} : memref<4992xf32, #tpu.memory_space<vmem>>, vector<16xf32>,
      %mul3A_293 = arith.constant 16 : i32
      %mul3A_294 = arith.muli %scan3A_287, %mul3A_293 : i32
      %add3A_295 = arith.constant 0 : i32
      %add3A_296 = arith.addi %mul3A_294, %add3A_295 : i32
      %mul3A_297 = arith.constant 2 : i32
      %mul3A_298 = arith.muli %scan3A_287, %mul3A_297 : i32
      %add3A_299 = arith.constant 0 : i32
      %add3A_300 = arith.addi %mul3A_298, %add3A_299 : i32
      %get3A_301 = arith.index_cast %add3A_300 : i32 to index
      %get3A_302 = arith.constant 0 : index
      %get3A_303 = tpu.vector_load %arg8[%get3A_301, %get3A_302] {strides = array<i32>} : memref<158x128xf32, #tpu.memory_space<vmem>>, vector<16xf32>,
      %slice3A = vector.extract_strided_slice %get3A_292 {offsets = [0], sizes = [1], strides = [1]} : vector<16xf32> to vector<1xf32>
      %squeeze3A = vector.extract %slice3A[0] : f32 from vector<1xf32>
      %mul3A_304 = vector.broadcast %squeeze3A : f32 to vector<16xf32>
      %mul3A_305 = arith.mulf %get3A_303, %mul3A_304 : vector<16xf32>
      %swap3A = arith.index_cast %add3A_296 : i32 to index
      %swap3A_306 = arith.constant 0 : index
      %swap3A_307 = tpu.vector_load %arg10[%swap3A, %swap3A_306] {strides = array<i32>} : memref<1264x16xf32, #tpu.memory_space<vmem>>, vector<16xf32>,
      tpu.vector_store %arg10[%swap3A, %swap3A_306], %mul3A_305 {strides = array<i32>} : memref<1264x16xf32, #tpu.memory_space<vmem>>, vector<16xf32>,
      %mul3A_308 = arith.constant 16 : i32
      %mul3A_309 = arith.muli %scan3A_287, %mul3A_308 : i32
      %add3A_310 = arith.constant 1 : i32
      %add3A_311 = arith.addi %mul3A_309, %add3A_310 : i32
      %mul3A_312 = arith.constant 2 : i32
      %mul3A_313 = arith.muli %scan3A_287, %mul3A_312 : i32
      %add3A_314 = arith.constant 0 : i32
      %add3A_315 = arith.addi %mul3A_313, %add3A_314 : i32
      %get3A_316 = arith.index_cast %add3A_315 : i32 to index
      %get3A_317 = arith.constant 16 : index
      %get3A_318 = tpu.vector_load %arg8[%get3A_316, %get3A_317] {strides = array<i32>} : memref<158x128xf32, #tpu.memory_space<vmem>>, vector<16xf32>,
      %slice3A_319 = vector.extract_strided_slice %get3A_292 {offsets = [1], sizes = [1], strides = [1]} : vector<16xf32> to vector<1xf32>
      %squeeze3A_320 = vector.extract %slice3A_319[0] : f32 from vector<1xf32>
      %mul3A_321 = vector.broadcast %squeeze3A_320 : f32 to vector<16xf32>
      %mul3A_322 = arith.mulf %get3A_318, %mul3A_321 : vector<16xf32>
      %swap3A_323 = arith.index_cast %add3A_311 : i32 to index
      %swap3A_324 = arith.constant 0 : index
      %swap3A_325 = tpu.vector_load %arg10[%swap3A_323, %swap3A_324] {strides = array<i32>} : memref<1264x16xf32, #tpu.memory_space<vmem>>, vector<16xf32>,
      tpu.vector_store %arg10[%swap3A_323, %swap3A_324], %mul3A_322 {strides = array<i32>} : memref<1264x16xf32, #tpu.memory_space<vmem>>, vector<16xf32>,
      %mul3A_326 = arith.constant 16 : i32
      %mul3A_327 = arith.muli %scan3A_287, %mul3A_326 : i32
      %add3A_328 = arith.constant 2 : i32
      %add3A_329 = arith.addi %mul3A_327, %add3A_328 : i32
      %mul3A_330 = arith.constant 2 : i32
      %mul3A_331 = arith.muli %scan3A_287, %mul3A_330 : i32
      %add3A_332 = arith.constant 0 : i32
      %add3A_333 = arith.addi %mul3A_331, %add3A_332 : i32
      %get3A_334 = arith.index_cast %add3A_333 : i32 to index
      %get3A_335 = arith.constant 32 : index
      %get3A_336 = tpu.vector_load %arg8[%get3A_334, %get3A_335] {strides = array<i32>} : memref<158x128xf32, #tpu.memory_space<vmem>>, vector<16xf32>,
      %slice3A_337 = vector.extract_strided_slice %get3A_292 {offsets = [2], sizes = [1], strides = [1]} : vector<16xf32> to vector<1xf32>
      %squeeze3A_338 = vector.extract %slice3A_337[0] : f32 from vector<1xf32>
      %mul3A_339 = vector.broadcast %squeeze3A_338 : f32 to vector<16xf32>
      %mul3A_340 = arith.mulf %get3A_336, %mul3A_339 : vector<16xf32>
      %swap3A_341 = arith.index_cast %add3A_329 : i32 to index
      %swap3A_342 = arith.constant 0 : index
      %swap3A_343 = tpu.vector_load %arg10[%swap3A_341, %swap3A_342] {strides = array<i32>} : memref<1264x16xf32, #tpu.memory_space<vmem>>, vector<16xf32>,
      tpu.vector_store %arg10[%swap3A_341, %swap3A_342], %mul3A_340 {strides = array<i32>} : memref<1264x16xf32, #tpu.memory_space<vmem>>, vector<16xf32>,
      %mul3A_344 = arith.constant 16 : i32
      %mul3A_345 = arith.muli %scan3A_287, %mul3A_344 : i32
      %add3A_346 = arith.constant 3 : i32
      %add3A_347 = arith.addi %mul3A_345, %add3A_346 : i32
      %mul3A_348 = arith.constant 2 : i32
      %mul3A_349 = arith.muli %scan3A_287, %mul3A_348 : i32
      %add3A_350 = arith.constant 0 : i32
      %add3A_351 = arith.addi %mul3A_349, %add3A_350 : i32
      %get3A_352 = arith.index_cast %add3A_351 : i32 to index
      %get3A_353 = arith.constant 48 : index
      %get3A_354 = tpu.vector_load %arg8[%get3A_352, %get3A_353] {strides = array<i32>} : memref<158x128xf32, #tpu.memory_space<vmem>>, vector<16xf32>,
      %slice3A_355 = vector.extract_strided_slice %get3A_292 {offsets = [3], sizes = [1], strides = [1]} : vector<16xf32> to vector<1xf32>
      %squeeze3A_356 = vector.extract %slice3A_355[0] : f32 from vector<1xf32>
      %mul3A_357 = vector.broadcast %squeeze3A_356 : f32 to vector<16xf32>
      %mul3A_358 = arith.mulf %get3A_354, %mul3A_357 : vector<16xf32>
      %swap3A_359 = arith.index_cast %add3A_347 : i32 to index
      %swap3A_360 = arith.constant 0 : index
      %swap3A_361 = tpu.vector_load %arg10[%swap3A_359, %swap3A_360] {strides = array<i32>} : memref<1264x16xf32, #tpu.memory_space<vmem>>, vector<16xf32>,
      tpu.vector_store %arg10[%swap3A_359, %swap3A_360], %mul3A_358 {strides = array<i32>} : memref<1264x16xf32, #tpu.memory_space<vmem>>, vector<16xf32>,
      %mul3A_362 = arith.constant 16 : i32
      %mul3A_363 = arith.muli %scan3A_287, %mul3A_362 : i32
      %add3A_364 = arith.constant 4 : i32
      %add3A_365 = arith.addi %mul3A_363, %add3A_364 : i32
      %mul3A_366 = arith.constant 2 : i32
      %mul3A_367 = arith.muli %scan3A_287, %mul3A_366 : i32
      %add3A_368 = arith.constant 0 : i32
      %add3A_369 = arith.addi %mul3A_367, %add3A_368 : i32
      %get3A_370 = arith.index_cast %add3A_369 : i32 to index
      %get3A_371 = arith.constant 64 : index
      %get3A_372 = tpu.vector_load %arg8[%get3A_370, %get3A_371] {strides = array<i32>} : memref<158x128xf32, #tpu.memory_space<vmem>>, vector<16xf32>,
      %slice3A_373 = vector.extract_strided_slice %get3A_292 {offsets = [4], sizes = [1], strides = [1]} : vector<16xf32> to vector<1xf32>
      %squeeze3A_374 = vector.extract %slice3A_373[0] : f32 from vector<1xf32>
      %mul3A_375 = vector.broadcast %squeeze3A_374 : f32 to vector<16xf32>
      %mul3A_376 = arith.mulf %get3A_372, %mul3A_375 : vector<16xf32>
      %swap3A_377 = arith.index_cast %add3A_365 : i32 to index
      %swap3A_378 = arith.constant 0 : index
      %swap3A_379 = tpu.vector_load %arg10[%swap3A_377, %swap3A_378] {strides = array<i32>} : memref<1264x16xf32, #tpu.memory_space<vmem>>, vector<16xf32>,
      tpu.vector_store %arg10[%swap3A_377, %swap3A_378], %mul3A_376 {strides = array<i32>} : memref<1264x16xf32, #tpu.memory_space<vmem>>, vector<16xf32>,
      %mul3A_380 = arith.constant 16 : i32
      %mul3A_381 = arith.muli %scan3A_287, %mul3A_380 : i32
      %add3A_382 = arith.constant 5 : i32
      %add3A_383 = arith.addi %mul3A_381, %add3A_382 : i32
      %mul3A_384 = arith.constant 2 : i32
      %mul3A_385 = arith.muli %scan3A_287, %mul3A_384 : i32
      %add3A_386 = arith.constant 0 : i32
      %add3A_387 = arith.addi %mul3A_385, %add3A_386 : i32
      %get3A_388 = arith.index_cast %add3A_387 : i32 to index
      %get3A_389 = arith.constant 80 : index
      %get3A_390 = tpu.vector_load %arg8[%get3A_388, %get3A_389] {strides = array<i32>} : memref<158x128xf32, #tpu.memory_space<vmem>>, vector<16xf32>,
      %slice3A_391 = vector.extract_strided_slice %get3A_292 {offsets = [5], sizes = [1], strides = [1]} : vector<16xf32> to vector<1xf32>
      %squeeze3A_392 = vector.extract %slice3A_391[0] : f32 from vector<1xf32>
      %mul3A_393 = vector.broadcast %squeeze3A_392 : f32 to vector<16xf32>
      %mul3A_394 = arith.mulf %get3A_390, %mul3A_393 : vector<16xf32>
      %swap3A_395 = arith.index_cast %add3A_383 : i32 to index
      %swap3A_396 = arith.constant 0 : index
      %swap3A_397 = tpu.vector_load %arg10[%swap3A_395, %swap3A_396] {strides = array<i32>} : memref<1264x16xf32, #tpu.memory_space<vmem>>, vector<16xf32>,
      tpu.vector_store %arg10[%swap3A_395, %swap3A_396], %mul3A_394 {strides = array<i32>} : memref<1264x16xf32, #tpu.memory_space<vmem>>, vector<16xf32>,
      %mul3A_398 = arith.constant 16 : i32
      %mul3A_399 = arith.muli %scan3A_287, %mul3A_398 : i32
      %add3A_400 = arith.constant 6 : i32
      %add3A_401 = arith.addi %mul3A_399, %add3A_400 : i32
      %mul3A_402 = arith.constant 2 : i32
      %mul3A_403 = arith.muli %scan3A_287, %mul3A_402 : i32
      %add3A_404 = arith.constant 0 : i32
      %add3A_405 = arith.addi %mul3A_403, %add3A_404 : i32
      %get3A_406 = arith.index_cast %add3A_405 : i32 to index
      %get3A_407 = arith.constant 96 : index
      %get3A_408 = tpu.vector_load %arg8[%get3A_406, %get3A_407] {strides = array<i32>} : memref<158x128xf32, #tpu.memory_space<vmem>>, vector<16xf32>,
      %slice3A_409 = vector.extract_strided_slice %get3A_292 {offsets = [6], sizes = [1], strides = [1]} : vector<16xf32> to vector<1xf32>
      %squeeze3A_410 = vector.extract %slice3A_409[0] : f32 from vector<1xf32>
      %mul3A_411 = vector.broadcast %squeeze3A_410 : f32 to vector<16xf32>
      %mul3A_412 = arith.mulf %get3A_408, %mul3A_411 : vector<16xf32>
      %swap3A_413 = arith.index_cast %add3A_401 : i32 to index
      %swap3A_414 = arith.constant 0 : index
      %swap3A_415 = tpu.vector_load %arg10[%swap3A_413, %swap3A_414] {strides = array<i32>} : memref<1264x16xf32, #tpu.memory_space<vmem>>, vector<16xf32>,
      tpu.vector_store %arg10[%swap3A_413, %swap3A_414], %mul3A_412 {strides = array<i32>} : memref<1264x16xf32, #tpu.memory_space<vmem>>, vector<16xf32>,
      %mul3A_416 = arith.constant 16 : i32
      %mul3A_417 = arith.muli %scan3A_287, %mul3A_416 : i32
      %add3A_418 = arith.constant 7 : i32
      %add3A_419 = arith.addi %mul3A_417, %add3A_418 : i32
      %mul3A_420 = arith.constant 2 : i32
      %mul3A_421 = arith.muli %scan3A_287, %mul3A_420 : i32
      %add3A_422 = arith.constant 0 : i32
      %add3A_423 = arith.addi %mul3A_421, %add3A_422 : i32
      %get3A_424 = arith.index_cast %add3A_423 : i32 to index
      %get3A_425 = arith.constant 112 : index
      %get3A_426 = tpu.vector_load %arg8[%get3A_424, %get3A_425] {strides = array<i32>} : memref<158x128xf32, #tpu.memory_space<vmem>>, vector<16xf32>,
      %slice3A_427 = vector.extract_strided_slice %get3A_292 {offsets = [7], sizes = [1], strides = [1]} : vector<16xf32> to vector<1xf32>
      %squeeze3A_428 = vector.extract %slice3A_427[0] : f32 from vector<1xf32>
      %mul3A_429 = vector.broadcast %squeeze3A_428 : f32 to vector<16xf32>
      %mul3A_430 = arith.mulf %get3A_426, %mul3A_429 : vector<16xf32>
      %swap3A_431 = arith.index_cast %add3A_419 : i32 to index
      %swap3A_432 = arith.constant 0 : index
      %swap3A_433 = tpu.vector_load %arg10[%swap3A_431, %swap3A_432] {strides = array<i32>} : memref<1264x16xf32, #tpu.memory_space<vmem>>, vector<16xf32>,
      tpu.vector_store %arg10[%swap3A_431, %swap3A_432], %mul3A_430 {strides = array<i32>} : memref<1264x16xf32, #tpu.memory_space<vmem>>, vector<16xf32>,
      %mul3A_434 = arith.constant 16 : i32
      %mul3A_435 = arith.muli %scan3A_287, %mul3A_434 : i32
      %add3A_436 = arith.constant 8 : i32
      %add3A_437 = arith.addi %mul3A_435, %add3A_436 : i32
      %mul3A_438 = arith.constant 2 : i32
      %mul3A_439 = arith.muli %scan3A_287, %mul3A_438 : i32
      %add3A_440 = arith.constant 1 : i32
      %add3A_441 = arith.addi %mul3A_439, %add3A_440 : i32
      %get3A_442 = arith.index_cast %add3A_441 : i32 to index
      %get3A_443 = arith.constant 0 : index
      %get3A_444 = tpu.vector_load %arg8[%get3A_442, %get3A_443] {strides = array<i32>} : memref<158x128xf32, #tpu.memory_space<vmem>>, vector<16xf32>,
      %slice3A_445 = vector.extract_strided_slice %get3A_292 {offsets = [8], sizes = [1], strides = [1]} : vector<16xf32> to vector<1xf32>
      %squeeze3A_446 = vector.extract %slice3A_445[0] : f32 from vector<1xf32>
      %mul3A_447 = vector.broadcast %squeeze3A_446 : f32 to vector<16xf32>
      %mul3A_448 = arith.mulf %get3A_444, %mul3A_447 : vector<16xf32>
      %swap3A_449 = arith.index_cast %add3A_437 : i32 to index
      %swap3A_450 = arith.constant 0 : index
      %swap3A_451 = tpu.vector_load %arg10[%swap3A_449, %swap3A_450] {strides = array<i32>} : memref<1264x16xf32, #tpu.memory_space<vmem>>, vector<16xf32>,
      tpu.vector_store %arg10[%swap3A_449, %swap3A_450], %mul3A_448 {strides = array<i32>} : memref<1264x16xf32, #tpu.memory_space<vmem>>, vector<16xf32>,
      %mul3A_452 = arith.constant 16 : i32
      %mul3A_453 = arith.muli %scan3A_287, %mul3A_452 : i32
      %add3A_454 = arith.constant 9 : i32
      %add3A_455 = arith.addi %mul3A_453, %add3A_454 : i32
      %mul3A_456 = arith.constant 2 : i32
      %mul3A_457 = arith.muli %scan3A_287, %mul3A_456 : i32
      %add3A_458 = arith.constant 1 : i32
      %add3A_459 = arith.addi %mul3A_457, %add3A_458 : i32
      %get3A_460 = arith.index_cast %add3A_459 : i32 to index
      %get3A_461 = arith.constant 16 : index
      %get3A_462 = tpu.vector_load %arg8[%get3A_460, %get3A_461] {strides = array<i32>} : memref<158x128xf32, #tpu.memory_space<vmem>>, vector<16xf32>,
      %slice3A_463 = vector.extract_strided_slice %get3A_292 {offsets = [9], sizes = [1], strides = [1]} : vector<16xf32> to vector<1xf32>
      %squeeze3A_464 = vector.extract %slice3A_463[0] : f32 from vector<1xf32>
      %mul3A_465 = vector.broadcast %squeeze3A_464 : f32 to vector<16xf32>
      %mul3A_466 = arith.mulf %get3A_462, %mul3A_465 : vector<16xf32>
      %swap3A_467 = arith.index_cast %add3A_455 : i32 to index
      %swap3A_468 = arith.constant 0 : index
      %swap3A_469 = tpu.vector_load %arg10[%swap3A_467, %swap3A_468] {strides = array<i32>} : memref<1264x16xf32, #tpu.memory_space<vmem>>, vector<16xf32>,
      tpu.vector_store %arg10[%swap3A_467, %swap3A_468], %mul3A_466 {strides = array<i32>} : memref<1264x16xf32, #tpu.memory_space<vmem>>, vector<16xf32>,
      %mul3A_470 = arith.constant 16 : i32
      %mul3A_471 = arith.muli %scan3A_287, %mul3A_470 : i32
      %add3A_472 = arith.constant 10 : i32
      %add3A_473 = arith.addi %mul3A_471, %add3A_472 : i32
      %mul3A_474 = arith.constant 2 : i32
      %mul3A_475 = arith.muli %scan3A_287, %mul3A_474 : i32
      %add3A_476 = arith.constant 1 : i32
      %add3A_477 = arith.addi %mul3A_475, %add3A_476 : i32
      %get3A_478 = arith.index_cast %add3A_477 : i32 to index
      %get3A_479 = arith.constant 32 : index
      %get3A_480 = tpu.vector_load %arg8[%get3A_478, %get3A_479] {strides = array<i32>} : memref<158x128xf32, #tpu.memory_space<vmem>>, vector<16xf32>,
      %slice3A_481 = vector.extract_strided_slice %get3A_292 {offsets = [10], sizes = [1], strides = [1]} : vector<16xf32> to vector<1xf32>
      %squeeze3A_482 = vector.extract %slice3A_481[0] : f32 from vector<1xf32>
      %mul3A_483 = vector.broadcast %squeeze3A_482 : f32 to vector<16xf32>
      %mul3A_484 = arith.mulf %get3A_480, %mul3A_483 : vector<16xf32>
      %swap3A_485 = arith.index_cast %add3A_473 : i32 to index
      %swap3A_486 = arith.constant 0 : index
      %swap3A_487 = tpu.vector_load %arg10[%swap3A_485, %swap3A_486] {strides = array<i32>} : memref<1264x16xf32, #tpu.memory_space<vmem>>, vector<16xf32>,
      tpu.vector_store %arg10[%swap3A_485, %swap3A_486], %mul3A_484 {strides = array<i32>} : memref<1264x16xf32, #tpu.memory_space<vmem>>, vector<16xf32>,
      %mul3A_488 = arith.constant 16 : i32
      %mul3A_489 = arith.muli %scan3A_287, %mul3A_488 : i32
      %add3A_490 = arith.constant 11 : i32
      %add3A_491 = arith.addi %mul3A_489, %add3A_490 : i32
      %mul3A_492 = arith.constant 2 : i32
      %mul3A_493 = arith.muli %scan3A_287, %mul3A_492 : i32
      %add3A_494 = arith.constant 1 : i32
      %add3A_495 = arith.addi %mul3A_493, %add3A_494 : i32
      %get3A_496 = arith.index_cast %add3A_495 : i32 to index
      %get3A_497 = arith.constant 48 : index
      %get3A_498 = tpu.vector_load %arg8[%get3A_496, %get3A_497] {strides = array<i32>} : memref<158x128xf32, #tpu.memory_space<vmem>>, vector<16xf32>,
      %slice3A_499 = vector.extract_strided_slice %get3A_292 {offsets = [11], sizes = [1], strides = [1]} : vector<16xf32> to vector<1xf32>
      %squeeze3A_500 = vector.extract %slice3A_499[0] : f32 from vector<1xf32>
      %mul3A_501 = vector.broadcast %squeeze3A_500 : f32 to vector<16xf32>
      %mul3A_502 = arith.mulf %get3A_498, %mul3A_501 : vector<16xf32>
      %swap3A_503 = arith.index_cast %add3A_491 : i32 to index
      %swap3A_504 = arith.constant 0 : index
      %swap3A_505 = tpu.vector_load %arg10[%swap3A_503, %swap3A_504] {strides = array<i32>} : memref<1264x16xf32, #tpu.memory_space<vmem>>, vector<16xf32>,
      tpu.vector_store %arg10[%swap3A_503, %swap3A_504], %mul3A_502 {strides = array<i32>} : memref<1264x16xf32, #tpu.memory_space<vmem>>, vector<16xf32>,
      %mul3A_506 = arith.constant 16 : i32
      %mul3A_507 = arith.muli %scan3A_287, %mul3A_506 : i32
      %add3A_508 = arith.constant 12 : i32
      %add3A_509 = arith.addi %mul3A_507, %add3A_508 : i32
      %mul3A_510 = arith.constant 2 : i32
      %mul3A_511 = arith.muli %scan3A_287, %mul3A_510 : i32
      %add3A_512 = arith.constant 1 : i32
      %add3A_513 = arith.addi %mul3A_511, %add3A_512 : i32
      %get3A_514 = arith.index_cast %add3A_513 : i32 to index
      %get3A_515 = arith.constant 64 : index
      %get3A_516 = tpu.vector_load %arg8[%get3A_514, %get3A_515] {strides = array<i32>} : memref<158x128xf32, #tpu.memory_space<vmem>>, vector<16xf32>,
      %slice3A_517 = vector.extract_strided_slice %get3A_292 {offsets = [12], sizes = [1], strides = [1]} : vector<16xf32> to vector<1xf32>
      %squeeze3A_518 = vector.extract %slice3A_517[0] : f32 from vector<1xf32>
      %mul3A_519 = vector.broadcast %squeeze3A_518 : f32 to vector<16xf32>
      %mul3A_520 = arith.mulf %get3A_516, %mul3A_519 : vector<16xf32>
      %swap3A_521 = arith.index_cast %add3A_509 : i32 to index
      %swap3A_522 = arith.constant 0 : index
      %swap3A_523 = tpu.vector_load %arg10[%swap3A_521, %swap3A_522] {strides = array<i32>} : memref<1264x16xf32, #tpu.memory_space<vmem>>, vector<16xf32>,
      tpu.vector_store %arg10[%swap3A_521, %swap3A_522], %mul3A_520 {strides = array<i32>} : memref<1264x16xf32, #tpu.memory_space<vmem>>, vector<16xf32>,
      %mul3A_524 = arith.constant 16 : i32
      %mul3A_525 = arith.muli %scan3A_287, %mul3A_524 : i32
      %add3A_526 = arith.constant 13 : i32
      %add3A_527 = arith.addi %mul3A_525, %add3A_526 : i32
      %mul3A_528 = arith.constant 2 : i32
      %mul3A_529 = arith.muli %scan3A_287, %mul3A_528 : i32
      %add3A_530 = arith.constant 1 : i32
      %add3A_531 = arith.addi %mul3A_529, %add3A_530 : i32
      %get3A_532 = arith.index_cast %add3A_531 : i32 to index
      %get3A_533 = arith.constant 80 : index
      %get3A_534 = tpu.vector_load %arg8[%get3A_532, %get3A_533] {strides = array<i32>} : memref<158x128xf32, #tpu.memory_space<vmem>>, vector<16xf32>,
      %slice3A_535 = vector.extract_strided_slice %get3A_292 {offsets = [13], sizes = [1], strides = [1]} : vector<16xf32> to vector<1xf32>
      %squeeze3A_536 = vector.extract %slice3A_535[0] : f32 from vector<1xf32>
      %mul3A_537 = vector.broadcast %squeeze3A_536 : f32 to vector<16xf32>
      %mul3A_538 = arith.mulf %get3A_534, %mul3A_537 : vector<16xf32>
      %swap3A_539 = arith.index_cast %add3A_527 : i32 to index
      %swap3A_540 = arith.constant 0 : index
      %swap3A_541 = tpu.vector_load %arg10[%swap3A_539, %swap3A_540] {strides = array<i32>} : memref<1264x16xf32, #tpu.memory_space<vmem>>, vector<16xf32>,
      tpu.vector_store %arg10[%swap3A_539, %swap3A_540], %mul3A_538 {strides = array<i32>} : memref<1264x16xf32, #tpu.memory_space<vmem>>, vector<16xf32>,
      %mul3A_542 = arith.constant 16 : i32
      %mul3A_543 = arith.muli %scan3A_287, %mul3A_542 : i32
      %add3A_544 = arith.constant 14 : i32
      %add3A_545 = arith.addi %mul3A_543, %add3A_544 : i32
      %mul3A_546 = arith.constant 2 : i32
      %mul3A_547 = arith.muli %scan3A_287, %mul3A_546 : i32
      %add3A_548 = arith.constant 1 : i32
      %add3A_549 = arith.addi %mul3A_547, %add3A_548 : i32
      %get3A_550 = arith.index_cast %add3A_549 : i32 to index
      %get3A_551 = arith.constant 96 : index
      %get3A_552 = tpu.vector_load %arg8[%get3A_550, %get3A_551] {strides = array<i32>} : memref<158x128xf32, #tpu.memory_space<vmem>>, vector<16xf32>,
      %slice3A_553 = vector.extract_strided_slice %get3A_292 {offsets = [14], sizes = [1], strides = [1]} : vector<16xf32> to vector<1xf32>
      %squeeze3A_554 = vector.extract %slice3A_553[0] : f32 from vector<1xf32>
      %mul3A_555 = vector.broadcast %squeeze3A_554 : f32 to vector<16xf32>
      %mul3A_556 = arith.mulf %get3A_552, %mul3A_555 : vector<16xf32>
      %swap3A_557 = arith.index_cast %add3A_545 : i32 to index
      %swap3A_558 = arith.constant 0 : index
      %swap3A_559 = tpu.vector_load %arg10[%swap3A_557, %swap3A_558] {strides = array<i32>} : memref<1264x16xf32, #tpu.memory_space<vmem>>, vector<16xf32>,
      tpu.vector_store %arg10[%swap3A_557, %swap3A_558], %mul3A_556 {strides = array<i32>} : memref<1264x16xf32, #tpu.memory_space<vmem>>, vector<16xf32>,
      %mul3A_560 = arith.constant 16 : i32
      %mul3A_561 = arith.muli %scan3A_287, %mul3A_560 : i32
      %add3A_562 = arith.constant 15 : i32
      %add3A_563 = arith.addi %mul3A_561, %add3A_562 : i32
      %mul3A_564 = arith.constant 2 : i32
      %mul3A_565 = arith.muli %scan3A_287, %mul3A_564 : i32
      %add3A_566 = arith.constant 1 : i32
      %add3A_567 = arith.addi %mul3A_565, %add3A_566 : i32
      %get3A_568 = arith.index_cast %add3A_567 : i32 to index
      %get3A_569 = arith.constant 112 : index
      %get3A_570 = tpu.vector_load %arg8[%get3A_568, %get3A_569] {strides = array<i32>} : memref<158x128xf32, #tpu.memory_space<vmem>>, vector<16xf32>,
      %slice3A_571 = vector.extract_strided_slice %get3A_292 {offsets = [15], sizes = [1], strides = [1]} : vector<16xf32> to vector<1xf32>
      %squeeze3A_572 = vector.extract %slice3A_571[0] : f32 from vector<1xf32>
      %mul3A_573 = vector.broadcast %squeeze3A_572 : f32 to vector<16xf32>
      %mul3A_574 = arith.mulf %get3A_570, %mul3A_573 : vector<16xf32>
      %swap3A_575 = arith.index_cast %add3A_563 : i32 to index
      %swap3A_576 = arith.constant 0 : index
      %swap3A_577 = tpu.vector_load %arg10[%swap3A_575, %swap3A_576] {strides = array<i32>} : memref<1264x16xf32, #tpu.memory_space<vmem>>, vector<16xf32>,
      tpu.vector_store %arg10[%swap3A_575, %swap3A_576], %mul3A_574 {strides = array<i32>} : memref<1264x16xf32, #tpu.memory_space<vmem>>, vector<16xf32>,
    }
    %scan3A_229 = arith.constant 78 : i32
    %dma_wait3A_230 = arith.constant 0 : i32
    %dma_wait3A_231 = arith.constant 0 : i32
    %dma_wait3A_232 = tpu.memref_slice %arg11[%dma_wait3A_230, %dma_wait3A_231] : memref<1264x16xf32, #tpu.memory_space<vmem>> -> memref<1248x16xf32, #tpu.memory_space<vmem>>
    %dma_wait3A_233 = arith.constant 1248 : i32
    %dma_wait3A_234 = tpu.memref_slice %arg6[%dma_wait3A_233] : memref<4992xi32, #tpu.memory_space<vmem>> -> memref<1248xi32, #tpu.memory_space<vmem>>
    %dma_wait3A_235 = arith.constant 0 : i32
    %dma_wait3A_236 = arith.constant 0 : i32
    %dma_wait3A_237 = tpu.memref_slice %arg15[%dma_wait3A_235, %dma_wait3A_236] : memref<10240x16xf32, #tpu.memory_space<vmem_shared>> -> memref<10240x16xf32, #tpu.memory_space<vmem_shared>>
    tpu.wait_indirect_dma semaphore(%arg17 : memref<!tpu.dma_semaphore, #tpu.memory_space<semaphore_mem>>) src(%dma_wait3A_232 : memref<1248x16xf32, #tpu.memory_space<vmem>>) dst(%dma_wait3A_237 : memref<10240x16xf32, #tpu.memory_space<vmem_shared>>)
    %dma_start3A_238 = arith.constant 0 : i32
    %dma_start3A_239 = arith.constant 0 : i32
    %dma_start3A_240 = tpu.memref_slice %arg10[%dma_start3A_238, %dma_start3A_239] : memref<1264x16xf32, #tpu.memory_space<vmem>> -> memref<1248x16xf32, #tpu.memory_space<vmem>>
    %dma_start3A_241 = arith.constant 2496 : i32
    %dma_start3A_242 = tpu.memref_slice %arg6[%dma_start3A_241] : memref<4992xi32, #tpu.memory_space<vmem>> -> memref<1248xi32, #tpu.memory_space<vmem>>
    %dma_start3A_243 = arith.constant 0 : i32
    %dma_start3A_244 = arith.constant 0 : i32
    %dma_start3A_245 = tpu.memref_slice %arg15[%dma_start3A_243, %dma_start3A_244] : memref<10240x16xf32, #tpu.memory_space<vmem_shared>> -> memref<10240x16xf32, #tpu.memory_space<vmem_shared>>
    tpu.enqueue_indirect_dma source(%dma_start3A_240 : memref<1248x16xf32, #tpu.memory_space<vmem>>) target(%dma_start3A_245 : memref<10240x16xf32, #tpu.memory_space<vmem_shared>>) offsets(%dma_start3A_242 : memref<1248xi32, #tpu.memory_space<vmem>>) semaphore(%arg17 : memref<!tpu.dma_semaphore, #tpu.memory_space<semaphore_mem>>) {add = true}
    %dma_wait3A_246 = arith.constant 0 : i32
    %dma_wait3A_247 = arith.constant 0 : i32
    %dma_wait3A_248 = tpu.memref_slice %arg9[%dma_wait3A_246, %dma_wait3A_247] : memref<158x128xf32, #tpu.memory_space<vmem>> -> memref<156x128xf32, #tpu.memory_space<vmem>>
    %dma_wait3A_249 = arith.constant 0 : i32
    %dma_wait3A_250 = tpu.memref_slice %arg4[%select_n3A_213, %dma_wait3A_249] : memref<19968x128xf32, #tpu.memory_space<hbm>> -> memref<156x128xf32, #tpu.memory_space<hbm>>
    %dma_wait3A_251 = arith.constant 0 : i32
    %dma_wait3A_252 = arith.constant 0 : i32
    %dma_wait3A_253 = tpu.memref_slice %arg9[%dma_wait3A_251, %dma_wait3A_252] : memref<158x128xf32, #tpu.memory_space<vmem>> -> memref<156x128xf32, #tpu.memory_space<vmem>>
    %dma_wait3A_254 = arith.constant 0 : i32
    %dma_wait3A_255 = tpu.memref_slice %arg4[%select_n3A_213, %dma_wait3A_254] : memref<19968x128xf32, #tpu.memory_space<hbm>> -> memref<156x128xf32, #tpu.memory_space<hbm>>
    tpu.wait_dma2 semaphore(%arg16 : memref<!tpu.dma_semaphore, #tpu.memory_space<semaphore_mem>>) src(%dma_wait3A_255 : memref<156x128xf32, #tpu.memory_space<hbm>>) dst(%dma_wait3A_253 : memref<156x128xf32, #tpu.memory_space<vmem>>)
    %scan3A_256 = arith.constant 0 : i32
    %scan3A_257 = arith.constant 0 : i32
    %scan3A_258 = arith.constant 78 : i32
    %scan3A_259 = arith.addi %scan3A_257, %scan3A_258 : i32
    %scan3A_260 = arith.constant 1 : i32
    scf.for %scan3A_287 = %scan3A_257 to %scan3A_259 step %scan3A_260  : i32 {
      %mul3A_288 = arith.constant 16 : i32
      %mul3A_289 = arith.muli %scan3A_287, %mul3A_288 : i32
      %add3A_290 = arith.constant 3744 : i32
      %add3A_291 = arith.addi %add3A_290, %mul3A_289 : i32
      %get3A = arith.index_cast %add3A_291 : i32 to index
      %get3A_292 = tpu.vector_load %arg7[%get3A] {strides = array<i32>} : memref<4992xf32, #tpu.memory_space<vmem>>, vector<16xf32>,
      %mul3A_293 = arith.constant 16 : i32
      %mul3A_294 = arith.muli %scan3A_287, %mul3A_293 : i32
      %add3A_295 = arith.constant 0 : i32
      %add3A_296 = arith.addi %mul3A_294, %add3A_295 : i32
      %mul3A_297 = arith.constant 2 : i32
      %mul3A_298 = arith.muli %scan3A_287, %mul3A_297 : i32
      %add3A_299 = arith.constant 0 : i32
      %add3A_300 = arith.addi %mul3A_298, %add3A_299 : i32
      %get3A_301 = arith.index_cast %add3A_300 : i32 to index
      %get3A_302 = arith.constant 0 : index
      %get3A_303 = tpu.vector_load %arg9[%get3A_301, %get3A_302] {strides = array<i32>} : memref<158x128xf32, #tpu.memory_space<vmem>>, vector<16xf32>,
      %slice3A = vector.extract_strided_slice %get3A_292 {offsets = [0], sizes = [1], strides = [1]} : vector<16xf32> to vector<1xf32>
      %squeeze3A = vector.extract %slice3A[0] : f32 from vector<1xf32>
      %mul3A_304 = vector.broadcast %squeeze3A : f32 to vector<16xf32>
      %mul3A_305 = arith.mulf %get3A_303, %mul3A_304 : vector<16xf32>
      %swap3A = arith.index_cast %add3A_296 : i32 to index
      %swap3A_306 = arith.constant 0 : index
      %swap3A_307 = tpu.vector_load %arg11[%swap3A, %swap3A_306] {strides = array<i32>} : memref<1264x16xf32, #tpu.memory_space<vmem>>, vector<16xf32>,
      tpu.vector_store %arg11[%swap3A, %swap3A_306], %mul3A_305 {strides = array<i32>} : memref<1264x16xf32, #tpu.memory_space<vmem>>, vector<16xf32>,
      %mul3A_308 = arith.constant 16 : i32
      %mul3A_309 = arith.muli %scan3A_287, %mul3A_308 : i32
      %add3A_310 = arith.constant 1 : i32
      %add3A_311 = arith.addi %mul3A_309, %add3A_310 : i32
      %mul3A_312 = arith.constant 2 : i32
      %mul3A_313 = arith.muli %scan3A_287, %mul3A_312 : i32
      %add3A_314 = arith.constant 0 : i32
      %add3A_315 = arith.addi %mul3A_313, %add3A_314 : i32
      %get3A_316 = arith.index_cast %add3A_315 : i32 to index
      %get3A_317 = arith.constant 16 : index
      %get3A_318 = tpu.vector_load %arg9[%get3A_316, %get3A_317] {strides = array<i32>} : memref<158x128xf32, #tpu.memory_space<vmem>>, vector<16xf32>,
      %slice3A_319 = vector.extract_strided_slice %get3A_292 {offsets = [1], sizes = [1], strides = [1]} : vector<16xf32> to vector<1xf32>
      %squeeze3A_320 = vector.extract %slice3A_319[0] : f32 from vector<1xf32>
      %mul3A_321 = vector.broadcast %squeeze3A_320 : f32 to vector<16xf32>
      %mul3A_322 = arith.mulf %get3A_318, %mul3A_321 : vector<16xf32>
      %swap3A_323 = arith.index_cast %add3A_311 : i32 to index
      %swap3A_324 = arith.constant 0 : index
      %swap3A_325 = tpu.vector_load %arg11[%swap3A_323, %swap3A_324] {strides = array<i32>} : memref<1264x16xf32, #tpu.memory_space<vmem>>, vector<16xf32>,
      tpu.vector_store %arg11[%swap3A_323, %swap3A_324], %mul3A_322 {strides = array<i32>} : memref<1264x16xf32, #tpu.memory_space<vmem>>, vector<16xf32>,
      %mul3A_326 = arith.constant 16 : i32
      %mul3A_327 = arith.muli %scan3A_287, %mul3A_326 : i32
      %add3A_328 = arith.constant 2 : i32
      %add3A_329 = arith.addi %mul3A_327, %add3A_328 : i32
      %mul3A_330 = arith.constant 2 : i32
      %mul3A_331 = arith.muli %scan3A_287, %mul3A_330 : i32
      %add3A_332 = arith.constant 0 : i32
      %add3A_333 = arith.addi %mul3A_331, %add3A_332 : i32
      %get3A_334 = arith.index_cast %add3A_333 : i32 to index
      %get3A_335 = arith.constant 32 : index
      %get3A_336 = tpu.vector_load %arg9[%get3A_334, %get3A_335] {strides = array<i32>} : memref<158x128xf32, #tpu.memory_space<vmem>>, vector<16xf32>,
      %slice3A_337 = vector.extract_strided_slice %get3A_292 {offsets = [2], sizes = [1], strides = [1]} : vector<16xf32> to vector<1xf32>
      %squeeze3A_338 = vector.extract %slice3A_337[0] : f32 from vector<1xf32>
      %mul3A_339 = vector.broadcast %squeeze3A_338 : f32 to vector<16xf32>
      %mul3A_340 = arith.mulf %get3A_336, %mul3A_339 : vector<16xf32>
      %swap3A_341 = arith.index_cast %add3A_329 : i32 to index
      %swap3A_342 = arith.constant 0 : index
      %swap3A_343 = tpu.vector_load %arg11[%swap3A_341, %swap3A_342] {strides = array<i32>} : memref<1264x16xf32, #tpu.memory_space<vmem>>, vector<16xf32>,
      tpu.vector_store %arg11[%swap3A_341, %swap3A_342], %mul3A_340 {strides = array<i32>} : memref<1264x16xf32, #tpu.memory_space<vmem>>, vector<16xf32>,
      %mul3A_344 = arith.constant 16 : i32
      %mul3A_345 = arith.muli %scan3A_287, %mul3A_344 : i32
      %add3A_346 = arith.constant 3 : i32
      %add3A_347 = arith.addi %mul3A_345, %add3A_346 : i32
      %mul3A_348 = arith.constant 2 : i32
      %mul3A_349 = arith.muli %scan3A_287, %mul3A_348 : i32
      %add3A_350 = arith.constant 0 : i32
      %add3A_351 = arith.addi %mul3A_349, %add3A_350 : i32
      %get3A_352 = arith.index_cast %add3A_351 : i32 to index
      %get3A_353 = arith.constant 48 : index
      %get3A_354 = tpu.vector_load %arg9[%get3A_352, %get3A_353] {strides = array<i32>} : memref<158x128xf32, #tpu.memory_space<vmem>>, vector<16xf32>,
      %slice3A_355 = vector.extract_strided_slice %get3A_292 {offsets = [3], sizes = [1], strides = [1]} : vector<16xf32> to vector<1xf32>
      %squeeze3A_356 = vector.extract %slice3A_355[0] : f32 from vector<1xf32>
      %mul3A_357 = vector.broadcast %squeeze3A_356 : f32 to vector<16xf32>
      %mul3A_358 = arith.mulf %get3A_354, %mul3A_357 : vector<16xf32>
      %swap3A_359 = arith.index_cast %add3A_347 : i32 to index
      %swap3A_360 = arith.constant 0 : index
      %swap3A_361 = tpu.vector_load %arg11[%swap3A_359, %swap3A_360] {strides = array<i32>} : memref<1264x16xf32, #tpu.memory_space<vmem>>, vector<16xf32>,
      tpu.vector_store %arg11[%swap3A_359, %swap3A_360], %mul3A_358 {strides = array<i32>} : memref<1264x16xf32, #tpu.memory_space<vmem>>, vector<16xf32>,
      %mul3A_362 = arith.constant 16 : i32
      %mul3A_363 = arith.muli %scan3A_287, %mul3A_362 : i32
      %add3A_364 = arith.constant 4 : i32
      %add3A_365 = arith.addi %mul3A_363, %add3A_364 : i32
      %mul3A_366 = arith.constant 2 : i32
      %mul3A_367 = arith.muli %scan3A_287, %mul3A_366 : i32
      %add3A_368 = arith.constant 0 : i32
      %add3A_369 = arith.addi %mul3A_367, %add3A_368 : i32
      %get3A_370 = arith.index_cast %add3A_369 : i32 to index
      %get3A_371 = arith.constant 64 : index
      %get3A_372 = tpu.vector_load %arg9[%get3A_370, %get3A_371] {strides = array<i32>} : memref<158x128xf32, #tpu.memory_space<vmem>>, vector<16xf32>,
      %slice3A_373 = vector.extract_strided_slice %get3A_292 {offsets = [4], sizes = [1], strides = [1]} : vector<16xf32> to vector<1xf32>
      %squeeze3A_374 = vector.extract %slice3A_373[0] : f32 from vector<1xf32>
      %mul3A_375 = vector.broadcast %squeeze3A_374 : f32 to vector<16xf32>
      %mul3A_376 = arith.mulf %get3A_372, %mul3A_375 : vector<16xf32>
      %swap3A_377 = arith.index_cast %add3A_365 : i32 to index
      %swap3A_378 = arith.constant 0 : index
      %swap3A_379 = tpu.vector_load %arg11[%swap3A_377, %swap3A_378] {strides = array<i32>} : memref<1264x16xf32, #tpu.memory_space<vmem>>, vector<16xf32>,
      tpu.vector_store %arg11[%swap3A_377, %swap3A_378], %mul3A_376 {strides = array<i32>} : memref<1264x16xf32, #tpu.memory_space<vmem>>, vector<16xf32>,
      %mul3A_380 = arith.constant 16 : i32
      %mul3A_381 = arith.muli %scan3A_287, %mul3A_380 : i32
      %add3A_382 = arith.constant 5 : i32
      %add3A_383 = arith.addi %mul3A_381, %add3A_382 : i32
      %mul3A_384 = arith.constant 2 : i32
      %mul3A_385 = arith.muli %scan3A_287, %mul3A_384 : i32
      %add3A_386 = arith.constant 0 : i32
      %add3A_387 = arith.addi %mul3A_385, %add3A_386 : i32
      %get3A_388 = arith.index_cast %add3A_387 : i32 to index
      %get3A_389 = arith.constant 80 : index
      %get3A_390 = tpu.vector_load %arg9[%get3A_388, %get3A_389] {strides = array<i32>} : memref<158x128xf32, #tpu.memory_space<vmem>>, vector<16xf32>,
      %slice3A_391 = vector.extract_strided_slice %get3A_292 {offsets = [5], sizes = [1], strides = [1]} : vector<16xf32> to vector<1xf32>
      %squeeze3A_392 = vector.extract %slice3A_391[0] : f32 from vector<1xf32>
      %mul3A_393 = vector.broadcast %squeeze3A_392 : f32 to vector<16xf32>
      %mul3A_394 = arith.mulf %get3A_390, %mul3A_393 : vector<16xf32>
      %swap3A_395 = arith.index_cast %add3A_383 : i32 to index
      %swap3A_396 = arith.constant 0 : index
      %swap3A_397 = tpu.vector_load %arg11[%swap3A_395, %swap3A_396] {strides = array<i32>} : memref<1264x16xf32, #tpu.memory_space<vmem>>, vector<16xf32>,
      tpu.vector_store %arg11[%swap3A_395, %swap3A_396], %mul3A_394 {strides = array<i32>} : memref<1264x16xf32, #tpu.memory_space<vmem>>, vector<16xf32>,
      %mul3A_398 = arith.constant 16 : i32
      %mul3A_399 = arith.muli %scan3A_287, %mul3A_398 : i32
      %add3A_400 = arith.constant 6 : i32
      %add3A_401 = arith.addi %mul3A_399, %add3A_400 : i32
      %mul3A_402 = arith.constant 2 : i32
      %mul3A_403 = arith.muli %scan3A_287, %mul3A_402 : i32
      %add3A_404 = arith.constant 0 : i32
      %add3A_405 = arith.addi %mul3A_403, %add3A_404 : i32
      %get3A_406 = arith.index_cast %add3A_405 : i32 to index
      %get3A_407 = arith.constant 96 : index
      %get3A_408 = tpu.vector_load %arg9[%get3A_406, %get3A_407] {strides = array<i32>} : memref<158x128xf32, #tpu.memory_space<vmem>>, vector<16xf32>,
      %slice3A_409 = vector.extract_strided_slice %get3A_292 {offsets = [6], sizes = [1], strides = [1]} : vector<16xf32> to vector<1xf32>
      %squeeze3A_410 = vector.extract %slice3A_409[0] : f32 from vector<1xf32>
      %mul3A_411 = vector.broadcast %squeeze3A_410 : f32 to vector<16xf32>
      %mul3A_412 = arith.mulf %get3A_408, %mul3A_411 : vector<16xf32>
      %swap3A_413 = arith.index_cast %add3A_401 : i32 to index
      %swap3A_414 = arith.constant 0 : index
      %swap3A_415 = tpu.vector_load %arg11[%swap3A_413, %swap3A_414] {strides = array<i32>} : memref<1264x16xf32, #tpu.memory_space<vmem>>, vector<16xf32>,
      tpu.vector_store %arg11[%swap3A_413, %swap3A_414], %mul3A_412 {strides = array<i32>} : memref<1264x16xf32, #tpu.memory_space<vmem>>, vector<16xf32>,
      %mul3A_416 = arith.constant 16 : i32
      %mul3A_417 = arith.muli %scan3A_287, %mul3A_416 : i32
      %add3A_418 = arith.constant 7 : i32
      %add3A_419 = arith.addi %mul3A_417, %add3A_418 : i32
      %mul3A_420 = arith.constant 2 : i32
      %mul3A_421 = arith.muli %scan3A_287, %mul3A_420 : i32
      %add3A_422 = arith.constant 0 : i32
      %add3A_423 = arith.addi %mul3A_421, %add3A_422 : i32
      %get3A_424 = arith.index_cast %add3A_423 : i32 to index
      %get3A_425 = arith.constant 112 : index
      %get3A_426 = tpu.vector_load %arg9[%get3A_424, %get3A_425] {strides = array<i32>} : memref<158x128xf32, #tpu.memory_space<vmem>>, vector<16xf32>,
      %slice3A_427 = vector.extract_strided_slice %get3A_292 {offsets = [7], sizes = [1], strides = [1]} : vector<16xf32> to vector<1xf32>
      %squeeze3A_428 = vector.extract %slice3A_427[0] : f32 from vector<1xf32>
      %mul3A_429 = vector.broadcast %squeeze3A_428 : f32 to vector<16xf32>
      %mul3A_430 = arith.mulf %get3A_426, %mul3A_429 : vector<16xf32>
      %swap3A_431 = arith.index_cast %add3A_419 : i32 to index
      %swap3A_432 = arith.constant 0 : index
      %swap3A_433 = tpu.vector_load %arg11[%swap3A_431, %swap3A_432] {strides = array<i32>} : memref<1264x16xf32, #tpu.memory_space<vmem>>, vector<16xf32>,
      tpu.vector_store %arg11[%swap3A_431, %swap3A_432], %mul3A_430 {strides = array<i32>} : memref<1264x16xf32, #tpu.memory_space<vmem>>, vector<16xf32>,
      %mul3A_434 = arith.constant 16 : i32
      %mul3A_435 = arith.muli %scan3A_287, %mul3A_434 : i32
      %add3A_436 = arith.constant 8 : i32
      %add3A_437 = arith.addi %mul3A_435, %add3A_436 : i32
      %mul3A_438 = arith.constant 2 : i32
      %mul3A_439 = arith.muli %scan3A_287, %mul3A_438 : i32
      %add3A_440 = arith.constant 1 : i32
      %add3A_441 = arith.addi %mul3A_439, %add3A_440 : i32
      %get3A_442 = arith.index_cast %add3A_441 : i32 to index
      %get3A_443 = arith.constant 0 : index
      %get3A_444 = tpu.vector_load %arg9[%get3A_442, %get3A_443] {strides = array<i32>} : memref<158x128xf32, #tpu.memory_space<vmem>>, vector<16xf32>,
      %slice3A_445 = vector.extract_strided_slice %get3A_292 {offsets = [8], sizes = [1], strides = [1]} : vector<16xf32> to vector<1xf32>
      %squeeze3A_446 = vector.extract %slice3A_445[0] : f32 from vector<1xf32>
      %mul3A_447 = vector.broadcast %squeeze3A_446 : f32 to vector<16xf32>
      %mul3A_448 = arith.mulf %get3A_444, %mul3A_447 : vector<16xf32>
      %swap3A_449 = arith.index_cast %add3A_437 : i32 to index
      %swap3A_450 = arith.constant 0 : index
      %swap3A_451 = tpu.vector_load %arg11[%swap3A_449, %swap3A_450] {strides = array<i32>} : memref<1264x16xf32, #tpu.memory_space<vmem>>, vector<16xf32>,
      tpu.vector_store %arg11[%swap3A_449, %swap3A_450], %mul3A_448 {strides = array<i32>} : memref<1264x16xf32, #tpu.memory_space<vmem>>, vector<16xf32>,
      %mul3A_452 = arith.constant 16 : i32
      %mul3A_453 = arith.muli %scan3A_287, %mul3A_452 : i32
      %add3A_454 = arith.constant 9 : i32
      %add3A_455 = arith.addi %mul3A_453, %add3A_454 : i32
      %mul3A_456 = arith.constant 2 : i32
      %mul3A_457 = arith.muli %scan3A_287, %mul3A_456 : i32
      %add3A_458 = arith.constant 1 : i32
      %add3A_459 = arith.addi %mul3A_457, %add3A_458 : i32
      %get3A_460 = arith.index_cast %add3A_459 : i32 to index
      %get3A_461 = arith.constant 16 : index
      %get3A_462 = tpu.vector_load %arg9[%get3A_460, %get3A_461] {strides = array<i32>} : memref<158x128xf32, #tpu.memory_space<vmem>>, vector<16xf32>,
      %slice3A_463 = vector.extract_strided_slice %get3A_292 {offsets = [9], sizes = [1], strides = [1]} : vector<16xf32> to vector<1xf32>
      %squeeze3A_464 = vector.extract %slice3A_463[0] : f32 from vector<1xf32>
      %mul3A_465 = vector.broadcast %squeeze3A_464 : f32 to vector<16xf32>
      %mul3A_466 = arith.mulf %get3A_462, %mul3A_465 : vector<16xf32>
      %swap3A_467 = arith.index_cast %add3A_455 : i32 to index
      %swap3A_468 = arith.constant 0 : index
      %swap3A_469 = tpu.vector_load %arg11[%swap3A_467, %swap3A_468] {strides = array<i32>} : memref<1264x16xf32, #tpu.memory_space<vmem>>, vector<16xf32>,
      tpu.vector_store %arg11[%swap3A_467, %swap3A_468], %mul3A_466 {strides = array<i32>} : memref<1264x16xf32, #tpu.memory_space<vmem>>, vector<16xf32>,
      %mul3A_470 = arith.constant 16 : i32
      %mul3A_471 = arith.muli %scan3A_287, %mul3A_470 : i32
      %add3A_472 = arith.constant 10 : i32
      %add3A_473 = arith.addi %mul3A_471, %add3A_472 : i32
      %mul3A_474 = arith.constant 2 : i32
      %mul3A_475 = arith.muli %scan3A_287, %mul3A_474 : i32
      %add3A_476 = arith.constant 1 : i32
      %add3A_477 = arith.addi %mul3A_475, %add3A_476 : i32
      %get3A_478 = arith.index_cast %add3A_477 : i32 to index
      %get3A_479 = arith.constant 32 : index
      %get3A_480 = tpu.vector_load %arg9[%get3A_478, %get3A_479] {strides = array<i32>} : memref<158x128xf32, #tpu.memory_space<vmem>>, vector<16xf32>,
      %slice3A_481 = vector.extract_strided_slice %get3A_292 {offsets = [10], sizes = [1], strides = [1]} : vector<16xf32> to vector<1xf32>
      %squeeze3A_482 = vector.extract %slice3A_481[0] : f32 from vector<1xf32>
      %mul3A_483 = vector.broadcast %squeeze3A_482 : f32 to vector<16xf32>
      %mul3A_484 = arith.mulf %get3A_480, %mul3A_483 : vector<16xf32>
      %swap3A_485 = arith.index_cast %add3A_473 : i32 to index
      %swap3A_486 = arith.constant 0 : index
      %swap3A_487 = tpu.vector_load %arg11[%swap3A_485, %swap3A_486] {strides = array<i32>} : memref<1264x16xf32, #tpu.memory_space<vmem>>, vector<16xf32>,
      tpu.vector_store %arg11[%swap3A_485, %swap3A_486], %mul3A_484 {strides = array<i32>} : memref<1264x16xf32, #tpu.memory_space<vmem>>, vector<16xf32>,
      %mul3A_488 = arith.constant 16 : i32
      %mul3A_489 = arith.muli %scan3A_287, %mul3A_488 : i32
      %add3A_490 = arith.constant 11 : i32
      %add3A_491 = arith.addi %mul3A_489, %add3A_490 : i32
      %mul3A_492 = arith.constant 2 : i32
      %mul3A_493 = arith.muli %scan3A_287, %mul3A_492 : i32
      %add3A_494 = arith.constant 1 : i32
      %add3A_495 = arith.addi %mul3A_493, %add3A_494 : i32
      %get3A_496 = arith.index_cast %add3A_495 : i32 to index
      %get3A_497 = arith.constant 48 : index
      %get3A_498 = tpu.vector_load %arg9[%get3A_496, %get3A_497] {strides = array<i32>} : memref<158x128xf32, #tpu.memory_space<vmem>>, vector<16xf32>,
      %slice3A_499 = vector.extract_strided_slice %get3A_292 {offsets = [11], sizes = [1], strides = [1]} : vector<16xf32> to vector<1xf32>
      %squeeze3A_500 = vector.extract %slice3A_499[0] : f32 from vector<1xf32>
      %mul3A_501 = vector.broadcast %squeeze3A_500 : f32 to vector<16xf32>
      %mul3A_502 = arith.mulf %get3A_498, %mul3A_501 : vector<16xf32>
      %swap3A_503 = arith.index_cast %add3A_491 : i32 to index
      %swap3A_504 = arith.constant 0 : index
      %swap3A_505 = tpu.vector_load %arg11[%swap3A_503, %swap3A_504] {strides = array<i32>} : memref<1264x16xf32, #tpu.memory_space<vmem>>, vector<16xf32>,
      tpu.vector_store %arg11[%swap3A_503, %swap3A_504], %mul3A_502 {strides = array<i32>} : memref<1264x16xf32, #tpu.memory_space<vmem>>, vector<16xf32>,
      %mul3A_506 = arith.constant 16 : i32
      %mul3A_507 = arith.muli %scan3A_287, %mul3A_506 : i32
      %add3A_508 = arith.constant 12 : i32
      %add3A_509 = arith.addi %mul3A_507, %add3A_508 : i32
      %mul3A_510 = arith.constant 2 : i32
      %mul3A_511 = arith.muli %scan3A_287, %mul3A_510 : i32
      %add3A_512 = arith.constant 1 : i32
      %add3A_513 = arith.addi %mul3A_511, %add3A_512 : i32
      %get3A_514 = arith.index_cast %add3A_513 : i32 to index
      %get3A_515 = arith.constant 64 : index
      %get3A_516 = tpu.vector_load %arg9[%get3A_514, %get3A_515] {strides = array<i32>} : memref<158x128xf32, #tpu.memory_space<vmem>>, vector<16xf32>,
      %slice3A_517 = vector.extract_strided_slice %get3A_292 {offsets = [12], sizes = [1], strides = [1]} : vector<16xf32> to vector<1xf32>
      %squeeze3A_518 = vector.extract %slice3A_517[0] : f32 from vector<1xf32>
      %mul3A_519 = vector.broadcast %squeeze3A_518 : f32 to vector<16xf32>
      %mul3A_520 = arith.mulf %get3A_516, %mul3A_519 : vector<16xf32>
      %swap3A_521 = arith.index_cast %add3A_509 : i32 to index
      %swap3A_522 = arith.constant 0 : index
      %swap3A_523 = tpu.vector_load %arg11[%swap3A_521, %swap3A_522] {strides = array<i32>} : memref<1264x16xf32, #tpu.memory_space<vmem>>, vector<16xf32>,
      tpu.vector_store %arg11[%swap3A_521, %swap3A_522], %mul3A_520 {strides = array<i32>} : memref<1264x16xf32, #tpu.memory_space<vmem>>, vector<16xf32>,
      %mul3A_524 = arith.constant 16 : i32
      %mul3A_525 = arith.muli %scan3A_287, %mul3A_524 : i32
      %add3A_526 = arith.constant 13 : i32
      %add3A_527 = arith.addi %mul3A_525, %add3A_526 : i32
      %mul3A_528 = arith.constant 2 : i32
      %mul3A_529 = arith.muli %scan3A_287, %mul3A_528 : i32
      %add3A_530 = arith.constant 1 : i32
      %add3A_531 = arith.addi %mul3A_529, %add3A_530 : i32
      %get3A_532 = arith.index_cast %add3A_531 : i32 to index
      %get3A_533 = arith.constant 80 : index
      %get3A_534 = tpu.vector_load %arg9[%get3A_532, %get3A_533] {strides = array<i32>} : memref<158x128xf32, #tpu.memory_space<vmem>>, vector<16xf32>,
      %slice3A_535 = vector.extract_strided_slice %get3A_292 {offsets = [13], sizes = [1], strides = [1]} : vector<16xf32> to vector<1xf32>
      %squeeze3A_536 = vector.extract %slice3A_535[0] : f32 from vector<1xf32>
      %mul3A_537 = vector.broadcast %squeeze3A_536 : f32 to vector<16xf32>
      %mul3A_538 = arith.mulf %get3A_534, %mul3A_537 : vector<16xf32>
      %swap3A_539 = arith.index_cast %add3A_527 : i32 to index
      %swap3A_540 = arith.constant 0 : index
      %swap3A_541 = tpu.vector_load %arg11[%swap3A_539, %swap3A_540] {strides = array<i32>} : memref<1264x16xf32, #tpu.memory_space<vmem>>, vector<16xf32>,
      tpu.vector_store %arg11[%swap3A_539, %swap3A_540], %mul3A_538 {strides = array<i32>} : memref<1264x16xf32, #tpu.memory_space<vmem>>, vector<16xf32>,
      %mul3A_542 = arith.constant 16 : i32
      %mul3A_543 = arith.muli %scan3A_287, %mul3A_542 : i32
      %add3A_544 = arith.constant 14 : i32
      %add3A_545 = arith.addi %mul3A_543, %add3A_544 : i32
      %mul3A_546 = arith.constant 2 : i32
      %mul3A_547 = arith.muli %scan3A_287, %mul3A_546 : i32
      %add3A_548 = arith.constant 1 : i32
      %add3A_549 = arith.addi %mul3A_547, %add3A_548 : i32
      %get3A_550 = arith.index_cast %add3A_549 : i32 to index
      %get3A_551 = arith.constant 96 : index
      %get3A_552 = tpu.vector_load %arg9[%get3A_550, %get3A_551] {strides = array<i32>} : memref<158x128xf32, #tpu.memory_space<vmem>>, vector<16xf32>,
      %slice3A_553 = vector.extract_strided_slice %get3A_292 {offsets = [14], sizes = [1], strides = [1]} : vector<16xf32> to vector<1xf32>
      %squeeze3A_554 = vector.extract %slice3A_553[0] : f32 from vector<1xf32>
      %mul3A_555 = vector.broadcast %squeeze3A_554 : f32 to vector<16xf32>
      %mul3A_556 = arith.mulf %get3A_552, %mul3A_555 : vector<16xf32>
      %swap3A_557 = arith.index_cast %add3A_545 : i32 to index
      %swap3A_558 = arith.constant 0 : index
      %swap3A_559 = tpu.vector_load %arg11[%swap3A_557, %swap3A_558] {strides = array<i32>} : memref<1264x16xf32, #tpu.memory_space<vmem>>, vector<16xf32>,
      tpu.vector_store %arg11[%swap3A_557, %swap3A_558], %mul3A_556 {strides = array<i32>} : memref<1264x16xf32, #tpu.memory_space<vmem>>, vector<16xf32>,
      %mul3A_560 = arith.constant 16 : i32
      %mul3A_561 = arith.muli %scan3A_287, %mul3A_560 : i32
      %add3A_562 = arith.constant 15 : i32
      %add3A_563 = arith.addi %mul3A_561, %add3A_562 : i32
      %mul3A_564 = arith.constant 2 : i32
      %mul3A_565 = arith.muli %scan3A_287, %mul3A_564 : i32
      %add3A_566 = arith.constant 1 : i32
      %add3A_567 = arith.addi %mul3A_565, %add3A_566 : i32
      %get3A_568 = arith.index_cast %add3A_567 : i32 to index
      %get3A_569 = arith.constant 112 : index
      %get3A_570 = tpu.vector_load %arg9[%get3A_568, %get3A_569] {strides = array<i32>} : memref<158x128xf32, #tpu.memory_space<vmem>>, vector<16xf32>,
      %slice3A_571 = vector.extract_strided_slice %get3A_292 {offsets = [15], sizes = [1], strides = [1]} : vector<16xf32> to vector<1xf32>
      %squeeze3A_572 = vector.extract %slice3A_571[0] : f32 from vector<1xf32>
      %mul3A_573 = vector.broadcast %squeeze3A_572 : f32 to vector<16xf32>
      %mul3A_574 = arith.mulf %get3A_570, %mul3A_573 : vector<16xf32>
      %swap3A_575 = arith.index_cast %add3A_563 : i32 to index
      %swap3A_576 = arith.constant 0 : index
      %swap3A_577 = tpu.vector_load %arg11[%swap3A_575, %swap3A_576] {strides = array<i32>} : memref<1264x16xf32, #tpu.memory_space<vmem>>, vector<16xf32>,
      tpu.vector_store %arg11[%swap3A_575, %swap3A_576], %mul3A_574 {strides = array<i32>} : memref<1264x16xf32, #tpu.memory_space<vmem>>, vector<16xf32>,
    }
    %scan3A_261 = arith.constant 78 : i32
    %dma_wait3A_262 = arith.constant 0 : i32
    %dma_wait3A_263 = arith.constant 0 : i32
    %dma_wait3A_264 = tpu.memref_slice %arg10[%dma_wait3A_262, %dma_wait3A_263] : memref<1264x16xf32, #tpu.memory_space<vmem>> -> memref<1248x16xf32, #tpu.memory_space<vmem>>
    %dma_wait3A_265 = arith.constant 2496 : i32
    %dma_wait3A_266 = tpu.memref_slice %arg6[%dma_wait3A_265] : memref<4992xi32, #tpu.memory_space<vmem>> -> memref<1248xi32, #tpu.memory_space<vmem>>
    %dma_wait3A_267 = arith.constant 0 : i32
    %dma_wait3A_268 = arith.constant 0 : i32
    %dma_wait3A_269 = tpu.memref_slice %arg15[%dma_wait3A_267, %dma_wait3A_268] : memref<10240x16xf32, #tpu.memory_space<vmem_shared>> -> memref<10240x16xf32, #tpu.memory_space<vmem_shared>>
    tpu.wait_indirect_dma semaphore(%arg17 : memref<!tpu.dma_semaphore, #tpu.memory_space<semaphore_mem>>) src(%dma_wait3A_264 : memref<1248x16xf32, #tpu.memory_space<vmem>>) dst(%dma_wait3A_269 : memref<10240x16xf32, #tpu.memory_space<vmem_shared>>)
    %dma_start3A_270 = arith.constant 0 : i32
    %dma_start3A_271 = arith.constant 0 : i32
    %dma_start3A_272 = tpu.memref_slice %arg11[%dma_start3A_270, %dma_start3A_271] : memref<1264x16xf32, #tpu.memory_space<vmem>> -> memref<1248x16xf32, #tpu.memory_space<vmem>>
    %dma_start3A_273 = arith.constant 3744 : i32
    %dma_start3A_274 = tpu.memref_slice %arg6[%dma_start3A_273] : memref<4992xi32, #tpu.memory_space<vmem>> -> memref<1248xi32, #tpu.memory_space<vmem>>
    %dma_start3A_275 = arith.constant 0 : i32
    %dma_start3A_276 = arith.constant 0 : i32
    %dma_start3A_277 = tpu.memref_slice %arg15[%dma_start3A_275, %dma_start3A_276] : memref<10240x16xf32, #tpu.memory_space<vmem_shared>> -> memref<10240x16xf32, #tpu.memory_space<vmem_shared>>
    tpu.enqueue_indirect_dma source(%dma_start3A_272 : memref<1248x16xf32, #tpu.memory_space<vmem>>) target(%dma_start3A_277 : memref<10240x16xf32, #tpu.memory_space<vmem_shared>>) offsets(%dma_start3A_274 : memref<1248xi32, #tpu.memory_space<vmem>>) semaphore(%arg17 : memref<!tpu.dma_semaphore, #tpu.memory_space<semaphore_mem>>) {add = true}
    %dma_wait3A_278 = arith.constant 0 : i32
    %dma_wait3A_279 = arith.constant 0 : i32
    %dma_wait3A_280 = tpu.memref_slice %arg11[%dma_wait3A_278, %dma_wait3A_279] : memref<1264x16xf32, #tpu.memory_space<vmem>> -> memref<1248x16xf32, #tpu.memory_space<vmem>>
    %dma_wait3A_281 = arith.constant 3744 : i32
    %dma_wait3A_282 = tpu.memref_slice %arg6[%dma_wait3A_281] : memref<4992xi32, #tpu.memory_space<vmem>> -> memref<1248xi32, #tpu.memory_space<vmem>>
    %dma_wait3A_283 = arith.constant 0 : i32
    %dma_wait3A_284 = arith.constant 0 : i32
    %dma_wait3A_285 = tpu.memref_slice %arg15[%dma_wait3A_283, %dma_wait3A_284] : memref<10240x16xf32, #tpu.memory_space<vmem_shared>> -> memref<10240x16xf32, #tpu.memory_space<vmem_shared>>
    tpu.wait_indirect_dma semaphore(%arg17 : memref<!tpu.dma_semaphore, #tpu.memory_space<semaphore_mem>>) src(%dma_wait3A_280 : memref<1248x16xf32, #tpu.memory_space<vmem>>) dst(%dma_wait3A_285 : memref<10240x16xf32, #tpu.memory_space<vmem_shared>>)
    %barrier3A_286 = arith.constant 0 : index
    tpu.barrier barrier_id(%barrier3A_286)
    "tpu.region"() ({
      %run_scoped3A = tpu.sem_alloc : memref<!tpu.dma_semaphore, #tpu.memory_space<semaphore_mem>>
      %dma_start3A_287 = arith.constant 0 : i32
      %dma_start3A_288 = tpu.memref_slice %arg5[%arg0, %mul3A_0, %dma_start3A_287] : memref<2x10240x16xf32, #tpu.memory_space<hbm>> -> memref<1x640x16xf32, #tpu.memory_space<hbm>>
      %dma_start3A_289 = tpu.memref_squeeze %dma_start3A_288 : memref<1x640x16xf32, #tpu.memory_space<hbm>> -> memref<640x16xf32, #tpu.memory_space<hbm>>
      %dma_start3A_290 = arith.constant 0 : i32
      %dma_start3A_291 = tpu.memref_slice %arg15[%mul3A_0, %dma_start3A_290] : memref<10240x16xf32, #tpu.memory_space<vmem_shared>> -> memref<640x16xf32, #tpu.memory_space<vmem_shared>>
      tpu.enqueue_dma source(%dma_start3A_291 : memref<640x16xf32, #tpu.memory_space<vmem_shared>>) target(%dma_start3A_289 : memref<640x16xf32, #tpu.memory_space<hbm>>) target_semaphore(%run_scoped3A : memref<!tpu.dma_semaphore, #tpu.memory_space<semaphore_mem>>)
      %dma_wait3A_292 = arith.constant 0 : i32
      %dma_wait3A_293 = tpu.memref_slice %arg5[%arg0, %mul3A_0, %dma_wait3A_292] : memref<2x10240x16xf32, #tpu.memory_space<hbm>> -> memref<1x640x16xf32, #tpu.memory_space<hbm>>
      %dma_wait3A_294 = tpu.memref_squeeze %dma_wait3A_293 : memref<1x640x16xf32, #tpu.memory_space<hbm>> -> memref<640x16xf32, #tpu.memory_space<hbm>>
      %dma_wait3A_295 = arith.constant 0 : i32
      %dma_wait3A_296 = tpu.memref_slice %arg15[%mul3A_0, %dma_wait3A_295] : memref<10240x16xf32, #tpu.memory_space<vmem_shared>> -> memref<640x16xf32, #tpu.memory_space<vmem_shared>>
      tpu.wait_dma2 semaphore(%run_scoped3A : memref<!tpu.dma_semaphore, #tpu.memory_space<semaphore_mem>>) src(%dma_wait3A_296 : memref<640x16xf32, #tpu.memory_space<vmem_shared>>) dst(%dma_wait3A_294 : memref<640x16xf32, #tpu.memory_space<hbm>>)
      tpu.yield
    }) : () -> ()
    return
  }
}

#map = affine_map<(d0, d1) -> (0)>
#map1 = affine_map<(d0, d1) -> (0, 0)>
#map2 = affine_map<(d0, d1) -> (0, 0, 0)>
module attributes {stable_mosaic.version = 14 : i64} {
  func.func @_sc_zsum(%arg0: i32, %arg1: i32, %arg2: memref<320000xi32, #tpu.memory_space<hbm>>, %arg3: memref<320000xf32, #tpu.memory_space<hbm>>, %arg4: memref<20032x128xf32, #tpu.memory_space<hbm>>, %arg5: memref<2x10240x16xf32, #tpu.memory_space<hbm>>, %arg6: memref<2x10240xf32, #tpu.memory_space<hbm>>, %arg7: memref<2x10240x16xf32, #tpu.memory_space<hbm>>, %arg8: memref<5008xi32, #tpu.memory_space<vmem>>, %arg9: memref<5008xf32, #tpu.memory_space<vmem>>, %arg10: memref<158x128xf32, #tpu.memory_space<vmem>>, %arg11: memref<158x128xf32, #tpu.memory_space<vmem>>, %arg12: memref<1264x16xf32, #tpu.memory_space<vmem>>, %arg13: memref<1264x16xf32, #tpu.memory_space<vmem>>, %arg14: memref<640x16xf32, #tpu.memory_space<vmem>>, %arg15: memref<640xf32, #tpu.memory_space<vmem>>, %arg16: memref<640xf32, #tpu.memory_space<vmem>>, %arg17: memref<10240x16xf32, #tpu.memory_space<vmem_shared>>, %arg18: memref<!tpu.dma_semaphore, #tpu.memory_space<semaphore_mem>>, %arg19: memref<!tpu.dma_semaphore, #tpu.memory_space<semaphore_mem>>) attributes {dimension_semantics = [#tpu.dimension_semantics<core_parallel>, #tpu.dimension_semantics<subcore_parallel>], iteration_bounds = array<i64: 2, 16>, scalar_prefetch = 0 : i64, scratch_operands = 12 : i64, tpu.core_type = #tpu.core_type<sc_vector_subcore>, window_params = [{transform_indices = #map}, {transform_indices = #map}, {transform_indices = #map1}, {transform_indices = #map2}, {transform_indices = #map1}, {transform_indices = #map2}]} {
    %mul3A = arith.constant 640 : i32
    %mul3A_0 = arith.muli %arg1, %mul3A : i32
    %mul3A_1 = arith.constant 80128 : i32
    %mul3A_2 = arith.muli %arg0, %mul3A_1 : i32
    %mul3A_3 = arith.constant 5008 : i32
    %mul3A_4 = arith.muli %arg1, %mul3A_3 : i32
    %add3A = arith.addi %mul3A_2, %mul3A_4 : i32
    %add3A_5 = arith.constant 159744 : i32
    %add3A_6 = arith.addi %add3A_5, %add3A : i32
    %dma_start3A = tpu.memref_slice %arg2[%add3A_6] : memref<320000xi32, #tpu.memory_space<hbm>> -> memref<5008xi32, #tpu.memory_space<hbm>>
    %dma_start3A_7 = tpu.memref_slice %arg2[%add3A_6] : memref<320000xi32, #tpu.memory_space<hbm>> -> memref<5008xi32, #tpu.memory_space<hbm>>
    tpu.enqueue_dma source(%dma_start3A_7 : memref<5008xi32, #tpu.memory_space<hbm>>) target(%arg8 : memref<5008xi32, #tpu.memory_space<vmem>>) target_semaphore(%arg18 : memref<!tpu.dma_semaphore, #tpu.memory_space<semaphore_mem>>)
    %dma_start3A_8 = tpu.memref_slice %arg3[%add3A_6] : memref<320000xf32, #tpu.memory_space<hbm>> -> memref<5008xf32, #tpu.memory_space<hbm>>
    %dma_start3A_9 = tpu.memref_slice %arg3[%add3A_6] : memref<320000xf32, #tpu.memory_space<hbm>> -> memref<5008xf32, #tpu.memory_space<hbm>>
    tpu.enqueue_dma source(%dma_start3A_9 : memref<5008xf32, #tpu.memory_space<hbm>>) target(%arg9 : memref<5008xf32, #tpu.memory_space<vmem>>) target_semaphore(%arg18 : memref<!tpu.dma_semaphore, #tpu.memory_space<semaphore_mem>>)
    %jit3A = arith.constant 8 : i32
    %div3A = arith.divsi %add3A, %jit3A : i32
    %sign3A = arith.constant 0 : i32
    %sign3A_10 = arith.cmpi sgt, %add3A, %sign3A : i32
    %sign3A_11 = arith.extui %sign3A_10 : i1 to i32
    %sign3A_12 = arith.constant 0 : i32
    %sign3A_13 = arith.cmpi slt, %add3A, %sign3A_12 : i32
    %sign3A_14 = arith.extui %sign3A_13 : i1 to i32
    %sign3A_15 = arith.subi %sign3A_11, %sign3A_14 : i32
    %sign3A_16 = arith.constant 0 : i32
    %sign3A_17 = arith.cmpi sgt, %jit3A, %sign3A_16 : i32
    %sign3A_18 = arith.extui %sign3A_17 : i1 to i32
    %sign3A_19 = arith.constant 0 : i32
    %sign3A_20 = arith.cmpi slt, %jit3A, %sign3A_19 : i32
    %sign3A_21 = arith.extui %sign3A_20 : i1 to i32
    %sign3A_22 = arith.subi %sign3A_18, %sign3A_21 : i32
    %ne3A = arith.cmpi ne, %sign3A_15, %sign3A_22 : i32
    %rem3A = arith.remsi %add3A, %jit3A : i32
    %ne3A_23 = arith.constant 0 : i32
    %ne3A_24 = arith.cmpi ne, %rem3A, %ne3A_23 : i32
    %and3A = arith.andi %ne3A, %ne3A_24 : i1
    %sub3A = arith.constant 1 : i32
    %sub3A_25 = arith.subi %div3A, %sub3A : i32
    %select_n3A = arith.select %and3A, %sub3A_25, %div3A : i32
    %dma_start3A_26 = arith.constant 0 : i32
    %dma_start3A_27 = arith.constant 0 : i32
    %dma_start3A_28 = tpu.memref_slice %arg10[%dma_start3A_26, %dma_start3A_27] : memref<158x128xf32, #tpu.memory_space<vmem>> -> memref<158x128xf32, #tpu.memory_space<vmem>>
    %dma_start3A_29 = arith.constant 0 : i32
    %dma_start3A_30 = tpu.memref_slice %arg4[%select_n3A, %dma_start3A_29] : memref<20032x128xf32, #tpu.memory_space<hbm>> -> memref<158x128xf32, #tpu.memory_space<hbm>>
    %dma_start3A_31 = arith.constant 0 : i32
    %dma_start3A_32 = arith.constant 0 : i32
    %dma_start3A_33 = tpu.memref_slice %arg10[%dma_start3A_31, %dma_start3A_32] : memref<158x128xf32, #tpu.memory_space<vmem>> -> memref<158x128xf32, #tpu.memory_space<vmem>>
    %dma_start3A_34 = arith.constant 0 : i32
    %dma_start3A_35 = tpu.memref_slice %arg4[%select_n3A, %dma_start3A_34] : memref<20032x128xf32, #tpu.memory_space<hbm>> -> memref<158x128xf32, #tpu.memory_space<hbm>>
    tpu.enqueue_dma source(%dma_start3A_35 : memref<158x128xf32, #tpu.memory_space<hbm>>) target(%dma_start3A_33 : memref<158x128xf32, #tpu.memory_space<vmem>>) target_semaphore(%arg18 : memref<!tpu.dma_semaphore, #tpu.memory_space<semaphore_mem>>)
    %dma_start3A_36 = arith.constant 0 : i32
    %dma_start3A_37 = tpu.memref_slice %arg17[%mul3A_0, %dma_start3A_36] : memref<10240x16xf32, #tpu.memory_space<vmem_shared>> -> memref<640x16xf32, #tpu.memory_space<vmem_shared>>
    %dma_start3A_38 = arith.constant 0 : i32
    %dma_start3A_39 = tpu.memref_slice %arg5[%arg0, %mul3A_0, %dma_start3A_38] : memref<2x10240x16xf32, #tpu.memory_space<hbm>> -> memref<1x640x16xf32, #tpu.memory_space<hbm>>
    %dma_start3A_40 = tpu.memref_squeeze %dma_start3A_39 : memref<1x640x16xf32, #tpu.memory_space<hbm>> -> memref<640x16xf32, #tpu.memory_space<hbm>>
    tpu.enqueue_dma source(%dma_start3A_40 : memref<640x16xf32, #tpu.memory_space<hbm>>) target(%dma_start3A_37 : memref<640x16xf32, #tpu.memory_space<vmem_shared>>) target_semaphore(%arg18 : memref<!tpu.dma_semaphore, #tpu.memory_space<semaphore_mem>>)
    %dma_start3A_41 = arith.constant 0 : i32
    %dma_start3A_42 = tpu.memref_slice %arg6[%dma_start3A_41, %mul3A_0] : memref<2x10240xf32, #tpu.memory_space<hbm>> -> memref<1x640xf32, #tpu.memory_space<hbm>>
    %dma_start3A_43 = tpu.memref_squeeze %dma_start3A_42 : memref<1x640xf32, #tpu.memory_space<hbm>> -> memref<640xf32, #tpu.memory_space<hbm>>
    %dma_start3A_44 = tpu.memref_slice %arg6[%dma_start3A_41, %mul3A_0] : memref<2x10240xf32, #tpu.memory_space<hbm>> -> memref<1x640xf32, #tpu.memory_space<hbm>>
    %dma_start3A_45 = tpu.memref_squeeze %dma_start3A_44 : memref<1x640xf32, #tpu.memory_space<hbm>> -> memref<640xf32, #tpu.memory_space<hbm>>
    tpu.enqueue_dma source(%dma_start3A_45 : memref<640xf32, #tpu.memory_space<hbm>>) target(%arg15 : memref<640xf32, #tpu.memory_space<vmem>>) target_semaphore(%arg18 : memref<!tpu.dma_semaphore, #tpu.memory_space<semaphore_mem>>)
    %dma_start3A_46 = arith.constant 1 : i32
    %dma_start3A_47 = tpu.memref_slice %arg6[%dma_start3A_46, %mul3A_0] : memref<2x10240xf32, #tpu.memory_space<hbm>> -> memref<1x640xf32, #tpu.memory_space<hbm>>
    %dma_start3A_48 = tpu.memref_squeeze %dma_start3A_47 : memref<1x640xf32, #tpu.memory_space<hbm>> -> memref<640xf32, #tpu.memory_space<hbm>>
    %dma_start3A_49 = tpu.memref_slice %arg6[%dma_start3A_46, %mul3A_0] : memref<2x10240xf32, #tpu.memory_space<hbm>> -> memref<1x640xf32, #tpu.memory_space<hbm>>
    %dma_start3A_50 = tpu.memref_squeeze %dma_start3A_49 : memref<1x640xf32, #tpu.memory_space<hbm>> -> memref<640xf32, #tpu.memory_space<hbm>>
    tpu.enqueue_dma source(%dma_start3A_50 : memref<640xf32, #tpu.memory_space<hbm>>) target(%arg16 : memref<640xf32, #tpu.memory_space<vmem>>) target_semaphore(%arg18 : memref<!tpu.dma_semaphore, #tpu.memory_space<semaphore_mem>>)
    %dma_wait3A = arith.constant 0 : i32
    %dma_wait3A_51 = tpu.memref_slice %arg17[%mul3A_0, %dma_wait3A] : memref<10240x16xf32, #tpu.memory_space<vmem_shared>> -> memref<640x16xf32, #tpu.memory_space<vmem_shared>>
    %dma_wait3A_52 = arith.constant 0 : i32
    %dma_wait3A_53 = tpu.memref_slice %arg5[%arg0, %mul3A_0, %dma_wait3A_52] : memref<2x10240x16xf32, #tpu.memory_space<hbm>> -> memref<1x640x16xf32, #tpu.memory_space<hbm>>
    %dma_wait3A_54 = tpu.memref_squeeze %dma_wait3A_53 : memref<1x640x16xf32, #tpu.memory_space<hbm>> -> memref<640x16xf32, #tpu.memory_space<hbm>>
    tpu.wait_dma2 semaphore(%arg18 : memref<!tpu.dma_semaphore, #tpu.memory_space<semaphore_mem>>) src(%dma_wait3A_54 : memref<640x16xf32, #tpu.memory_space<hbm>>) dst(%dma_wait3A_51 : memref<640x16xf32, #tpu.memory_space<vmem_shared>>)
    %dma_wait3A_55 = arith.constant 0 : i32
    %dma_wait3A_56 = tpu.memref_slice %arg6[%dma_wait3A_55, %mul3A_0] : memref<2x10240xf32, #tpu.memory_space<hbm>> -> memref<1x640xf32, #tpu.memory_space<hbm>>
    %dma_wait3A_57 = tpu.memref_squeeze %dma_wait3A_56 : memref<1x640xf32, #tpu.memory_space<hbm>> -> memref<640xf32, #tpu.memory_space<hbm>>
    %dma_wait3A_58 = tpu.memref_slice %arg6[%dma_wait3A_55, %mul3A_0] : memref<2x10240xf32, #tpu.memory_space<hbm>> -> memref<1x640xf32, #tpu.memory_space<hbm>>
    %dma_wait3A_59 = tpu.memref_squeeze %dma_wait3A_58 : memref<1x640xf32, #tpu.memory_space<hbm>> -> memref<640xf32, #tpu.memory_space<hbm>>
    tpu.wait_dma2 semaphore(%arg18 : memref<!tpu.dma_semaphore, #tpu.memory_space<semaphore_mem>>) src(%dma_wait3A_59 : memref<640xf32, #tpu.memory_space<hbm>>) dst(%arg15 : memref<640xf32, #tpu.memory_space<vmem>>)
    %dma_wait3A_60 = arith.constant 1 : i32
    %dma_wait3A_61 = tpu.memref_slice %arg6[%dma_wait3A_60, %mul3A_0] : memref<2x10240xf32, #tpu.memory_space<hbm>> -> memref<1x640xf32, #tpu.memory_space<hbm>>
    %dma_wait3A_62 = tpu.memref_squeeze %dma_wait3A_61 : memref<1x640xf32, #tpu.memory_space<hbm>> -> memref<640xf32, #tpu.memory_space<hbm>>
    %dma_wait3A_63 = tpu.memref_slice %arg6[%dma_wait3A_60, %mul3A_0] : memref<2x10240xf32, #tpu.memory_space<hbm>> -> memref<1x640xf32, #tpu.memory_space<hbm>>
    %dma_wait3A_64 = tpu.memref_squeeze %dma_wait3A_63 : memref<1x640xf32, #tpu.memory_space<hbm>> -> memref<640xf32, #tpu.memory_space<hbm>>
    tpu.wait_dma2 semaphore(%arg18 : memref<!tpu.dma_semaphore, #tpu.memory_space<semaphore_mem>>) src(%dma_wait3A_64 : memref<640xf32, #tpu.memory_space<hbm>>) dst(%arg16 : memref<640xf32, #tpu.memory_space<vmem>>)
    %dma_wait3A_65 = tpu.memref_slice %arg2[%add3A_6] : memref<320000xi32, #tpu.memory_space<hbm>> -> memref<5008xi32, #tpu.memory_space<hbm>>
    %dma_wait3A_66 = tpu.memref_slice %arg2[%add3A_6] : memref<320000xi32, #tpu.memory_space<hbm>> -> memref<5008xi32, #tpu.memory_space<hbm>>
    tpu.wait_dma2 semaphore(%arg18 : memref<!tpu.dma_semaphore, #tpu.memory_space<semaphore_mem>>) src(%dma_wait3A_66 : memref<5008xi32, #tpu.memory_space<hbm>>) dst(%arg8 : memref<5008xi32, #tpu.memory_space<vmem>>)
    %dma_wait3A_67 = tpu.memref_slice %arg3[%add3A_6] : memref<320000xf32, #tpu.memory_space<hbm>> -> memref<5008xf32, #tpu.memory_space<hbm>>
    %dma_wait3A_68 = tpu.memref_slice %arg3[%add3A_6] : memref<320000xf32, #tpu.memory_space<hbm>> -> memref<5008xf32, #tpu.memory_space<hbm>>
    tpu.wait_dma2 semaphore(%arg18 : memref<!tpu.dma_semaphore, #tpu.memory_space<semaphore_mem>>) src(%dma_wait3A_68 : memref<5008xf32, #tpu.memory_space<hbm>>) dst(%arg9 : memref<5008xf32, #tpu.memory_space<vmem>>)
    %barrier3A = arith.constant 0 : index
    tpu.barrier barrier_id(%barrier3A)
    %dma_wait3A_69 = arith.constant 0 : i32
    %dma_wait3A_70 = arith.constant 0 : i32
    %dma_wait3A_71 = tpu.memref_slice %arg10[%dma_wait3A_69, %dma_wait3A_70] : memref<158x128xf32, #tpu.memory_space<vmem>> -> memref<158x128xf32, #tpu.memory_space<vmem>>
    %dma_wait3A_72 = arith.constant 0 : i32
    %dma_wait3A_73 = tpu.memref_slice %arg4[%select_n3A, %dma_wait3A_72] : memref<20032x128xf32, #tpu.memory_space<hbm>> -> memref<158x128xf32, #tpu.memory_space<hbm>>
    %dma_wait3A_74 = arith.constant 0 : i32
    %dma_wait3A_75 = arith.constant 0 : i32
    %dma_wait3A_76 = tpu.memref_slice %arg10[%dma_wait3A_74, %dma_wait3A_75] : memref<158x128xf32, #tpu.memory_space<vmem>> -> memref<158x128xf32, #tpu.memory_space<vmem>>
    %dma_wait3A_77 = arith.constant 0 : i32
    %dma_wait3A_78 = tpu.memref_slice %arg4[%select_n3A, %dma_wait3A_77] : memref<20032x128xf32, #tpu.memory_space<hbm>> -> memref<158x128xf32, #tpu.memory_space<hbm>>
    tpu.wait_dma2 semaphore(%arg18 : memref<!tpu.dma_semaphore, #tpu.memory_space<semaphore_mem>>) src(%dma_wait3A_78 : memref<158x128xf32, #tpu.memory_space<hbm>>) dst(%dma_wait3A_76 : memref<158x128xf32, #tpu.memory_space<vmem>>)
    %add3A_79 = arith.constant 0 : i32
    %add3A_80 = arith.addi %add3A, %add3A_79 : i32
    %add3A_81 = arith.constant 1264 : i32
    %add3A_82 = arith.addi %add3A_80, %add3A_81 : i32
    %jit3A_83 = arith.constant 8 : i32
    %div3A_84 = arith.divsi %add3A_82, %jit3A_83 : i32
    %sign3A_85 = arith.constant 0 : i32
    %sign3A_86 = arith.cmpi sgt, %add3A_82, %sign3A_85 : i32
    %sign3A_87 = arith.extui %sign3A_86 : i1 to i32
    %sign3A_88 = arith.constant 0 : i32
    %sign3A_89 = arith.cmpi slt, %add3A_82, %sign3A_88 : i32
    %sign3A_90 = arith.extui %sign3A_89 : i1 to i32
    %sign3A_91 = arith.subi %sign3A_87, %sign3A_90 : i32
    %sign3A_92 = arith.constant 0 : i32
    %sign3A_93 = arith.cmpi sgt, %jit3A_83, %sign3A_92 : i32
    %sign3A_94 = arith.extui %sign3A_93 : i1 to i32
    %sign3A_95 = arith.constant 0 : i32
    %sign3A_96 = arith.cmpi slt, %jit3A_83, %sign3A_95 : i32
    %sign3A_97 = arith.extui %sign3A_96 : i1 to i32
    %sign3A_98 = arith.subi %sign3A_94, %sign3A_97 : i32
    %ne3A_99 = arith.cmpi ne, %sign3A_91, %sign3A_98 : i32
    %rem3A_100 = arith.remsi %add3A_82, %jit3A_83 : i32
    %ne3A_101 = arith.constant 0 : i32
    %ne3A_102 = arith.cmpi ne, %rem3A_100, %ne3A_101 : i32
    %and3A_103 = arith.andi %ne3A_99, %ne3A_102 : i1
    %sub3A_104 = arith.constant 1 : i32
    %sub3A_105 = arith.subi %div3A_84, %sub3A_104 : i32
    %select_n3A_106 = arith.select %and3A_103, %sub3A_105, %div3A_84 : i32
    %dma_start3A_107 = arith.constant 0 : i32
    %dma_start3A_108 = arith.constant 0 : i32
    %dma_start3A_109 = tpu.memref_slice %arg11[%dma_start3A_107, %dma_start3A_108] : memref<158x128xf32, #tpu.memory_space<vmem>> -> memref<156x128xf32, #tpu.memory_space<vmem>>
    %dma_start3A_110 = arith.constant 0 : i32
    %dma_start3A_111 = tpu.memref_slice %arg4[%select_n3A_106, %dma_start3A_110] : memref<20032x128xf32, #tpu.memory_space<hbm>> -> memref<156x128xf32, #tpu.memory_space<hbm>>
    %dma_start3A_112 = arith.constant 0 : i32
    %dma_start3A_113 = arith.constant 0 : i32
    %dma_start3A_114 = tpu.memref_slice %arg11[%dma_start3A_112, %dma_start3A_113] : memref<158x128xf32, #tpu.memory_space<vmem>> -> memref<156x128xf32, #tpu.memory_space<vmem>>
    %dma_start3A_115 = arith.constant 0 : i32
    %dma_start3A_116 = tpu.memref_slice %arg4[%select_n3A_106, %dma_start3A_115] : memref<20032x128xf32, #tpu.memory_space<hbm>> -> memref<156x128xf32, #tpu.memory_space<hbm>>
    tpu.enqueue_dma source(%dma_start3A_116 : memref<156x128xf32, #tpu.memory_space<hbm>>) target(%dma_start3A_114 : memref<156x128xf32, #tpu.memory_space<vmem>>) target_semaphore(%arg18 : memref<!tpu.dma_semaphore, #tpu.memory_space<semaphore_mem>>)
    %scan3A = arith.constant 0 : i32
    %scan3A_117 = arith.constant 0 : i32
    %scan3A_118 = arith.constant 79 : i32
    %scan3A_119 = arith.addi %scan3A_117, %scan3A_118 : i32
    %scan3A_120 = arith.constant 1 : i32
    scf.for %scan3A_317 = %scan3A_117 to %scan3A_119 step %scan3A_120  : i32 {
      %mul3A_318 = arith.constant 16 : i32
      %mul3A_319 = arith.muli %scan3A_317, %mul3A_318 : i32
      %add3A_320 = arith.constant 0 : i32
      %add3A_321 = arith.addi %add3A_320, %mul3A_319 : i32
      %get3A = arith.index_cast %add3A_321 : i32 to index
      %get3A_322 = tpu.vector_load %arg9[%get3A] {strides = array<i32>} : memref<5008xf32, #tpu.memory_space<vmem>>, vector<16xf32>,
      %mul3A_323 = arith.constant 16 : i32
      %mul3A_324 = arith.muli %scan3A_317, %mul3A_323 : i32
      %add3A_325 = arith.constant 0 : i32
      %add3A_326 = arith.addi %mul3A_324, %add3A_325 : i32
      %mul3A_327 = arith.constant 2 : i32
      %mul3A_328 = arith.muli %scan3A_317, %mul3A_327 : i32
      %add3A_329 = arith.constant 0 : i32
      %add3A_330 = arith.addi %mul3A_328, %add3A_329 : i32
      %get3A_331 = arith.index_cast %add3A_330 : i32 to index
      %get3A_332 = arith.constant 0 : index
      %get3A_333 = tpu.vector_load %arg10[%get3A_331, %get3A_332] {strides = array<i32>} : memref<158x128xf32, #tpu.memory_space<vmem>>, vector<16xf32>,
      %slice3A = vector.extract_strided_slice %get3A_322 {offsets = [0], sizes = [1], strides = [1]} : vector<16xf32> to vector<1xf32>
      %squeeze3A = vector.extract %slice3A[0] : f32 from vector<1xf32>
      %mul3A_334 = vector.broadcast %squeeze3A : f32 to vector<16xf32>
      %mul3A_335 = arith.mulf %get3A_333, %mul3A_334 : vector<16xf32>
      %swap3A = arith.index_cast %add3A_326 : i32 to index
      %swap3A_336 = arith.constant 0 : index
      %swap3A_337 = tpu.vector_load %arg12[%swap3A, %swap3A_336] {strides = array<i32>} : memref<1264x16xf32, #tpu.memory_space<vmem>>, vector<16xf32>,
      tpu.vector_store %arg12[%swap3A, %swap3A_336], %mul3A_335 {strides = array<i32>} : memref<1264x16xf32, #tpu.memory_space<vmem>>, vector<16xf32>,
      %mul3A_338 = arith.constant 16 : i32
      %mul3A_339 = arith.muli %scan3A_317, %mul3A_338 : i32
      %add3A_340 = arith.constant 1 : i32
      %add3A_341 = arith.addi %mul3A_339, %add3A_340 : i32
      %mul3A_342 = arith.constant 2 : i32
      %mul3A_343 = arith.muli %scan3A_317, %mul3A_342 : i32
      %add3A_344 = arith.constant 0 : i32
      %add3A_345 = arith.addi %mul3A_343, %add3A_344 : i32
      %get3A_346 = arith.index_cast %add3A_345 : i32 to index
      %get3A_347 = arith.constant 16 : index
      %get3A_348 = tpu.vector_load %arg10[%get3A_346, %get3A_347] {strides = array<i32>} : memref<158x128xf32, #tpu.memory_space<vmem>>, vector<16xf32>,
      %slice3A_349 = vector.extract_strided_slice %get3A_322 {offsets = [1], sizes = [1], strides = [1]} : vector<16xf32> to vector<1xf32>
      %squeeze3A_350 = vector.extract %slice3A_349[0] : f32 from vector<1xf32>
      %mul3A_351 = vector.broadcast %squeeze3A_350 : f32 to vector<16xf32>
      %mul3A_352 = arith.mulf %get3A_348, %mul3A_351 : vector<16xf32>
      %swap3A_353 = arith.index_cast %add3A_341 : i32 to index
      %swap3A_354 = arith.constant 0 : index
      %swap3A_355 = tpu.vector_load %arg12[%swap3A_353, %swap3A_354] {strides = array<i32>} : memref<1264x16xf32, #tpu.memory_space<vmem>>, vector<16xf32>,
      tpu.vector_store %arg12[%swap3A_353, %swap3A_354], %mul3A_352 {strides = array<i32>} : memref<1264x16xf32, #tpu.memory_space<vmem>>, vector<16xf32>,
      %mul3A_356 = arith.constant 16 : i32
      %mul3A_357 = arith.muli %scan3A_317, %mul3A_356 : i32
      %add3A_358 = arith.constant 2 : i32
      %add3A_359 = arith.addi %mul3A_357, %add3A_358 : i32
      %mul3A_360 = arith.constant 2 : i32
      %mul3A_361 = arith.muli %scan3A_317, %mul3A_360 : i32
      %add3A_362 = arith.constant 0 : i32
      %add3A_363 = arith.addi %mul3A_361, %add3A_362 : i32
      %get3A_364 = arith.index_cast %add3A_363 : i32 to index
      %get3A_365 = arith.constant 32 : index
      %get3A_366 = tpu.vector_load %arg10[%get3A_364, %get3A_365] {strides = array<i32>} : memref<158x128xf32, #tpu.memory_space<vmem>>, vector<16xf32>,
      %slice3A_367 = vector.extract_strided_slice %get3A_322 {offsets = [2], sizes = [1], strides = [1]} : vector<16xf32> to vector<1xf32>
      %squeeze3A_368 = vector.extract %slice3A_367[0] : f32 from vector<1xf32>
      %mul3A_369 = vector.broadcast %squeeze3A_368 : f32 to vector<16xf32>
      %mul3A_370 = arith.mulf %get3A_366, %mul3A_369 : vector<16xf32>
      %swap3A_371 = arith.index_cast %add3A_359 : i32 to index
      %swap3A_372 = arith.constant 0 : index
      %swap3A_373 = tpu.vector_load %arg12[%swap3A_371, %swap3A_372] {strides = array<i32>} : memref<1264x16xf32, #tpu.memory_space<vmem>>, vector<16xf32>,
      tpu.vector_store %arg12[%swap3A_371, %swap3A_372], %mul3A_370 {strides = array<i32>} : memref<1264x16xf32, #tpu.memory_space<vmem>>, vector<16xf32>,
      %mul3A_374 = arith.constant 16 : i32
      %mul3A_375 = arith.muli %scan3A_317, %mul3A_374 : i32
      %add3A_376 = arith.constant 3 : i32
      %add3A_377 = arith.addi %mul3A_375, %add3A_376 : i32
      %mul3A_378 = arith.constant 2 : i32
      %mul3A_379 = arith.muli %scan3A_317, %mul3A_378 : i32
      %add3A_380 = arith.constant 0 : i32
      %add3A_381 = arith.addi %mul3A_379, %add3A_380 : i32
      %get3A_382 = arith.index_cast %add3A_381 : i32 to index
      %get3A_383 = arith.constant 48 : index
      %get3A_384 = tpu.vector_load %arg10[%get3A_382, %get3A_383] {strides = array<i32>} : memref<158x128xf32, #tpu.memory_space<vmem>>, vector<16xf32>,
      %slice3A_385 = vector.extract_strided_slice %get3A_322 {offsets = [3], sizes = [1], strides = [1]} : vector<16xf32> to vector<1xf32>
      %squeeze3A_386 = vector.extract %slice3A_385[0] : f32 from vector<1xf32>
      %mul3A_387 = vector.broadcast %squeeze3A_386 : f32 to vector<16xf32>
      %mul3A_388 = arith.mulf %get3A_384, %mul3A_387 : vector<16xf32>
      %swap3A_389 = arith.index_cast %add3A_377 : i32 to index
      %swap3A_390 = arith.constant 0 : index
      %swap3A_391 = tpu.vector_load %arg12[%swap3A_389, %swap3A_390] {strides = array<i32>} : memref<1264x16xf32, #tpu.memory_space<vmem>>, vector<16xf32>,
      tpu.vector_store %arg12[%swap3A_389, %swap3A_390], %mul3A_388 {strides = array<i32>} : memref<1264x16xf32, #tpu.memory_space<vmem>>, vector<16xf32>,
      %mul3A_392 = arith.constant 16 : i32
      %mul3A_393 = arith.muli %scan3A_317, %mul3A_392 : i32
      %add3A_394 = arith.constant 4 : i32
      %add3A_395 = arith.addi %mul3A_393, %add3A_394 : i32
      %mul3A_396 = arith.constant 2 : i32
      %mul3A_397 = arith.muli %scan3A_317, %mul3A_396 : i32
      %add3A_398 = arith.constant 0 : i32
      %add3A_399 = arith.addi %mul3A_397, %add3A_398 : i32
      %get3A_400 = arith.index_cast %add3A_399 : i32 to index
      %get3A_401 = arith.constant 64 : index
      %get3A_402 = tpu.vector_load %arg10[%get3A_400, %get3A_401] {strides = array<i32>} : memref<158x128xf32, #tpu.memory_space<vmem>>, vector<16xf32>,
      %slice3A_403 = vector.extract_strided_slice %get3A_322 {offsets = [4], sizes = [1], strides = [1]} : vector<16xf32> to vector<1xf32>
      %squeeze3A_404 = vector.extract %slice3A_403[0] : f32 from vector<1xf32>
      %mul3A_405 = vector.broadcast %squeeze3A_404 : f32 to vector<16xf32>
      %mul3A_406 = arith.mulf %get3A_402, %mul3A_405 : vector<16xf32>
      %swap3A_407 = arith.index_cast %add3A_395 : i32 to index
      %swap3A_408 = arith.constant 0 : index
      %swap3A_409 = tpu.vector_load %arg12[%swap3A_407, %swap3A_408] {strides = array<i32>} : memref<1264x16xf32, #tpu.memory_space<vmem>>, vector<16xf32>,
      tpu.vector_store %arg12[%swap3A_407, %swap3A_408], %mul3A_406 {strides = array<i32>} : memref<1264x16xf32, #tpu.memory_space<vmem>>, vector<16xf32>,
      %mul3A_410 = arith.constant 16 : i32
      %mul3A_411 = arith.muli %scan3A_317, %mul3A_410 : i32
      %add3A_412 = arith.constant 5 : i32
      %add3A_413 = arith.addi %mul3A_411, %add3A_412 : i32
      %mul3A_414 = arith.constant 2 : i32
      %mul3A_415 = arith.muli %scan3A_317, %mul3A_414 : i32
      %add3A_416 = arith.constant 0 : i32
      %add3A_417 = arith.addi %mul3A_415, %add3A_416 : i32
      %get3A_418 = arith.index_cast %add3A_417 : i32 to index
      %get3A_419 = arith.constant 80 : index
      %get3A_420 = tpu.vector_load %arg10[%get3A_418, %get3A_419] {strides = array<i32>} : memref<158x128xf32, #tpu.memory_space<vmem>>, vector<16xf32>,
      %slice3A_421 = vector.extract_strided_slice %get3A_322 {offsets = [5], sizes = [1], strides = [1]} : vector<16xf32> to vector<1xf32>
      %squeeze3A_422 = vector.extract %slice3A_421[0] : f32 from vector<1xf32>
      %mul3A_423 = vector.broadcast %squeeze3A_422 : f32 to vector<16xf32>
      %mul3A_424 = arith.mulf %get3A_420, %mul3A_423 : vector<16xf32>
      %swap3A_425 = arith.index_cast %add3A_413 : i32 to index
      %swap3A_426 = arith.constant 0 : index
      %swap3A_427 = tpu.vector_load %arg12[%swap3A_425, %swap3A_426] {strides = array<i32>} : memref<1264x16xf32, #tpu.memory_space<vmem>>, vector<16xf32>,
      tpu.vector_store %arg12[%swap3A_425, %swap3A_426], %mul3A_424 {strides = array<i32>} : memref<1264x16xf32, #tpu.memory_space<vmem>>, vector<16xf32>,
      %mul3A_428 = arith.constant 16 : i32
      %mul3A_429 = arith.muli %scan3A_317, %mul3A_428 : i32
      %add3A_430 = arith.constant 6 : i32
      %add3A_431 = arith.addi %mul3A_429, %add3A_430 : i32
      %mul3A_432 = arith.constant 2 : i32
      %mul3A_433 = arith.muli %scan3A_317, %mul3A_432 : i32
      %add3A_434 = arith.constant 0 : i32
      %add3A_435 = arith.addi %mul3A_433, %add3A_434 : i32
      %get3A_436 = arith.index_cast %add3A_435 : i32 to index
      %get3A_437 = arith.constant 96 : index
      %get3A_438 = tpu.vector_load %arg10[%get3A_436, %get3A_437] {strides = array<i32>} : memref<158x128xf32, #tpu.memory_space<vmem>>, vector<16xf32>,
      %slice3A_439 = vector.extract_strided_slice %get3A_322 {offsets = [6], sizes = [1], strides = [1]} : vector<16xf32> to vector<1xf32>
      %squeeze3A_440 = vector.extract %slice3A_439[0] : f32 from vector<1xf32>
      %mul3A_441 = vector.broadcast %squeeze3A_440 : f32 to vector<16xf32>
      %mul3A_442 = arith.mulf %get3A_438, %mul3A_441 : vector<16xf32>
      %swap3A_443 = arith.index_cast %add3A_431 : i32 to index
      %swap3A_444 = arith.constant 0 : index
      %swap3A_445 = tpu.vector_load %arg12[%swap3A_443, %swap3A_444] {strides = array<i32>} : memref<1264x16xf32, #tpu.memory_space<vmem>>, vector<16xf32>,
      tpu.vector_store %arg12[%swap3A_443, %swap3A_444], %mul3A_442 {strides = array<i32>} : memref<1264x16xf32, #tpu.memory_space<vmem>>, vector<16xf32>,
      %mul3A_446 = arith.constant 16 : i32
      %mul3A_447 = arith.muli %scan3A_317, %mul3A_446 : i32
      %add3A_448 = arith.constant 7 : i32
      %add3A_449 = arith.addi %mul3A_447, %add3A_448 : i32
      %mul3A_450 = arith.constant 2 : i32
      %mul3A_451 = arith.muli %scan3A_317, %mul3A_450 : i32
      %add3A_452 = arith.constant 0 : i32
      %add3A_453 = arith.addi %mul3A_451, %add3A_452 : i32
      %get3A_454 = arith.index_cast %add3A_453 : i32 to index
      %get3A_455 = arith.constant 112 : index
      %get3A_456 = tpu.vector_load %arg10[%get3A_454, %get3A_455] {strides = array<i32>} : memref<158x128xf32, #tpu.memory_space<vmem>>, vector<16xf32>,
      %slice3A_457 = vector.extract_strided_slice %get3A_322 {offsets = [7], sizes = [1], strides = [1]} : vector<16xf32> to vector<1xf32>
      %squeeze3A_458 = vector.extract %slice3A_457[0] : f32 from vector<1xf32>
      %mul3A_459 = vector.broadcast %squeeze3A_458 : f32 to vector<16xf32>
      %mul3A_460 = arith.mulf %get3A_456, %mul3A_459 : vector<16xf32>
      %swap3A_461 = arith.index_cast %add3A_449 : i32 to index
      %swap3A_462 = arith.constant 0 : index
      %swap3A_463 = tpu.vector_load %arg12[%swap3A_461, %swap3A_462] {strides = array<i32>} : memref<1264x16xf32, #tpu.memory_space<vmem>>, vector<16xf32>,
      tpu.vector_store %arg12[%swap3A_461, %swap3A_462], %mul3A_460 {strides = array<i32>} : memref<1264x16xf32, #tpu.memory_space<vmem>>, vector<16xf32>,
      %mul3A_464 = arith.constant 16 : i32
      %mul3A_465 = arith.muli %scan3A_317, %mul3A_464 : i32
      %add3A_466 = arith.constant 8 : i32
      %add3A_467 = arith.addi %mul3A_465, %add3A_466 : i32
      %mul3A_468 = arith.constant 2 : i32
      %mul3A_469 = arith.muli %scan3A_317, %mul3A_468 : i32
      %add3A_470 = arith.constant 1 : i32
      %add3A_471 = arith.addi %mul3A_469, %add3A_470 : i32
      %get3A_472 = arith.index_cast %add3A_471 : i32 to index
      %get3A_473 = arith.constant 0 : index
      %get3A_474 = tpu.vector_load %arg10[%get3A_472, %get3A_473] {strides = array<i32>} : memref<158x128xf32, #tpu.memory_space<vmem>>, vector<16xf32>,
      %slice3A_475 = vector.extract_strided_slice %get3A_322 {offsets = [8], sizes = [1], strides = [1]} : vector<16xf32> to vector<1xf32>
      %squeeze3A_476 = vector.extract %slice3A_475[0] : f32 from vector<1xf32>
      %mul3A_477 = vector.broadcast %squeeze3A_476 : f32 to vector<16xf32>
      %mul3A_478 = arith.mulf %get3A_474, %mul3A_477 : vector<16xf32>
      %swap3A_479 = arith.index_cast %add3A_467 : i32 to index
      %swap3A_480 = arith.constant 0 : index
      %swap3A_481 = tpu.vector_load %arg12[%swap3A_479, %swap3A_480] {strides = array<i32>} : memref<1264x16xf32, #tpu.memory_space<vmem>>, vector<16xf32>,
      tpu.vector_store %arg12[%swap3A_479, %swap3A_480], %mul3A_478 {strides = array<i32>} : memref<1264x16xf32, #tpu.memory_space<vmem>>, vector<16xf32>,
      %mul3A_482 = arith.constant 16 : i32
      %mul3A_483 = arith.muli %scan3A_317, %mul3A_482 : i32
      %add3A_484 = arith.constant 9 : i32
      %add3A_485 = arith.addi %mul3A_483, %add3A_484 : i32
      %mul3A_486 = arith.constant 2 : i32
      %mul3A_487 = arith.muli %scan3A_317, %mul3A_486 : i32
      %add3A_488 = arith.constant 1 : i32
      %add3A_489 = arith.addi %mul3A_487, %add3A_488 : i32
      %get3A_490 = arith.index_cast %add3A_489 : i32 to index
      %get3A_491 = arith.constant 16 : index
      %get3A_492 = tpu.vector_load %arg10[%get3A_490, %get3A_491] {strides = array<i32>} : memref<158x128xf32, #tpu.memory_space<vmem>>, vector<16xf32>,
      %slice3A_493 = vector.extract_strided_slice %get3A_322 {offsets = [9], sizes = [1], strides = [1]} : vector<16xf32> to vector<1xf32>
      %squeeze3A_494 = vector.extract %slice3A_493[0] : f32 from vector<1xf32>
      %mul3A_495 = vector.broadcast %squeeze3A_494 : f32 to vector<16xf32>
      %mul3A_496 = arith.mulf %get3A_492, %mul3A_495 : vector<16xf32>
      %swap3A_497 = arith.index_cast %add3A_485 : i32 to index
      %swap3A_498 = arith.constant 0 : index
      %swap3A_499 = tpu.vector_load %arg12[%swap3A_497, %swap3A_498] {strides = array<i32>} : memref<1264x16xf32, #tpu.memory_space<vmem>>, vector<16xf32>,
      tpu.vector_store %arg12[%swap3A_497, %swap3A_498], %mul3A_496 {strides = array<i32>} : memref<1264x16xf32, #tpu.memory_space<vmem>>, vector<16xf32>,
      %mul3A_500 = arith.constant 16 : i32
      %mul3A_501 = arith.muli %scan3A_317, %mul3A_500 : i32
      %add3A_502 = arith.constant 10 : i32
      %add3A_503 = arith.addi %mul3A_501, %add3A_502 : i32
      %mul3A_504 = arith.constant 2 : i32
      %mul3A_505 = arith.muli %scan3A_317, %mul3A_504 : i32
      %add3A_506 = arith.constant 1 : i32
      %add3A_507 = arith.addi %mul3A_505, %add3A_506 : i32
      %get3A_508 = arith.index_cast %add3A_507 : i32 to index
      %get3A_509 = arith.constant 32 : index
      %get3A_510 = tpu.vector_load %arg10[%get3A_508, %get3A_509] {strides = array<i32>} : memref<158x128xf32, #tpu.memory_space<vmem>>, vector<16xf32>,
      %slice3A_511 = vector.extract_strided_slice %get3A_322 {offsets = [10], sizes = [1], strides = [1]} : vector<16xf32> to vector<1xf32>
      %squeeze3A_512 = vector.extract %slice3A_511[0] : f32 from vector<1xf32>
      %mul3A_513 = vector.broadcast %squeeze3A_512 : f32 to vector<16xf32>
      %mul3A_514 = arith.mulf %get3A_510, %mul3A_513 : vector<16xf32>
      %swap3A_515 = arith.index_cast %add3A_503 : i32 to index
      %swap3A_516 = arith.constant 0 : index
      %swap3A_517 = tpu.vector_load %arg12[%swap3A_515, %swap3A_516] {strides = array<i32>} : memref<1264x16xf32, #tpu.memory_space<vmem>>, vector<16xf32>,
      tpu.vector_store %arg12[%swap3A_515, %swap3A_516], %mul3A_514 {strides = array<i32>} : memref<1264x16xf32, #tpu.memory_space<vmem>>, vector<16xf32>,
      %mul3A_518 = arith.constant 16 : i32
      %mul3A_519 = arith.muli %scan3A_317, %mul3A_518 : i32
      %add3A_520 = arith.constant 11 : i32
      %add3A_521 = arith.addi %mul3A_519, %add3A_520 : i32
      %mul3A_522 = arith.constant 2 : i32
      %mul3A_523 = arith.muli %scan3A_317, %mul3A_522 : i32
      %add3A_524 = arith.constant 1 : i32
      %add3A_525 = arith.addi %mul3A_523, %add3A_524 : i32
      %get3A_526 = arith.index_cast %add3A_525 : i32 to index
      %get3A_527 = arith.constant 48 : index
      %get3A_528 = tpu.vector_load %arg10[%get3A_526, %get3A_527] {strides = array<i32>} : memref<158x128xf32, #tpu.memory_space<vmem>>, vector<16xf32>,
      %slice3A_529 = vector.extract_strided_slice %get3A_322 {offsets = [11], sizes = [1], strides = [1]} : vector<16xf32> to vector<1xf32>
      %squeeze3A_530 = vector.extract %slice3A_529[0] : f32 from vector<1xf32>
      %mul3A_531 = vector.broadcast %squeeze3A_530 : f32 to vector<16xf32>
      %mul3A_532 = arith.mulf %get3A_528, %mul3A_531 : vector<16xf32>
      %swap3A_533 = arith.index_cast %add3A_521 : i32 to index
      %swap3A_534 = arith.constant 0 : index
      %swap3A_535 = tpu.vector_load %arg12[%swap3A_533, %swap3A_534] {strides = array<i32>} : memref<1264x16xf32, #tpu.memory_space<vmem>>, vector<16xf32>,
      tpu.vector_store %arg12[%swap3A_533, %swap3A_534], %mul3A_532 {strides = array<i32>} : memref<1264x16xf32, #tpu.memory_space<vmem>>, vector<16xf32>,
      %mul3A_536 = arith.constant 16 : i32
      %mul3A_537 = arith.muli %scan3A_317, %mul3A_536 : i32
      %add3A_538 = arith.constant 12 : i32
      %add3A_539 = arith.addi %mul3A_537, %add3A_538 : i32
      %mul3A_540 = arith.constant 2 : i32
      %mul3A_541 = arith.muli %scan3A_317, %mul3A_540 : i32
      %add3A_542 = arith.constant 1 : i32
      %add3A_543 = arith.addi %mul3A_541, %add3A_542 : i32
      %get3A_544 = arith.index_cast %add3A_543 : i32 to index
      %get3A_545 = arith.constant 64 : index
      %get3A_546 = tpu.vector_load %arg10[%get3A_544, %get3A_545] {strides = array<i32>} : memref<158x128xf32, #tpu.memory_space<vmem>>, vector<16xf32>,
      %slice3A_547 = vector.extract_strided_slice %get3A_322 {offsets = [12], sizes = [1], strides = [1]} : vector<16xf32> to vector<1xf32>
      %squeeze3A_548 = vector.extract %slice3A_547[0] : f32 from vector<1xf32>
      %mul3A_549 = vector.broadcast %squeeze3A_548 : f32 to vector<16xf32>
      %mul3A_550 = arith.mulf %get3A_546, %mul3A_549 : vector<16xf32>
      %swap3A_551 = arith.index_cast %add3A_539 : i32 to index
      %swap3A_552 = arith.constant 0 : index
      %swap3A_553 = tpu.vector_load %arg12[%swap3A_551, %swap3A_552] {strides = array<i32>} : memref<1264x16xf32, #tpu.memory_space<vmem>>, vector<16xf32>,
      tpu.vector_store %arg12[%swap3A_551, %swap3A_552], %mul3A_550 {strides = array<i32>} : memref<1264x16xf32, #tpu.memory_space<vmem>>, vector<16xf32>,
      %mul3A_554 = arith.constant 16 : i32
      %mul3A_555 = arith.muli %scan3A_317, %mul3A_554 : i32
      %add3A_556 = arith.constant 13 : i32
      %add3A_557 = arith.addi %mul3A_555, %add3A_556 : i32
      %mul3A_558 = arith.constant 2 : i32
      %mul3A_559 = arith.muli %scan3A_317, %mul3A_558 : i32
      %add3A_560 = arith.constant 1 : i32
      %add3A_561 = arith.addi %mul3A_559, %add3A_560 : i32
      %get3A_562 = arith.index_cast %add3A_561 : i32 to index
      %get3A_563 = arith.constant 80 : index
      %get3A_564 = tpu.vector_load %arg10[%get3A_562, %get3A_563] {strides = array<i32>} : memref<158x128xf32, #tpu.memory_space<vmem>>, vector<16xf32>,
      %slice3A_565 = vector.extract_strided_slice %get3A_322 {offsets = [13], sizes = [1], strides = [1]} : vector<16xf32> to vector<1xf32>
      %squeeze3A_566 = vector.extract %slice3A_565[0] : f32 from vector<1xf32>
      %mul3A_567 = vector.broadcast %squeeze3A_566 : f32 to vector<16xf32>
      %mul3A_568 = arith.mulf %get3A_564, %mul3A_567 : vector<16xf32>
      %swap3A_569 = arith.index_cast %add3A_557 : i32 to index
      %swap3A_570 = arith.constant 0 : index
      %swap3A_571 = tpu.vector_load %arg12[%swap3A_569, %swap3A_570] {strides = array<i32>} : memref<1264x16xf32, #tpu.memory_space<vmem>>, vector<16xf32>,
      tpu.vector_store %arg12[%swap3A_569, %swap3A_570], %mul3A_568 {strides = array<i32>} : memref<1264x16xf32, #tpu.memory_space<vmem>>, vector<16xf32>,
      %mul3A_572 = arith.constant 16 : i32
      %mul3A_573 = arith.muli %scan3A_317, %mul3A_572 : i32
      %add3A_574 = arith.constant 14 : i32
      %add3A_575 = arith.addi %mul3A_573, %add3A_574 : i32
      %mul3A_576 = arith.constant 2 : i32
      %mul3A_577 = arith.muli %scan3A_317, %mul3A_576 : i32
      %add3A_578 = arith.constant 1 : i32
      %add3A_579 = arith.addi %mul3A_577, %add3A_578 : i32
      %get3A_580 = arith.index_cast %add3A_579 : i32 to index
      %get3A_581 = arith.constant 96 : index
      %get3A_582 = tpu.vector_load %arg10[%get3A_580, %get3A_581] {strides = array<i32>} : memref<158x128xf32, #tpu.memory_space<vmem>>, vector<16xf32>,
      %slice3A_583 = vector.extract_strided_slice %get3A_322 {offsets = [14], sizes = [1], strides = [1]} : vector<16xf32> to vector<1xf32>
      %squeeze3A_584 = vector.extract %slice3A_583[0] : f32 from vector<1xf32>
      %mul3A_585 = vector.broadcast %squeeze3A_584 : f32 to vector<16xf32>
      %mul3A_586 = arith.mulf %get3A_582, %mul3A_585 : vector<16xf32>
      %swap3A_587 = arith.index_cast %add3A_575 : i32 to index
      %swap3A_588 = arith.constant 0 : index
      %swap3A_589 = tpu.vector_load %arg12[%swap3A_587, %swap3A_588] {strides = array<i32>} : memref<1264x16xf32, #tpu.memory_space<vmem>>, vector<16xf32>,
      tpu.vector_store %arg12[%swap3A_587, %swap3A_588], %mul3A_586 {strides = array<i32>} : memref<1264x16xf32, #tpu.memory_space<vmem>>, vector<16xf32>,
      %mul3A_590 = arith.constant 16 : i32
      %mul3A_591 = arith.muli %scan3A_317, %mul3A_590 : i32
      %add3A_592 = arith.constant 15 : i32
      %add3A_593 = arith.addi %mul3A_591, %add3A_592 : i32
      %mul3A_594 = arith.constant 2 : i32
      %mul3A_595 = arith.muli %scan3A_317, %mul3A_594 : i32
      %add3A_596 = arith.constant 1 : i32
      %add3A_597 = arith.addi %mul3A_595, %add3A_596 : i32
      %get3A_598 = arith.index_cast %add3A_597 : i32 to index
      %get3A_599 = arith.constant 112 : index
      %get3A_600 = tpu.vector_load %arg10[%get3A_598, %get3A_599] {strides = array<i32>} : memref<158x128xf32, #tpu.memory_space<vmem>>, vector<16xf32>,
      %slice3A_601 = vector.extract_strided_slice %get3A_322 {offsets = [15], sizes = [1], strides = [1]} : vector<16xf32> to vector<1xf32>
      %squeeze3A_602 = vector.extract %slice3A_601[0] : f32 from vector<1xf32>
      %mul3A_603 = vector.broadcast %squeeze3A_602 : f32 to vector<16xf32>
      %mul3A_604 = arith.mulf %get3A_600, %mul3A_603 : vector<16xf32>
      %swap3A_605 = arith.index_cast %add3A_593 : i32 to index
      %swap3A_606 = arith.constant 0 : index
      %swap3A_607 = tpu.vector_load %arg12[%swap3A_605, %swap3A_606] {strides = array<i32>} : memref<1264x16xf32, #tpu.memory_space<vmem>>, vector<16xf32>,
      tpu.vector_store %arg12[%swap3A_605, %swap3A_606], %mul3A_604 {strides = array<i32>} : memref<1264x16xf32, #tpu.memory_space<vmem>>, vector<16xf32>,
    }
    %scan3A_121 = arith.constant 79 : i32
    %dma_start3A_122 = arith.constant 0 : i32
    %dma_start3A_123 = arith.constant 0 : i32
    %dma_start3A_124 = tpu.memref_slice %arg12[%dma_start3A_122, %dma_start3A_123] : memref<1264x16xf32, #tpu.memory_space<vmem>> -> memref<1264x16xf32, #tpu.memory_space<vmem>>
    %dma_start3A_125 = arith.constant 0 : i32
    %dma_start3A_126 = tpu.memref_slice %arg8[%dma_start3A_125] : memref<5008xi32, #tpu.memory_space<vmem>> -> memref<1264xi32, #tpu.memory_space<vmem>>
    %dma_start3A_127 = arith.constant 0 : i32
    %dma_start3A_128 = arith.constant 0 : i32
    %dma_start3A_129 = tpu.memref_slice %arg17[%dma_start3A_127, %dma_start3A_128] : memref<10240x16xf32, #tpu.memory_space<vmem_shared>> -> memref<10240x16xf32, #tpu.memory_space<vmem_shared>>
    tpu.enqueue_indirect_dma source(%dma_start3A_124 : memref<1264x16xf32, #tpu.memory_space<vmem>>) target(%dma_start3A_129 : memref<10240x16xf32, #tpu.memory_space<vmem_shared>>) offsets(%dma_start3A_126 : memref<1264xi32, #tpu.memory_space<vmem>>) semaphore(%arg19 : memref<!tpu.dma_semaphore, #tpu.memory_space<semaphore_mem>>) {add = true}
    %dma_wait3A_130 = arith.constant 0 : i32
    %dma_wait3A_131 = arith.constant 0 : i32
    %dma_wait3A_132 = tpu.memref_slice %arg11[%dma_wait3A_130, %dma_wait3A_131] : memref<158x128xf32, #tpu.memory_space<vmem>> -> memref<156x128xf32, #tpu.memory_space<vmem>>
    %dma_wait3A_133 = arith.constant 0 : i32
    %dma_wait3A_134 = tpu.memref_slice %arg4[%select_n3A_106, %dma_wait3A_133] : memref<20032x128xf32, #tpu.memory_space<hbm>> -> memref<156x128xf32, #tpu.memory_space<hbm>>
    %dma_wait3A_135 = arith.constant 0 : i32
    %dma_wait3A_136 = arith.constant 0 : i32
    %dma_wait3A_137 = tpu.memref_slice %arg11[%dma_wait3A_135, %dma_wait3A_136] : memref<158x128xf32, #tpu.memory_space<vmem>> -> memref<156x128xf32, #tpu.memory_space<vmem>>
    %dma_wait3A_138 = arith.constant 0 : i32
    %dma_wait3A_139 = tpu.memref_slice %arg4[%select_n3A_106, %dma_wait3A_138] : memref<20032x128xf32, #tpu.memory_space<hbm>> -> memref<156x128xf32, #tpu.memory_space<hbm>>
    tpu.wait_dma2 semaphore(%arg18 : memref<!tpu.dma_semaphore, #tpu.memory_space<semaphore_mem>>) src(%dma_wait3A_139 : memref<156x128xf32, #tpu.memory_space<hbm>>) dst(%dma_wait3A_137 : memref<156x128xf32, #tpu.memory_space<vmem>>)
    %add3A_140 = arith.constant 1264 : i32
    %add3A_141 = arith.addi %add3A, %add3A_140 : i32
    %add3A_142 = arith.constant 1248 : i32
    %add3A_143 = arith.addi %add3A_141, %add3A_142 : i32
    %jit3A_144 = arith.constant 8 : i32
    %div3A_145 = arith.divsi %add3A_143, %jit3A_144 : i32
    %sign3A_146 = arith.constant 0 : i32
    %sign3A_147 = arith.cmpi sgt, %add3A_143, %sign3A_146 : i32
    %sign3A_148 = arith.extui %sign3A_147 : i1 to i32
    %sign3A_149 = arith.constant 0 : i32
    %sign3A_150 = arith.cmpi slt, %add3A_143, %sign3A_149 : i32
    %sign3A_151 = arith.extui %sign3A_150 : i1 to i32
    %sign3A_152 = arith.subi %sign3A_148, %sign3A_151 : i32
    %sign3A_153 = arith.constant 0 : i32
    %sign3A_154 = arith.cmpi sgt, %jit3A_144, %sign3A_153 : i32
    %sign3A_155 = arith.extui %sign3A_154 : i1 to i32
    %sign3A_156 = arith.constant 0 : i32
    %sign3A_157 = arith.cmpi slt, %jit3A_144, %sign3A_156 : i32
    %sign3A_158 = arith.extui %sign3A_157 : i1 to i32
    %sign3A_159 = arith.subi %sign3A_155, %sign3A_158 : i32
    %ne3A_160 = arith.cmpi ne, %sign3A_152, %sign3A_159 : i32
    %rem3A_161 = arith.remsi %add3A_143, %jit3A_144 : i32
    %ne3A_162 = arith.constant 0 : i32
    %ne3A_163 = arith.cmpi ne, %rem3A_161, %ne3A_162 : i32
    %and3A_164 = arith.andi %ne3A_160, %ne3A_163 : i1
    %sub3A_165 = arith.constant 1 : i32
    %sub3A_166 = arith.subi %div3A_145, %sub3A_165 : i32
    %select_n3A_167 = arith.select %and3A_164, %sub3A_166, %div3A_145 : i32
    %dma_start3A_168 = arith.constant 0 : i32
    %dma_start3A_169 = arith.constant 0 : i32
    %dma_start3A_170 = tpu.memref_slice %arg10[%dma_start3A_168, %dma_start3A_169] : memref<158x128xf32, #tpu.memory_space<vmem>> -> memref<156x128xf32, #tpu.memory_space<vmem>>
    %dma_start3A_171 = arith.constant 0 : i32
    %dma_start3A_172 = tpu.memref_slice %arg4[%select_n3A_167, %dma_start3A_171] : memref<20032x128xf32, #tpu.memory_space<hbm>> -> memref<156x128xf32, #tpu.memory_space<hbm>>
    %dma_start3A_173 = arith.constant 0 : i32
    %dma_start3A_174 = arith.constant 0 : i32
    %dma_start3A_175 = tpu.memref_slice %arg10[%dma_start3A_173, %dma_start3A_174] : memref<158x128xf32, #tpu.memory_space<vmem>> -> memref<156x128xf32, #tpu.memory_space<vmem>>
    %dma_start3A_176 = arith.constant 0 : i32
    %dma_start3A_177 = tpu.memref_slice %arg4[%select_n3A_167, %dma_start3A_176] : memref<20032x128xf32, #tpu.memory_space<hbm>> -> memref<156x128xf32, #tpu.memory_space<hbm>>
    tpu.enqueue_dma source(%dma_start3A_177 : memref<156x128xf32, #tpu.memory_space<hbm>>) target(%dma_start3A_175 : memref<156x128xf32, #tpu.memory_space<vmem>>) target_semaphore(%arg18 : memref<!tpu.dma_semaphore, #tpu.memory_space<semaphore_mem>>)
    %scan3A_178 = arith.constant 0 : i32
    %scan3A_179 = arith.constant 0 : i32
    %scan3A_180 = arith.constant 78 : i32
    %scan3A_181 = arith.addi %scan3A_179, %scan3A_180 : i32
    %scan3A_182 = arith.constant 1 : i32
    scf.for %scan3A_317 = %scan3A_179 to %scan3A_181 step %scan3A_182  : i32 {
      %mul3A_318 = arith.constant 16 : i32
      %mul3A_319 = arith.muli %scan3A_317, %mul3A_318 : i32
      %add3A_320 = arith.constant 1264 : i32
      %add3A_321 = arith.addi %add3A_320, %mul3A_319 : i32
      %get3A = arith.index_cast %add3A_321 : i32 to index
      %get3A_322 = tpu.vector_load %arg9[%get3A] {strides = array<i32>} : memref<5008xf32, #tpu.memory_space<vmem>>, vector<16xf32>,
      %mul3A_323 = arith.constant 16 : i32
      %mul3A_324 = arith.muli %scan3A_317, %mul3A_323 : i32
      %add3A_325 = arith.constant 0 : i32
      %add3A_326 = arith.addi %mul3A_324, %add3A_325 : i32
      %mul3A_327 = arith.constant 2 : i32
      %mul3A_328 = arith.muli %scan3A_317, %mul3A_327 : i32
      %add3A_329 = arith.constant 0 : i32
      %add3A_330 = arith.addi %mul3A_328, %add3A_329 : i32
      %get3A_331 = arith.index_cast %add3A_330 : i32 to index
      %get3A_332 = arith.constant 0 : index
      %get3A_333 = tpu.vector_load %arg11[%get3A_331, %get3A_332] {strides = array<i32>} : memref<158x128xf32, #tpu.memory_space<vmem>>, vector<16xf32>,
      %slice3A = vector.extract_strided_slice %get3A_322 {offsets = [0], sizes = [1], strides = [1]} : vector<16xf32> to vector<1xf32>
      %squeeze3A = vector.extract %slice3A[0] : f32 from vector<1xf32>
      %mul3A_334 = vector.broadcast %squeeze3A : f32 to vector<16xf32>
      %mul3A_335 = arith.mulf %get3A_333, %mul3A_334 : vector<16xf32>
      %swap3A = arith.index_cast %add3A_326 : i32 to index
      %swap3A_336 = arith.constant 0 : index
      %swap3A_337 = tpu.vector_load %arg13[%swap3A, %swap3A_336] {strides = array<i32>} : memref<1264x16xf32, #tpu.memory_space<vmem>>, vector<16xf32>,
      tpu.vector_store %arg13[%swap3A, %swap3A_336], %mul3A_335 {strides = array<i32>} : memref<1264x16xf32, #tpu.memory_space<vmem>>, vector<16xf32>,
      %mul3A_338 = arith.constant 16 : i32
      %mul3A_339 = arith.muli %scan3A_317, %mul3A_338 : i32
      %add3A_340 = arith.constant 1 : i32
      %add3A_341 = arith.addi %mul3A_339, %add3A_340 : i32
      %mul3A_342 = arith.constant 2 : i32
      %mul3A_343 = arith.muli %scan3A_317, %mul3A_342 : i32
      %add3A_344 = arith.constant 0 : i32
      %add3A_345 = arith.addi %mul3A_343, %add3A_344 : i32
      %get3A_346 = arith.index_cast %add3A_345 : i32 to index
      %get3A_347 = arith.constant 16 : index
      %get3A_348 = tpu.vector_load %arg11[%get3A_346, %get3A_347] {strides = array<i32>} : memref<158x128xf32, #tpu.memory_space<vmem>>, vector<16xf32>,
      %slice3A_349 = vector.extract_strided_slice %get3A_322 {offsets = [1], sizes = [1], strides = [1]} : vector<16xf32> to vector<1xf32>
      %squeeze3A_350 = vector.extract %slice3A_349[0] : f32 from vector<1xf32>
      %mul3A_351 = vector.broadcast %squeeze3A_350 : f32 to vector<16xf32>
      %mul3A_352 = arith.mulf %get3A_348, %mul3A_351 : vector<16xf32>
      %swap3A_353 = arith.index_cast %add3A_341 : i32 to index
      %swap3A_354 = arith.constant 0 : index
      %swap3A_355 = tpu.vector_load %arg13[%swap3A_353, %swap3A_354] {strides = array<i32>} : memref<1264x16xf32, #tpu.memory_space<vmem>>, vector<16xf32>,
      tpu.vector_store %arg13[%swap3A_353, %swap3A_354], %mul3A_352 {strides = array<i32>} : memref<1264x16xf32, #tpu.memory_space<vmem>>, vector<16xf32>,
      %mul3A_356 = arith.constant 16 : i32
      %mul3A_357 = arith.muli %scan3A_317, %mul3A_356 : i32
      %add3A_358 = arith.constant 2 : i32
      %add3A_359 = arith.addi %mul3A_357, %add3A_358 : i32
      %mul3A_360 = arith.constant 2 : i32
      %mul3A_361 = arith.muli %scan3A_317, %mul3A_360 : i32
      %add3A_362 = arith.constant 0 : i32
      %add3A_363 = arith.addi %mul3A_361, %add3A_362 : i32
      %get3A_364 = arith.index_cast %add3A_363 : i32 to index
      %get3A_365 = arith.constant 32 : index
      %get3A_366 = tpu.vector_load %arg11[%get3A_364, %get3A_365] {strides = array<i32>} : memref<158x128xf32, #tpu.memory_space<vmem>>, vector<16xf32>,
      %slice3A_367 = vector.extract_strided_slice %get3A_322 {offsets = [2], sizes = [1], strides = [1]} : vector<16xf32> to vector<1xf32>
      %squeeze3A_368 = vector.extract %slice3A_367[0] : f32 from vector<1xf32>
      %mul3A_369 = vector.broadcast %squeeze3A_368 : f32 to vector<16xf32>
      %mul3A_370 = arith.mulf %get3A_366, %mul3A_369 : vector<16xf32>
      %swap3A_371 = arith.index_cast %add3A_359 : i32 to index
      %swap3A_372 = arith.constant 0 : index
      %swap3A_373 = tpu.vector_load %arg13[%swap3A_371, %swap3A_372] {strides = array<i32>} : memref<1264x16xf32, #tpu.memory_space<vmem>>, vector<16xf32>,
      tpu.vector_store %arg13[%swap3A_371, %swap3A_372], %mul3A_370 {strides = array<i32>} : memref<1264x16xf32, #tpu.memory_space<vmem>>, vector<16xf32>,
      %mul3A_374 = arith.constant 16 : i32
      %mul3A_375 = arith.muli %scan3A_317, %mul3A_374 : i32
      %add3A_376 = arith.constant 3 : i32
      %add3A_377 = arith.addi %mul3A_375, %add3A_376 : i32
      %mul3A_378 = arith.constant 2 : i32
      %mul3A_379 = arith.muli %scan3A_317, %mul3A_378 : i32
      %add3A_380 = arith.constant 0 : i32
      %add3A_381 = arith.addi %mul3A_379, %add3A_380 : i32
      %get3A_382 = arith.index_cast %add3A_381 : i32 to index
      %get3A_383 = arith.constant 48 : index
      %get3A_384 = tpu.vector_load %arg11[%get3A_382, %get3A_383] {strides = array<i32>} : memref<158x128xf32, #tpu.memory_space<vmem>>, vector<16xf32>,
      %slice3A_385 = vector.extract_strided_slice %get3A_322 {offsets = [3], sizes = [1], strides = [1]} : vector<16xf32> to vector<1xf32>
      %squeeze3A_386 = vector.extract %slice3A_385[0] : f32 from vector<1xf32>
      %mul3A_387 = vector.broadcast %squeeze3A_386 : f32 to vector<16xf32>
      %mul3A_388 = arith.mulf %get3A_384, %mul3A_387 : vector<16xf32>
      %swap3A_389 = arith.index_cast %add3A_377 : i32 to index
      %swap3A_390 = arith.constant 0 : index
      %swap3A_391 = tpu.vector_load %arg13[%swap3A_389, %swap3A_390] {strides = array<i32>} : memref<1264x16xf32, #tpu.memory_space<vmem>>, vector<16xf32>,
      tpu.vector_store %arg13[%swap3A_389, %swap3A_390], %mul3A_388 {strides = array<i32>} : memref<1264x16xf32, #tpu.memory_space<vmem>>, vector<16xf32>,
      %mul3A_392 = arith.constant 16 : i32
      %mul3A_393 = arith.muli %scan3A_317, %mul3A_392 : i32
      %add3A_394 = arith.constant 4 : i32
      %add3A_395 = arith.addi %mul3A_393, %add3A_394 : i32
      %mul3A_396 = arith.constant 2 : i32
      %mul3A_397 = arith.muli %scan3A_317, %mul3A_396 : i32
      %add3A_398 = arith.constant 0 : i32
      %add3A_399 = arith.addi %mul3A_397, %add3A_398 : i32
      %get3A_400 = arith.index_cast %add3A_399 : i32 to index
      %get3A_401 = arith.constant 64 : index
      %get3A_402 = tpu.vector_load %arg11[%get3A_400, %get3A_401] {strides = array<i32>} : memref<158x128xf32, #tpu.memory_space<vmem>>, vector<16xf32>,
      %slice3A_403 = vector.extract_strided_slice %get3A_322 {offsets = [4], sizes = [1], strides = [1]} : vector<16xf32> to vector<1xf32>
      %squeeze3A_404 = vector.extract %slice3A_403[0] : f32 from vector<1xf32>
      %mul3A_405 = vector.broadcast %squeeze3A_404 : f32 to vector<16xf32>
      %mul3A_406 = arith.mulf %get3A_402, %mul3A_405 : vector<16xf32>
      %swap3A_407 = arith.index_cast %add3A_395 : i32 to index
      %swap3A_408 = arith.constant 0 : index
      %swap3A_409 = tpu.vector_load %arg13[%swap3A_407, %swap3A_408] {strides = array<i32>} : memref<1264x16xf32, #tpu.memory_space<vmem>>, vector<16xf32>,
      tpu.vector_store %arg13[%swap3A_407, %swap3A_408], %mul3A_406 {strides = array<i32>} : memref<1264x16xf32, #tpu.memory_space<vmem>>, vector<16xf32>,
      %mul3A_410 = arith.constant 16 : i32
      %mul3A_411 = arith.muli %scan3A_317, %mul3A_410 : i32
      %add3A_412 = arith.constant 5 : i32
      %add3A_413 = arith.addi %mul3A_411, %add3A_412 : i32
      %mul3A_414 = arith.constant 2 : i32
      %mul3A_415 = arith.muli %scan3A_317, %mul3A_414 : i32
      %add3A_416 = arith.constant 0 : i32
      %add3A_417 = arith.addi %mul3A_415, %add3A_416 : i32
      %get3A_418 = arith.index_cast %add3A_417 : i32 to index
      %get3A_419 = arith.constant 80 : index
      %get3A_420 = tpu.vector_load %arg11[%get3A_418, %get3A_419] {strides = array<i32>} : memref<158x128xf32, #tpu.memory_space<vmem>>, vector<16xf32>,
      %slice3A_421 = vector.extract_strided_slice %get3A_322 {offsets = [5], sizes = [1], strides = [1]} : vector<16xf32> to vector<1xf32>
      %squeeze3A_422 = vector.extract %slice3A_421[0] : f32 from vector<1xf32>
      %mul3A_423 = vector.broadcast %squeeze3A_422 : f32 to vector<16xf32>
      %mul3A_424 = arith.mulf %get3A_420, %mul3A_423 : vector<16xf32>
      %swap3A_425 = arith.index_cast %add3A_413 : i32 to index
      %swap3A_426 = arith.constant 0 : index
      %swap3A_427 = tpu.vector_load %arg13[%swap3A_425, %swap3A_426] {strides = array<i32>} : memref<1264x16xf32, #tpu.memory_space<vmem>>, vector<16xf32>,
      tpu.vector_store %arg13[%swap3A_425, %swap3A_426], %mul3A_424 {strides = array<i32>} : memref<1264x16xf32, #tpu.memory_space<vmem>>, vector<16xf32>,
      %mul3A_428 = arith.constant 16 : i32
      %mul3A_429 = arith.muli %scan3A_317, %mul3A_428 : i32
      %add3A_430 = arith.constant 6 : i32
      %add3A_431 = arith.addi %mul3A_429, %add3A_430 : i32
      %mul3A_432 = arith.constant 2 : i32
      %mul3A_433 = arith.muli %scan3A_317, %mul3A_432 : i32
      %add3A_434 = arith.constant 0 : i32
      %add3A_435 = arith.addi %mul3A_433, %add3A_434 : i32
      %get3A_436 = arith.index_cast %add3A_435 : i32 to index
      %get3A_437 = arith.constant 96 : index
      %get3A_438 = tpu.vector_load %arg11[%get3A_436, %get3A_437] {strides = array<i32>} : memref<158x128xf32, #tpu.memory_space<vmem>>, vector<16xf32>,
      %slice3A_439 = vector.extract_strided_slice %get3A_322 {offsets = [6], sizes = [1], strides = [1]} : vector<16xf32> to vector<1xf32>
      %squeeze3A_440 = vector.extract %slice3A_439[0] : f32 from vector<1xf32>
      %mul3A_441 = vector.broadcast %squeeze3A_440 : f32 to vector<16xf32>
      %mul3A_442 = arith.mulf %get3A_438, %mul3A_441 : vector<16xf32>
      %swap3A_443 = arith.index_cast %add3A_431 : i32 to index
      %swap3A_444 = arith.constant 0 : index
      %swap3A_445 = tpu.vector_load %arg13[%swap3A_443, %swap3A_444] {strides = array<i32>} : memref<1264x16xf32, #tpu.memory_space<vmem>>, vector<16xf32>,
      tpu.vector_store %arg13[%swap3A_443, %swap3A_444], %mul3A_442 {strides = array<i32>} : memref<1264x16xf32, #tpu.memory_space<vmem>>, vector<16xf32>,
      %mul3A_446 = arith.constant 16 : i32
      %mul3A_447 = arith.muli %scan3A_317, %mul3A_446 : i32
      %add3A_448 = arith.constant 7 : i32
      %add3A_449 = arith.addi %mul3A_447, %add3A_448 : i32
      %mul3A_450 = arith.constant 2 : i32
      %mul3A_451 = arith.muli %scan3A_317, %mul3A_450 : i32
      %add3A_452 = arith.constant 0 : i32
      %add3A_453 = arith.addi %mul3A_451, %add3A_452 : i32
      %get3A_454 = arith.index_cast %add3A_453 : i32 to index
      %get3A_455 = arith.constant 112 : index
      %get3A_456 = tpu.vector_load %arg11[%get3A_454, %get3A_455] {strides = array<i32>} : memref<158x128xf32, #tpu.memory_space<vmem>>, vector<16xf32>,
      %slice3A_457 = vector.extract_strided_slice %get3A_322 {offsets = [7], sizes = [1], strides = [1]} : vector<16xf32> to vector<1xf32>
      %squeeze3A_458 = vector.extract %slice3A_457[0] : f32 from vector<1xf32>
      %mul3A_459 = vector.broadcast %squeeze3A_458 : f32 to vector<16xf32>
      %mul3A_460 = arith.mulf %get3A_456, %mul3A_459 : vector<16xf32>
      %swap3A_461 = arith.index_cast %add3A_449 : i32 to index
      %swap3A_462 = arith.constant 0 : index
      %swap3A_463 = tpu.vector_load %arg13[%swap3A_461, %swap3A_462] {strides = array<i32>} : memref<1264x16xf32, #tpu.memory_space<vmem>>, vector<16xf32>,
      tpu.vector_store %arg13[%swap3A_461, %swap3A_462], %mul3A_460 {strides = array<i32>} : memref<1264x16xf32, #tpu.memory_space<vmem>>, vector<16xf32>,
      %mul3A_464 = arith.constant 16 : i32
      %mul3A_465 = arith.muli %scan3A_317, %mul3A_464 : i32
      %add3A_466 = arith.constant 8 : i32
      %add3A_467 = arith.addi %mul3A_465, %add3A_466 : i32
      %mul3A_468 = arith.constant 2 : i32
      %mul3A_469 = arith.muli %scan3A_317, %mul3A_468 : i32
      %add3A_470 = arith.constant 1 : i32
      %add3A_471 = arith.addi %mul3A_469, %add3A_470 : i32
      %get3A_472 = arith.index_cast %add3A_471 : i32 to index
      %get3A_473 = arith.constant 0 : index
      %get3A_474 = tpu.vector_load %arg11[%get3A_472, %get3A_473] {strides = array<i32>} : memref<158x128xf32, #tpu.memory_space<vmem>>, vector<16xf32>,
      %slice3A_475 = vector.extract_strided_slice %get3A_322 {offsets = [8], sizes = [1], strides = [1]} : vector<16xf32> to vector<1xf32>
      %squeeze3A_476 = vector.extract %slice3A_475[0] : f32 from vector<1xf32>
      %mul3A_477 = vector.broadcast %squeeze3A_476 : f32 to vector<16xf32>
      %mul3A_478 = arith.mulf %get3A_474, %mul3A_477 : vector<16xf32>
      %swap3A_479 = arith.index_cast %add3A_467 : i32 to index
      %swap3A_480 = arith.constant 0 : index
      %swap3A_481 = tpu.vector_load %arg13[%swap3A_479, %swap3A_480] {strides = array<i32>} : memref<1264x16xf32, #tpu.memory_space<vmem>>, vector<16xf32>,
      tpu.vector_store %arg13[%swap3A_479, %swap3A_480], %mul3A_478 {strides = array<i32>} : memref<1264x16xf32, #tpu.memory_space<vmem>>, vector<16xf32>,
      %mul3A_482 = arith.constant 16 : i32
      %mul3A_483 = arith.muli %scan3A_317, %mul3A_482 : i32
      %add3A_484 = arith.constant 9 : i32
      %add3A_485 = arith.addi %mul3A_483, %add3A_484 : i32
      %mul3A_486 = arith.constant 2 : i32
      %mul3A_487 = arith.muli %scan3A_317, %mul3A_486 : i32
      %add3A_488 = arith.constant 1 : i32
      %add3A_489 = arith.addi %mul3A_487, %add3A_488 : i32
      %get3A_490 = arith.index_cast %add3A_489 : i32 to index
      %get3A_491 = arith.constant 16 : index
      %get3A_492 = tpu.vector_load %arg11[%get3A_490, %get3A_491] {strides = array<i32>} : memref<158x128xf32, #tpu.memory_space<vmem>>, vector<16xf32>,
      %slice3A_493 = vector.extract_strided_slice %get3A_322 {offsets = [9], sizes = [1], strides = [1]} : vector<16xf32> to vector<1xf32>
      %squeeze3A_494 = vector.extract %slice3A_493[0] : f32 from vector<1xf32>
      %mul3A_495 = vector.broadcast %squeeze3A_494 : f32 to vector<16xf32>
      %mul3A_496 = arith.mulf %get3A_492, %mul3A_495 : vector<16xf32>
      %swap3A_497 = arith.index_cast %add3A_485 : i32 to index
      %swap3A_498 = arith.constant 0 : index
      %swap3A_499 = tpu.vector_load %arg13[%swap3A_497, %swap3A_498] {strides = array<i32>} : memref<1264x16xf32, #tpu.memory_space<vmem>>, vector<16xf32>,
      tpu.vector_store %arg13[%swap3A_497, %swap3A_498], %mul3A_496 {strides = array<i32>} : memref<1264x16xf32, #tpu.memory_space<vmem>>, vector<16xf32>,
      %mul3A_500 = arith.constant 16 : i32
      %mul3A_501 = arith.muli %scan3A_317, %mul3A_500 : i32
      %add3A_502 = arith.constant 10 : i32
      %add3A_503 = arith.addi %mul3A_501, %add3A_502 : i32
      %mul3A_504 = arith.constant 2 : i32
      %mul3A_505 = arith.muli %scan3A_317, %mul3A_504 : i32
      %add3A_506 = arith.constant 1 : i32
      %add3A_507 = arith.addi %mul3A_505, %add3A_506 : i32
      %get3A_508 = arith.index_cast %add3A_507 : i32 to index
      %get3A_509 = arith.constant 32 : index
      %get3A_510 = tpu.vector_load %arg11[%get3A_508, %get3A_509] {strides = array<i32>} : memref<158x128xf32, #tpu.memory_space<vmem>>, vector<16xf32>,
      %slice3A_511 = vector.extract_strided_slice %get3A_322 {offsets = [10], sizes = [1], strides = [1]} : vector<16xf32> to vector<1xf32>
      %squeeze3A_512 = vector.extract %slice3A_511[0] : f32 from vector<1xf32>
      %mul3A_513 = vector.broadcast %squeeze3A_512 : f32 to vector<16xf32>
      %mul3A_514 = arith.mulf %get3A_510, %mul3A_513 : vector<16xf32>
      %swap3A_515 = arith.index_cast %add3A_503 : i32 to index
      %swap3A_516 = arith.constant 0 : index
      %swap3A_517 = tpu.vector_load %arg13[%swap3A_515, %swap3A_516] {strides = array<i32>} : memref<1264x16xf32, #tpu.memory_space<vmem>>, vector<16xf32>,
      tpu.vector_store %arg13[%swap3A_515, %swap3A_516], %mul3A_514 {strides = array<i32>} : memref<1264x16xf32, #tpu.memory_space<vmem>>, vector<16xf32>,
      %mul3A_518 = arith.constant 16 : i32
      %mul3A_519 = arith.muli %scan3A_317, %mul3A_518 : i32
      %add3A_520 = arith.constant 11 : i32
      %add3A_521 = arith.addi %mul3A_519, %add3A_520 : i32
      %mul3A_522 = arith.constant 2 : i32
      %mul3A_523 = arith.muli %scan3A_317, %mul3A_522 : i32
      %add3A_524 = arith.constant 1 : i32
      %add3A_525 = arith.addi %mul3A_523, %add3A_524 : i32
      %get3A_526 = arith.index_cast %add3A_525 : i32 to index
      %get3A_527 = arith.constant 48 : index
      %get3A_528 = tpu.vector_load %arg11[%get3A_526, %get3A_527] {strides = array<i32>} : memref<158x128xf32, #tpu.memory_space<vmem>>, vector<16xf32>,
      %slice3A_529 = vector.extract_strided_slice %get3A_322 {offsets = [11], sizes = [1], strides = [1]} : vector<16xf32> to vector<1xf32>
      %squeeze3A_530 = vector.extract %slice3A_529[0] : f32 from vector<1xf32>
      %mul3A_531 = vector.broadcast %squeeze3A_530 : f32 to vector<16xf32>
      %mul3A_532 = arith.mulf %get3A_528, %mul3A_531 : vector<16xf32>
      %swap3A_533 = arith.index_cast %add3A_521 : i32 to index
      %swap3A_534 = arith.constant 0 : index
      %swap3A_535 = tpu.vector_load %arg13[%swap3A_533, %swap3A_534] {strides = array<i32>} : memref<1264x16xf32, #tpu.memory_space<vmem>>, vector<16xf32>,
      tpu.vector_store %arg13[%swap3A_533, %swap3A_534], %mul3A_532 {strides = array<i32>} : memref<1264x16xf32, #tpu.memory_space<vmem>>, vector<16xf32>,
      %mul3A_536 = arith.constant 16 : i32
      %mul3A_537 = arith.muli %scan3A_317, %mul3A_536 : i32
      %add3A_538 = arith.constant 12 : i32
      %add3A_539 = arith.addi %mul3A_537, %add3A_538 : i32
      %mul3A_540 = arith.constant 2 : i32
      %mul3A_541 = arith.muli %scan3A_317, %mul3A_540 : i32
      %add3A_542 = arith.constant 1 : i32
      %add3A_543 = arith.addi %mul3A_541, %add3A_542 : i32
      %get3A_544 = arith.index_cast %add3A_543 : i32 to index
      %get3A_545 = arith.constant 64 : index
      %get3A_546 = tpu.vector_load %arg11[%get3A_544, %get3A_545] {strides = array<i32>} : memref<158x128xf32, #tpu.memory_space<vmem>>, vector<16xf32>,
      %slice3A_547 = vector.extract_strided_slice %get3A_322 {offsets = [12], sizes = [1], strides = [1]} : vector<16xf32> to vector<1xf32>
      %squeeze3A_548 = vector.extract %slice3A_547[0] : f32 from vector<1xf32>
      %mul3A_549 = vector.broadcast %squeeze3A_548 : f32 to vector<16xf32>
      %mul3A_550 = arith.mulf %get3A_546, %mul3A_549 : vector<16xf32>
      %swap3A_551 = arith.index_cast %add3A_539 : i32 to index
      %swap3A_552 = arith.constant 0 : index
      %swap3A_553 = tpu.vector_load %arg13[%swap3A_551, %swap3A_552] {strides = array<i32>} : memref<1264x16xf32, #tpu.memory_space<vmem>>, vector<16xf32>,
      tpu.vector_store %arg13[%swap3A_551, %swap3A_552], %mul3A_550 {strides = array<i32>} : memref<1264x16xf32, #tpu.memory_space<vmem>>, vector<16xf32>,
      %mul3A_554 = arith.constant 16 : i32
      %mul3A_555 = arith.muli %scan3A_317, %mul3A_554 : i32
      %add3A_556 = arith.constant 13 : i32
      %add3A_557 = arith.addi %mul3A_555, %add3A_556 : i32
      %mul3A_558 = arith.constant 2 : i32
      %mul3A_559 = arith.muli %scan3A_317, %mul3A_558 : i32
      %add3A_560 = arith.constant 1 : i32
      %add3A_561 = arith.addi %mul3A_559, %add3A_560 : i32
      %get3A_562 = arith.index_cast %add3A_561 : i32 to index
      %get3A_563 = arith.constant 80 : index
      %get3A_564 = tpu.vector_load %arg11[%get3A_562, %get3A_563] {strides = array<i32>} : memref<158x128xf32, #tpu.memory_space<vmem>>, vector<16xf32>,
      %slice3A_565 = vector.extract_strided_slice %get3A_322 {offsets = [13], sizes = [1], strides = [1]} : vector<16xf32> to vector<1xf32>
      %squeeze3A_566 = vector.extract %slice3A_565[0] : f32 from vector<1xf32>
      %mul3A_567 = vector.broadcast %squeeze3A_566 : f32 to vector<16xf32>
      %mul3A_568 = arith.mulf %get3A_564, %mul3A_567 : vector<16xf32>
      %swap3A_569 = arith.index_cast %add3A_557 : i32 to index
      %swap3A_570 = arith.constant 0 : index
      %swap3A_571 = tpu.vector_load %arg13[%swap3A_569, %swap3A_570] {strides = array<i32>} : memref<1264x16xf32, #tpu.memory_space<vmem>>, vector<16xf32>,
      tpu.vector_store %arg13[%swap3A_569, %swap3A_570], %mul3A_568 {strides = array<i32>} : memref<1264x16xf32, #tpu.memory_space<vmem>>, vector<16xf32>,
      %mul3A_572 = arith.constant 16 : i32
      %mul3A_573 = arith.muli %scan3A_317, %mul3A_572 : i32
      %add3A_574 = arith.constant 14 : i32
      %add3A_575 = arith.addi %mul3A_573, %add3A_574 : i32
      %mul3A_576 = arith.constant 2 : i32
      %mul3A_577 = arith.muli %scan3A_317, %mul3A_576 : i32
      %add3A_578 = arith.constant 1 : i32
      %add3A_579 = arith.addi %mul3A_577, %add3A_578 : i32
      %get3A_580 = arith.index_cast %add3A_579 : i32 to index
      %get3A_581 = arith.constant 96 : index
      %get3A_582 = tpu.vector_load %arg11[%get3A_580, %get3A_581] {strides = array<i32>} : memref<158x128xf32, #tpu.memory_space<vmem>>, vector<16xf32>,
      %slice3A_583 = vector.extract_strided_slice %get3A_322 {offsets = [14], sizes = [1], strides = [1]} : vector<16xf32> to vector<1xf32>
      %squeeze3A_584 = vector.extract %slice3A_583[0] : f32 from vector<1xf32>
      %mul3A_585 = vector.broadcast %squeeze3A_584 : f32 to vector<16xf32>
      %mul3A_586 = arith.mulf %get3A_582, %mul3A_585 : vector<16xf32>
      %swap3A_587 = arith.index_cast %add3A_575 : i32 to index
      %swap3A_588 = arith.constant 0 : index
      %swap3A_589 = tpu.vector_load %arg13[%swap3A_587, %swap3A_588] {strides = array<i32>} : memref<1264x16xf32, #tpu.memory_space<vmem>>, vector<16xf32>,
      tpu.vector_store %arg13[%swap3A_587, %swap3A_588], %mul3A_586 {strides = array<i32>} : memref<1264x16xf32, #tpu.memory_space<vmem>>, vector<16xf32>,
      %mul3A_590 = arith.constant 16 : i32
      %mul3A_591 = arith.muli %scan3A_317, %mul3A_590 : i32
      %add3A_592 = arith.constant 15 : i32
      %add3A_593 = arith.addi %mul3A_591, %add3A_592 : i32
      %mul3A_594 = arith.constant 2 : i32
      %mul3A_595 = arith.muli %scan3A_317, %mul3A_594 : i32
      %add3A_596 = arith.constant 1 : i32
      %add3A_597 = arith.addi %mul3A_595, %add3A_596 : i32
      %get3A_598 = arith.index_cast %add3A_597 : i32 to index
      %get3A_599 = arith.constant 112 : index
      %get3A_600 = tpu.vector_load %arg11[%get3A_598, %get3A_599] {strides = array<i32>} : memref<158x128xf32, #tpu.memory_space<vmem>>, vector<16xf32>,
      %slice3A_601 = vector.extract_strided_slice %get3A_322 {offsets = [15], sizes = [1], strides = [1]} : vector<16xf32> to vector<1xf32>
      %squeeze3A_602 = vector.extract %slice3A_601[0] : f32 from vector<1xf32>
      %mul3A_603 = vector.broadcast %squeeze3A_602 : f32 to vector<16xf32>
      %mul3A_604 = arith.mulf %get3A_600, %mul3A_603 : vector<16xf32>
      %swap3A_605 = arith.index_cast %add3A_593 : i32 to index
      %swap3A_606 = arith.constant 0 : index
      %swap3A_607 = tpu.vector_load %arg13[%swap3A_605, %swap3A_606] {strides = array<i32>} : memref<1264x16xf32, #tpu.memory_space<vmem>>, vector<16xf32>,
      tpu.vector_store %arg13[%swap3A_605, %swap3A_606], %mul3A_604 {strides = array<i32>} : memref<1264x16xf32, #tpu.memory_space<vmem>>, vector<16xf32>,
    }
    %scan3A_183 = arith.constant 78 : i32
    %dma_wait3A_184 = arith.constant 0 : i32
    %dma_wait3A_185 = arith.constant 0 : i32
    %dma_wait3A_186 = tpu.memref_slice %arg12[%dma_wait3A_184, %dma_wait3A_185] : memref<1264x16xf32, #tpu.memory_space<vmem>> -> memref<1264x16xf32, #tpu.memory_space<vmem>>
    %dma_wait3A_187 = arith.constant 0 : i32
    %dma_wait3A_188 = tpu.memref_slice %arg8[%dma_wait3A_187] : memref<5008xi32, #tpu.memory_space<vmem>> -> memref<1264xi32, #tpu.memory_space<vmem>>
    %dma_wait3A_189 = arith.constant 0 : i32
    %dma_wait3A_190 = arith.constant 0 : i32
    %dma_wait3A_191 = tpu.memref_slice %arg17[%dma_wait3A_189, %dma_wait3A_190] : memref<10240x16xf32, #tpu.memory_space<vmem_shared>> -> memref<10240x16xf32, #tpu.memory_space<vmem_shared>>
    tpu.wait_indirect_dma semaphore(%arg19 : memref<!tpu.dma_semaphore, #tpu.memory_space<semaphore_mem>>) src(%dma_wait3A_186 : memref<1264x16xf32, #tpu.memory_space<vmem>>) dst(%dma_wait3A_191 : memref<10240x16xf32, #tpu.memory_space<vmem_shared>>)
    %dma_start3A_192 = arith.constant 0 : i32
    %dma_start3A_193 = arith.constant 0 : i32
    %dma_start3A_194 = tpu.memref_slice %arg13[%dma_start3A_192, %dma_start3A_193] : memref<1264x16xf32, #tpu.memory_space<vmem>> -> memref<1248x16xf32, #tpu.memory_space<vmem>>
    %dma_start3A_195 = arith.constant 1264 : i32
    %dma_start3A_196 = tpu.memref_slice %arg8[%dma_start3A_195] : memref<5008xi32, #tpu.memory_space<vmem>> -> memref<1248xi32, #tpu.memory_space<vmem>>
    %dma_start3A_197 = arith.constant 0 : i32
    %dma_start3A_198 = arith.constant 0 : i32
    %dma_start3A_199 = tpu.memref_slice %arg17[%dma_start3A_197, %dma_start3A_198] : memref<10240x16xf32, #tpu.memory_space<vmem_shared>> -> memref<10240x16xf32, #tpu.memory_space<vmem_shared>>
    tpu.enqueue_indirect_dma source(%dma_start3A_194 : memref<1248x16xf32, #tpu.memory_space<vmem>>) target(%dma_start3A_199 : memref<10240x16xf32, #tpu.memory_space<vmem_shared>>) offsets(%dma_start3A_196 : memref<1248xi32, #tpu.memory_space<vmem>>) semaphore(%arg19 : memref<!tpu.dma_semaphore, #tpu.memory_space<semaphore_mem>>) {add = true}
    %dma_wait3A_200 = arith.constant 0 : i32
    %dma_wait3A_201 = arith.constant 0 : i32
    %dma_wait3A_202 = tpu.memref_slice %arg10[%dma_wait3A_200, %dma_wait3A_201] : memref<158x128xf32, #tpu.memory_space<vmem>> -> memref<156x128xf32, #tpu.memory_space<vmem>>
    %dma_wait3A_203 = arith.constant 0 : i32
    %dma_wait3A_204 = tpu.memref_slice %arg4[%select_n3A_167, %dma_wait3A_203] : memref<20032x128xf32, #tpu.memory_space<hbm>> -> memref<156x128xf32, #tpu.memory_space<hbm>>
    %dma_wait3A_205 = arith.constant 0 : i32
    %dma_wait3A_206 = arith.constant 0 : i32
    %dma_wait3A_207 = tpu.memref_slice %arg10[%dma_wait3A_205, %dma_wait3A_206] : memref<158x128xf32, #tpu.memory_space<vmem>> -> memref<156x128xf32, #tpu.memory_space<vmem>>
    %dma_wait3A_208 = arith.constant 0 : i32
    %dma_wait3A_209 = tpu.memref_slice %arg4[%select_n3A_167, %dma_wait3A_208] : memref<20032x128xf32, #tpu.memory_space<hbm>> -> memref<156x128xf32, #tpu.memory_space<hbm>>
    tpu.wait_dma2 semaphore(%arg18 : memref<!tpu.dma_semaphore, #tpu.memory_space<semaphore_mem>>) src(%dma_wait3A_209 : memref<156x128xf32, #tpu.memory_space<hbm>>) dst(%dma_wait3A_207 : memref<156x128xf32, #tpu.memory_space<vmem>>)
    %add3A_210 = arith.constant 2512 : i32
    %add3A_211 = arith.addi %add3A, %add3A_210 : i32
    %add3A_212 = arith.constant 1248 : i32
    %add3A_213 = arith.addi %add3A_211, %add3A_212 : i32
    %jit3A_214 = arith.constant 8 : i32
    %div3A_215 = arith.divsi %add3A_213, %jit3A_214 : i32
    %sign3A_216 = arith.constant 0 : i32
    %sign3A_217 = arith.cmpi sgt, %add3A_213, %sign3A_216 : i32
    %sign3A_218 = arith.extui %sign3A_217 : i1 to i32
    %sign3A_219 = arith.constant 0 : i32
    %sign3A_220 = arith.cmpi slt, %add3A_213, %sign3A_219 : i32
    %sign3A_221 = arith.extui %sign3A_220 : i1 to i32
    %sign3A_222 = arith.subi %sign3A_218, %sign3A_221 : i32
    %sign3A_223 = arith.constant 0 : i32
    %sign3A_224 = arith.cmpi sgt, %jit3A_214, %sign3A_223 : i32
    %sign3A_225 = arith.extui %sign3A_224 : i1 to i32
    %sign3A_226 = arith.constant 0 : i32
    %sign3A_227 = arith.cmpi slt, %jit3A_214, %sign3A_226 : i32
    %sign3A_228 = arith.extui %sign3A_227 : i1 to i32
    %sign3A_229 = arith.subi %sign3A_225, %sign3A_228 : i32
    %ne3A_230 = arith.cmpi ne, %sign3A_222, %sign3A_229 : i32
    %rem3A_231 = arith.remsi %add3A_213, %jit3A_214 : i32
    %ne3A_232 = arith.constant 0 : i32
    %ne3A_233 = arith.cmpi ne, %rem3A_231, %ne3A_232 : i32
    %and3A_234 = arith.andi %ne3A_230, %ne3A_233 : i1
    %sub3A_235 = arith.constant 1 : i32
    %sub3A_236 = arith.subi %div3A_215, %sub3A_235 : i32
    %select_n3A_237 = arith.select %and3A_234, %sub3A_236, %div3A_215 : i32
    %dma_start3A_238 = arith.constant 0 : i32
    %dma_start3A_239 = arith.constant 0 : i32
    %dma_start3A_240 = tpu.memref_slice %arg11[%dma_start3A_238, %dma_start3A_239] : memref<158x128xf32, #tpu.memory_space<vmem>> -> memref<156x128xf32, #tpu.memory_space<vmem>>
    %dma_start3A_241 = arith.constant 0 : i32
    %dma_start3A_242 = tpu.memref_slice %arg4[%select_n3A_237, %dma_start3A_241] : memref<20032x128xf32, #tpu.memory_space<hbm>> -> memref<156x128xf32, #tpu.memory_space<hbm>>
    %dma_start3A_243 = arith.constant 0 : i32
    %dma_start3A_244 = arith.constant 0 : i32
    %dma_start3A_245 = tpu.memref_slice %arg11[%dma_start3A_243, %dma_start3A_244] : memref<158x128xf32, #tpu.memory_space<vmem>> -> memref<156x128xf32, #tpu.memory_space<vmem>>
    %dma_start3A_246 = arith.constant 0 : i32
    %dma_start3A_247 = tpu.memref_slice %arg4[%select_n3A_237, %dma_start3A_246] : memref<20032x128xf32, #tpu.memory_space<hbm>> -> memref<156x128xf32, #tpu.memory_space<hbm>>
    tpu.enqueue_dma source(%dma_start3A_247 : memref<156x128xf32, #tpu.memory_space<hbm>>) target(%dma_start3A_245 : memref<156x128xf32, #tpu.memory_space<vmem>>) target_semaphore(%arg18 : memref<!tpu.dma_semaphore, #tpu.memory_space<semaphore_mem>>)
    %scan3A_248 = arith.constant 0 : i32
    %scan3A_249 = arith.constant 0 : i32
    %scan3A_250 = arith.constant 78 : i32
    %scan3A_251 = arith.addi %scan3A_249, %scan3A_250 : i32
    %scan3A_252 = arith.constant 1 : i32
    scf.for %scan3A_317 = %scan3A_249 to %scan3A_251 step %scan3A_252  : i32 {
      %mul3A_318 = arith.constant 16 : i32
      %mul3A_319 = arith.muli %scan3A_317, %mul3A_318 : i32
      %add3A_320 = arith.constant 2512 : i32
      %add3A_321 = arith.addi %add3A_320, %mul3A_319 : i32
      %get3A = arith.index_cast %add3A_321 : i32 to index
      %get3A_322 = tpu.vector_load %arg9[%get3A] {strides = array<i32>} : memref<5008xf32, #tpu.memory_space<vmem>>, vector<16xf32>,
      %mul3A_323 = arith.constant 16 : i32
      %mul3A_324 = arith.muli %scan3A_317, %mul3A_323 : i32
      %add3A_325 = arith.constant 0 : i32
      %add3A_326 = arith.addi %mul3A_324, %add3A_325 : i32
      %mul3A_327 = arith.constant 2 : i32
      %mul3A_328 = arith.muli %scan3A_317, %mul3A_327 : i32
      %add3A_329 = arith.constant 0 : i32
      %add3A_330 = arith.addi %mul3A_328, %add3A_329 : i32
      %get3A_331 = arith.index_cast %add3A_330 : i32 to index
      %get3A_332 = arith.constant 0 : index
      %get3A_333 = tpu.vector_load %arg10[%get3A_331, %get3A_332] {strides = array<i32>} : memref<158x128xf32, #tpu.memory_space<vmem>>, vector<16xf32>,
      %slice3A = vector.extract_strided_slice %get3A_322 {offsets = [0], sizes = [1], strides = [1]} : vector<16xf32> to vector<1xf32>
      %squeeze3A = vector.extract %slice3A[0] : f32 from vector<1xf32>
      %mul3A_334 = vector.broadcast %squeeze3A : f32 to vector<16xf32>
      %mul3A_335 = arith.mulf %get3A_333, %mul3A_334 : vector<16xf32>
      %swap3A = arith.index_cast %add3A_326 : i32 to index
      %swap3A_336 = arith.constant 0 : index
      %swap3A_337 = tpu.vector_load %arg12[%swap3A, %swap3A_336] {strides = array<i32>} : memref<1264x16xf32, #tpu.memory_space<vmem>>, vector<16xf32>,
      tpu.vector_store %arg12[%swap3A, %swap3A_336], %mul3A_335 {strides = array<i32>} : memref<1264x16xf32, #tpu.memory_space<vmem>>, vector<16xf32>,
      %mul3A_338 = arith.constant 16 : i32
      %mul3A_339 = arith.muli %scan3A_317, %mul3A_338 : i32
      %add3A_340 = arith.constant 1 : i32
      %add3A_341 = arith.addi %mul3A_339, %add3A_340 : i32
      %mul3A_342 = arith.constant 2 : i32
      %mul3A_343 = arith.muli %scan3A_317, %mul3A_342 : i32
      %add3A_344 = arith.constant 0 : i32
      %add3A_345 = arith.addi %mul3A_343, %add3A_344 : i32
      %get3A_346 = arith.index_cast %add3A_345 : i32 to index
      %get3A_347 = arith.constant 16 : index
      %get3A_348 = tpu.vector_load %arg10[%get3A_346, %get3A_347] {strides = array<i32>} : memref<158x128xf32, #tpu.memory_space<vmem>>, vector<16xf32>,
      %slice3A_349 = vector.extract_strided_slice %get3A_322 {offsets = [1], sizes = [1], strides = [1]} : vector<16xf32> to vector<1xf32>
      %squeeze3A_350 = vector.extract %slice3A_349[0] : f32 from vector<1xf32>
      %mul3A_351 = vector.broadcast %squeeze3A_350 : f32 to vector<16xf32>
      %mul3A_352 = arith.mulf %get3A_348, %mul3A_351 : vector<16xf32>
      %swap3A_353 = arith.index_cast %add3A_341 : i32 to index
      %swap3A_354 = arith.constant 0 : index
      %swap3A_355 = tpu.vector_load %arg12[%swap3A_353, %swap3A_354] {strides = array<i32>} : memref<1264x16xf32, #tpu.memory_space<vmem>>, vector<16xf32>,
      tpu.vector_store %arg12[%swap3A_353, %swap3A_354], %mul3A_352 {strides = array<i32>} : memref<1264x16xf32, #tpu.memory_space<vmem>>, vector<16xf32>,
      %mul3A_356 = arith.constant 16 : i32
      %mul3A_357 = arith.muli %scan3A_317, %mul3A_356 : i32
      %add3A_358 = arith.constant 2 : i32
      %add3A_359 = arith.addi %mul3A_357, %add3A_358 : i32
      %mul3A_360 = arith.constant 2 : i32
      %mul3A_361 = arith.muli %scan3A_317, %mul3A_360 : i32
      %add3A_362 = arith.constant 0 : i32
      %add3A_363 = arith.addi %mul3A_361, %add3A_362 : i32
      %get3A_364 = arith.index_cast %add3A_363 : i32 to index
      %get3A_365 = arith.constant 32 : index
      %get3A_366 = tpu.vector_load %arg10[%get3A_364, %get3A_365] {strides = array<i32>} : memref<158x128xf32, #tpu.memory_space<vmem>>, vector<16xf32>,
      %slice3A_367 = vector.extract_strided_slice %get3A_322 {offsets = [2], sizes = [1], strides = [1]} : vector<16xf32> to vector<1xf32>
      %squeeze3A_368 = vector.extract %slice3A_367[0] : f32 from vector<1xf32>
      %mul3A_369 = vector.broadcast %squeeze3A_368 : f32 to vector<16xf32>
      %mul3A_370 = arith.mulf %get3A_366, %mul3A_369 : vector<16xf32>
      %swap3A_371 = arith.index_cast %add3A_359 : i32 to index
      %swap3A_372 = arith.constant 0 : index
      %swap3A_373 = tpu.vector_load %arg12[%swap3A_371, %swap3A_372] {strides = array<i32>} : memref<1264x16xf32, #tpu.memory_space<vmem>>, vector<16xf32>,
      tpu.vector_store %arg12[%swap3A_371, %swap3A_372], %mul3A_370 {strides = array<i32>} : memref<1264x16xf32, #tpu.memory_space<vmem>>, vector<16xf32>,
      %mul3A_374 = arith.constant 16 : i32
      %mul3A_375 = arith.muli %scan3A_317, %mul3A_374 : i32
      %add3A_376 = arith.constant 3 : i32
      %add3A_377 = arith.addi %mul3A_375, %add3A_376 : i32
      %mul3A_378 = arith.constant 2 : i32
      %mul3A_379 = arith.muli %scan3A_317, %mul3A_378 : i32
      %add3A_380 = arith.constant 0 : i32
      %add3A_381 = arith.addi %mul3A_379, %add3A_380 : i32
      %get3A_382 = arith.index_cast %add3A_381 : i32 to index
      %get3A_383 = arith.constant 48 : index
      %get3A_384 = tpu.vector_load %arg10[%get3A_382, %get3A_383] {strides = array<i32>} : memref<158x128xf32, #tpu.memory_space<vmem>>, vector<16xf32>,
      %slice3A_385 = vector.extract_strided_slice %get3A_322 {offsets = [3], sizes = [1], strides = [1]} : vector<16xf32> to vector<1xf32>
      %squeeze3A_386 = vector.extract %slice3A_385[0] : f32 from vector<1xf32>
      %mul3A_387 = vector.broadcast %squeeze3A_386 : f32 to vector<16xf32>
      %mul3A_388 = arith.mulf %get3A_384, %mul3A_387 : vector<16xf32>
      %swap3A_389 = arith.index_cast %add3A_377 : i32 to index
      %swap3A_390 = arith.constant 0 : index
      %swap3A_391 = tpu.vector_load %arg12[%swap3A_389, %swap3A_390] {strides = array<i32>} : memref<1264x16xf32, #tpu.memory_space<vmem>>, vector<16xf32>,
      tpu.vector_store %arg12[%swap3A_389, %swap3A_390], %mul3A_388 {strides = array<i32>} : memref<1264x16xf32, #tpu.memory_space<vmem>>, vector<16xf32>,
      %mul3A_392 = arith.constant 16 : i32
      %mul3A_393 = arith.muli %scan3A_317, %mul3A_392 : i32
      %add3A_394 = arith.constant 4 : i32
      %add3A_395 = arith.addi %mul3A_393, %add3A_394 : i32
      %mul3A_396 = arith.constant 2 : i32
      %mul3A_397 = arith.muli %scan3A_317, %mul3A_396 : i32
      %add3A_398 = arith.constant 0 : i32
      %add3A_399 = arith.addi %mul3A_397, %add3A_398 : i32
      %get3A_400 = arith.index_cast %add3A_399 : i32 to index
      %get3A_401 = arith.constant 64 : index
      %get3A_402 = tpu.vector_load %arg10[%get3A_400, %get3A_401] {strides = array<i32>} : memref<158x128xf32, #tpu.memory_space<vmem>>, vector<16xf32>,
      %slice3A_403 = vector.extract_strided_slice %get3A_322 {offsets = [4], sizes = [1], strides = [1]} : vector<16xf32> to vector<1xf32>
      %squeeze3A_404 = vector.extract %slice3A_403[0] : f32 from vector<1xf32>
      %mul3A_405 = vector.broadcast %squeeze3A_404 : f32 to vector<16xf32>
      %mul3A_406 = arith.mulf %get3A_402, %mul3A_405 : vector<16xf32>
      %swap3A_407 = arith.index_cast %add3A_395 : i32 to index
      %swap3A_408 = arith.constant 0 : index
      %swap3A_409 = tpu.vector_load %arg12[%swap3A_407, %swap3A_408] {strides = array<i32>} : memref<1264x16xf32, #tpu.memory_space<vmem>>, vector<16xf32>,
      tpu.vector_store %arg12[%swap3A_407, %swap3A_408], %mul3A_406 {strides = array<i32>} : memref<1264x16xf32, #tpu.memory_space<vmem>>, vector<16xf32>,
      %mul3A_410 = arith.constant 16 : i32
      %mul3A_411 = arith.muli %scan3A_317, %mul3A_410 : i32
      %add3A_412 = arith.constant 5 : i32
      %add3A_413 = arith.addi %mul3A_411, %add3A_412 : i32
      %mul3A_414 = arith.constant 2 : i32
      %mul3A_415 = arith.muli %scan3A_317, %mul3A_414 : i32
      %add3A_416 = arith.constant 0 : i32
      %add3A_417 = arith.addi %mul3A_415, %add3A_416 : i32
      %get3A_418 = arith.index_cast %add3A_417 : i32 to index
      %get3A_419 = arith.constant 80 : index
      %get3A_420 = tpu.vector_load %arg10[%get3A_418, %get3A_419] {strides = array<i32>} : memref<158x128xf32, #tpu.memory_space<vmem>>, vector<16xf32>,
      %slice3A_421 = vector.extract_strided_slice %get3A_322 {offsets = [5], sizes = [1], strides = [1]} : vector<16xf32> to vector<1xf32>
      %squeeze3A_422 = vector.extract %slice3A_421[0] : f32 from vector<1xf32>
      %mul3A_423 = vector.broadcast %squeeze3A_422 : f32 to vector<16xf32>
      %mul3A_424 = arith.mulf %get3A_420, %mul3A_423 : vector<16xf32>
      %swap3A_425 = arith.index_cast %add3A_413 : i32 to index
      %swap3A_426 = arith.constant 0 : index
      %swap3A_427 = tpu.vector_load %arg12[%swap3A_425, %swap3A_426] {strides = array<i32>} : memref<1264x16xf32, #tpu.memory_space<vmem>>, vector<16xf32>,
      tpu.vector_store %arg12[%swap3A_425, %swap3A_426], %mul3A_424 {strides = array<i32>} : memref<1264x16xf32, #tpu.memory_space<vmem>>, vector<16xf32>,
      %mul3A_428 = arith.constant 16 : i32
      %mul3A_429 = arith.muli %scan3A_317, %mul3A_428 : i32
      %add3A_430 = arith.constant 6 : i32
      %add3A_431 = arith.addi %mul3A_429, %add3A_430 : i32
      %mul3A_432 = arith.constant 2 : i32
      %mul3A_433 = arith.muli %scan3A_317, %mul3A_432 : i32
      %add3A_434 = arith.constant 0 : i32
      %add3A_435 = arith.addi %mul3A_433, %add3A_434 : i32
      %get3A_436 = arith.index_cast %add3A_435 : i32 to index
      %get3A_437 = arith.constant 96 : index
      %get3A_438 = tpu.vector_load %arg10[%get3A_436, %get3A_437] {strides = array<i32>} : memref<158x128xf32, #tpu.memory_space<vmem>>, vector<16xf32>,
      %slice3A_439 = vector.extract_strided_slice %get3A_322 {offsets = [6], sizes = [1], strides = [1]} : vector<16xf32> to vector<1xf32>
      %squeeze3A_440 = vector.extract %slice3A_439[0] : f32 from vector<1xf32>
      %mul3A_441 = vector.broadcast %squeeze3A_440 : f32 to vector<16xf32>
      %mul3A_442 = arith.mulf %get3A_438, %mul3A_441 : vector<16xf32>
      %swap3A_443 = arith.index_cast %add3A_431 : i32 to index
      %swap3A_444 = arith.constant 0 : index
      %swap3A_445 = tpu.vector_load %arg12[%swap3A_443, %swap3A_444] {strides = array<i32>} : memref<1264x16xf32, #tpu.memory_space<vmem>>, vector<16xf32>,
      tpu.vector_store %arg12[%swap3A_443, %swap3A_444], %mul3A_442 {strides = array<i32>} : memref<1264x16xf32, #tpu.memory_space<vmem>>, vector<16xf32>,
      %mul3A_446 = arith.constant 16 : i32
      %mul3A_447 = arith.muli %scan3A_317, %mul3A_446 : i32
      %add3A_448 = arith.constant 7 : i32
      %add3A_449 = arith.addi %mul3A_447, %add3A_448 : i32
      %mul3A_450 = arith.constant 2 : i32
      %mul3A_451 = arith.muli %scan3A_317, %mul3A_450 : i32
      %add3A_452 = arith.constant 0 : i32
      %add3A_453 = arith.addi %mul3A_451, %add3A_452 : i32
      %get3A_454 = arith.index_cast %add3A_453 : i32 to index
      %get3A_455 = arith.constant 112 : index
      %get3A_456 = tpu.vector_load %arg10[%get3A_454, %get3A_455] {strides = array<i32>} : memref<158x128xf32, #tpu.memory_space<vmem>>, vector<16xf32>,
      %slice3A_457 = vector.extract_strided_slice %get3A_322 {offsets = [7], sizes = [1], strides = [1]} : vector<16xf32> to vector<1xf32>
      %squeeze3A_458 = vector.extract %slice3A_457[0] : f32 from vector<1xf32>
      %mul3A_459 = vector.broadcast %squeeze3A_458 : f32 to vector<16xf32>
      %mul3A_460 = arith.mulf %get3A_456, %mul3A_459 : vector<16xf32>
      %swap3A_461 = arith.index_cast %add3A_449 : i32 to index
      %swap3A_462 = arith.constant 0 : index
      %swap3A_463 = tpu.vector_load %arg12[%swap3A_461, %swap3A_462] {strides = array<i32>} : memref<1264x16xf32, #tpu.memory_space<vmem>>, vector<16xf32>,
      tpu.vector_store %arg12[%swap3A_461, %swap3A_462], %mul3A_460 {strides = array<i32>} : memref<1264x16xf32, #tpu.memory_space<vmem>>, vector<16xf32>,
      %mul3A_464 = arith.constant 16 : i32
      %mul3A_465 = arith.muli %scan3A_317, %mul3A_464 : i32
      %add3A_466 = arith.constant 8 : i32
      %add3A_467 = arith.addi %mul3A_465, %add3A_466 : i32
      %mul3A_468 = arith.constant 2 : i32
      %mul3A_469 = arith.muli %scan3A_317, %mul3A_468 : i32
      %add3A_470 = arith.constant 1 : i32
      %add3A_471 = arith.addi %mul3A_469, %add3A_470 : i32
      %get3A_472 = arith.index_cast %add3A_471 : i32 to index
      %get3A_473 = arith.constant 0 : index
      %get3A_474 = tpu.vector_load %arg10[%get3A_472, %get3A_473] {strides = array<i32>} : memref<158x128xf32, #tpu.memory_space<vmem>>, vector<16xf32>,
      %slice3A_475 = vector.extract_strided_slice %get3A_322 {offsets = [8], sizes = [1], strides = [1]} : vector<16xf32> to vector<1xf32>
      %squeeze3A_476 = vector.extract %slice3A_475[0] : f32 from vector<1xf32>
      %mul3A_477 = vector.broadcast %squeeze3A_476 : f32 to vector<16xf32>
      %mul3A_478 = arith.mulf %get3A_474, %mul3A_477 : vector<16xf32>
      %swap3A_479 = arith.index_cast %add3A_467 : i32 to index
      %swap3A_480 = arith.constant 0 : index
      %swap3A_481 = tpu.vector_load %arg12[%swap3A_479, %swap3A_480] {strides = array<i32>} : memref<1264x16xf32, #tpu.memory_space<vmem>>, vector<16xf32>,
      tpu.vector_store %arg12[%swap3A_479, %swap3A_480], %mul3A_478 {strides = array<i32>} : memref<1264x16xf32, #tpu.memory_space<vmem>>, vector<16xf32>,
      %mul3A_482 = arith.constant 16 : i32
      %mul3A_483 = arith.muli %scan3A_317, %mul3A_482 : i32
      %add3A_484 = arith.constant 9 : i32
      %add3A_485 = arith.addi %mul3A_483, %add3A_484 : i32
      %mul3A_486 = arith.constant 2 : i32
      %mul3A_487 = arith.muli %scan3A_317, %mul3A_486 : i32
      %add3A_488 = arith.constant 1 : i32
      %add3A_489 = arith.addi %mul3A_487, %add3A_488 : i32
      %get3A_490 = arith.index_cast %add3A_489 : i32 to index
      %get3A_491 = arith.constant 16 : index
      %get3A_492 = tpu.vector_load %arg10[%get3A_490, %get3A_491] {strides = array<i32>} : memref<158x128xf32, #tpu.memory_space<vmem>>, vector<16xf32>,
      %slice3A_493 = vector.extract_strided_slice %get3A_322 {offsets = [9], sizes = [1], strides = [1]} : vector<16xf32> to vector<1xf32>
      %squeeze3A_494 = vector.extract %slice3A_493[0] : f32 from vector<1xf32>
      %mul3A_495 = vector.broadcast %squeeze3A_494 : f32 to vector<16xf32>
      %mul3A_496 = arith.mulf %get3A_492, %mul3A_495 : vector<16xf32>
      %swap3A_497 = arith.index_cast %add3A_485 : i32 to index
      %swap3A_498 = arith.constant 0 : index
      %swap3A_499 = tpu.vector_load %arg12[%swap3A_497, %swap3A_498] {strides = array<i32>} : memref<1264x16xf32, #tpu.memory_space<vmem>>, vector<16xf32>,
      tpu.vector_store %arg12[%swap3A_497, %swap3A_498], %mul3A_496 {strides = array<i32>} : memref<1264x16xf32, #tpu.memory_space<vmem>>, vector<16xf32>,
      %mul3A_500 = arith.constant 16 : i32
      %mul3A_501 = arith.muli %scan3A_317, %mul3A_500 : i32
      %add3A_502 = arith.constant 10 : i32
      %add3A_503 = arith.addi %mul3A_501, %add3A_502 : i32
      %mul3A_504 = arith.constant 2 : i32
      %mul3A_505 = arith.muli %scan3A_317, %mul3A_504 : i32
      %add3A_506 = arith.constant 1 : i32
      %add3A_507 = arith.addi %mul3A_505, %add3A_506 : i32
      %get3A_508 = arith.index_cast %add3A_507 : i32 to index
      %get3A_509 = arith.constant 32 : index
      %get3A_510 = tpu.vector_load %arg10[%get3A_508, %get3A_509] {strides = array<i32>} : memref<158x128xf32, #tpu.memory_space<vmem>>, vector<16xf32>,
      %slice3A_511 = vector.extract_strided_slice %get3A_322 {offsets = [10], sizes = [1], strides = [1]} : vector<16xf32> to vector<1xf32>
      %squeeze3A_512 = vector.extract %slice3A_511[0] : f32 from vector<1xf32>
      %mul3A_513 = vector.broadcast %squeeze3A_512 : f32 to vector<16xf32>
      %mul3A_514 = arith.mulf %get3A_510, %mul3A_513 : vector<16xf32>
      %swap3A_515 = arith.index_cast %add3A_503 : i32 to index
      %swap3A_516 = arith.constant 0 : index
      %swap3A_517 = tpu.vector_load %arg12[%swap3A_515, %swap3A_516] {strides = array<i32>} : memref<1264x16xf32, #tpu.memory_space<vmem>>, vector<16xf32>,
      tpu.vector_store %arg12[%swap3A_515, %swap3A_516], %mul3A_514 {strides = array<i32>} : memref<1264x16xf32, #tpu.memory_space<vmem>>, vector<16xf32>,
      %mul3A_518 = arith.constant 16 : i32
      %mul3A_519 = arith.muli %scan3A_317, %mul3A_518 : i32
      %add3A_520 = arith.constant 11 : i32
      %add3A_521 = arith.addi %mul3A_519, %add3A_520 : i32
      %mul3A_522 = arith.constant 2 : i32
      %mul3A_523 = arith.muli %scan3A_317, %mul3A_522 : i32
      %add3A_524 = arith.constant 1 : i32
      %add3A_525 = arith.addi %mul3A_523, %add3A_524 : i32
      %get3A_526 = arith.index_cast %add3A_525 : i32 to index
      %get3A_527 = arith.constant 48 : index
      %get3A_528 = tpu.vector_load %arg10[%get3A_526, %get3A_527] {strides = array<i32>} : memref<158x128xf32, #tpu.memory_space<vmem>>, vector<16xf32>,
      %slice3A_529 = vector.extract_strided_slice %get3A_322 {offsets = [11], sizes = [1], strides = [1]} : vector<16xf32> to vector<1xf32>
      %squeeze3A_530 = vector.extract %slice3A_529[0] : f32 from vector<1xf32>
      %mul3A_531 = vector.broadcast %squeeze3A_530 : f32 to vector<16xf32>
      %mul3A_532 = arith.mulf %get3A_528, %mul3A_531 : vector<16xf32>
      %swap3A_533 = arith.index_cast %add3A_521 : i32 to index
      %swap3A_534 = arith.constant 0 : index
      %swap3A_535 = tpu.vector_load %arg12[%swap3A_533, %swap3A_534] {strides = array<i32>} : memref<1264x16xf32, #tpu.memory_space<vmem>>, vector<16xf32>,
      tpu.vector_store %arg12[%swap3A_533, %swap3A_534], %mul3A_532 {strides = array<i32>} : memref<1264x16xf32, #tpu.memory_space<vmem>>, vector<16xf32>,
      %mul3A_536 = arith.constant 16 : i32
      %mul3A_537 = arith.muli %scan3A_317, %mul3A_536 : i32
      %add3A_538 = arith.constant 12 : i32
      %add3A_539 = arith.addi %mul3A_537, %add3A_538 : i32
      %mul3A_540 = arith.constant 2 : i32
      %mul3A_541 = arith.muli %scan3A_317, %mul3A_540 : i32
      %add3A_542 = arith.constant 1 : i32
      %add3A_543 = arith.addi %mul3A_541, %add3A_542 : i32
      %get3A_544 = arith.index_cast %add3A_543 : i32 to index
      %get3A_545 = arith.constant 64 : index
      %get3A_546 = tpu.vector_load %arg10[%get3A_544, %get3A_545] {strides = array<i32>} : memref<158x128xf32, #tpu.memory_space<vmem>>, vector<16xf32>,
      %slice3A_547 = vector.extract_strided_slice %get3A_322 {offsets = [12], sizes = [1], strides = [1]} : vector<16xf32> to vector<1xf32>
      %squeeze3A_548 = vector.extract %slice3A_547[0] : f32 from vector<1xf32>
      %mul3A_549 = vector.broadcast %squeeze3A_548 : f32 to vector<16xf32>
      %mul3A_550 = arith.mulf %get3A_546, %mul3A_549 : vector<16xf32>
      %swap3A_551 = arith.index_cast %add3A_539 : i32 to index
      %swap3A_552 = arith.constant 0 : index
      %swap3A_553 = tpu.vector_load %arg12[%swap3A_551, %swap3A_552] {strides = array<i32>} : memref<1264x16xf32, #tpu.memory_space<vmem>>, vector<16xf32>,
      tpu.vector_store %arg12[%swap3A_551, %swap3A_552], %mul3A_550 {strides = array<i32>} : memref<1264x16xf32, #tpu.memory_space<vmem>>, vector<16xf32>,
      %mul3A_554 = arith.constant 16 : i32
      %mul3A_555 = arith.muli %scan3A_317, %mul3A_554 : i32
      %add3A_556 = arith.constant 13 : i32
      %add3A_557 = arith.addi %mul3A_555, %add3A_556 : i32
      %mul3A_558 = arith.constant 2 : i32
      %mul3A_559 = arith.muli %scan3A_317, %mul3A_558 : i32
      %add3A_560 = arith.constant 1 : i32
      %add3A_561 = arith.addi %mul3A_559, %add3A_560 : i32
      %get3A_562 = arith.index_cast %add3A_561 : i32 to index
      %get3A_563 = arith.constant 80 : index
      %get3A_564 = tpu.vector_load %arg10[%get3A_562, %get3A_563] {strides = array<i32>} : memref<158x128xf32, #tpu.memory_space<vmem>>, vector<16xf32>,
      %slice3A_565 = vector.extract_strided_slice %get3A_322 {offsets = [13], sizes = [1], strides = [1]} : vector<16xf32> to vector<1xf32>
      %squeeze3A_566 = vector.extract %slice3A_565[0] : f32 from vector<1xf32>
      %mul3A_567 = vector.broadcast %squeeze3A_566 : f32 to vector<16xf32>
      %mul3A_568 = arith.mulf %get3A_564, %mul3A_567 : vector<16xf32>
      %swap3A_569 = arith.index_cast %add3A_557 : i32 to index
      %swap3A_570 = arith.constant 0 : index
      %swap3A_571 = tpu.vector_load %arg12[%swap3A_569, %swap3A_570] {strides = array<i32>} : memref<1264x16xf32, #tpu.memory_space<vmem>>, vector<16xf32>,
      tpu.vector_store %arg12[%swap3A_569, %swap3A_570], %mul3A_568 {strides = array<i32>} : memref<1264x16xf32, #tpu.memory_space<vmem>>, vector<16xf32>,
      %mul3A_572 = arith.constant 16 : i32
      %mul3A_573 = arith.muli %scan3A_317, %mul3A_572 : i32
      %add3A_574 = arith.constant 14 : i32
      %add3A_575 = arith.addi %mul3A_573, %add3A_574 : i32
      %mul3A_576 = arith.constant 2 : i32
      %mul3A_577 = arith.muli %scan3A_317, %mul3A_576 : i32
      %add3A_578 = arith.constant 1 : i32
      %add3A_579 = arith.addi %mul3A_577, %add3A_578 : i32
      %get3A_580 = arith.index_cast %add3A_579 : i32 to index
      %get3A_581 = arith.constant 96 : index
      %get3A_582 = tpu.vector_load %arg10[%get3A_580, %get3A_581] {strides = array<i32>} : memref<158x128xf32, #tpu.memory_space<vmem>>, vector<16xf32>,
      %slice3A_583 = vector.extract_strided_slice %get3A_322 {offsets = [14], sizes = [1], strides = [1]} : vector<16xf32> to vector<1xf32>
      %squeeze3A_584 = vector.extract %slice3A_583[0] : f32 from vector<1xf32>
      %mul3A_585 = vector.broadcast %squeeze3A_584 : f32 to vector<16xf32>
      %mul3A_586 = arith.mulf %get3A_582, %mul3A_585 : vector<16xf32>
      %swap3A_587 = arith.index_cast %add3A_575 : i32 to index
      %swap3A_588 = arith.constant 0 : index
      %swap3A_589 = tpu.vector_load %arg12[%swap3A_587, %swap3A_588] {strides = array<i32>} : memref<1264x16xf32, #tpu.memory_space<vmem>>, vector<16xf32>,
      tpu.vector_store %arg12[%swap3A_587, %swap3A_588], %mul3A_586 {strides = array<i32>} : memref<1264x16xf32, #tpu.memory_space<vmem>>, vector<16xf32>,
      %mul3A_590 = arith.constant 16 : i32
      %mul3A_591 = arith.muli %scan3A_317, %mul3A_590 : i32
      %add3A_592 = arith.constant 15 : i32
      %add3A_593 = arith.addi %mul3A_591, %add3A_592 : i32
      %mul3A_594 = arith.constant 2 : i32
      %mul3A_595 = arith.muli %scan3A_317, %mul3A_594 : i32
      %add3A_596 = arith.constant 1 : i32
      %add3A_597 = arith.addi %mul3A_595, %add3A_596 : i32
      %get3A_598 = arith.index_cast %add3A_597 : i32 to index
      %get3A_599 = arith.constant 112 : index
      %get3A_600 = tpu.vector_load %arg10[%get3A_598, %get3A_599] {strides = array<i32>} : memref<158x128xf32, #tpu.memory_space<vmem>>, vector<16xf32>,
      %slice3A_601 = vector.extract_strided_slice %get3A_322 {offsets = [15], sizes = [1], strides = [1]} : vector<16xf32> to vector<1xf32>
      %squeeze3A_602 = vector.extract %slice3A_601[0] : f32 from vector<1xf32>
      %mul3A_603 = vector.broadcast %squeeze3A_602 : f32 to vector<16xf32>
      %mul3A_604 = arith.mulf %get3A_600, %mul3A_603 : vector<16xf32>
      %swap3A_605 = arith.index_cast %add3A_593 : i32 to index
      %swap3A_606 = arith.constant 0 : index
      %swap3A_607 = tpu.vector_load %arg12[%swap3A_605, %swap3A_606] {strides = array<i32>} : memref<1264x16xf32, #tpu.memory_space<vmem>>, vector<16xf32>,
      tpu.vector_store %arg12[%swap3A_605, %swap3A_606], %mul3A_604 {strides = array<i32>} : memref<1264x16xf32, #tpu.memory_space<vmem>>, vector<16xf32>,
    }
    %scan3A_253 = arith.constant 78 : i32
    %dma_wait3A_254 = arith.constant 0 : i32
    %dma_wait3A_255 = arith.constant 0 : i32
    %dma_wait3A_256 = tpu.memref_slice %arg13[%dma_wait3A_254, %dma_wait3A_255] : memref<1264x16xf32, #tpu.memory_space<vmem>> -> memref<1248x16xf32, #tpu.memory_space<vmem>>
    %dma_wait3A_257 = arith.constant 1264 : i32
    %dma_wait3A_258 = tpu.memref_slice %arg8[%dma_wait3A_257] : memref<5008xi32, #tpu.memory_space<vmem>> -> memref<1248xi32, #tpu.memory_space<vmem>>
    %dma_wait3A_259 = arith.constant 0 : i32
    %dma_wait3A_260 = arith.constant 0 : i32
    %dma_wait3A_261 = tpu.memref_slice %arg17[%dma_wait3A_259, %dma_wait3A_260] : memref<10240x16xf32, #tpu.memory_space<vmem_shared>> -> memref<10240x16xf32, #tpu.memory_space<vmem_shared>>
    tpu.wait_indirect_dma semaphore(%arg19 : memref<!tpu.dma_semaphore, #tpu.memory_space<semaphore_mem>>) src(%dma_wait3A_256 : memref<1248x16xf32, #tpu.memory_space<vmem>>) dst(%dma_wait3A_261 : memref<10240x16xf32, #tpu.memory_space<vmem_shared>>)
    %dma_start3A_262 = arith.constant 0 : i32
    %dma_start3A_263 = arith.constant 0 : i32
    %dma_start3A_264 = tpu.memref_slice %arg12[%dma_start3A_262, %dma_start3A_263] : memref<1264x16xf32, #tpu.memory_space<vmem>> -> memref<1248x16xf32, #tpu.memory_space<vmem>>
    %dma_start3A_265 = arith.constant 2512 : i32
    %dma_start3A_266 = tpu.memref_slice %arg8[%dma_start3A_265] : memref<5008xi32, #tpu.memory_space<vmem>> -> memref<1248xi32, #tpu.memory_space<vmem>>
    %dma_start3A_267 = arith.constant 0 : i32
    %dma_start3A_268 = arith.constant 0 : i32
    %dma_start3A_269 = tpu.memref_slice %arg17[%dma_start3A_267, %dma_start3A_268] : memref<10240x16xf32, #tpu.memory_space<vmem_shared>> -> memref<10240x16xf32, #tpu.memory_space<vmem_shared>>
    tpu.enqueue_indirect_dma source(%dma_start3A_264 : memref<1248x16xf32, #tpu.memory_space<vmem>>) target(%dma_start3A_269 : memref<10240x16xf32, #tpu.memory_space<vmem_shared>>) offsets(%dma_start3A_266 : memref<1248xi32, #tpu.memory_space<vmem>>) semaphore(%arg19 : memref<!tpu.dma_semaphore, #tpu.memory_space<semaphore_mem>>) {add = true}
    %dma_wait3A_270 = arith.constant 0 : i32
    %dma_wait3A_271 = arith.constant 0 : i32
    %dma_wait3A_272 = tpu.memref_slice %arg11[%dma_wait3A_270, %dma_wait3A_271] : memref<158x128xf32, #tpu.memory_space<vmem>> -> memref<156x128xf32, #tpu.memory_space<vmem>>
    %dma_wait3A_273 = arith.constant 0 : i32
    %dma_wait3A_274 = tpu.memref_slice %arg4[%select_n3A_237, %dma_wait3A_273] : memref<20032x128xf32, #tpu.memory_space<hbm>> -> memref<156x128xf32, #tpu.memory_space<hbm>>
    %dma_wait3A_275 = arith.constant 0 : i32
    %dma_wait3A_276 = arith.constant 0 : i32
    %dma_wait3A_277 = tpu.memref_slice %arg11[%dma_wait3A_275, %dma_wait3A_276] : memref<158x128xf32, #tpu.memory_space<vmem>> -> memref<156x128xf32, #tpu.memory_space<vmem>>
    %dma_wait3A_278 = arith.constant 0 : i32
    %dma_wait3A_279 = tpu.memref_slice %arg4[%select_n3A_237, %dma_wait3A_278] : memref<20032x128xf32, #tpu.memory_space<hbm>> -> memref<156x128xf32, #tpu.memory_space<hbm>>
    tpu.wait_dma2 semaphore(%arg18 : memref<!tpu.dma_semaphore, #tpu.memory_space<semaphore_mem>>) src(%dma_wait3A_279 : memref<156x128xf32, #tpu.memory_space<hbm>>) dst(%dma_wait3A_277 : memref<156x128xf32, #tpu.memory_space<vmem>>)
    %scan3A_280 = arith.constant 0 : i32
    %scan3A_281 = arith.constant 0 : i32
    %scan3A_282 = arith.constant 78 : i32
    %scan3A_283 = arith.addi %scan3A_281, %scan3A_282 : i32
    %scan3A_284 = arith.constant 1 : i32
    scf.for %scan3A_317 = %scan3A_281 to %scan3A_283 step %scan3A_284  : i32 {
      %mul3A_318 = arith.constant 16 : i32
      %mul3A_319 = arith.muli %scan3A_317, %mul3A_318 : i32
      %add3A_320 = arith.constant 3760 : i32
      %add3A_321 = arith.addi %add3A_320, %mul3A_319 : i32
      %get3A = arith.index_cast %add3A_321 : i32 to index
      %get3A_322 = tpu.vector_load %arg9[%get3A] {strides = array<i32>} : memref<5008xf32, #tpu.memory_space<vmem>>, vector<16xf32>,
      %mul3A_323 = arith.constant 16 : i32
      %mul3A_324 = arith.muli %scan3A_317, %mul3A_323 : i32
      %add3A_325 = arith.constant 0 : i32
      %add3A_326 = arith.addi %mul3A_324, %add3A_325 : i32
      %mul3A_327 = arith.constant 2 : i32
      %mul3A_328 = arith.muli %scan3A_317, %mul3A_327 : i32
      %add3A_329 = arith.constant 0 : i32
      %add3A_330 = arith.addi %mul3A_328, %add3A_329 : i32
      %get3A_331 = arith.index_cast %add3A_330 : i32 to index
      %get3A_332 = arith.constant 0 : index
      %get3A_333 = tpu.vector_load %arg11[%get3A_331, %get3A_332] {strides = array<i32>} : memref<158x128xf32, #tpu.memory_space<vmem>>, vector<16xf32>,
      %slice3A = vector.extract_strided_slice %get3A_322 {offsets = [0], sizes = [1], strides = [1]} : vector<16xf32> to vector<1xf32>
      %squeeze3A = vector.extract %slice3A[0] : f32 from vector<1xf32>
      %mul3A_334 = vector.broadcast %squeeze3A : f32 to vector<16xf32>
      %mul3A_335 = arith.mulf %get3A_333, %mul3A_334 : vector<16xf32>
      %swap3A = arith.index_cast %add3A_326 : i32 to index
      %swap3A_336 = arith.constant 0 : index
      %swap3A_337 = tpu.vector_load %arg13[%swap3A, %swap3A_336] {strides = array<i32>} : memref<1264x16xf32, #tpu.memory_space<vmem>>, vector<16xf32>,
      tpu.vector_store %arg13[%swap3A, %swap3A_336], %mul3A_335 {strides = array<i32>} : memref<1264x16xf32, #tpu.memory_space<vmem>>, vector<16xf32>,
      %mul3A_338 = arith.constant 16 : i32
      %mul3A_339 = arith.muli %scan3A_317, %mul3A_338 : i32
      %add3A_340 = arith.constant 1 : i32
      %add3A_341 = arith.addi %mul3A_339, %add3A_340 : i32
      %mul3A_342 = arith.constant 2 : i32
      %mul3A_343 = arith.muli %scan3A_317, %mul3A_342 : i32
      %add3A_344 = arith.constant 0 : i32
      %add3A_345 = arith.addi %mul3A_343, %add3A_344 : i32
      %get3A_346 = arith.index_cast %add3A_345 : i32 to index
      %get3A_347 = arith.constant 16 : index
      %get3A_348 = tpu.vector_load %arg11[%get3A_346, %get3A_347] {strides = array<i32>} : memref<158x128xf32, #tpu.memory_space<vmem>>, vector<16xf32>,
      %slice3A_349 = vector.extract_strided_slice %get3A_322 {offsets = [1], sizes = [1], strides = [1]} : vector<16xf32> to vector<1xf32>
      %squeeze3A_350 = vector.extract %slice3A_349[0] : f32 from vector<1xf32>
      %mul3A_351 = vector.broadcast %squeeze3A_350 : f32 to vector<16xf32>
      %mul3A_352 = arith.mulf %get3A_348, %mul3A_351 : vector<16xf32>
      %swap3A_353 = arith.index_cast %add3A_341 : i32 to index
      %swap3A_354 = arith.constant 0 : index
      %swap3A_355 = tpu.vector_load %arg13[%swap3A_353, %swap3A_354] {strides = array<i32>} : memref<1264x16xf32, #tpu.memory_space<vmem>>, vector<16xf32>,
      tpu.vector_store %arg13[%swap3A_353, %swap3A_354], %mul3A_352 {strides = array<i32>} : memref<1264x16xf32, #tpu.memory_space<vmem>>, vector<16xf32>,
      %mul3A_356 = arith.constant 16 : i32
      %mul3A_357 = arith.muli %scan3A_317, %mul3A_356 : i32
      %add3A_358 = arith.constant 2 : i32
      %add3A_359 = arith.addi %mul3A_357, %add3A_358 : i32
      %mul3A_360 = arith.constant 2 : i32
      %mul3A_361 = arith.muli %scan3A_317, %mul3A_360 : i32
      %add3A_362 = arith.constant 0 : i32
      %add3A_363 = arith.addi %mul3A_361, %add3A_362 : i32
      %get3A_364 = arith.index_cast %add3A_363 : i32 to index
      %get3A_365 = arith.constant 32 : index
      %get3A_366 = tpu.vector_load %arg11[%get3A_364, %get3A_365] {strides = array<i32>} : memref<158x128xf32, #tpu.memory_space<vmem>>, vector<16xf32>,
      %slice3A_367 = vector.extract_strided_slice %get3A_322 {offsets = [2], sizes = [1], strides = [1]} : vector<16xf32> to vector<1xf32>
      %squeeze3A_368 = vector.extract %slice3A_367[0] : f32 from vector<1xf32>
      %mul3A_369 = vector.broadcast %squeeze3A_368 : f32 to vector<16xf32>
      %mul3A_370 = arith.mulf %get3A_366, %mul3A_369 : vector<16xf32>
      %swap3A_371 = arith.index_cast %add3A_359 : i32 to index
      %swap3A_372 = arith.constant 0 : index
      %swap3A_373 = tpu.vector_load %arg13[%swap3A_371, %swap3A_372] {strides = array<i32>} : memref<1264x16xf32, #tpu.memory_space<vmem>>, vector<16xf32>,
      tpu.vector_store %arg13[%swap3A_371, %swap3A_372], %mul3A_370 {strides = array<i32>} : memref<1264x16xf32, #tpu.memory_space<vmem>>, vector<16xf32>,
      %mul3A_374 = arith.constant 16 : i32
      %mul3A_375 = arith.muli %scan3A_317, %mul3A_374 : i32
      %add3A_376 = arith.constant 3 : i32
      %add3A_377 = arith.addi %mul3A_375, %add3A_376 : i32
      %mul3A_378 = arith.constant 2 : i32
      %mul3A_379 = arith.muli %scan3A_317, %mul3A_378 : i32
      %add3A_380 = arith.constant 0 : i32
      %add3A_381 = arith.addi %mul3A_379, %add3A_380 : i32
      %get3A_382 = arith.index_cast %add3A_381 : i32 to index
      %get3A_383 = arith.constant 48 : index
      %get3A_384 = tpu.vector_load %arg11[%get3A_382, %get3A_383] {strides = array<i32>} : memref<158x128xf32, #tpu.memory_space<vmem>>, vector<16xf32>,
      %slice3A_385 = vector.extract_strided_slice %get3A_322 {offsets = [3], sizes = [1], strides = [1]} : vector<16xf32> to vector<1xf32>
      %squeeze3A_386 = vector.extract %slice3A_385[0] : f32 from vector<1xf32>
      %mul3A_387 = vector.broadcast %squeeze3A_386 : f32 to vector<16xf32>
      %mul3A_388 = arith.mulf %get3A_384, %mul3A_387 : vector<16xf32>
      %swap3A_389 = arith.index_cast %add3A_377 : i32 to index
      %swap3A_390 = arith.constant 0 : index
      %swap3A_391 = tpu.vector_load %arg13[%swap3A_389, %swap3A_390] {strides = array<i32>} : memref<1264x16xf32, #tpu.memory_space<vmem>>, vector<16xf32>,
      tpu.vector_store %arg13[%swap3A_389, %swap3A_390], %mul3A_388 {strides = array<i32>} : memref<1264x16xf32, #tpu.memory_space<vmem>>, vector<16xf32>,
      %mul3A_392 = arith.constant 16 : i32
      %mul3A_393 = arith.muli %scan3A_317, %mul3A_392 : i32
      %add3A_394 = arith.constant 4 : i32
      %add3A_395 = arith.addi %mul3A_393, %add3A_394 : i32
      %mul3A_396 = arith.constant 2 : i32
      %mul3A_397 = arith.muli %scan3A_317, %mul3A_396 : i32
      %add3A_398 = arith.constant 0 : i32
      %add3A_399 = arith.addi %mul3A_397, %add3A_398 : i32
      %get3A_400 = arith.index_cast %add3A_399 : i32 to index
      %get3A_401 = arith.constant 64 : index
      %get3A_402 = tpu.vector_load %arg11[%get3A_400, %get3A_401] {strides = array<i32>} : memref<158x128xf32, #tpu.memory_space<vmem>>, vector<16xf32>,
      %slice3A_403 = vector.extract_strided_slice %get3A_322 {offsets = [4], sizes = [1], strides = [1]} : vector<16xf32> to vector<1xf32>
      %squeeze3A_404 = vector.extract %slice3A_403[0] : f32 from vector<1xf32>
      %mul3A_405 = vector.broadcast %squeeze3A_404 : f32 to vector<16xf32>
      %mul3A_406 = arith.mulf %get3A_402, %mul3A_405 : vector<16xf32>
      %swap3A_407 = arith.index_cast %add3A_395 : i32 to index
      %swap3A_408 = arith.constant 0 : index
      %swap3A_409 = tpu.vector_load %arg13[%swap3A_407, %swap3A_408] {strides = array<i32>} : memref<1264x16xf32, #tpu.memory_space<vmem>>, vector<16xf32>,
      tpu.vector_store %arg13[%swap3A_407, %swap3A_408], %mul3A_406 {strides = array<i32>} : memref<1264x16xf32, #tpu.memory_space<vmem>>, vector<16xf32>,
      %mul3A_410 = arith.constant 16 : i32
      %mul3A_411 = arith.muli %scan3A_317, %mul3A_410 : i32
      %add3A_412 = arith.constant 5 : i32
      %add3A_413 = arith.addi %mul3A_411, %add3A_412 : i32
      %mul3A_414 = arith.constant 2 : i32
      %mul3A_415 = arith.muli %scan3A_317, %mul3A_414 : i32
      %add3A_416 = arith.constant 0 : i32
      %add3A_417 = arith.addi %mul3A_415, %add3A_416 : i32
      %get3A_418 = arith.index_cast %add3A_417 : i32 to index
      %get3A_419 = arith.constant 80 : index
      %get3A_420 = tpu.vector_load %arg11[%get3A_418, %get3A_419] {strides = array<i32>} : memref<158x128xf32, #tpu.memory_space<vmem>>, vector<16xf32>,
      %slice3A_421 = vector.extract_strided_slice %get3A_322 {offsets = [5], sizes = [1], strides = [1]} : vector<16xf32> to vector<1xf32>
      %squeeze3A_422 = vector.extract %slice3A_421[0] : f32 from vector<1xf32>
      %mul3A_423 = vector.broadcast %squeeze3A_422 : f32 to vector<16xf32>
      %mul3A_424 = arith.mulf %get3A_420, %mul3A_423 : vector<16xf32>
      %swap3A_425 = arith.index_cast %add3A_413 : i32 to index
      %swap3A_426 = arith.constant 0 : index
      %swap3A_427 = tpu.vector_load %arg13[%swap3A_425, %swap3A_426] {strides = array<i32>} : memref<1264x16xf32, #tpu.memory_space<vmem>>, vector<16xf32>,
      tpu.vector_store %arg13[%swap3A_425, %swap3A_426], %mul3A_424 {strides = array<i32>} : memref<1264x16xf32, #tpu.memory_space<vmem>>, vector<16xf32>,
      %mul3A_428 = arith.constant 16 : i32
      %mul3A_429 = arith.muli %scan3A_317, %mul3A_428 : i32
      %add3A_430 = arith.constant 6 : i32
      %add3A_431 = arith.addi %mul3A_429, %add3A_430 : i32
      %mul3A_432 = arith.constant 2 : i32
      %mul3A_433 = arith.muli %scan3A_317, %mul3A_432 : i32
      %add3A_434 = arith.constant 0 : i32
      %add3A_435 = arith.addi %mul3A_433, %add3A_434 : i32
      %get3A_436 = arith.index_cast %add3A_435 : i32 to index
      %get3A_437 = arith.constant 96 : index
      %get3A_438 = tpu.vector_load %arg11[%get3A_436, %get3A_437] {strides = array<i32>} : memref<158x128xf32, #tpu.memory_space<vmem>>, vector<16xf32>,
      %slice3A_439 = vector.extract_strided_slice %get3A_322 {offsets = [6], sizes = [1], strides = [1]} : vector<16xf32> to vector<1xf32>
      %squeeze3A_440 = vector.extract %slice3A_439[0] : f32 from vector<1xf32>
      %mul3A_441 = vector.broadcast %squeeze3A_440 : f32 to vector<16xf32>
      %mul3A_442 = arith.mulf %get3A_438, %mul3A_441 : vector<16xf32>
      %swap3A_443 = arith.index_cast %add3A_431 : i32 to index
      %swap3A_444 = arith.constant 0 : index
      %swap3A_445 = tpu.vector_load %arg13[%swap3A_443, %swap3A_444] {strides = array<i32>} : memref<1264x16xf32, #tpu.memory_space<vmem>>, vector<16xf32>,
      tpu.vector_store %arg13[%swap3A_443, %swap3A_444], %mul3A_442 {strides = array<i32>} : memref<1264x16xf32, #tpu.memory_space<vmem>>, vector<16xf32>,
      %mul3A_446 = arith.constant 16 : i32
      %mul3A_447 = arith.muli %scan3A_317, %mul3A_446 : i32
      %add3A_448 = arith.constant 7 : i32
      %add3A_449 = arith.addi %mul3A_447, %add3A_448 : i32
      %mul3A_450 = arith.constant 2 : i32
      %mul3A_451 = arith.muli %scan3A_317, %mul3A_450 : i32
      %add3A_452 = arith.constant 0 : i32
      %add3A_453 = arith.addi %mul3A_451, %add3A_452 : i32
      %get3A_454 = arith.index_cast %add3A_453 : i32 to index
      %get3A_455 = arith.constant 112 : index
      %get3A_456 = tpu.vector_load %arg11[%get3A_454, %get3A_455] {strides = array<i32>} : memref<158x128xf32, #tpu.memory_space<vmem>>, vector<16xf32>,
      %slice3A_457 = vector.extract_strided_slice %get3A_322 {offsets = [7], sizes = [1], strides = [1]} : vector<16xf32> to vector<1xf32>
      %squeeze3A_458 = vector.extract %slice3A_457[0] : f32 from vector<1xf32>
      %mul3A_459 = vector.broadcast %squeeze3A_458 : f32 to vector<16xf32>
      %mul3A_460 = arith.mulf %get3A_456, %mul3A_459 : vector<16xf32>
      %swap3A_461 = arith.index_cast %add3A_449 : i32 to index
      %swap3A_462 = arith.constant 0 : index
      %swap3A_463 = tpu.vector_load %arg13[%swap3A_461, %swap3A_462] {strides = array<i32>} : memref<1264x16xf32, #tpu.memory_space<vmem>>, vector<16xf32>,
      tpu.vector_store %arg13[%swap3A_461, %swap3A_462], %mul3A_460 {strides = array<i32>} : memref<1264x16xf32, #tpu.memory_space<vmem>>, vector<16xf32>,
      %mul3A_464 = arith.constant 16 : i32
      %mul3A_465 = arith.muli %scan3A_317, %mul3A_464 : i32
      %add3A_466 = arith.constant 8 : i32
      %add3A_467 = arith.addi %mul3A_465, %add3A_466 : i32
      %mul3A_468 = arith.constant 2 : i32
      %mul3A_469 = arith.muli %scan3A_317, %mul3A_468 : i32
      %add3A_470 = arith.constant 1 : i32
      %add3A_471 = arith.addi %mul3A_469, %add3A_470 : i32
      %get3A_472 = arith.index_cast %add3A_471 : i32 to index
      %get3A_473 = arith.constant 0 : index
      %get3A_474 = tpu.vector_load %arg11[%get3A_472, %get3A_473] {strides = array<i32>} : memref<158x128xf32, #tpu.memory_space<vmem>>, vector<16xf32>,
      %slice3A_475 = vector.extract_strided_slice %get3A_322 {offsets = [8], sizes = [1], strides = [1]} : vector<16xf32> to vector<1xf32>
      %squeeze3A_476 = vector.extract %slice3A_475[0] : f32 from vector<1xf32>
      %mul3A_477 = vector.broadcast %squeeze3A_476 : f32 to vector<16xf32>
      %mul3A_478 = arith.mulf %get3A_474, %mul3A_477 : vector<16xf32>
      %swap3A_479 = arith.index_cast %add3A_467 : i32 to index
      %swap3A_480 = arith.constant 0 : index
      %swap3A_481 = tpu.vector_load %arg13[%swap3A_479, %swap3A_480] {strides = array<i32>} : memref<1264x16xf32, #tpu.memory_space<vmem>>, vector<16xf32>,
      tpu.vector_store %arg13[%swap3A_479, %swap3A_480], %mul3A_478 {strides = array<i32>} : memref<1264x16xf32, #tpu.memory_space<vmem>>, vector<16xf32>,
      %mul3A_482 = arith.constant 16 : i32
      %mul3A_483 = arith.muli %scan3A_317, %mul3A_482 : i32
      %add3A_484 = arith.constant 9 : i32
      %add3A_485 = arith.addi %mul3A_483, %add3A_484 : i32
      %mul3A_486 = arith.constant 2 : i32
      %mul3A_487 = arith.muli %scan3A_317, %mul3A_486 : i32
      %add3A_488 = arith.constant 1 : i32
      %add3A_489 = arith.addi %mul3A_487, %add3A_488 : i32
      %get3A_490 = arith.index_cast %add3A_489 : i32 to index
      %get3A_491 = arith.constant 16 : index
      %get3A_492 = tpu.vector_load %arg11[%get3A_490, %get3A_491] {strides = array<i32>} : memref<158x128xf32, #tpu.memory_space<vmem>>, vector<16xf32>,
      %slice3A_493 = vector.extract_strided_slice %get3A_322 {offsets = [9], sizes = [1], strides = [1]} : vector<16xf32> to vector<1xf32>
      %squeeze3A_494 = vector.extract %slice3A_493[0] : f32 from vector<1xf32>
      %mul3A_495 = vector.broadcast %squeeze3A_494 : f32 to vector<16xf32>
      %mul3A_496 = arith.mulf %get3A_492, %mul3A_495 : vector<16xf32>
      %swap3A_497 = arith.index_cast %add3A_485 : i32 to index
      %swap3A_498 = arith.constant 0 : index
      %swap3A_499 = tpu.vector_load %arg13[%swap3A_497, %swap3A_498] {strides = array<i32>} : memref<1264x16xf32, #tpu.memory_space<vmem>>, vector<16xf32>,
      tpu.vector_store %arg13[%swap3A_497, %swap3A_498], %mul3A_496 {strides = array<i32>} : memref<1264x16xf32, #tpu.memory_space<vmem>>, vector<16xf32>,
      %mul3A_500 = arith.constant 16 : i32
      %mul3A_501 = arith.muli %scan3A_317, %mul3A_500 : i32
      %add3A_502 = arith.constant 10 : i32
      %add3A_503 = arith.addi %mul3A_501, %add3A_502 : i32
      %mul3A_504 = arith.constant 2 : i32
      %mul3A_505 = arith.muli %scan3A_317, %mul3A_504 : i32
      %add3A_506 = arith.constant 1 : i32
      %add3A_507 = arith.addi %mul3A_505, %add3A_506 : i32
      %get3A_508 = arith.index_cast %add3A_507 : i32 to index
      %get3A_509 = arith.constant 32 : index
      %get3A_510 = tpu.vector_load %arg11[%get3A_508, %get3A_509] {strides = array<i32>} : memref<158x128xf32, #tpu.memory_space<vmem>>, vector<16xf32>,
      %slice3A_511 = vector.extract_strided_slice %get3A_322 {offsets = [10], sizes = [1], strides = [1]} : vector<16xf32> to vector<1xf32>
      %squeeze3A_512 = vector.extract %slice3A_511[0] : f32 from vector<1xf32>
      %mul3A_513 = vector.broadcast %squeeze3A_512 : f32 to vector<16xf32>
      %mul3A_514 = arith.mulf %get3A_510, %mul3A_513 : vector<16xf32>
      %swap3A_515 = arith.index_cast %add3A_503 : i32 to index
      %swap3A_516 = arith.constant 0 : index
      %swap3A_517 = tpu.vector_load %arg13[%swap3A_515, %swap3A_516] {strides = array<i32>} : memref<1264x16xf32, #tpu.memory_space<vmem>>, vector<16xf32>,
      tpu.vector_store %arg13[%swap3A_515, %swap3A_516], %mul3A_514 {strides = array<i32>} : memref<1264x16xf32, #tpu.memory_space<vmem>>, vector<16xf32>,
      %mul3A_518 = arith.constant 16 : i32
      %mul3A_519 = arith.muli %scan3A_317, %mul3A_518 : i32
      %add3A_520 = arith.constant 11 : i32
      %add3A_521 = arith.addi %mul3A_519, %add3A_520 : i32
      %mul3A_522 = arith.constant 2 : i32
      %mul3A_523 = arith.muli %scan3A_317, %mul3A_522 : i32
      %add3A_524 = arith.constant 1 : i32
      %add3A_525 = arith.addi %mul3A_523, %add3A_524 : i32
      %get3A_526 = arith.index_cast %add3A_525 : i32 to index
      %get3A_527 = arith.constant 48 : index
      %get3A_528 = tpu.vector_load %arg11[%get3A_526, %get3A_527] {strides = array<i32>} : memref<158x128xf32, #tpu.memory_space<vmem>>, vector<16xf32>,
      %slice3A_529 = vector.extract_strided_slice %get3A_322 {offsets = [11], sizes = [1], strides = [1]} : vector<16xf32> to vector<1xf32>
      %squeeze3A_530 = vector.extract %slice3A_529[0] : f32 from vector<1xf32>
      %mul3A_531 = vector.broadcast %squeeze3A_530 : f32 to vector<16xf32>
      %mul3A_532 = arith.mulf %get3A_528, %mul3A_531 : vector<16xf32>
      %swap3A_533 = arith.index_cast %add3A_521 : i32 to index
      %swap3A_534 = arith.constant 0 : index
      %swap3A_535 = tpu.vector_load %arg13[%swap3A_533, %swap3A_534] {strides = array<i32>} : memref<1264x16xf32, #tpu.memory_space<vmem>>, vector<16xf32>,
      tpu.vector_store %arg13[%swap3A_533, %swap3A_534], %mul3A_532 {strides = array<i32>} : memref<1264x16xf32, #tpu.memory_space<vmem>>, vector<16xf32>,
      %mul3A_536 = arith.constant 16 : i32
      %mul3A_537 = arith.muli %scan3A_317, %mul3A_536 : i32
      %add3A_538 = arith.constant 12 : i32
      %add3A_539 = arith.addi %mul3A_537, %add3A_538 : i32
      %mul3A_540 = arith.constant 2 : i32
      %mul3A_541 = arith.muli %scan3A_317, %mul3A_540 : i32
      %add3A_542 = arith.constant 1 : i32
      %add3A_543 = arith.addi %mul3A_541, %add3A_542 : i32
      %get3A_544 = arith.index_cast %add3A_543 : i32 to index
      %get3A_545 = arith.constant 64 : index
      %get3A_546 = tpu.vector_load %arg11[%get3A_544, %get3A_545] {strides = array<i32>} : memref<158x128xf32, #tpu.memory_space<vmem>>, vector<16xf32>,
      %slice3A_547 = vector.extract_strided_slice %get3A_322 {offsets = [12], sizes = [1], strides = [1]} : vector<16xf32> to vector<1xf32>
      %squeeze3A_548 = vector.extract %slice3A_547[0] : f32 from vector<1xf32>
      %mul3A_549 = vector.broadcast %squeeze3A_548 : f32 to vector<16xf32>
      %mul3A_550 = arith.mulf %get3A_546, %mul3A_549 : vector<16xf32>
      %swap3A_551 = arith.index_cast %add3A_539 : i32 to index
      %swap3A_552 = arith.constant 0 : index
      %swap3A_553 = tpu.vector_load %arg13[%swap3A_551, %swap3A_552] {strides = array<i32>} : memref<1264x16xf32, #tpu.memory_space<vmem>>, vector<16xf32>,
      tpu.vector_store %arg13[%swap3A_551, %swap3A_552], %mul3A_550 {strides = array<i32>} : memref<1264x16xf32, #tpu.memory_space<vmem>>, vector<16xf32>,
      %mul3A_554 = arith.constant 16 : i32
      %mul3A_555 = arith.muli %scan3A_317, %mul3A_554 : i32
      %add3A_556 = arith.constant 13 : i32
      %add3A_557 = arith.addi %mul3A_555, %add3A_556 : i32
      %mul3A_558 = arith.constant 2 : i32
      %mul3A_559 = arith.muli %scan3A_317, %mul3A_558 : i32
      %add3A_560 = arith.constant 1 : i32
      %add3A_561 = arith.addi %mul3A_559, %add3A_560 : i32
      %get3A_562 = arith.index_cast %add3A_561 : i32 to index
      %get3A_563 = arith.constant 80 : index
      %get3A_564 = tpu.vector_load %arg11[%get3A_562, %get3A_563] {strides = array<i32>} : memref<158x128xf32, #tpu.memory_space<vmem>>, vector<16xf32>,
      %slice3A_565 = vector.extract_strided_slice %get3A_322 {offsets = [13], sizes = [1], strides = [1]} : vector<16xf32> to vector<1xf32>
      %squeeze3A_566 = vector.extract %slice3A_565[0] : f32 from vector<1xf32>
      %mul3A_567 = vector.broadcast %squeeze3A_566 : f32 to vector<16xf32>
      %mul3A_568 = arith.mulf %get3A_564, %mul3A_567 : vector<16xf32>
      %swap3A_569 = arith.index_cast %add3A_557 : i32 to index
      %swap3A_570 = arith.constant 0 : index
      %swap3A_571 = tpu.vector_load %arg13[%swap3A_569, %swap3A_570] {strides = array<i32>} : memref<1264x16xf32, #tpu.memory_space<vmem>>, vector<16xf32>,
      tpu.vector_store %arg13[%swap3A_569, %swap3A_570], %mul3A_568 {strides = array<i32>} : memref<1264x16xf32, #tpu.memory_space<vmem>>, vector<16xf32>,
      %mul3A_572 = arith.constant 16 : i32
      %mul3A_573 = arith.muli %scan3A_317, %mul3A_572 : i32
      %add3A_574 = arith.constant 14 : i32
      %add3A_575 = arith.addi %mul3A_573, %add3A_574 : i32
      %mul3A_576 = arith.constant 2 : i32
      %mul3A_577 = arith.muli %scan3A_317, %mul3A_576 : i32
      %add3A_578 = arith.constant 1 : i32
      %add3A_579 = arith.addi %mul3A_577, %add3A_578 : i32
      %get3A_580 = arith.index_cast %add3A_579 : i32 to index
      %get3A_581 = arith.constant 96 : index
      %get3A_582 = tpu.vector_load %arg11[%get3A_580, %get3A_581] {strides = array<i32>} : memref<158x128xf32, #tpu.memory_space<vmem>>, vector<16xf32>,
      %slice3A_583 = vector.extract_strided_slice %get3A_322 {offsets = [14], sizes = [1], strides = [1]} : vector<16xf32> to vector<1xf32>
      %squeeze3A_584 = vector.extract %slice3A_583[0] : f32 from vector<1xf32>
      %mul3A_585 = vector.broadcast %squeeze3A_584 : f32 to vector<16xf32>
      %mul3A_586 = arith.mulf %get3A_582, %mul3A_585 : vector<16xf32>
      %swap3A_587 = arith.index_cast %add3A_575 : i32 to index
      %swap3A_588 = arith.constant 0 : index
      %swap3A_589 = tpu.vector_load %arg13[%swap3A_587, %swap3A_588] {strides = array<i32>} : memref<1264x16xf32, #tpu.memory_space<vmem>>, vector<16xf32>,
      tpu.vector_store %arg13[%swap3A_587, %swap3A_588], %mul3A_586 {strides = array<i32>} : memref<1264x16xf32, #tpu.memory_space<vmem>>, vector<16xf32>,
      %mul3A_590 = arith.constant 16 : i32
      %mul3A_591 = arith.muli %scan3A_317, %mul3A_590 : i32
      %add3A_592 = arith.constant 15 : i32
      %add3A_593 = arith.addi %mul3A_591, %add3A_592 : i32
      %mul3A_594 = arith.constant 2 : i32
      %mul3A_595 = arith.muli %scan3A_317, %mul3A_594 : i32
      %add3A_596 = arith.constant 1 : i32
      %add3A_597 = arith.addi %mul3A_595, %add3A_596 : i32
      %get3A_598 = arith.index_cast %add3A_597 : i32 to index
      %get3A_599 = arith.constant 112 : index
      %get3A_600 = tpu.vector_load %arg11[%get3A_598, %get3A_599] {strides = array<i32>} : memref<158x128xf32, #tpu.memory_space<vmem>>, vector<16xf32>,
      %slice3A_601 = vector.extract_strided_slice %get3A_322 {offsets = [15], sizes = [1], strides = [1]} : vector<16xf32> to vector<1xf32>
      %squeeze3A_602 = vector.extract %slice3A_601[0] : f32 from vector<1xf32>
      %mul3A_603 = vector.broadcast %squeeze3A_602 : f32 to vector<16xf32>
      %mul3A_604 = arith.mulf %get3A_600, %mul3A_603 : vector<16xf32>
      %swap3A_605 = arith.index_cast %add3A_593 : i32 to index
      %swap3A_606 = arith.constant 0 : index
      %swap3A_607 = tpu.vector_load %arg13[%swap3A_605, %swap3A_606] {strides = array<i32>} : memref<1264x16xf32, #tpu.memory_space<vmem>>, vector<16xf32>,
      tpu.vector_store %arg13[%swap3A_605, %swap3A_606], %mul3A_604 {strides = array<i32>} : memref<1264x16xf32, #tpu.memory_space<vmem>>, vector<16xf32>,
    }
    %scan3A_285 = arith.constant 78 : i32
    %dma_wait3A_286 = arith.constant 0 : i32
    %dma_wait3A_287 = arith.constant 0 : i32
    %dma_wait3A_288 = tpu.memref_slice %arg12[%dma_wait3A_286, %dma_wait3A_287] : memref<1264x16xf32, #tpu.memory_space<vmem>> -> memref<1248x16xf32, #tpu.memory_space<vmem>>
    %dma_wait3A_289 = arith.constant 2512 : i32
    %dma_wait3A_290 = tpu.memref_slice %arg8[%dma_wait3A_289] : memref<5008xi32, #tpu.memory_space<vmem>> -> memref<1248xi32, #tpu.memory_space<vmem>>
    %dma_wait3A_291 = arith.constant 0 : i32
    %dma_wait3A_292 = arith.constant 0 : i32
    %dma_wait3A_293 = tpu.memref_slice %arg17[%dma_wait3A_291, %dma_wait3A_292] : memref<10240x16xf32, #tpu.memory_space<vmem_shared>> -> memref<10240x16xf32, #tpu.memory_space<vmem_shared>>
    tpu.wait_indirect_dma semaphore(%arg19 : memref<!tpu.dma_semaphore, #tpu.memory_space<semaphore_mem>>) src(%dma_wait3A_288 : memref<1248x16xf32, #tpu.memory_space<vmem>>) dst(%dma_wait3A_293 : memref<10240x16xf32, #tpu.memory_space<vmem_shared>>)
    %dma_start3A_294 = arith.constant 0 : i32
    %dma_start3A_295 = arith.constant 0 : i32
    %dma_start3A_296 = tpu.memref_slice %arg13[%dma_start3A_294, %dma_start3A_295] : memref<1264x16xf32, #tpu.memory_space<vmem>> -> memref<1248x16xf32, #tpu.memory_space<vmem>>
    %dma_start3A_297 = arith.constant 3760 : i32
    %dma_start3A_298 = tpu.memref_slice %arg8[%dma_start3A_297] : memref<5008xi32, #tpu.memory_space<vmem>> -> memref<1248xi32, #tpu.memory_space<vmem>>
    %dma_start3A_299 = arith.constant 0 : i32
    %dma_start3A_300 = arith.constant 0 : i32
    %dma_start3A_301 = tpu.memref_slice %arg17[%dma_start3A_299, %dma_start3A_300] : memref<10240x16xf32, #tpu.memory_space<vmem_shared>> -> memref<10240x16xf32, #tpu.memory_space<vmem_shared>>
    tpu.enqueue_indirect_dma source(%dma_start3A_296 : memref<1248x16xf32, #tpu.memory_space<vmem>>) target(%dma_start3A_301 : memref<10240x16xf32, #tpu.memory_space<vmem_shared>>) offsets(%dma_start3A_298 : memref<1248xi32, #tpu.memory_space<vmem>>) semaphore(%arg19 : memref<!tpu.dma_semaphore, #tpu.memory_space<semaphore_mem>>) {add = true}
    %dma_wait3A_302 = arith.constant 0 : i32
    %dma_wait3A_303 = arith.constant 0 : i32
    %dma_wait3A_304 = tpu.memref_slice %arg13[%dma_wait3A_302, %dma_wait3A_303] : memref<1264x16xf32, #tpu.memory_space<vmem>> -> memref<1248x16xf32, #tpu.memory_space<vmem>>
    %dma_wait3A_305 = arith.constant 3760 : i32
    %dma_wait3A_306 = tpu.memref_slice %arg8[%dma_wait3A_305] : memref<5008xi32, #tpu.memory_space<vmem>> -> memref<1248xi32, #tpu.memory_space<vmem>>
    %dma_wait3A_307 = arith.constant 0 : i32
    %dma_wait3A_308 = arith.constant 0 : i32
    %dma_wait3A_309 = tpu.memref_slice %arg17[%dma_wait3A_307, %dma_wait3A_308] : memref<10240x16xf32, #tpu.memory_space<vmem_shared>> -> memref<10240x16xf32, #tpu.memory_space<vmem_shared>>
    tpu.wait_indirect_dma semaphore(%arg19 : memref<!tpu.dma_semaphore, #tpu.memory_space<semaphore_mem>>) src(%dma_wait3A_304 : memref<1248x16xf32, #tpu.memory_space<vmem>>) dst(%dma_wait3A_309 : memref<10240x16xf32, #tpu.memory_space<vmem_shared>>)
    %barrier3A_310 = arith.constant 0 : index
    tpu.barrier barrier_id(%barrier3A_310)
    "tpu.region"() ({
      %run_scoped3A = tpu.sem_alloc : memref<!tpu.dma_semaphore, #tpu.memory_space<semaphore_mem>>
      %dma_start3A_317 = arith.constant 0 : i32
      %dma_start3A_318 = tpu.memref_slice %arg17[%mul3A_0, %dma_start3A_317] : memref<10240x16xf32, #tpu.memory_space<vmem_shared>> -> memref<640x16xf32, #tpu.memory_space<vmem_shared>>
      %dma_start3A_319 = arith.constant 0 : i32
      %dma_start3A_320 = tpu.memref_slice %arg17[%mul3A_0, %dma_start3A_319] : memref<10240x16xf32, #tpu.memory_space<vmem_shared>> -> memref<640x16xf32, #tpu.memory_space<vmem_shared>>
      tpu.enqueue_dma source(%dma_start3A_320 : memref<640x16xf32, #tpu.memory_space<vmem_shared>>) target(%arg14 : memref<640x16xf32, #tpu.memory_space<vmem>>) target_semaphore(%run_scoped3A : memref<!tpu.dma_semaphore, #tpu.memory_space<semaphore_mem>>)
      %dma_wait3A_321 = arith.constant 0 : i32
      %dma_wait3A_322 = tpu.memref_slice %arg17[%mul3A_0, %dma_wait3A_321] : memref<10240x16xf32, #tpu.memory_space<vmem_shared>> -> memref<640x16xf32, #tpu.memory_space<vmem_shared>>
      %dma_wait3A_323 = arith.constant 0 : i32
      %dma_wait3A_324 = tpu.memref_slice %arg17[%mul3A_0, %dma_wait3A_323] : memref<10240x16xf32, #tpu.memory_space<vmem_shared>> -> memref<640x16xf32, #tpu.memory_space<vmem_shared>>
      tpu.wait_dma2 semaphore(%run_scoped3A : memref<!tpu.dma_semaphore, #tpu.memory_space<semaphore_mem>>) src(%dma_wait3A_324 : memref<640x16xf32, #tpu.memory_space<vmem_shared>>) dst(%arg14 : memref<640x16xf32, #tpu.memory_space<vmem>>)
      tpu.yield
    }) : () -> ()
    %scan3A_311 = arith.constant 0 : i32
    %scan3A_312 = arith.constant 0 : i32
    %scan3A_313 = arith.constant 40 : i32
    %scan3A_314 = arith.addi %scan3A_312, %scan3A_313 : i32
    %scan3A_315 = arith.constant 1 : i32
    scf.for %scan3A_317 = %scan3A_312 to %scan3A_314 step %scan3A_315  : i32 {
      %mul3A_318 = arith.constant 16 : i32
      %mul3A_319 = arith.muli %scan3A_317, %mul3A_318 : i32
      %get3A = arith.index_cast %mul3A_319 : i32 to index
      %get3A_320 = tpu.vector_load %arg15[%get3A] {strides = array<i32>} : memref<640xf32, #tpu.memory_space<vmem>>, vector<16xf32>,
      %mul3A_321 = arith.constant 16 : i32
      %mul3A_322 = arith.muli %scan3A_317, %mul3A_321 : i32
      %get3A_323 = arith.index_cast %mul3A_322 : i32 to index
      %get3A_324 = tpu.vector_load %arg16[%get3A_323] {strides = array<i32>} : memref<640xf32, #tpu.memory_space<vmem>>, vector<16xf32>,
      %add3A_325 = arith.addf %get3A_320, %get3A_324 : vector<16xf32>
      %gt3A = arith.constant 0.000000e+00 : f32
      %gt3A_326 = vector.broadcast %gt3A : f32 to vector<16xf32>
      %gt3A_327 = arith.cmpf ogt, %add3A_325, %gt3A_326 : vector<16xf32>
      %div3A_328 = arith.constant 1.000000e+00 : f32
      %div3A_329 = vector.broadcast %div3A_328 : f32 to vector<16xf32>
      %div3A_330 = arith.divf %div3A_329, %add3A_325 : vector<16xf32>
      %jit3A_331 = arith.constant 0.000000e+00 : f32
      %broadcast_in_dim3A = vector.broadcast %jit3A_331 : f32 to vector<16xf32>
      %select_n3A_332 = arith.select %gt3A_327, %div3A_330, %broadcast_in_dim3A : vector<16xi1>, vector<16xf32>
      %mul3A_333 = arith.constant 16 : i32
      %mul3A_334 = arith.muli %scan3A_317, %mul3A_333 : i32
      %add3A_335 = arith.constant 0 : i32
      %add3A_336 = arith.addi %mul3A_334, %add3A_335 : i32
      %get3A_337 = arith.index_cast %add3A_336 : i32 to index
      %get3A_338 = arith.constant 0 : index
      %get3A_339 = tpu.vector_load %arg14[%get3A_337, %get3A_338] {strides = array<i32>} : memref<640x16xf32, #tpu.memory_space<vmem>>, vector<16xf32>,
      %slice3A = vector.extract_strided_slice %select_n3A_332 {offsets = [0], sizes = [1], strides = [1]} : vector<16xf32> to vector<1xf32>
      %squeeze3A = vector.extract %slice3A[0] : f32 from vector<1xf32>
      %mul3A_340 = vector.broadcast %squeeze3A : f32 to vector<16xf32>
      %mul3A_341 = arith.mulf %get3A_339, %mul3A_340 : vector<16xf32>
      %swap3A = arith.index_cast %add3A_336 : i32 to index
      %swap3A_342 = arith.constant 0 : index
      %swap3A_343 = tpu.vector_load %arg14[%swap3A, %swap3A_342] {strides = array<i32>} : memref<640x16xf32, #tpu.memory_space<vmem>>, vector<16xf32>,
      tpu.vector_store %arg14[%swap3A, %swap3A_342], %mul3A_341 {strides = array<i32>} : memref<640x16xf32, #tpu.memory_space<vmem>>, vector<16xf32>,
      %mul3A_344 = arith.constant 16 : i32
      %mul3A_345 = arith.muli %scan3A_317, %mul3A_344 : i32
      %add3A_346 = arith.constant 1 : i32
      %add3A_347 = arith.addi %mul3A_345, %add3A_346 : i32
      %get3A_348 = arith.index_cast %add3A_347 : i32 to index
      %get3A_349 = arith.constant 0 : index
      %get3A_350 = tpu.vector_load %arg14[%get3A_348, %get3A_349] {strides = array<i32>} : memref<640x16xf32, #tpu.memory_space<vmem>>, vector<16xf32>,
      %slice3A_351 = vector.extract_strided_slice %select_n3A_332 {offsets = [1], sizes = [1], strides = [1]} : vector<16xf32> to vector<1xf32>
      %squeeze3A_352 = vector.extract %slice3A_351[0] : f32 from vector<1xf32>
      %mul3A_353 = vector.broadcast %squeeze3A_352 : f32 to vector<16xf32>
      %mul3A_354 = arith.mulf %get3A_350, %mul3A_353 : vector<16xf32>
      %swap3A_355 = arith.index_cast %add3A_347 : i32 to index
      %swap3A_356 = arith.constant 0 : index
      %swap3A_357 = tpu.vector_load %arg14[%swap3A_355, %swap3A_356] {strides = array<i32>} : memref<640x16xf32, #tpu.memory_space<vmem>>, vector<16xf32>,
      tpu.vector_store %arg14[%swap3A_355, %swap3A_356], %mul3A_354 {strides = array<i32>} : memref<640x16xf32, #tpu.memory_space<vmem>>, vector<16xf32>,
      %mul3A_358 = arith.constant 16 : i32
      %mul3A_359 = arith.muli %scan3A_317, %mul3A_358 : i32
      %add3A_360 = arith.constant 2 : i32
      %add3A_361 = arith.addi %mul3A_359, %add3A_360 : i32
      %get3A_362 = arith.index_cast %add3A_361 : i32 to index
      %get3A_363 = arith.constant 0 : index
      %get3A_364 = tpu.vector_load %arg14[%get3A_362, %get3A_363] {strides = array<i32>} : memref<640x16xf32, #tpu.memory_space<vmem>>, vector<16xf32>,
      %slice3A_365 = vector.extract_strided_slice %select_n3A_332 {offsets = [2], sizes = [1], strides = [1]} : vector<16xf32> to vector<1xf32>
      %squeeze3A_366 = vector.extract %slice3A_365[0] : f32 from vector<1xf32>
      %mul3A_367 = vector.broadcast %squeeze3A_366 : f32 to vector<16xf32>
      %mul3A_368 = arith.mulf %get3A_364, %mul3A_367 : vector<16xf32>
      %swap3A_369 = arith.index_cast %add3A_361 : i32 to index
      %swap3A_370 = arith.constant 0 : index
      %swap3A_371 = tpu.vector_load %arg14[%swap3A_369, %swap3A_370] {strides = array<i32>} : memref<640x16xf32, #tpu.memory_space<vmem>>, vector<16xf32>,
      tpu.vector_store %arg14[%swap3A_369, %swap3A_370], %mul3A_368 {strides = array<i32>} : memref<640x16xf32, #tpu.memory_space<vmem>>, vector<16xf32>,
      %mul3A_372 = arith.constant 16 : i32
      %mul3A_373 = arith.muli %scan3A_317, %mul3A_372 : i32
      %add3A_374 = arith.constant 3 : i32
      %add3A_375 = arith.addi %mul3A_373, %add3A_374 : i32
      %get3A_376 = arith.index_cast %add3A_375 : i32 to index
      %get3A_377 = arith.constant 0 : index
      %get3A_378 = tpu.vector_load %arg14[%get3A_376, %get3A_377] {strides = array<i32>} : memref<640x16xf32, #tpu.memory_space<vmem>>, vector<16xf32>,
      %slice3A_379 = vector.extract_strided_slice %select_n3A_332 {offsets = [3], sizes = [1], strides = [1]} : vector<16xf32> to vector<1xf32>
      %squeeze3A_380 = vector.extract %slice3A_379[0] : f32 from vector<1xf32>
      %mul3A_381 = vector.broadcast %squeeze3A_380 : f32 to vector<16xf32>
      %mul3A_382 = arith.mulf %get3A_378, %mul3A_381 : vector<16xf32>
      %swap3A_383 = arith.index_cast %add3A_375 : i32 to index
      %swap3A_384 = arith.constant 0 : index
      %swap3A_385 = tpu.vector_load %arg14[%swap3A_383, %swap3A_384] {strides = array<i32>} : memref<640x16xf32, #tpu.memory_space<vmem>>, vector<16xf32>,
      tpu.vector_store %arg14[%swap3A_383, %swap3A_384], %mul3A_382 {strides = array<i32>} : memref<640x16xf32, #tpu.memory_space<vmem>>, vector<16xf32>,
      %mul3A_386 = arith.constant 16 : i32
      %mul3A_387 = arith.muli %scan3A_317, %mul3A_386 : i32
      %add3A_388 = arith.constant 4 : i32
      %add3A_389 = arith.addi %mul3A_387, %add3A_388 : i32
      %get3A_390 = arith.index_cast %add3A_389 : i32 to index
      %get3A_391 = arith.constant 0 : index
      %get3A_392 = tpu.vector_load %arg14[%get3A_390, %get3A_391] {strides = array<i32>} : memref<640x16xf32, #tpu.memory_space<vmem>>, vector<16xf32>,
      %slice3A_393 = vector.extract_strided_slice %select_n3A_332 {offsets = [4], sizes = [1], strides = [1]} : vector<16xf32> to vector<1xf32>
      %squeeze3A_394 = vector.extract %slice3A_393[0] : f32 from vector<1xf32>
      %mul3A_395 = vector.broadcast %squeeze3A_394 : f32 to vector<16xf32>
      %mul3A_396 = arith.mulf %get3A_392, %mul3A_395 : vector<16xf32>
      %swap3A_397 = arith.index_cast %add3A_389 : i32 to index
      %swap3A_398 = arith.constant 0 : index
      %swap3A_399 = tpu.vector_load %arg14[%swap3A_397, %swap3A_398] {strides = array<i32>} : memref<640x16xf32, #tpu.memory_space<vmem>>, vector<16xf32>,
      tpu.vector_store %arg14[%swap3A_397, %swap3A_398], %mul3A_396 {strides = array<i32>} : memref<640x16xf32, #tpu.memory_space<vmem>>, vector<16xf32>,
      %mul3A_400 = arith.constant 16 : i32
      %mul3A_401 = arith.muli %scan3A_317, %mul3A_400 : i32
      %add3A_402 = arith.constant 5 : i32
      %add3A_403 = arith.addi %mul3A_401, %add3A_402 : i32
      %get3A_404 = arith.index_cast %add3A_403 : i32 to index
      %get3A_405 = arith.constant 0 : index
      %get3A_406 = tpu.vector_load %arg14[%get3A_404, %get3A_405] {strides = array<i32>} : memref<640x16xf32, #tpu.memory_space<vmem>>, vector<16xf32>,
      %slice3A_407 = vector.extract_strided_slice %select_n3A_332 {offsets = [5], sizes = [1], strides = [1]} : vector<16xf32> to vector<1xf32>
      %squeeze3A_408 = vector.extract %slice3A_407[0] : f32 from vector<1xf32>
      %mul3A_409 = vector.broadcast %squeeze3A_408 : f32 to vector<16xf32>
      %mul3A_410 = arith.mulf %get3A_406, %mul3A_409 : vector<16xf32>
      %swap3A_411 = arith.index_cast %add3A_403 : i32 to index
      %swap3A_412 = arith.constant 0 : index
      %swap3A_413 = tpu.vector_load %arg14[%swap3A_411, %swap3A_412] {strides = array<i32>} : memref<640x16xf32, #tpu.memory_space<vmem>>, vector<16xf32>,
      tpu.vector_store %arg14[%swap3A_411, %swap3A_412], %mul3A_410 {strides = array<i32>} : memref<640x16xf32, #tpu.memory_space<vmem>>, vector<16xf32>,
      %mul3A_414 = arith.constant 16 : i32
      %mul3A_415 = arith.muli %scan3A_317, %mul3A_414 : i32
      %add3A_416 = arith.constant 6 : i32
      %add3A_417 = arith.addi %mul3A_415, %add3A_416 : i32
      %get3A_418 = arith.index_cast %add3A_417 : i32 to index
      %get3A_419 = arith.constant 0 : index
      %get3A_420 = tpu.vector_load %arg14[%get3A_418, %get3A_419] {strides = array<i32>} : memref<640x16xf32, #tpu.memory_space<vmem>>, vector<16xf32>,
      %slice3A_421 = vector.extract_strided_slice %select_n3A_332 {offsets = [6], sizes = [1], strides = [1]} : vector<16xf32> to vector<1xf32>
      %squeeze3A_422 = vector.extract %slice3A_421[0] : f32 from vector<1xf32>
      %mul3A_423 = vector.broadcast %squeeze3A_422 : f32 to vector<16xf32>
      %mul3A_424 = arith.mulf %get3A_420, %mul3A_423 : vector<16xf32>
      %swap3A_425 = arith.index_cast %add3A_417 : i32 to index
      %swap3A_426 = arith.constant 0 : index
      %swap3A_427 = tpu.vector_load %arg14[%swap3A_425, %swap3A_426] {strides = array<i32>} : memref<640x16xf32, #tpu.memory_space<vmem>>, vector<16xf32>,
      tpu.vector_store %arg14[%swap3A_425, %swap3A_426], %mul3A_424 {strides = array<i32>} : memref<640x16xf32, #tpu.memory_space<vmem>>, vector<16xf32>,
      %mul3A_428 = arith.constant 16 : i32
      %mul3A_429 = arith.muli %scan3A_317, %mul3A_428 : i32
      %add3A_430 = arith.constant 7 : i32
      %add3A_431 = arith.addi %mul3A_429, %add3A_430 : i32
      %get3A_432 = arith.index_cast %add3A_431 : i32 to index
      %get3A_433 = arith.constant 0 : index
      %get3A_434 = tpu.vector_load %arg14[%get3A_432, %get3A_433] {strides = array<i32>} : memref<640x16xf32, #tpu.memory_space<vmem>>, vector<16xf32>,
      %slice3A_435 = vector.extract_strided_slice %select_n3A_332 {offsets = [7], sizes = [1], strides = [1]} : vector<16xf32> to vector<1xf32>
      %squeeze3A_436 = vector.extract %slice3A_435[0] : f32 from vector<1xf32>
      %mul3A_437 = vector.broadcast %squeeze3A_436 : f32 to vector<16xf32>
      %mul3A_438 = arith.mulf %get3A_434, %mul3A_437 : vector<16xf32>
      %swap3A_439 = arith.index_cast %add3A_431 : i32 to index
      %swap3A_440 = arith.constant 0 : index
      %swap3A_441 = tpu.vector_load %arg14[%swap3A_439, %swap3A_440] {strides = array<i32>} : memref<640x16xf32, #tpu.memory_space<vmem>>, vector<16xf32>,
      tpu.vector_store %arg14[%swap3A_439, %swap3A_440], %mul3A_438 {strides = array<i32>} : memref<640x16xf32, #tpu.memory_space<vmem>>, vector<16xf32>,
      %mul3A_442 = arith.constant 16 : i32
      %mul3A_443 = arith.muli %scan3A_317, %mul3A_442 : i32
      %add3A_444 = arith.constant 8 : i32
      %add3A_445 = arith.addi %mul3A_443, %add3A_444 : i32
      %get3A_446 = arith.index_cast %add3A_445 : i32 to index
      %get3A_447 = arith.constant 0 : index
      %get3A_448 = tpu.vector_load %arg14[%get3A_446, %get3A_447] {strides = array<i32>} : memref<640x16xf32, #tpu.memory_space<vmem>>, vector<16xf32>,
      %slice3A_449 = vector.extract_strided_slice %select_n3A_332 {offsets = [8], sizes = [1], strides = [1]} : vector<16xf32> to vector<1xf32>
      %squeeze3A_450 = vector.extract %slice3A_449[0] : f32 from vector<1xf32>
      %mul3A_451 = vector.broadcast %squeeze3A_450 : f32 to vector<16xf32>
      %mul3A_452 = arith.mulf %get3A_448, %mul3A_451 : vector<16xf32>
      %swap3A_453 = arith.index_cast %add3A_445 : i32 to index
      %swap3A_454 = arith.constant 0 : index
      %swap3A_455 = tpu.vector_load %arg14[%swap3A_453, %swap3A_454] {strides = array<i32>} : memref<640x16xf32, #tpu.memory_space<vmem>>, vector<16xf32>,
      tpu.vector_store %arg14[%swap3A_453, %swap3A_454], %mul3A_452 {strides = array<i32>} : memref<640x16xf32, #tpu.memory_space<vmem>>, vector<16xf32>,
      %mul3A_456 = arith.constant 16 : i32
      %mul3A_457 = arith.muli %scan3A_317, %mul3A_456 : i32
      %add3A_458 = arith.constant 9 : i32
      %add3A_459 = arith.addi %mul3A_457, %add3A_458 : i32
      %get3A_460 = arith.index_cast %add3A_459 : i32 to index
      %get3A_461 = arith.constant 0 : index
      %get3A_462 = tpu.vector_load %arg14[%get3A_460, %get3A_461] {strides = array<i32>} : memref<640x16xf32, #tpu.memory_space<vmem>>, vector<16xf32>,
      %slice3A_463 = vector.extract_strided_slice %select_n3A_332 {offsets = [9], sizes = [1], strides = [1]} : vector<16xf32> to vector<1xf32>
      %squeeze3A_464 = vector.extract %slice3A_463[0] : f32 from vector<1xf32>
      %mul3A_465 = vector.broadcast %squeeze3A_464 : f32 to vector<16xf32>
      %mul3A_466 = arith.mulf %get3A_462, %mul3A_465 : vector<16xf32>
      %swap3A_467 = arith.index_cast %add3A_459 : i32 to index
      %swap3A_468 = arith.constant 0 : index
      %swap3A_469 = tpu.vector_load %arg14[%swap3A_467, %swap3A_468] {strides = array<i32>} : memref<640x16xf32, #tpu.memory_space<vmem>>, vector<16xf32>,
      tpu.vector_store %arg14[%swap3A_467, %swap3A_468], %mul3A_466 {strides = array<i32>} : memref<640x16xf32, #tpu.memory_space<vmem>>, vector<16xf32>,
      %mul3A_470 = arith.constant 16 : i32
      %mul3A_471 = arith.muli %scan3A_317, %mul3A_470 : i32
      %add3A_472 = arith.constant 10 : i32
      %add3A_473 = arith.addi %mul3A_471, %add3A_472 : i32
      %get3A_474 = arith.index_cast %add3A_473 : i32 to index
      %get3A_475 = arith.constant 0 : index
      %get3A_476 = tpu.vector_load %arg14[%get3A_474, %get3A_475] {strides = array<i32>} : memref<640x16xf32, #tpu.memory_space<vmem>>, vector<16xf32>,
      %slice3A_477 = vector.extract_strided_slice %select_n3A_332 {offsets = [10], sizes = [1], strides = [1]} : vector<16xf32> to vector<1xf32>
      %squeeze3A_478 = vector.extract %slice3A_477[0] : f32 from vector<1xf32>
      %mul3A_479 = vector.broadcast %squeeze3A_478 : f32 to vector<16xf32>
      %mul3A_480 = arith.mulf %get3A_476, %mul3A_479 : vector<16xf32>
      %swap3A_481 = arith.index_cast %add3A_473 : i32 to index
      %swap3A_482 = arith.constant 0 : index
      %swap3A_483 = tpu.vector_load %arg14[%swap3A_481, %swap3A_482] {strides = array<i32>} : memref<640x16xf32, #tpu.memory_space<vmem>>, vector<16xf32>,
      tpu.vector_store %arg14[%swap3A_481, %swap3A_482], %mul3A_480 {strides = array<i32>} : memref<640x16xf32, #tpu.memory_space<vmem>>, vector<16xf32>,
      %mul3A_484 = arith.constant 16 : i32
      %mul3A_485 = arith.muli %scan3A_317, %mul3A_484 : i32
      %add3A_486 = arith.constant 11 : i32
      %add3A_487 = arith.addi %mul3A_485, %add3A_486 : i32
      %get3A_488 = arith.index_cast %add3A_487 : i32 to index
      %get3A_489 = arith.constant 0 : index
      %get3A_490 = tpu.vector_load %arg14[%get3A_488, %get3A_489] {strides = array<i32>} : memref<640x16xf32, #tpu.memory_space<vmem>>, vector<16xf32>,
      %slice3A_491 = vector.extract_strided_slice %select_n3A_332 {offsets = [11], sizes = [1], strides = [1]} : vector<16xf32> to vector<1xf32>
      %squeeze3A_492 = vector.extract %slice3A_491[0] : f32 from vector<1xf32>
      %mul3A_493 = vector.broadcast %squeeze3A_492 : f32 to vector<16xf32>
      %mul3A_494 = arith.mulf %get3A_490, %mul3A_493 : vector<16xf32>
      %swap3A_495 = arith.index_cast %add3A_487 : i32 to index
      %swap3A_496 = arith.constant 0 : index
      %swap3A_497 = tpu.vector_load %arg14[%swap3A_495, %swap3A_496] {strides = array<i32>} : memref<640x16xf32, #tpu.memory_space<vmem>>, vector<16xf32>,
      tpu.vector_store %arg14[%swap3A_495, %swap3A_496], %mul3A_494 {strides = array<i32>} : memref<640x16xf32, #tpu.memory_space<vmem>>, vector<16xf32>,
      %mul3A_498 = arith.constant 16 : i32
      %mul3A_499 = arith.muli %scan3A_317, %mul3A_498 : i32
      %add3A_500 = arith.constant 12 : i32
      %add3A_501 = arith.addi %mul3A_499, %add3A_500 : i32
      %get3A_502 = arith.index_cast %add3A_501 : i32 to index
      %get3A_503 = arith.constant 0 : index
      %get3A_504 = tpu.vector_load %arg14[%get3A_502, %get3A_503] {strides = array<i32>} : memref<640x16xf32, #tpu.memory_space<vmem>>, vector<16xf32>,
      %slice3A_505 = vector.extract_strided_slice %select_n3A_332 {offsets = [12], sizes = [1], strides = [1]} : vector<16xf32> to vector<1xf32>
      %squeeze3A_506 = vector.extract %slice3A_505[0] : f32 from vector<1xf32>
      %mul3A_507 = vector.broadcast %squeeze3A_506 : f32 to vector<16xf32>
      %mul3A_508 = arith.mulf %get3A_504, %mul3A_507 : vector<16xf32>
      %swap3A_509 = arith.index_cast %add3A_501 : i32 to index
      %swap3A_510 = arith.constant 0 : index
      %swap3A_511 = tpu.vector_load %arg14[%swap3A_509, %swap3A_510] {strides = array<i32>} : memref<640x16xf32, #tpu.memory_space<vmem>>, vector<16xf32>,
      tpu.vector_store %arg14[%swap3A_509, %swap3A_510], %mul3A_508 {strides = array<i32>} : memref<640x16xf32, #tpu.memory_space<vmem>>, vector<16xf32>,
      %mul3A_512 = arith.constant 16 : i32
      %mul3A_513 = arith.muli %scan3A_317, %mul3A_512 : i32
      %add3A_514 = arith.constant 13 : i32
      %add3A_515 = arith.addi %mul3A_513, %add3A_514 : i32
      %get3A_516 = arith.index_cast %add3A_515 : i32 to index
      %get3A_517 = arith.constant 0 : index
      %get3A_518 = tpu.vector_load %arg14[%get3A_516, %get3A_517] {strides = array<i32>} : memref<640x16xf32, #tpu.memory_space<vmem>>, vector<16xf32>,
      %slice3A_519 = vector.extract_strided_slice %select_n3A_332 {offsets = [13], sizes = [1], strides = [1]} : vector<16xf32> to vector<1xf32>
      %squeeze3A_520 = vector.extract %slice3A_519[0] : f32 from vector<1xf32>
      %mul3A_521 = vector.broadcast %squeeze3A_520 : f32 to vector<16xf32>
      %mul3A_522 = arith.mulf %get3A_518, %mul3A_521 : vector<16xf32>
      %swap3A_523 = arith.index_cast %add3A_515 : i32 to index
      %swap3A_524 = arith.constant 0 : index
      %swap3A_525 = tpu.vector_load %arg14[%swap3A_523, %swap3A_524] {strides = array<i32>} : memref<640x16xf32, #tpu.memory_space<vmem>>, vector<16xf32>,
      tpu.vector_store %arg14[%swap3A_523, %swap3A_524], %mul3A_522 {strides = array<i32>} : memref<640x16xf32, #tpu.memory_space<vmem>>, vector<16xf32>,
      %mul3A_526 = arith.constant 16 : i32
      %mul3A_527 = arith.muli %scan3A_317, %mul3A_526 : i32
      %add3A_528 = arith.constant 14 : i32
      %add3A_529 = arith.addi %mul3A_527, %add3A_528 : i32
      %get3A_530 = arith.index_cast %add3A_529 : i32 to index
      %get3A_531 = arith.constant 0 : index
      %get3A_532 = tpu.vector_load %arg14[%get3A_530, %get3A_531] {strides = array<i32>} : memref<640x16xf32, #tpu.memory_space<vmem>>, vector<16xf32>,
      %slice3A_533 = vector.extract_strided_slice %select_n3A_332 {offsets = [14], sizes = [1], strides = [1]} : vector<16xf32> to vector<1xf32>
      %squeeze3A_534 = vector.extract %slice3A_533[0] : f32 from vector<1xf32>
      %mul3A_535 = vector.broadcast %squeeze3A_534 : f32 to vector<16xf32>
      %mul3A_536 = arith.mulf %get3A_532, %mul3A_535 : vector<16xf32>
      %swap3A_537 = arith.index_cast %add3A_529 : i32 to index
      %swap3A_538 = arith.constant 0 : index
      %swap3A_539 = tpu.vector_load %arg14[%swap3A_537, %swap3A_538] {strides = array<i32>} : memref<640x16xf32, #tpu.memory_space<vmem>>, vector<16xf32>,
      tpu.vector_store %arg14[%swap3A_537, %swap3A_538], %mul3A_536 {strides = array<i32>} : memref<640x16xf32, #tpu.memory_space<vmem>>, vector<16xf32>,
      %mul3A_540 = arith.constant 16 : i32
      %mul3A_541 = arith.muli %scan3A_317, %mul3A_540 : i32
      %add3A_542 = arith.constant 15 : i32
      %add3A_543 = arith.addi %mul3A_541, %add3A_542 : i32
      %get3A_544 = arith.index_cast %add3A_543 : i32 to index
      %get3A_545 = arith.constant 0 : index
      %get3A_546 = tpu.vector_load %arg14[%get3A_544, %get3A_545] {strides = array<i32>} : memref<640x16xf32, #tpu.memory_space<vmem>>, vector<16xf32>,
      %slice3A_547 = vector.extract_strided_slice %select_n3A_332 {offsets = [15], sizes = [1], strides = [1]} : vector<16xf32> to vector<1xf32>
      %squeeze3A_548 = vector.extract %slice3A_547[0] : f32 from vector<1xf32>
      %mul3A_549 = vector.broadcast %squeeze3A_548 : f32 to vector<16xf32>
      %mul3A_550 = arith.mulf %get3A_546, %mul3A_549 : vector<16xf32>
      %swap3A_551 = arith.index_cast %add3A_543 : i32 to index
      %swap3A_552 = arith.constant 0 : index
      %swap3A_553 = tpu.vector_load %arg14[%swap3A_551, %swap3A_552] {strides = array<i32>} : memref<640x16xf32, #tpu.memory_space<vmem>>, vector<16xf32>,
      tpu.vector_store %arg14[%swap3A_551, %swap3A_552], %mul3A_550 {strides = array<i32>} : memref<640x16xf32, #tpu.memory_space<vmem>>, vector<16xf32>,
    }
    %scan3A_316 = arith.constant 40 : i32
    "tpu.region"() ({
      %run_scoped3A = tpu.sem_alloc : memref<!tpu.dma_semaphore, #tpu.memory_space<semaphore_mem>>
      %dma_start3A_317 = arith.constant 0 : i32
      %dma_start3A_318 = tpu.memref_slice %arg7[%arg0, %mul3A_0, %dma_start3A_317] : memref<2x10240x16xf32, #tpu.memory_space<hbm>> -> memref<1x640x16xf32, #tpu.memory_space<hbm>>
      %dma_start3A_319 = tpu.memref_squeeze %dma_start3A_318 : memref<1x640x16xf32, #tpu.memory_space<hbm>> -> memref<640x16xf32, #tpu.memory_space<hbm>>
      %dma_start3A_320 = arith.constant 0 : i32
      %dma_start3A_321 = tpu.memref_slice %arg7[%arg0, %mul3A_0, %dma_start3A_320] : memref<2x10240x16xf32, #tpu.memory_space<hbm>> -> memref<1x640x16xf32, #tpu.memory_space<hbm>>
      %dma_start3A_322 = tpu.memref_squeeze %dma_start3A_321 : memref<1x640x16xf32, #tpu.memory_space<hbm>> -> memref<640x16xf32, #tpu.memory_space<hbm>>
      tpu.enqueue_dma source(%arg14 : memref<640x16xf32, #tpu.memory_space<vmem>>) target(%dma_start3A_322 : memref<640x16xf32, #tpu.memory_space<hbm>>) target_semaphore(%run_scoped3A : memref<!tpu.dma_semaphore, #tpu.memory_space<semaphore_mem>>)
      %dma_wait3A_323 = arith.constant 0 : i32
      %dma_wait3A_324 = tpu.memref_slice %arg7[%arg0, %mul3A_0, %dma_wait3A_323] : memref<2x10240x16xf32, #tpu.memory_space<hbm>> -> memref<1x640x16xf32, #tpu.memory_space<hbm>>
      %dma_wait3A_325 = tpu.memref_squeeze %dma_wait3A_324 : memref<1x640x16xf32, #tpu.memory_space<hbm>> -> memref<640x16xf32, #tpu.memory_space<hbm>>
      %dma_wait3A_326 = arith.constant 0 : i32
      %dma_wait3A_327 = tpu.memref_slice %arg7[%arg0, %mul3A_0, %dma_wait3A_326] : memref<2x10240x16xf32, #tpu.memory_space<hbm>> -> memref<1x640x16xf32, #tpu.memory_space<hbm>>
      %dma_wait3A_328 = tpu.memref_squeeze %dma_wait3A_327 : memref<1x640x16xf32, #tpu.memory_space<hbm>> -> memref<640x16xf32, #tpu.memory_space<hbm>>
      tpu.wait_dma2 semaphore(%run_scoped3A : memref<!tpu.dma_semaphore, #tpu.memory_space<semaphore_mem>>) src(%arg14 : memref<640x16xf32, #tpu.memory_space<vmem>>) dst(%dma_wait3A_328 : memref<640x16xf32, #tpu.memory_space<hbm>>)
      tpu.yield
    }) : () -> ()
    return
  }
}

module attributes {stable_mosaic.version = 14 : i64} {
  func.func @_s_tc(%arg0: memref<10000x128xf32, #tpu.memory_space<vmem>>, %arg1: memref<8x128xf32, #tpu.memory_space<vmem>>, %arg2: memref<8x1xf32, #tpu.memory_space<vmem>>, %arg3: memref<8x10000xf32, #tpu.memory_space<vmem>>) attributes {dimension_semantics = [], scalar_prefetch = 0 : i64, scratch_operands = 0 : i64, tpu.core_type = #tpu.core_type<tc>} {
    %get3A = arith.constant 0 : index
    %get3A_0 = arith.constant 0 : index
    %get3A_1 = vector.load %arg1[%get3A, %get3A_0] : memref<8x128xf32, #tpu.memory_space<vmem>>, vector<8x128xf32>
    %get3A_2 = arith.constant 0 : index
    %get3A_3 = arith.constant 0 : index
    %get3A_4 = vector.load %arg0[%get3A_2, %get3A_3] : memref<10000x128xf32, #tpu.memory_space<vmem>>, vector<10000x128xf32>
    %dot_general3A = arith.constant dense<0.000000e+00> : vector<8x10000xf32>
    %dot_general3A_5 = tpu.matmul %get3A_1, %get3A_4, %dot_general3A {dimension_numbers = #tpu.dot_dimension_numbers<[1], [1], [0], [0], [0, 0, 1, 0], [], []>, transpose_lhs_hint = false} : vector<8x128xf32>, vector<10000x128xf32>, vector<8x10000xf32> -> vector<8x10000xf32>
    %get3A_6 = arith.constant 0 : index
    %get3A_7 = arith.constant 0 : index
    %get3A_8 = vector.load %arg2[%get3A_6, %get3A_7] : memref<8x1xf32, #tpu.memory_space<vmem>>, vector<8x1xf32>
    %add3A = vector.broadcast %get3A_8 : vector<8x1xf32> to vector<8x10000xf32>
    %add3A_9 = arith.addf %dot_general3A_5, %add3A : vector<8x10000xf32>
    %swap3A = arith.constant 0 : index
    %swap3A_10 = arith.constant 0 : index
    %swap3A_11 = vector.load %arg3[%swap3A, %swap3A_10] : memref<8x10000xf32, #tpu.memory_space<vmem>>, vector<8x10000xf32>
    tpu.vector_store %arg3[%swap3A, %swap3A_10], %add3A_9 {strides = array<i32>} : memref<8x10000xf32, #tpu.memory_space<vmem>>, vector<8x10000xf32>,
    return
  }
}

module attributes {stable_mosaic.version = 14 : i64} {
  func.func @_out_tc(%arg0: i32, %arg1: memref<1000x128xf32, #tpu.memory_space<vmem>>, %arg2: memref<1000x16xf32, #tpu.memory_space<vmem>>, %arg3: memref<1000x16xf32, #tpu.memory_space<vmem>>, %arg4: memref<128x144xf32, #tpu.memory_space<vmem>>, %arg5: memref<1x128xf32, #tpu.memory_space<vmem>>, %arg6: memref<1000x1x128xf32, #tpu.memory_space<vmem>>) attributes {dimension_semantics = [#tpu.dimension_semantics<arbitrary>], iteration_bounds = array<i64: 10>, scalar_prefetch = 0 : i64, scratch_operands = 0 : i64, tpu.core_type = #tpu.core_type<tc>, window_params = [{transform_indices = @transform_0, window_bounds = array<i64: 1000, 128>}, {transform_indices = @transform_1, window_bounds = array<i64: 1000, 16>}, {transform_indices = @transform_2, window_bounds = array<i64: 1000, 16>}, {pipeline_mode = #tpu.pipeline_mode<synchronous>, transform_indices = @transform_3, window_bounds = array<i64: 128, 144>}, {pipeline_mode = #tpu.pipeline_mode<synchronous>, transform_indices = @transform_4, window_bounds = array<i64: 1, 128>}, {transform_indices = @transform_5, window_bounds = array<i64: 1000, 1, 128>}]} {
    %get3A = arith.constant 0 : index
    %get3A_0 = arith.constant 0 : index
    %get3A_1 = vector.load %arg2[%get3A, %get3A_0] : memref<1000x16xf32, #tpu.memory_space<vmem>>, vector<1000x16xf32>
    %get3A_2 = arith.constant 0 : index
    %get3A_3 = arith.constant 0 : index
    %get3A_4 = vector.load %arg3[%get3A_2, %get3A_3] : memref<1000x16xf32, #tpu.memory_space<vmem>>, vector<1000x16xf32>
    %add3A = arith.addf %get3A_1, %get3A_4 : vector<1000x16xf32>
    %get3A_5 = arith.constant 0 : index
    %get3A_6 = arith.constant 0 : index
    %get3A_7 = vector.load %arg1[%get3A_5, %get3A_6] : memref<1000x128xf32, #tpu.memory_space<vmem>>, vector<1000x128xf32>
    %get3A_8 = arith.constant 0 : index
    %get3A_9 = arith.constant 0 : index
    %get3A_10 = vector.load %arg4[%get3A_8, %get3A_9] : memref<128x144xf32, #tpu.memory_space<vmem>>, vector<128x128xf32>
    %dot_general3A = arith.constant dense<0.000000e+00> : vector<1000x128xf32>
    %dot_general3A_11 = tpu.matmul %get3A_7, %get3A_10, %dot_general3A {dimension_numbers = #tpu.dot_dimension_numbers<[1], [1], [0], [0], [0, 0, 1, 0], [], []>, transpose_lhs_hint = false} : vector<1000x128xf32>, vector<128x128xf32>, vector<1000x128xf32> -> vector<1000x128xf32>
    %get3A_12 = arith.constant 0 : index
    %get3A_13 = arith.constant 128 : index
    %get3A_14 = vector.load %arg4[%get3A_12, %get3A_13] : memref<128x144xf32, #tpu.memory_space<vmem>>, vector<128x16xf32>
    %dot_general3A_15 = arith.constant dense<0.000000e+00> : vector<1000x128xf32>
    %dot_general3A_16 = tpu.matmul %add3A, %get3A_14, %dot_general3A_15 {dimension_numbers = #tpu.dot_dimension_numbers<[1], [1], [0], [0], [0, 0, 1, 0], [], []>, transpose_lhs_hint = false} : vector<1000x16xf32>, vector<128x16xf32>, vector<1000x128xf32> -> vector<1000x128xf32>
    %add3A_17 = arith.addf %dot_general3A_11, %dot_general3A_16 : vector<1000x128xf32>
    %get3A_18 = arith.constant 0 : index
    %get3A_19 = arith.constant 0 : index
    %get3A_20 = vector.load %arg5[%get3A_18, %get3A_19] : memref<1x128xf32, #tpu.memory_space<vmem>>, vector<1x128xf32>
    %add3A_21 = vector.broadcast %get3A_20 : vector<1x128xf32> to vector<1000x128xf32>
    %add3A_22 = arith.addf %add3A_17, %add3A_21 : vector<1000x128xf32>
    %max3A = arith.constant 0.000000e+00 : f32
    %max3A_23 = vector.broadcast %max3A : f32 to vector<1000x128xf32>
    %max3A_24 = arith.maximumf %add3A_22, %max3A_23 : vector<1000x128xf32>
    %reshape3A = vector.shape_cast %max3A_24 : vector<1000x128xf32> to vector<1000x1x128xf32>
    %swap3A = arith.constant 0 : index
    %swap3A_25 = arith.constant 0 : index
    %swap3A_26 = arith.constant 0 : index
    %swap3A_27 = vector.load %arg6[%swap3A, %swap3A_25, %swap3A_26] : memref<1000x1x128xf32, #tpu.memory_space<vmem>>, vector<1000x1x128xf32>
    tpu.vector_store %arg6[%swap3A, %swap3A_25, %swap3A_26], %reshape3A {strides = array<i32>} : memref<1000x1x128xf32, #tpu.memory_space<vmem>>, vector<1000x1x128xf32>,
    return
  }
  func.func @transform_0(%arg0: i32) -> (i32, i32) {
    %c0_i32 = arith.constant 0 : i32
    %c0_i32_0 = arith.constant 0 : i32
    return %arg0, %c0_i32 : i32, i32
  }
  func.func @transform_1(%arg0: i32) -> (i32, i32) {
    %c0_i32 = arith.constant 0 : i32
    %c0_i32_0 = arith.constant 0 : i32
    return %arg0, %c0_i32 : i32, i32
  }
  func.func @transform_2(%arg0: i32) -> (i32, i32) {
    %c0_i32 = arith.constant 0 : i32
    %c0_i32_0 = arith.constant 0 : i32
    return %arg0, %c0_i32 : i32, i32
  }
  func.func @transform_3(%arg0: i32) -> (i32, i32) {
    %c0_i32 = arith.constant 0 : i32
    %c0_i32_0 = arith.constant 0 : i32
    %c0_i32_1 = arith.constant 0 : i32
    return %c0_i32, %c0_i32_0 : i32, i32
  }
  func.func @transform_4(%arg0: i32) -> (i32, i32) {
    %c0_i32 = arith.constant 0 : i32
    %c0_i32_0 = arith.constant 0 : i32
    %c0_i32_1 = arith.constant 0 : i32
    return %c0_i32, %c0_i32_0 : i32, i32
  }
  func.func @transform_5(%arg0: i32) -> (i32, i32, i32) {
    %c0_i32 = arith.constant 0 : i32
    %c0_i32_0 = arith.constant 0 : i32
    %c0_i32_1 = arith.constant 0 : i32
    return %arg0, %c0_i32, %c0_i32_0 : i32, i32, i32
  }
}

</mosaic_0001>

<sc_bundles>
// kernel: kernel.10.cloned.1.call-start
scs
__scs_entry_jumppad:
0x0: {  	(pc) =	sbr.rel $0x88, $3  }
0x1: {  	(tag) =	ssettag $0x0;
	lr =	simm.s32 $0x1  }
0x2: {  	[smem:$0x3F9A] =	sst lr;
	_ =	strace $0xD0000000  }
0x3: {  	_ = 	snop  }
0x4: {  	_ = 	snop  }
0x5: {  	_ = 	snop  }
0x6: {  	_ = 	snop  }
0x7: {  	_ = 	snop  }
__scs_overlays_trampoline_lowered:
0x8: {  	[smem:$0x3FA9] =	sst s0  }
0x9: {  	[smem:$0x3FAA] =	sst s1  }
0xa: {  	[smem:$0x3FAB] =	sst s2  }
0xb: {  	[smem:$0x3FAC] =	sst s3  }
0xc: {  	[smem:$0x3FAD] =	sst s4  }
0xd: {  	[smem:$0x3FAE] =	sst s5  }
0xe: {  	[smem:$0x3FAF] =	sst s6  }
0xf: {  	[smem:$0x3FB0] =	sst s7  }
0x10: {  	[smem:$0x3FB1] =	sst s8  }
0x11: {  	[smem:$0x3FB2] =	sst s9;
	s0 =	simm.s32 @!p0 $0x0  }
0x12: {  	s1 =	sld [smem:$0x3F98];
	s0 =	simm.s32 @p0 $0x1  }
0x13: {  	[smem:$0x3FB3] =	sst s0;
	s0 =	simm.s32 @!p1 $0x0  }
0x14: {  	s2 =	sld [smem:$0x3F97];
	s0 =	simm.s32 @p1 $0x1  }
0x15: {  	[smem:$0x3FB4] =	sst s0;
	s0 =	simm.s32 @!p2 $0x0  }
0x16: {  	s3 =	sld [smem:$0x3FDB];
	s0 =	simm.s32 @p2 $0x1  }
0x17: {  	s4 =	simm.s32 $0x1BF5;
	[smem:$0x3FB6] =	sst s0  }
0x18: {  	s0 =	sld [smem:$0x3F99];
	_ =	swait.ge [sflag:s4], $0x0  }
0x19: {  	s7 =	sld [smem:$0x3F9A]  }
0x1a: {  	s8 =	sadd.s32 $0xFFFFE003, lr  }
0x1b: {  	s9 =	sadd.s32 $0xFFFFFEF7, lr;
	s5 =	simm.s32 $0xFFFFFFFF;
	p2 =	slt.u32 s8, $0xFFFFF086  }
0x1c: {  	p1 =	slt.u32 s9, $0xF7A;
	s5 =	simm.s32 @!p2 $0x0  }
0x1d: {  	s5 =	simm.s32 @p1 $0x1;
	p0 =	seq.s32 s7, s2  }
0x1e: {  	s7 =	smul.u32 @!p0 $0xF7A, s2;
	p2 =	seq.s32 @!p0 s5, $0x0  }
0x1f: {  	s9 =	smul.u32 $0xF7A, s1;
	s8 =	simm.s32 @!p0 $0x1BF5;
	p2 =	por !p2, p0  }
0x20: {  	[sflag:s8] =	ssyncset.s32 @!p0 $0xFFFFF086;
	s6 =	sadd.s32 @!p0 s3, s7;
	s7 =	simm.s32 @!p0 $0x108  }
0x21: {  	s3 =	sadd.s32 s3, s9;
	s6 =	sadd.s32 @!p0 $0x88, s6;
	s7 =	simm.s32 @p2 $0x1082  }
0x22: {  	[simem:s7], [sflag:s8] =	dma.local @!p0 [hbm:s6], $0xF7A  }
0x23: {  	s9 =	sor.u32 $0xD0000000, s2;
	s6 =	simm.s32 $0x108;
	_ =	swait.ge @!p0 [sflag:s8], $0x0  }
0x24: {  	s3 =	sadd.s32 $0x88, s3;
	s6 =	simm.s32 @!p1 $0x1082;
	[sflag:s4] =	ssyncset.s32 $0xFFFFF086  }
0x25: {  	[simem:s6], [sflag:s4] =	dma.local [hbm:s3], $0xF7A  }
0x26: {  	[smem:$0x3F9A] =	sst s1;
	(tag) =	ssettag s2;
	_ =	strace s9  }
0x27: {  	s1 =	sld [smem:$0x3FAA]  }
0x28: {  	s2 =	sld [smem:$0x3FAB]  }
0x29: {  	s4 =	sld [smem:$0x3FAD]  }
0x2a: {  	p0 =	seq.s32 s5, $0x0;
	s5 =	sld [smem:$0x3FAE]  }
0x2b: {  	s6 =	sld [smem:$0x3FAF]  }
0x2c: {  	s7 =	sld [smem:$0x3FB0]  }
0x2d: {  	s3 =	simm.s32 $0x108;
	s8 =	sld [smem:$0x3FB1]  }
0x2e: {  	s3 =	simm.s32 @!p0 $0x1082;
	s9 =	sld [smem:$0x3FB2]  }
0x2f: {  	lr =	sadd.s32 s0, s3;
	s0 =	sld [smem:$0x3FA9]  }
0x30: {  	s3 =	sld [smem:$0x3FAC]  }
0x31: {  	[smem:$0x3FB5] =	sst s10  }
0x32: {  	s10 =	sld [smem:$0x3FB3];
	_ =	sdelay $0x3  }
0x33: {  	p0 =	seq.s32 s10, $0x1;
	s10 =	sld [smem:$0x3FB5];
	_ =	sdelay $0x3  }
0x34: {  	[smem:$0x3FB5] =	sst s10  }
0x35: {  	s10 =	sld [smem:$0x3FB4];
	_ =	sdelay $0x3  }
0x36: {  	p1 =	seq.s32 s10, $0x1;
	s10 =	sld [smem:$0x3FB5];
	_ =	sdelay $0x3  }
0x37: {  	[smem:$0x3FB5] =	sst s10  }
0x38: {  	s10 =	sld [smem:$0x3FB6]  }
0x39: {  	_ = 	snop;
	(pc) =	sbr.ind lr, $3  }
0x3a: {  	_ = 	snop  }
0x3b: {  	_ = 	snop  }
0x3c: {  	p2 =	seq.s32 s10, $0x1;
	s10 =	sld [smem:$0x3FB5]  }
0x3d: {  	_ =	shalt  }
0x3e: {  	_ =	shalt  }
0x3f: {  	_ =	shalt  }
0x40: {  	_ =	shalt  }
0x41: {  	_ =	shalt  }
0x42: {  	_ =	shalt  }
0x43: {  	_ =	shalt  }
0x44: {  	_ =	shalt  }
0x45: {  	_ =	shalt  }
0x46: {  	_ =	shalt  }
0x47: {  	_ =	shalt  }
0x48: {  	_ =	shalt  }
0x49: {  	_ =	shalt  }
0x4a: {  	_ =	shalt  }
0x4b: {  	_ =	shalt  }
0x4c: {  	_ =	shalt  }
0x4d: {  	_ =	shalt  }
0x4e: {  	_ =	shalt  }
0x4f: {  	_ =	shalt  }
0x50: {  	_ =	shalt  }
0x51: {  	_ =	shalt  }
0x52: {  	_ =	shalt  }
0x53: {  	_ =	shalt  }
0x54: {  	_ =	shalt  }
0x55: {  	_ =	shalt  }
0x56: {  	_ =	shalt  }
0x57: {  	_ =	shalt  }
0x58: {  	_ =	shalt  }
0x59: {  	_ =	shalt  }
0x5a: {  	_ =	shalt  }
0x5b: {  	_ =	shalt  }
0x5c: {  	_ =	shalt  }
0x5d: {  	_ =	shalt  }
0x5e: {  	_ =	shalt  }
0x5f: {  	_ =	shalt  }
0x60: {  	_ =	shalt  }
0x61: {  	_ =	shalt  }
0x62: {  	_ =	shalt  }
0x63: {  	_ =	shalt  }
0x64: {  	_ =	shalt  }
0x65: {  	_ =	shalt  }
0x66: {  	_ =	shalt  }
0x67: {  	_ =	shalt  }
0x68: {  	_ =	shalt  }
0x69: {  	_ =	shalt  }
0x6a: {  	_ =	shalt  }
0x6b: {  	_ =	shalt  }
0x6c: {  	_ =	shalt  }
0x6d: {  	_ =	shalt  }
0x6e: {  	_ =	shalt  }
0x6f: {  	_ =	shalt  }
0x70: {  	_ =	shalt  }
0x71: {  	_ =	shalt  }
0x72: {  	_ =	shalt  }
0x73: {  	_ =	shalt  }
0x74: {  	_ =	shalt  }
0x75: {  	_ =	shalt  }
0x76: {  	_ =	shalt  }
0x77: {  	_ =	shalt  }
0x78: {  	_ =	shalt  }
0x79: {  	_ =	shalt  }
0x7a: {  	_ =	shalt  }
0x7b: {  	_ =	shalt  }
0x7c: {  	_ =	shalt  }
0x7d: {  	_ =	shalt  }
0x7e: {  	_ =	shalt  }
0x7f: {  	_ =	shalt  }
0x80: {  	_ =	shalt  }
0x81: {  	_ =	shalt  }
0x82: {  	_ =	shalt  }
0x83: {  	_ =	shalt  }
0x84: {  	_ =	shalt  }
0x85: {  	_ =	shalt  }
0x86: {  	_ =	shalt  }
0x87: {  	_ =	shalt  }
.Lfunc_end0:
.L_simem_size_0:
called_computation.1_lowered:
.L_overlay_start_0:
0x88: {  	s2 =	sld [smem:$0x3FD9]  }
0x89: {  	s3 =	sld [smem:$0x3FFE];
	_ =	sdelay $0x1  }
0x8a: {  	s1 =	srdreg.scid  }
0x8b: {  	s0 =	sand.u32 $0x1, s1  }
0x8c: {  	s16 =	sshll.u32 s0, $0xA;
	s2 =	sadd.s32 s3, s2  }
0x8d: {  	s2 =	sadd.s32 s2, s16  }
0x8e: {  	[smem:$0x3FC1] =	sst s2  }
0x8f: {  	_ = 	snop  }
0x90: {  	(tm) =	ssettm $0x1  }
0x91: {  	s17 =	sld [smem:$0x3FFB];
	_ =	sdelay $0x3  }
0x92: {  	_ =	strace s17  }
0x93: {  	s2 =	sld [smem:$0x3FFC];
	_ =	sdelay $0x3  }
0x94: {  	_ =	strace s2  }
0x95: {  	s2 =	sld [smem:$0x3FFD];
	_ =	sdelay $0x3  }
0x96: {  	_ =	strace s2  }
0x97: {  	_ =	strace $0x8FFFFFFF  }
0x98: {  	s18 =	sld [smem:$0x3FDB];
	_ =	sdelay $0x1  }
0x99: {  	s19 =	simm.s32 $_scs_section_size  }
0x9a: {  	s4 =	simm.s32 $_size__tile_overlayer_lowered;
	s5 =	simm.s32 $_tile_overlayer_lowered  }
0x9b: {  	s22 =	simm.s32 $0x1BFF;
	s21 =	sshll.u32 s5, $0x1;
	s2 =	sadd.s32 s19, s18  }
0x9c: {  	s6 =	simm.s32 $0x0;
	s20 =	sshll.u32 s4, $0x1;
	s4 =	sadd.s32 s21, s2  }
0x9d: {  	[timem:s6], [sflag:s22] =	dma.local [hbm:s4], s20  }
0x9e: {  	_ =	swait.ge [sflag:s22], s20  }
0x9f: {  	s3 =	ssub.s32 $0x0, s20;
	[sflag:s22] =	ssyncset.done $0x0  }
0xa0: {  	[sflag:s22] =	ssyncadd.s32 s3;
	_ =	sdelay $0x1  }
0xa1: {  	s23 =	simm.s32 $0x1B8B  }
0xa2: {  	_ =	swait.ge [sflag:s23], $0x1  }
0xa3: {  	[sflag:s23] =	ssyncset.done $0x0  }
0xa4: {  	s25 =	simm.s32 $0x1B8E;
	s24 =	sld [smem:$0x3FFE];
	[sflag:s23] =	ssyncadd.s32 $0xFFFFFFFF  }
0xa5: {  	s26 =	simm.s32 $execute0_lowered;
	[smem:$0x3FD2] =	sst s25  }
0xa6: {  	s4 =	sshll.u32 s26, $0x1;
	_ =	strace $0x80000049;
	[dreg:$0x1] =	wrdreg $0xFFFFFFFF  }
0xa7: {  	s28 =	simm.s32 $_size_execute0_lowered;
	s2 =	sadd.s32 s2, s4;
	[dreg:$0x0] =	wrdreg $0x0  }
0xa8: {  	s4 =	sshll.u32 s28, $0x1;
	[dreg:$0x2] =	wrdreg s2  }
0xa9: {  	[dreg:$0x3] =	wrdreg s4  }
0xaa: {  	[dreg:$0x4] =	wrdreg $0xC0  }
0xab: {  	_ =	task [dreg:s6], $0x5FFFF  }
0xac: {  	[dreg:$0x1] =	wrdreg $0xFFFFFFFF  }
0xad: {  	[dreg:$0x0] =	wrdreg $0x60  }
0xae: {  	[dreg:$0x2] =	wrdreg s24  }
0xaf: {  	[dreg:$0x3] =	wrdreg $0x18B000  }
0xb0: {  	[dreg:$0x4] =	wrdreg $0x9  }
0xb1: {  	_ =	task.clear_ibuf [dreg:s6], $0x5FFFF;
	_ =	strace $0x90000049  }
0xb2: {  	s29 =	simm.s32 $0x9;
	_ =	strace $0x8000004B  }
0xb3: {  	_ =	swait.ge [sflag:s29], $0x1  }
0xb4: {  	[sflag:s29] =	ssyncadd.s32 $0xFFFFFFFF  }
0xb5: {  	_ =	strace $0x9000004B  }
0xb6: {  	_ =	sfence  }
0xb7: {  	s30 =	sld [smem:$0x0];
	_ =	sdelay $0x2  }
0xb8: {  	s31 =	sshll.u32 s1, $0xD;
	s1 =	sshrl.u32 s1, $0x2  }
0xb9: {  	s3 =	sand.u32 $0x4000, s31;
	s1 =	sadd.s32 s1, s30  }
0xba: {  	s0 =	sor.u32 s3, s0;
	s1 =	sshll.u32 s1, $0x11  }
0xbb: {  	s0 =	sor.u32 s1, s0  }
0xbc: {  	s0 =	sadd.s32 $0x8F2B, s0  }
0xbd: {  	[sflag:s0] =	ssyncadd.remote.s32 $0x1  }
0xbe: {  	_ =	sfence.sel $0xFFFF  }
0xbf: {  	[dreg:$0x0] =	wrdreg $0xFFFFFFFF;
	(pc) =	sbr.abs _section_cstart, $3  }
0xc0: {  	[dreg:$0x1] =	wrdreg $0xFFFFFFFF  }
0xc1: {  	_ =	task.clear_ibuf [dreg:s6], $0x2FFFF;
	_ =	strace $0x9FFFFFFF  }
0xc2: {  	(tm) =	ssettm $0x7FFFFFFF  }
0xc3: {  	_ =	shalt  }
tec
execute0_lowered:
.L_overlay_start_1:
0x0: {  	(tag) =	ssettag $0x1  }
0x1: {  	s6 =	rddreg [dreg:$0x0]  }
0x2: {  	s2 =	rddreg [dreg:$0x1]  }
0x3: {  	s0 =	srdreg.scid;
	s1 =	rddreg [dreg:$0x2]  }
0x4: {  	s3 =	simm.s32 $0x0;
	s13 =	simm.s32 $0x1380;
	s14 =	simm.s32 $0x2700  }
0x5: {  	s15 =	simm.s32 $0x16300;
	s16 =	simm.s32 $0x3;
	s17 =	simm.s32 $0x1  }
0x6: {  	s18 =	simm.s32 $0x7600;
	s19 =	simm.s32 $0x4E0;
	s4 =	sand.u32 $0x1, s0  }
0x7: {  	s20 =	simm.s32 $0xC500;
	s0 =	stileid.u32;
	s5 =	smul.u32 $0x13800, s4  }
0x8: {  	s21 =	simm.s32 $0x2;
	s22 =	simm.s32 $0x11400;
	s7 =	smul.u32 $0x1380, s0  }
0x9: {  	s23 =	simm.s32 $0x9C0;
	s24 =	simm.s32 $0xEA0;
	s8 =	smul.u32 $0x2800, s0  }
0xa: {  	[smem:$0x7FF] =	sst s3;
	s9 =	smul.u32 $0x28000, s4;
	s30 =	ssub.s32 $0x2, s4  }
0xb: {  	s25 =	simm.s32 $0x0;
	_ =	strace $0x8000004A;
	s31 =	sshrl.u32 s30, $0x1  }
0xc: {  	s5 =	sadd.s32 s7, s5;
	s9 =	sadd.s32 s8, s9;
	s12 =	ssub.s32 s30, s31  }
0xd: {  	s7 =	sshrl.u32 s5, $0x3;
	s5 =	sshll.u32 s5, $0x1;
	s9 =	sshrl.u32 s9, $0x3  }
0xe: {  	s7 =	sadd.s32 s7, s6;
	s10 =	sadd.s32 s5, s6;
	s11 =	sadd.s32 s9, s6  }
0xf: {  	s4 =	sadd.s32 $0xFC00, s7;
	s5 =	sadd.s32 $0x5400, s7;
	s6 =	sadd.s32 $0x289A00, s10  }
0x10: {  	s8 =	sadd.s32 s8, s2;
	s7 =	sadd.s32 $0x28A3C0, s10;
	s9 =	sadd.s32 $0x28AD80, s10  }
0x11: {  	v0 =	vimm.f32 $0.0e+00;
	s12 =	smax.u32 s12, $0x1;
	s10 =	sadd.s32 $0x28B740, s10;
	s11 =	sadd.s32 $0x19A00, s11  }
.LBB2_1:
0x12: {  	[tilespmem:s3], [sflag:$0x1] =	stream.linear.gather [hbm4b:s4+s3], $0x1380, $0x38;
	[tilespmem:$0x1B300] =	vst v63  }
0x13: {  	_ = 	snop  }
0x14: {  	[tilespmem:s13], [sflag:$0x1] =	stream.linear.gather [hbm4b:s5+s3], $0x1380, $0x38;
	[tilespmem:$0x1B300] =	vst v63  }
0x15: {  	s26 =	simm.s32 $0x40;
	s28 =	simm.s32 $0x0  }
0x16: {  	[tilespmem:s14], [sflag:$0x1] =	stream.linear.gather [hbm4b:s6+s3], $0x4E00, $0x38;
	[tilespmem:$0x1B300] =	vst v63  }
.LBB2_2:
0x17: {  	p0 =	sne.s32 s26, $0x9FC0;
	[tilespmem:s28+$0x16300] =	vst v0;
	s28 =	smov.u32 s26;
	s26 =	sadd.s32 $0x40, s26  }
.Ltmp0:
0x18: {  	(pc) =	sbr.rel @p0 .LBB2_2-.Ltmp0, $2  }
0x19: {  	_ =	sdelay $0x2  }
0x1a: {  	s28 =	sshra.s32 s28, $0x2  }
0x1b: {  	[tilespmem:s28+$0x16300] =	vst v0  }
0x1c: {  	[spmem:s8] =	stream.linear.scatter [tilespmem:s15], [sflag:$0x3], $0x2800, $0x38;
	[tilespmem:$0x1B300] =	vst v63  }
0x1d: {  	_ =	swait.ge [sflag:s16], $0x2800  }
0x1e: {  	[sflag:s16] =	ssyncset.done $0x0  }
0x1f: {  	[sflag:s16] =	ssyncadd.s32 $0xFFFFD800  }
0x20: {  	_ =	swait.ge [sflag:s17], $0x1380  }
0x21: {  	[sflag:s17] =	ssyncset.done $0x0  }
0x22: {  	[sflag:s17] =	ssyncadd.s32 $0xFFFFEC80  }
0x23: {  	_ =	swait.ge [sflag:s17], $0x1380  }
0x24: {  	[sflag:s17] =	ssyncset.done $0x0  }
0x25: {  	[sflag:s17] =	ssyncadd.s32 $0xFFFFEC80  }
0x26: {  	[bflag:$0x0] =	sbarrier.arrive $0xFFFF  }
0x27: {  	_ =	swait.ge [sflag:s17], $0x4E00  }
0x28: {  	[sflag:s17] =	ssyncset.done $0x0  }
0x29: {  	s26 =	simm.s32 $0x0;
	[sflag:s17] =	ssyncadd.s32 $0xFFFFB200  }
0x2a: {  	[tilespmem:s18], [sflag:$0x1] =	stream.linear.gather [hbm4b:s7+s26], $0x4E00, $0x38;
	[tilespmem:$0x1B300] =	vst v63  }
0x2b: {  	s26 =	simm.s32 $0x0  }
0x2c: {  	s28 =	simm.s32 $0x1380;
	v2 =	vld [tilespmem:s26+$0x2700]  }
0x2d: {  	s29 =	simm.s32 $0x400;
	v1 =	vld [tilespmem:s28+$0x0]  }
.LBB2_4:
0x2e: {  	p0 =	sne.s32 s29, $0x13400;
	v3 =	vld [tilespmem:s26+$0x2710]  }
0x2f: {  	v4 =	vld [tilespmem:s26+$0x2720]  }
0x30: {  	v5 =	vld [tilespmem:s26+$0x2730]  }
0x31: {  	v6 =	vld [tilespmem:s26+$0x2740]  }
0x32: {  	v7 =	vbroadcast v1, $0x0;
	v8 =	vbroadcast v1, $0x1;
	v9 =	vld [tilespmem:s26+$0x2750]  }
0x33: {  	v10 =	vbroadcast v1, $0x2;
	v11 =	vbroadcast v1, $0x3;
	v12 =	vld [tilespmem:s26+$0x2760]  }
0x34: {  	v2 =	vmul.f32 v7, v2;
	v3 =	vmul.f32 v3, v8;
	v7 =	vld [tilespmem:s26+$0x2770]  }
0x35: {  	v4 =	vmul.f32 v4, v10;
	v5 =	vmul.f32 v5, v11;
	v8 =	vld [tilespmem:s26+$0x2780]  }
0x36: {  	v10 =	vbroadcast v1, $0x5;
	[tilespmem:s26+$0xC500] =	vst v2;
	v2 =	vbroadcast v1, $0x4;
	v11 =	vld [tilespmem:s26+$0x2790]  }
0x37: {  	v13 =	vbroadcast v1, $0x7;
	[tilespmem:s26+$0xC510] =	vst v3;
	v3 =	vbroadcast v1, $0x6;
	v14 =	vld [tilespmem:s26+$0x27A0]  }
0x38: {  	[tilespmem:s26+$0xC520] =	vst v4;
	v2 =	vmul.f32 v6, v2;
	v4 =	vmul.f32 v9, v10;
	v6 =	vld [tilespmem:s26+$0x27B0]  }
0x39: {  	[tilespmem:s26+$0xC530] =	vst v5;
	v3 =	vmul.f32 v12, v3;
	v5 =	vmul.f32 v7, v13;
	v7 =	vld [tilespmem:s26+$0x27C0]  }
0x3a: {  	v9 =	vbroadcast v1, $0x9;
	[tilespmem:s26+$0xC540] =	vst v2;
	v2 =	vbroadcast v1, $0x8;
	v10 =	vld [tilespmem:s26+$0x27D0]  }
0x3b: {  	v12 =	vbroadcast v1, $0xB;
	[tilespmem:s26+$0xC550] =	vst v4;
	v4 =	vbroadcast v1, $0xA;
	v13 =	vld [tilespmem:s26+$0x27E0]  }
0x3c: {  	[tilespmem:s26+$0xC560] =	vst v3;
	v2 =	vmul.f32 v8, v2;
	v3 =	vmul.f32 v11, v9;
	v8 =	vld [tilespmem:s26+$0x27F0]  }
0x3d: {  	[tilespmem:s26+$0xC570] =	vst v5;
	v4 =	vmul.f32 v14, v4;
	v5 =	vmul.f32 v6, v12  }
0x3e: {  	v6 =	vbroadcast v1, $0xD;
	[tilespmem:s26+$0xC580] =	vst v2;
	v2 =	vbroadcast v1, $0xC  }
0x3f: {  	[tilespmem:s26+$0xC590] =	vst v3;
	v3 =	vbroadcast v1, $0xE;
	v1 =	vbroadcast v1, $0xF  }
0x40: {  	[tilespmem:s26+$0xC5A0] =	vst v4;
	v2 =	vmul.f32 v7, v2;
	v4 =	vmul.f32 v10, v6  }
0x41: {  	[tilespmem:s26+$0xC5B0] =	vst v5;
	v3 =	vmul.f32 v13, v3;
	v1 =	vmul.f32 v8, v1  }
.Ltmp1:
0x42: {  	[tilespmem:s26+$0xC5C0] =	vst v2;
	(pc) =	sbr.rel @p0 .LBB2_4-.Ltmp1, $4  }
0x43: {  	[tilespmem:s26+$0xC5D0] =	vst v4  }
0x44: {  	s30 =	sshra.s32 s29, $0x2;
	[tilespmem:s26+$0xC5E0] =	vst v3  }
0x45: {  	s28 =	sadd.s32 $0x10, s28;
	v2 =	vld [tilespmem:s30+$0x2700];
	[tilespmem:s26+$0xC5F0] =	vst v1;
	s26 =	smov.u32 s30  }
0x46: {  	s29 =	sadd.s32 $0x400, s29;
	v1 =	vld [tilespmem:s28+$0x0]  }
0x47: {  	_ =	sdelay $0x1  }
0x48: {  	v3 =	vld [tilespmem:s26+$0x2710]  }
0x49: {  	v4 =	vld [tilespmem:s26+$0x2720]  }
0x4a: {  	v5 =	vld [tilespmem:s26+$0x2730];
	v7 =	vbroadcast v1, $0x0  }
0x4b: {  	v6 =	vld [tilespmem:s26+$0x2740];
	v10 =	vbroadcast v1, $0x1  }
0x4c: {  	v8 =	vld [tilespmem:s26+$0x2750];
	v12 =	vbroadcast v1, $0x2;
	v2 =	vmul.f32 v7, v2  }
0x4d: {  	v9 =	vld [tilespmem:s26+$0x2760];
	v48 =	vbroadcast v1, $0x3;
	v3 =	vmul.f32 v3, v10  }
0x4e: {  	v47 =	vld [tilespmem:s26+$0x2770];
	v49 =	vbroadcast v1, $0x4;
	v4 =	vmul.f32 v4, v12;
	[tilespmem:s26+$0xC500] =	vst v2  }
0x4f: {  	v54 =	vld [tilespmem:s26+$0x27D0];
	v51 =	vbroadcast v1, $0x5;
	v5 =	vmul.f32 v5, v48;
	[tilespmem:s26+$0xC510] =	vst v3  }
0x50: {  	v11 =	vld [tilespmem:s26+$0x2780];
	v53 =	vbroadcast v1, $0x6;
	v6 =	vmul.f32 v6, v49;
	[tilespmem:s26+$0xC520] =	vst v4  }
0x51: {  	v55 =	vbroadcast v1, $0x7;
	v8 =	vmul.f32 v8, v51;
	v2 =	vld [tilespmem:s26+$0x2790];
	[tilespmem:s26+$0xC530] =	vst v5  }
0x52: {  	v62 =	vbroadcast v1, $0xD;
	v9 =	vmul.f32 v9, v53;
	v3 =	vld [tilespmem:s26+$0x27A0];
	[tilespmem:s26+$0xC540] =	vst v6  }
0x53: {  	v50 =	vld [tilespmem:s26+$0x27B0];
	v56 =	vbroadcast v1, $0x8;
	v7 =	vmul.f32 v47, v55;
	[tilespmem:s26+$0xC550] =	vst v8  }
0x54: {  	v52 =	vld [tilespmem:s26+$0x27C0];
	v58 =	vbroadcast v1, $0x9;
	v63 =	vmul.f32 v54, v62;
	[tilespmem:s26+$0xC560] =	vst v9  }
0x55: {  	v57 =	vld [tilespmem:s26+$0x27E0];
	v59 =	vbroadcast v1, $0xA;
	v8 =	vmul.f32 v11, v56;
	[tilespmem:s26+$0xC570] =	vst v7  }
0x56: {  	v60 =	vld [tilespmem:s26+$0x27F0];
	v13 =	vbroadcast v1, $0xB;
	[tilespmem:s26+$0xC5D0] =	vst v63;
	v2 =	vmul.f32 v2, v58  }
0x57: {  	v61 =	vbroadcast v1, $0xC;
	[tilespmem:s26+$0xC580] =	vst v8;
	v3 =	vmul.f32 v3, v59  }
0x58: {  	v4 =	vmul.f32 v50, v13;
	[tilespmem:s26+$0xC590] =	vst v2;
	v2 =	vbroadcast v1, $0xE  }
0x59: {  	[tilespmem:s26+$0xC5A0] =	vst v3;
	v3 =	vmul.f32 v52, v61;
	v1 =	vbroadcast v1, $0xF  }
0x5a: {  	[tilespmem:s26+$0xC5B0] =	vst v4;
	v2 =	vmul.f32 v57, v2  }
0x5b: {  	[tilespmem:s26+$0xC5C0] =	vst v3;
	v1 =	vmul.f32 v60, v1  }
0x5c: {  	[tilespmem:s26+$0xC5E0] =	vst v2  }
0x5d: {  	s31 =	simm.s32 $0x0;
	[tilespmem:s26+$0xC5F0] =	vst v1  }
0x5e: {  	[spmem:s2] =	stream.indirect.scatter.add.f32 [tilespmem:s20], [sflag:$0x2], $0x10, s31, s19, $0xb8;
	[tilespmem:$0x1B300] =	vst v63  }
0x5f: {  	_ =	swait.ge [sflag:s17], $0x4E00  }
0x60: {  	[sflag:s17] =	ssyncset.done $0x0  }
0x61: {  	s26 =	simm.s32 $0x0;
	[sflag:s17] =	ssyncadd.s32 $0xFFFFB200  }
0x62: {  	[tilespmem:s14], [sflag:$0x1] =	stream.linear.gather [hbm4b:s9+s31], $0x4E00, $0x38;
	[tilespmem:$0x1B300] =	vst v63  }
0x63: {  	s28 =	simm.s32 $0x1860;
	v2 =	vld [tilespmem:s26+$0x7600]  }
0x64: {  	s29 =	simm.s32 $0x400;
	v1 =	vld [tilespmem:s28+$0x0]  }
.LBB2_6:
0x65: {  	p0 =	sne.s32 s29, $0x13400;
	v3 =	vld [tilespmem:s26+$0x7610]  }
0x66: {  	v4 =	vld [tilespmem:s26+$0x7620]  }
0x67: {  	v5 =	vld [tilespmem:s26+$0x7630]  }
0x68: {  	v6 =	vld [tilespmem:s26+$0x7640]  }
0x69: {  	v7 =	vbroadcast v1, $0x0;
	v8 =	vbroadcast v1, $0x1;
	v9 =	vld [tilespmem:s26+$0x7650]  }
0x6a: {  	v10 =	vbroadcast v1, $0x2;
	v11 =	vbroadcast v1, $0x3;
	v12 =	vld [tilespmem:s26+$0x7660]  }
0x6b: {  	v2 =	vmul.f32 v7, v2;
	v3 =	vmul.f32 v3, v8;
	v7 =	vld [tilespmem:s26+$0x7670]  }
0x6c: {  	v4 =	vmul.f32 v4, v10;
	v5 =	vmul.f32 v5, v11;
	v8 =	vld [tilespmem:s26+$0x7680]  }
0x6d: {  	v10 =	vbroadcast v1, $0x5;
	[tilespmem:s26+$0x11400] =	vst v2;
	v2 =	vbroadcast v1, $0x4;
	v11 =	vld [tilespmem:s26+$0x7690]  }
0x6e: {  	v13 =	vbroadcast v1, $0x7;
	[tilespmem:s26+$0x11410] =	vst v3;
	v3 =	vbroadcast v1, $0x6;
	v14 =	vld [tilespmem:s26+$0x76A0]  }
0x6f: {  	[tilespmem:s26+$0x11420] =	vst v4;
	v2 =	vmul.f32 v6, v2;
	v4 =	vmul.f32 v9, v10;
	v6 =	vld [tilespmem:s26+$0x76B0]  }
0x70: {  	[tilespmem:s26+$0x11430] =	vst v5;
	v3 =	vmul.f32 v12, v3;
	v5 =	vmul.f32 v7, v13;
	v7 =	vld [tilespmem:s26+$0x76C0]  }
0x71: {  	v9 =	vbroadcast v1, $0x9;
	[tilespmem:s26+$0x11440] =	vst v2;
	v2 =	vbroadcast v1, $0x8;
	v10 =	vld [tilespmem:s26+$0x76D0]  }
0x72: {  	v12 =	vbroadcast v1, $0xB;
	[tilespmem:s26+$0x11450] =	vst v4;
	v4 =	vbroadcast v1, $0xA;
	v13 =	vld [tilespmem:s26+$0x76E0]  }
0x73: {  	[tilespmem:s26+$0x11460] =	vst v3;
	v2 =	vmul.f32 v8, v2;
	v3 =	vmul.f32 v11, v9;
	v8 =	vld [tilespmem:s26+$0x76F0]  }
0x74: {  	[tilespmem:s26+$0x11470] =	vst v5;
	v4 =	vmul.f32 v14, v4;
	v5 =	vmul.f32 v6, v12  }
0x75: {  	v6 =	vbroadcast v1, $0xD;
	[tilespmem:s26+$0x11480] =	vst v2;
	v2 =	vbroadcast v1, $0xC  }
0x76: {  	[tilespmem:s26+$0x11490] =	vst v3;
	v3 =	vbroadcast v1, $0xE;
	v1 =	vbroadcast v1, $0xF  }
0x77: {  	[tilespmem:s26+$0x114A0] =	vst v4;
	v2 =	vmul.f32 v7, v2;
	v4 =	vmul.f32 v10, v6  }
0x78: {  	[tilespmem:s26+$0x114B0] =	vst v5;
	v3 =	vmul.f32 v13, v3;
	v1 =	vmul.f32 v8, v1  }
.Ltmp2:
0x79: {  	[tilespmem:s26+$0x114C0] =	vst v2;
	(pc) =	sbr.rel @p0 .LBB2_6-.Ltmp2, $4  }
0x7a: {  	[tilespmem:s26+$0x114D0] =	vst v4  }
0x7b: {  	s30 =	sshra.s32 s29, $0x2;
	[tilespmem:s26+$0x114E0] =	vst v3  }
0x7c: {  	s28 =	sadd.s32 $0x10, s28;
	v2 =	vld [tilespmem:s30+$0x7600];
	[tilespmem:s26+$0x114F0] =	vst v1;
	s26 =	smov.u32 s30  }
0x7d: {  	s29 =	sadd.s32 $0x400, s29;
	v1 =	vld [tilespmem:s28+$0x0]  }
0x7e: {  	_ =	sdelay $0x1  }
0x7f: {  	v3 =	vld [tilespmem:s26+$0x7610]  }
0x80: {  	v4 =	vld [tilespmem:s26+$0x7620]  }
0x81: {  	v5 =	vld [tilespmem:s26+$0x7630];
	v7 =	vbroadcast v1, $0x0  }
0x82: {  	v6 =	vld [tilespmem:s26+$0x7640];
	v10 =	vbroadcast v1, $0x1  }
0x83: {  	v8 =	vld [tilespmem:s26+$0x7650];
	v12 =	vbroadcast v1, $0x2;
	v2 =	vmul.f32 v7, v2  }
0x84: {  	v9 =	vld [tilespmem:s26+$0x7660];
	v48 =	vbroadcast v1, $0x3;
	v3 =	vmul.f32 v3, v10  }
0x85: {  	v47 =	vld [tilespmem:s26+$0x7670];
	v49 =	vbroadcast v1, $0x4;
	v4 =	vmul.f32 v4, v12;
	[tilespmem:s26+$0x11400] =	vst v2  }
0x86: {  	v54 =	vld [tilespmem:s26+$0x76D0];
	v51 =	vbroadcast v1, $0x5;
	v5 =	vmul.f32 v5, v48;
	[tilespmem:s26+$0x11410] =	vst v3  }
0x87: {  	v11 =	vld [tilespmem:s26+$0x7680];
	v53 =	vbroadcast v1, $0x6;
	v6 =	vmul.f32 v6, v49;
	[tilespmem:s26+$0x11420] =	vst v4  }
0x88: {  	v55 =	vbroadcast v1, $0x7;
	v8 =	vmul.f32 v8, v51;
	v2 =	vld [tilespmem:s26+$0x7690];
	[tilespmem:s26+$0x11430] =	vst v5  }
0x89: {  	v62 =	vbroadcast v1, $0xD;
	v9 =	vmul.f32 v9, v53;
	v3 =	vld [tilespmem:s26+$0x76A0];
	[tilespmem:s26+$0x11440] =	vst v6  }
0x8a: {  	v50 =	vld [tilespmem:s26+$0x76B0];
	v56 =	vbroadcast v1, $0x8;
	v7 =	vmul.f32 v47, v55;
	[tilespmem:s26+$0x11450] =	vst v8  }
0x8b: {  	v52 =	vld [tilespmem:s26+$0x76C0];
	v58 =	vbroadcast v1, $0x9;
	v63 =	vmul.f32 v54, v62;
	[tilespmem:s26+$0x11460] =	vst v9  }
0x8c: {  	v57 =	vld [tilespmem:s26+$0x76E0];
	v59 =	vbroadcast v1, $0xA;
	v8 =	vmul.f32 v11, v56;
	[tilespmem:s26+$0x11470] =	vst v7  }
0x8d: {  	v60 =	vld [tilespmem:s26+$0x76F0];
	v13 =	vbroadcast v1, $0xB;
	[tilespmem:s26+$0x114D0] =	vst v63;
	v2 =	vmul.f32 v2, v58  }
0x8e: {  	v61 =	vbroadcast v1, $0xC;
	[tilespmem:s26+$0x11480] =	vst v8;
	v3 =	vmul.f32 v3, v59  }
0x8f: {  	v4 =	vmul.f32 v50, v13;
	[tilespmem:s26+$0x11490] =	vst v2;
	v2 =	vbroadcast v1, $0xE  }
0x90: {  	[tilespmem:s26+$0x114A0] =	vst v3;
	v3 =	vmul.f32 v52, v61;
	v1 =	vbroadcast v1, $0xF  }
0x91: {  	[tilespmem:s26+$0x114B0] =	vst v4;
	v2 =	vmul.f32 v57, v2  }
0x92: {  	[tilespmem:s26+$0x114C0] =	vst v3;
	v1 =	vmul.f32 v60, v1  }
0x93: {  	[tilespmem:s26+$0x114E0] =	vst v2  }
0x94: {  	[tilespmem:s26+$0x114F0] =	vst v1  }
0x95: {  	_ =	swait.ge [sflag:s21], $0x4E00  }
0x96: {  	[sflag:s21] =	ssyncset.done $0x0  }
0x97: {  	[sflag:s21] =	ssyncadd.s32 $0xFFFFB200  }
0x98: {  	[spmem:s2] =	stream.indirect.scatter.add.f32 [tilespmem:s22], [sflag:$0x2], $0x10, s19, s19, $0xb8;
	[tilespmem:$0x1B300] =	vst v63  }
0x99: {  	_ =	swait.ge [sflag:s17], $0x4E00  }
0x9a: {  	[sflag:s17] =	ssyncset.done $0x0  }
0x9b: {  	s31 =	simm.s32 $0x0;
	s26 =	simm.s32 $0x0;
	[sflag:s17] =	ssyncadd.s32 $0xFFFFB200  }
0x9c: {  	[tilespmem:s18], [sflag:$0x1] =	stream.linear.gather [hbm4b:s10+s31], $0x4E00, $0x38;
	[tilespmem:$0x1B300] =	vst v63  }
0x9d: {  	s28 =	simm.s32 $0x1D40;
	v2 =	vld [tilespmem:s26+$0x2700]  }
0x9e: {  	s29 =	simm.s32 $0x400;
	v1 =	vld [tilespmem:s28+$0x0]  }
.LBB2_8:
0x9f: {  	p0 =	sne.s32 s29, $0x13400;
	v3 =	vld [tilespmem:s26+$0x2710]  }
0xa0: {  	v4 =	vld [tilespmem:s26+$0x2720]  }
0xa1: {  	v5 =	vld [tilespmem:s26+$0x2730]  }
0xa2: {  	v6 =	vld [tilespmem:s26+$0x2740]  }
0xa3: {  	v7 =	vbroadcast v1, $0x0;
	v8 =	vbroadcast v1, $0x1;
	v9 =	vld [tilespmem:s26+$0x2750]  }
0xa4: {  	v10 =	vbroadcast v1, $0x2;
	v11 =	vbroadcast v1, $0x3;
	v12 =	vld [tilespmem:s26+$0x2760]  }
0xa5: {  	v2 =	vmul.f32 v7, v2;
	v3 =	vmul.f32 v3, v8;
	v7 =	vld [tilespmem:s26+$0x2770]  }
0xa6: {  	v4 =	vmul.f32 v4, v10;
	v5 =	vmul.f32 v5, v11;
	v8 =	vld [tilespmem:s26+$0x2780]  }
0xa7: {  	v10 =	vbroadcast v1, $0x5;
	[tilespmem:s26+$0xC500] =	vst v2;
	v2 =	vbroadcast v1, $0x4;
	v11 =	vld [tilespmem:s26+$0x2790]  }
0xa8: {  	v13 =	vbroadcast v1, $0x7;
	[tilespmem:s26+$0xC510] =	vst v3;
	v3 =	vbroadcast v1, $0x6;
	v14 =	vld [tilespmem:s26+$0x27A0]  }
0xa9: {  	[tilespmem:s26+$0xC520] =	vst v4;
	v2 =	vmul.f32 v6, v2;
	v4 =	vmul.f32 v9, v10;
	v6 =	vld [tilespmem:s26+$0x27B0]  }
0xaa: {  	[tilespmem:s26+$0xC530] =	vst v5;
	v3 =	vmul.f32 v12, v3;
	v5 =	vmul.f32 v7, v13;
	v7 =	vld [tilespmem:s26+$0x27C0]  }
0xab: {  	v9 =	vbroadcast v1, $0x9;
	[tilespmem:s26+$0xC540] =	vst v2;
	v2 =	vbroadcast v1, $0x8;
	v10 =	vld [tilespmem:s26+$0x27D0]  }
0xac: {  	v12 =	vbroadcast v1, $0xB;
	[tilespmem:s26+$0xC550] =	vst v4;
	v4 =	vbroadcast v1, $0xA;
	v13 =	vld [tilespmem:s26+$0x27E0]  }
0xad: {  	[tilespmem:s26+$0xC560] =	vst v3;
	v2 =	vmul.f32 v8, v2;
	v3 =	vmul.f32 v11, v9;
	v8 =	vld [tilespmem:s26+$0x27F0]  }
0xae: {  	[tilespmem:s26+$0xC570] =	vst v5;
	v4 =	vmul.f32 v14, v4;
	v5 =	vmul.f32 v6, v12  }
0xaf: {  	v6 =	vbroadcast v1, $0xD;
	[tilespmem:s26+$0xC580] =	vst v2;
	v2 =	vbroadcast v1, $0xC  }
0xb0: {  	[tilespmem:s26+$0xC590] =	vst v3;
	v3 =	vbroadcast v1, $0xE;
	v1 =	vbroadcast v1, $0xF  }
0xb1: {  	[tilespmem:s26+$0xC5A0] =	vst v4;
	v2 =	vmul.f32 v7, v2;
	v4 =	vmul.f32 v10, v6  }
0xb2: {  	[tilespmem:s26+$0xC5B0] =	vst v5;
	v3 =	vmul.f32 v13, v3;
	v1 =	vmul.f32 v8, v1  }
.Ltmp3:
0xb3: {  	[tilespmem:s26+$0xC5C0] =	vst v2;
	(pc) =	sbr.rel @p0 .LBB2_8-.Ltmp3, $4  }
0xb4: {  	[tilespmem:s26+$0xC5D0] =	vst v4  }
0xb5: {  	s30 =	sshra.s32 s29, $0x2;
	[tilespmem:s26+$0xC5E0] =	vst v3  }
0xb6: {  	s28 =	sadd.s32 $0x10, s28;
	v2 =	vld [tilespmem:s30+$0x2700];
	[tilespmem:s26+$0xC5F0] =	vst v1;
	s26 =	smov.u32 s30  }
0xb7: {  	s29 =	sadd.s32 $0x400, s29;
	v1 =	vld [tilespmem:s28+$0x0]  }
0xb8: {  	_ =	sdelay $0x1  }
0xb9: {  	v3 =	vld [tilespmem:s26+$0x2710]  }
0xba: {  	v4 =	vld [tilespmem:s26+$0x2720]  }
0xbb: {  	v5 =	vld [tilespmem:s26+$0x2730];
	v7 =	vbroadcast v1, $0x0  }
0xbc: {  	v6 =	vld [tilespmem:s26+$0x2740];
	v10 =	vbroadcast v1, $0x1  }
0xbd: {  	v8 =	vld [tilespmem:s26+$0x2750];
	v12 =	vbroadcast v1, $0x2;
	v2 =	vmul.f32 v7, v2  }
0xbe: {  	v9 =	vld [tilespmem:s26+$0x2760];
	v48 =	vbroadcast v1, $0x3;
	v3 =	vmul.f32 v3, v10  }
0xbf: {  	v47 =	vld [tilespmem:s26+$0x2770];
	v49 =	vbroadcast v1, $0x4;
	v4 =	vmul.f32 v4, v12;
	[tilespmem:s26+$0xC500] =	vst v2  }
0xc0: {  	v54 =	vld [tilespmem:s26+$0x27D0];
	v51 =	vbroadcast v1, $0x5;
	v5 =	vmul.f32 v5, v48;
	[tilespmem:s26+$0xC510] =	vst v3  }
0xc1: {  	v11 =	vld [tilespmem:s26+$0x2780];
	v53 =	vbroadcast v1, $0x6;
	v6 =	vmul.f32 v6, v49;
	[tilespmem:s26+$0xC520] =	vst v4  }
0xc2: {  	v55 =	vbroadcast v1, $0x7;
	v8 =	vmul.f32 v8, v51;
	v2 =	vld [tilespmem:s26+$0x2790];
	[tilespmem:s26+$0xC530] =	vst v5  }
0xc3: {  	v62 =	vbroadcast v1, $0xD;
	v9 =	vmul.f32 v9, v53;
	v3 =	vld [tilespmem:s26+$0x27A0];
	[tilespmem:s26+$0xC540] =	vst v6  }
0xc4: {  	v50 =	vld [tilespmem:s26+$0x27B0];
	v56 =	vbroadcast v1, $0x8;
	v7 =	vmul.f32 v47, v55;
	[tilespmem:s26+$0xC550] =	vst v8  }
0xc5: {  	v52 =	vld [tilespmem:s26+$0x27C0];
	v58 =	vbroadcast v1, $0x9;
	v63 =	vmul.f32 v54, v62;
	[tilespmem:s26+$0xC560] =	vst v9  }
0xc6: {  	v57 =	vld [tilespmem:s26+$0x27E0];
	v59 =	vbroadcast v1, $0xA;
	v8 =	vmul.f32 v11, v56;
	[tilespmem:s26+$0xC570] =	vst v7  }
0xc7: {  	v60 =	vld [tilespmem:s26+$0x27F0];
	v13 =	vbroadcast v1, $0xB;
	[tilespmem:s26+$0xC5D0] =	vst v63;
	v2 =	vmul.f32 v2, v58  }
0xc8: {  	v61 =	vbroadcast v1, $0xC;
	[tilespmem:s26+$0xC580] =	vst v8;
	v3 =	vmul.f32 v3, v59  }
0xc9: {  	v4 =	vmul.f32 v50, v13;
	[tilespmem:s26+$0xC590] =	vst v2;
	v2 =	vbroadcast v1, $0xE  }
0xca: {  	[tilespmem:s26+$0xC5A0] =	vst v3;
	v3 =	vmul.f32 v52, v61;
	v1 =	vbroadcast v1, $0xF  }
0xcb: {  	[tilespmem:s26+$0xC5B0] =	vst v4;
	v2 =	vmul.f32 v57, v2  }
0xcc: {  	[tilespmem:s26+$0xC5C0] =	vst v3;
	v1 =	vmul.f32 v60, v1  }
0xcd: {  	[tilespmem:s26+$0xC5E0] =	vst v2  }
0xce: {  	[tilespmem:s26+$0xC5F0] =	vst v1  }
0xcf: {  	_ =	swait.ge [sflag:s21], $0x4E00  }
0xd0: {  	[sflag:s21] =	ssyncset.done $0x0  }
0xd1: {  	[sflag:s21] =	ssyncadd.s32 $0xFFFFB200  }
0xd2: {  	[spmem:s2] =	stream.indirect.scatter.add.f32 [tilespmem:s20], [sflag:$0x2], $0x10, s23, s19, $0xb8;
	[tilespmem:$0x1B300] =	vst v63  }
0xd3: {  	_ =	swait.ge [sflag:s17], $0x4E00  }
0xd4: {  	[sflag:s17] =	ssyncset.done $0x0  }
0xd5: {  	s26 =	simm.s32 $0x0;
	[sflag:s17] =	ssyncadd.s32 $0xFFFFB200  }
0xd6: {  	s28 =	simm.s32 $0x2220;
	v2 =	vld [tilespmem:s26+$0x7600]  }
0xd7: {  	s29 =	simm.s32 $0x400;
	v1 =	vld [tilespmem:s28+$0x0]  }
.LBB2_10:
0xd8: {  	p0 =	sne.s32 s29, $0x13400;
	v3 =	vld [tilespmem:s26+$0x7610]  }
0xd9: {  	v4 =	vld [tilespmem:s26+$0x7620]  }
0xda: {  	v5 =	vld [tilespmem:s26+$0x7630]  }
0xdb: {  	v6 =	vld [tilespmem:s26+$0x7640]  }
0xdc: {  	v7 =	vbroadcast v1, $0x0;
	v8 =	vbroadcast v1, $0x1;
	v9 =	vld [tilespmem:s26+$0x7650]  }
0xdd: {  	v10 =	vbroadcast v1, $0x2;
	v11 =	vbroadcast v1, $0x3;
	v12 =	vld [tilespmem:s26+$0x7660]  }
0xde: {  	v2 =	vmul.f32 v7, v2;
	v3 =	vmul.f32 v3, v8;
	v7 =	vld [tilespmem:s26+$0x7670]  }
0xdf: {  	v4 =	vmul.f32 v4, v10;
	v5 =	vmul.f32 v5, v11;
	v8 =	vld [tilespmem:s26+$0x7680]  }
0xe0: {  	v10 =	vbroadcast v1, $0x5;
	[tilespmem:s26+$0x11400] =	vst v2;
	v2 =	vbroadcast v1, $0x4;
	v11 =	vld [tilespmem:s26+$0x7690]  }
0xe1: {  	v13 =	vbroadcast v1, $0x7;
	[tilespmem:s26+$0x11410] =	vst v3;
	v3 =	vbroadcast v1, $0x6;
	v14 =	vld [tilespmem:s26+$0x76A0]  }
0xe2: {  	[tilespmem:s26+$0x11420] =	vst v4;
	v2 =	vmul.f32 v6, v2;
	v4 =	vmul.f32 v9, v10;
	v6 =	vld [tilespmem:s26+$0x76B0]  }
0xe3: {  	[tilespmem:s26+$0x11430] =	vst v5;
	v3 =	vmul.f32 v12, v3;
	v5 =	vmul.f32 v7, v13;
	v7 =	vld [tilespmem:s26+$0x76C0]  }
0xe4: {  	v9 =	vbroadcast v1, $0x9;
	[tilespmem:s26+$0x11440] =	vst v2;
	v2 =	vbroadcast v1, $0x8;
	v10 =	vld [tilespmem:s26+$0x76D0]  }
0xe5: {  	v12 =	vbroadcast v1, $0xB;
	[tilespmem:s26+$0x11450] =	vst v4;
	v4 =	vbroadcast v1, $0xA;
	v13 =	vld [tilespmem:s26+$0x76E0]  }
0xe6: {  	[tilespmem:s26+$0x11460] =	vst v3;
	v2 =	vmul.f32 v8, v2;
	v3 =	vmul.f32 v11, v9;
	v8 =	vld [tilespmem:s26+$0x76F0]  }
0xe7: {  	[tilespmem:s26+$0x11470] =	vst v5;
	v4 =	vmul.f32 v14, v4;
	v5 =	vmul.f32 v6, v12  }
0xe8: {  	v6 =	vbroadcast v1, $0xD;
	[tilespmem:s26+$0x11480] =	vst v2;
	v2 =	vbroadcast v1, $0xC  }
0xe9: {  	[tilespmem:s26+$0x11490] =	vst v3;
	v3 =	vbroadcast v1, $0xE;
	v1 =	vbroadcast v1, $0xF  }
0xea: {  	[tilespmem:s26+$0x114A0] =	vst v4;
	v2 =	vmul.f32 v7, v2;
	v4 =	vmul.f32 v10, v6  }
0xeb: {  	[tilespmem:s26+$0x114B0] =	vst v5;
	v3 =	vmul.f32 v13, v3;
	v1 =	vmul.f32 v8, v1  }
.Ltmp4:
0xec: {  	[tilespmem:s26+$0x114C0] =	vst v2;
	(pc) =	sbr.rel @p0 .LBB2_10-.Ltmp4, $4  }
0xed: {  	[tilespmem:s26+$0x114D0] =	vst v4  }
0xee: {  	s30 =	sshra.s32 s29, $0x2;
	[tilespmem:s26+$0x114E0] =	vst v3  }
0xef: {  	s28 =	sadd.s32 $0x10, s28;
	v2 =	vld [tilespmem:s30+$0x7600];
	[tilespmem:s26+$0x114F0] =	vst v1;
	s26 =	smov.u32 s30  }
0xf0: {  	s29 =	sadd.s32 $0x400, s29;
	v1 =	vld [tilespmem:s28+$0x0]  }
0xf1: {  	_ =	sdelay $0x1  }
0xf2: {  	v3 =	vld [tilespmem:s26+$0x7610]  }
0xf3: {  	v4 =	vld [tilespmem:s26+$0x7620]  }
0xf4: {  	v5 =	vld [tilespmem:s26+$0x7630];
	v7 =	vbroadcast v1, $0x0  }
0xf5: {  	v6 =	vld [tilespmem:s26+$0x7640];
	v10 =	vbroadcast v1, $0x1  }
0xf6: {  	v8 =	vld [tilespmem:s26+$0x7650];
	v12 =	vbroadcast v1, $0x2;
	v2 =	vmul.f32 v7, v2  }
0xf7: {  	v9 =	vld [tilespmem:s26+$0x7660];
	v48 =	vbroadcast v1, $0x3;
	v3 =	vmul.f32 v3, v10  }
0xf8: {  	v47 =	vld [tilespmem:s26+$0x7670];
	v49 =	vbroadcast v1, $0x4;
	v4 =	vmul.f32 v4, v12;
	[tilespmem:s26+$0x11400] =	vst v2  }
0xf9: {  	v54 =	vld [tilespmem:s26+$0x76D0];
	v51 =	vbroadcast v1, $0x5;
	v5 =	vmul.f32 v5, v48;
	[tilespmem:s26+$0x11410] =	vst v3  }
0xfa: {  	v11 =	vld [tilespmem:s26+$0x7680];
	v53 =	vbroadcast v1, $0x6;
	v6 =	vmul.f32 v6, v49;
	[tilespmem:s26+$0x11420] =	vst v4  }
0xfb: {  	v55 =	vbroadcast v1, $0x7;
	v8 =	vmul.f32 v8, v51;
	v2 =	vld [tilespmem:s26+$0x7690];
	[tilespmem:s26+$0x11430] =	vst v5  }
0xfc: {  	v62 =	vbroadcast v1, $0xD;
	v9 =	vmul.f32 v9, v53;
	v3 =	vld [tilespmem:s26+$0x76A0];
	[tilespmem:s26+$0x11440] =	vst v6  }
0xfd: {  	v50 =	vld [tilespmem:s26+$0x76B0];
	v56 =	vbroadcast v1, $0x8;
	v7 =	vmul.f32 v47, v55;
	[tilespmem:s26+$0x11450] =	vst v8  }
0xfe: {  	v52 =	vld [tilespmem:s26+$0x76C0];
	v58 =	vbroadcast v1, $0x9;
	v63 =	vmul.f32 v54, v62;
	[tilespmem:s26+$0x11460] =	vst v9  }
0xff: {  	v57 =	vld [tilespmem:s26+$0x76E0];
	v59 =	vbroadcast v1, $0xA;
	v8 =	vmul.f32 v11, v56;
	[tilespmem:s26+$0x11470] =	vst v7  }
0x100: {  	v60 =	vld [tilespmem:s26+$0x76F0];
	v13 =	vbroadcast v1, $0xB;
	[tilespmem:s26+$0x114D0] =	vst v63;
	v2 =	vmul.f32 v2, v58  }
0x101: {  	v61 =	vbroadcast v1, $0xC;
	[tilespmem:s26+$0x11480] =	vst v8;
	v3 =	vmul.f32 v3, v59  }
0x102: {  	v4 =	vmul.f32 v50, v13;
	[tilespmem:s26+$0x11490] =	vst v2;
	v2 =	vbroadcast v1, $0xE  }
0x103: {  	[tilespmem:s26+$0x114A0] =	vst v3;
	v3 =	vmul.f32 v52, v61;
	v1 =	vbroadcast v1, $0xF  }
0x104: {  	[tilespmem:s26+$0x114B0] =	vst v4;
	v2 =	vmul.f32 v57, v2  }
0x105: {  	[tilespmem:s26+$0x114C0] =	vst v3;
	v1 =	vmul.f32 v60, v1  }
0x106: {  	[tilespmem:s26+$0x114E0] =	vst v2  }
0x107: {  	[tilespmem:s26+$0x114F0] =	vst v1  }
0x108: {  	_ =	swait.ge [sflag:s21], $0x4E00  }
0x109: {  	[sflag:s21] =	ssyncset.done $0x0  }
0x10a: {  	[sflag:s21] =	ssyncadd.s32 $0xFFFFB200  }
0x10b: {  	[spmem:s2] =	stream.indirect.scatter.add.f32 [tilespmem:s22], [sflag:$0x2], $0x10, s24, s19, $0xb8;
	[tilespmem:$0x1B300] =	vst v63  }
0x10c: {  	_ =	swait.ge [sflag:s21], $0x4E00  }
0x10d: {  	s31 =	sshll.u32 s0, $0x6;
	s25 =	sadd.s32 $0x1, s25;
	[sflag:s21] =	ssyncset.done $0x0  }
0x10e: {  	s28 =	sshrl.u32 s8, $0x3;
	p0 =	sne.s32 s25, s12;
	[sflag:s21] =	ssyncadd.s32 $0xFFFFB200  }
.Ltmp5:
0x10f: {  	s26 =	sor.u32 $0x1C03, s31;
	[bflag:$0x0] =	sbarrier.arrive $0xFFFF;
	(pc) =	sbr.rel @p0 .LBB2_1-.Ltmp5, $4  }
0x110: {  	[hbm:s11], [sflag:s26] =	dma.local [spmem:s28], $0x500  }
0x111: {  	_ =	swait.ge [sflag:s16], $0x500  }
0x112: {  	[sflag:s16] =	ssyncset.done $0x0  }
0x113: {  	[sflag:s16] =	ssyncadd.s32 $0xFFFFFB00  }
0x114: {  	_ =	sfence.sel $0x180000  }
0x115: {  	[bflag:$0x0] =	sbarrier.arrive $0xFFFF  }
0x116: {  	p0 =	sne.s32 s0, $0x0;
	_ =	strace $0x9000004A  }
0x117: {  	s0 =	sadd.s32 @!p0 $0x100000, s1;
	[bflag:$0x2] =	sbarrier.arrive $0xFFFF  }
0x118: {  	[sflag:s0] =	ssyncadd.tile.s32 @!p0 $0x1;
	_ =	shalt  }
.Lfunc_end2:
_tile_overlayer_lowered:
.L_overlay_start_2:
0x119: {  	(tag) =	ssettag $0x2  }
0x11a: {  	s0 =	rddreg [dreg:$0x0];
	s2 =	stileid.u32  }
0x11b: {  	s1 =	rddreg [dreg:$0x1];
	p0 =	sne.s32 s2, $0x0  }
0x11c: {  	s3 =	rddreg [dreg:$0x2];
	[bflag:$0x3] =	sbarrier.arrive $0xFFFF;
	s2 =	simm.s32 @!p0 $0x1C03  }
0x11d: {  	[timem:s3], [sflag:s2] =	dma.local @!p0 [hbm:s0], s1  }
0x11e: {  	s0 =	simm.s32 @!p0 $0x3  }
0x11f: {  	_ =	swait.ge @!p0 [sflag:s0], s1  }
0x120: {  	s1 =	ssub.s32 @!p0 $0x0, s1;
	[sflag:s0] =	ssyncset.done @!p0 $0x0  }
0x121: {  	[sflag:s0] =	ssyncadd.s32 @!p0 s1  }
0x122: {  	[bflag:$0x3] =	sbarrier.arrive $0xFFFF  }
0x123: {  	_ =	shalt  }

// kernel: kernel.13.cloned.1.call-start
scs
__scs_entry_jumppad:
0x0: {  	(pc) =	sbr.rel $0x88, $3  }
0x1: {  	(tag) =	ssettag $0x0;
	lr =	simm.s32 $0x1  }
0x2: {  	[smem:$0x3F9A] =	sst lr;
	_ =	strace $0xD0000000  }
0x3: {  	_ = 	snop  }
0x4: {  	_ = 	snop  }
0x5: {  	_ = 	snop  }
0x6: {  	_ = 	snop  }
0x7: {  	_ = 	snop  }
__scs_overlays_trampoline_lowered:
0x8: {  	[smem:$0x3FA9] =	sst s0  }
0x9: {  	[smem:$0x3FAA] =	sst s1  }
0xa: {  	[smem:$0x3FAB] =	sst s2  }
0xb: {  	[smem:$0x3FAC] =	sst s3  }
0xc: {  	[smem:$0x3FAD] =	sst s4  }
0xd: {  	[smem:$0x3FAE] =	sst s5  }
0xe: {  	[smem:$0x3FAF] =	sst s6  }
0xf: {  	[smem:$0x3FB0] =	sst s7  }
0x10: {  	[smem:$0x3FB1] =	sst s8  }
0x11: {  	[smem:$0x3FB2] =	sst s9;
	s0 =	simm.s32 @!p0 $0x0  }
0x12: {  	s1 =	sld [smem:$0x3F98];
	s0 =	simm.s32 @p0 $0x1  }
0x13: {  	[smem:$0x3FB3] =	sst s0;
	s0 =	simm.s32 @!p1 $0x0  }
0x14: {  	s2 =	sld [smem:$0x3F97];
	s0 =	simm.s32 @p1 $0x1  }
0x15: {  	[smem:$0x3FB4] =	sst s0;
	s0 =	simm.s32 @!p2 $0x0  }
0x16: {  	s3 =	sld [smem:$0x3FDB];
	s0 =	simm.s32 @p2 $0x1  }
0x17: {  	s4 =	simm.s32 $0x1BF5;
	[smem:$0x3FB6] =	sst s0  }
0x18: {  	s0 =	sld [smem:$0x3F99];
	_ =	swait.ge [sflag:s4], $0x0  }
0x19: {  	s7 =	sld [smem:$0x3F9A]  }
0x1a: {  	s8 =	sadd.s32 $0xFFFFE003, lr  }
0x1b: {  	s9 =	sadd.s32 $0xFFFFFEF7, lr;
	s5 =	simm.s32 $0xFFFFFFFF;
	p2 =	slt.u32 s8, $0xFFFFF086  }
0x1c: {  	p1 =	slt.u32 s9, $0xF7A;
	s5 =	simm.s32 @!p2 $0x0  }
0x1d: {  	s5 =	simm.s32 @p1 $0x1;
	p0 =	seq.s32 s7, s2  }
0x1e: {  	s7 =	smul.u32 @!p0 $0xF7A, s2;
	p2 =	seq.s32 @!p0 s5, $0x0  }
0x1f: {  	s9 =	smul.u32 $0xF7A, s1;
	s8 =	simm.s32 @!p0 $0x1BF5;
	p2 =	por !p2, p0  }
0x20: {  	[sflag:s8] =	ssyncset.s32 @!p0 $0xFFFFF086;
	s6 =	sadd.s32 @!p0 s3, s7;
	s7 =	simm.s32 @!p0 $0x108  }
0x21: {  	s3 =	sadd.s32 s3, s9;
	s6 =	sadd.s32 @!p0 $0x88, s6;
	s7 =	simm.s32 @p2 $0x1082  }
0x22: {  	[simem:s7], [sflag:s8] =	dma.local @!p0 [hbm:s6], $0xF7A  }
0x23: {  	s9 =	sor.u32 $0xD0000000, s2;
	s6 =	simm.s32 $0x108;
	_ =	swait.ge @!p0 [sflag:s8], $0x0  }
0x24: {  	s3 =	sadd.s32 $0x88, s3;
	s6 =	simm.s32 @!p1 $0x1082;
	[sflag:s4] =	ssyncset.s32 $0xFFFFF086  }
0x25: {  	[simem:s6], [sflag:s4] =	dma.local [hbm:s3], $0xF7A  }
0x26: {  	[smem:$0x3F9A] =	sst s1;
	(tag) =	ssettag s2;
	_ =	strace s9  }
0x27: {  	s1 =	sld [smem:$0x3FAA]  }
0x28: {  	s2 =	sld [smem:$0x3FAB]  }
0x29: {  	s4 =	sld [smem:$0x3FAD]  }
0x2a: {  	p0 =	seq.s32 s5, $0x0;
	s5 =	sld [smem:$0x3FAE]  }
0x2b: {  	s6 =	sld [smem:$0x3FAF]  }
0x2c: {  	s7 =	sld [smem:$0x3FB0]  }
0x2d: {  	s3 =	simm.s32 $0x108;
	s8 =	sld [smem:$0x3FB1]  }
0x2e: {  	s3 =	simm.s32 @!p0 $0x1082;
	s9 =	sld [smem:$0x3FB2]  }
0x2f: {  	lr =	sadd.s32 s0, s3;
	s0 =	sld [smem:$0x3FA9]  }
0x30: {  	s3 =	sld [smem:$0x3FAC]  }
0x31: {  	[smem:$0x3FB5] =	sst s10  }
0x32: {  	s10 =	sld [smem:$0x3FB3];
	_ =	sdelay $0x3  }
0x33: {  	p0 =	seq.s32 s10, $0x1;
	s10 =	sld [smem:$0x3FB5];
	_ =	sdelay $0x3  }
0x34: {  	[smem:$0x3FB5] =	sst s10  }
0x35: {  	s10 =	sld [smem:$0x3FB4];
	_ =	sdelay $0x3  }
0x36: {  	p1 =	seq.s32 s10, $0x1;
	s10 =	sld [smem:$0x3FB5];
	_ =	sdelay $0x3  }
0x37: {  	[smem:$0x3FB5] =	sst s10  }
0x38: {  	s10 =	sld [smem:$0x3FB6]  }
0x39: {  	_ = 	snop;
	(pc) =	sbr.ind lr, $3  }
0x3a: {  	_ = 	snop  }
0x3b: {  	_ = 	snop  }
0x3c: {  	p2 =	seq.s32 s10, $0x1;
	s10 =	sld [smem:$0x3FB5]  }
0x3d: {  	_ =	shalt  }
0x3e: {  	_ =	shalt  }
0x3f: {  	_ =	shalt  }
0x40: {  	_ =	shalt  }
0x41: {  	_ =	shalt  }
0x42: {  	_ =	shalt  }
0x43: {  	_ =	shalt  }
0x44: {  	_ =	shalt  }
0x45: {  	_ =	shalt  }
0x46: {  	_ =	shalt  }
0x47: {  	_ =	shalt  }
0x48: {  	_ =	shalt  }
0x49: {  	_ =	shalt  }
0x4a: {  	_ =	shalt  }
0x4b: {  	_ =	shalt  }
0x4c: {  	_ =	shalt  }
0x4d: {  	_ =	shalt  }
0x4e: {  	_ =	shalt  }
0x4f: {  	_ =	shalt  }
0x50: {  	_ =	shalt  }
0x51: {  	_ =	shalt  }
0x52: {  	_ =	shalt  }
0x53: {  	_ =	shalt  }
0x54: {  	_ =	shalt  }
0x55: {  	_ =	shalt  }
0x56: {  	_ =	shalt  }
0x57: {  	_ =	shalt  }
0x58: {  	_ =	shalt  }
0x59: {  	_ =	shalt  }
0x5a: {  	_ =	shalt  }
0x5b: {  	_ =	shalt  }
0x5c: {  	_ =	shalt  }
0x5d: {  	_ =	shalt  }
0x5e: {  	_ =	shalt  }
0x5f: {  	_ =	shalt  }
0x60: {  	_ =	shalt  }
0x61: {  	_ =	shalt  }
0x62: {  	_ =	shalt  }
0x63: {  	_ =	shalt  }
0x64: {  	_ =	shalt  }
0x65: {  	_ =	shalt  }
0x66: {  	_ =	shalt  }
0x67: {  	_ =	shalt  }
0x68: {  	_ =	shalt  }
0x69: {  	_ =	shalt  }
0x6a: {  	_ =	shalt  }
0x6b: {  	_ =	shalt  }
0x6c: {  	_ =	shalt  }
0x6d: {  	_ =	shalt  }
0x6e: {  	_ =	shalt  }
0x6f: {  	_ =	shalt  }
0x70: {  	_ =	shalt  }
0x71: {  	_ =	shalt  }
0x72: {  	_ =	shalt  }
0x73: {  	_ =	shalt  }
0x74: {  	_ =	shalt  }
0x75: {  	_ =	shalt  }
0x76: {  	_ =	shalt  }
0x77: {  	_ =	shalt  }
0x78: {  	_ =	shalt  }
0x79: {  	_ =	shalt  }
0x7a: {  	_ =	shalt  }
0x7b: {  	_ =	shalt  }
0x7c: {  	_ =	shalt  }
0x7d: {  	_ =	shalt  }
0x7e: {  	_ =	shalt  }
0x7f: {  	_ =	shalt  }
0x80: {  	_ =	shalt  }
0x81: {  	_ =	shalt  }
0x82: {  	_ =	shalt  }
0x83: {  	_ =	shalt  }
0x84: {  	_ =	shalt  }
0x85: {  	_ =	shalt  }
0x86: {  	_ =	shalt  }
0x87: {  	_ =	shalt  }
.Lfunc_end0:
.L_simem_size_0:
called_computation.2_lowered:
.L_overlay_start_0:
0x88: {  	s2 =	sld [smem:$0x3FD9]  }
0x89: {  	s3 =	sld [smem:$0x3FFE];
	_ =	sdelay $0x1  }
0x8a: {  	s1 =	srdreg.scid  }
0x8b: {  	s0 =	sand.u32 $0x1, s1  }
0x8c: {  	s17 =	sshll.u32 s0, $0xA;
	s2 =	sadd.s32 s3, s2  }
0x8d: {  	s2 =	sadd.s32 s2, s17  }
0x8e: {  	[smem:$0x3FC1] =	sst s2  }
0x8f: {  	_ = 	snop  }
0x90: {  	s2 =	sld [smem:$0x3FD0];
	(tm) =	ssettm $0x1  }
0x91: {  	s18 =	sld [smem:$0x3FFB];
	_ =	sdelay $0x3  }
0x92: {  	_ =	strace s18  }
0x93: {  	s3 =	sld [smem:$0x3FFC];
	_ =	sdelay $0x3  }
0x94: {  	_ =	strace s3  }
0x95: {  	s3 =	sld [smem:$0x3FFD];
	_ =	sdelay $0x3  }
0x96: {  	_ =	strace s3  }
0x97: {  	_ =	strace $0x8FFFFFFF  }
0x98: {  	s19 =	sld [smem:$0x3FDB];
	_ =	sdelay $0x1  }
0x99: {  	s4 =	simm.s32 $_scs_section_size  }
0x9a: {  	s5 =	simm.s32 $_size__tile_overlayer_lowered;
	s6 =	simm.s32 $_tile_overlayer_lowered  }
0x9b: {  	s22 =	simm.s32 $0x1BFF;
	s21 =	sshll.u32 s6, $0x1;
	s3 =	sadd.s32 s4, s19  }
0x9c: {  	s7 =	simm.s32 $0x0;
	s20 =	sshll.u32 s5, $0x1;
	s5 =	sadd.s32 s21, s3  }
0x9d: {  	[timem:s7], [sflag:s22] =	dma.local [hbm:s5], s20  }
0x9e: {  	_ =	swait.ge [sflag:s22], s20  }
0x9f: {  	s4 =	ssub.s32 $0x0, s20;
	[sflag:s22] =	ssyncset.done $0x0  }
0xa0: {  	[sflag:s22] =	ssyncadd.s32 s4;
	_ =	sdelay $0x1  }
0xa1: {  	s23 =	simm.s32 $0x1B8B  }
0xa2: {  	_ =	swait.ge [sflag:s23], $0x1  }
0xa3: {  	[sflag:s23] =	ssyncset.done $0x0  }
0xa4: {  	s25 =	simm.s32 $0x1B8E;
	s24 =	sld [smem:$0x3FFE];
	[sflag:s23] =	ssyncadd.s32 $0xFFFFFFFF  }
0xa5: {  	s26 =	simm.s32 $execute0_lowered;
	[smem:$0x3FD2] =	sst s25  }
0xa6: {  	s5 =	sshll.u32 s26, $0x1;
	_ =	strace $0x8000004C;
	[dreg:$0x1] =	wrdreg $0xFFFFFFFF  }
0xa7: {  	s28 =	simm.s32 $_size_execute0_lowered;
	s3 =	sadd.s32 s3, s5;
	[dreg:$0x0] =	wrdreg $0x0  }
0xa8: {  	s5 =	sshll.u32 s28, $0x1;
	[dreg:$0x2] =	wrdreg s3  }
0xa9: {  	[dreg:$0x3] =	wrdreg s5  }
0xaa: {  	[dreg:$0x4] =	wrdreg $0xC0  }
0xab: {  	_ =	task [dreg:s7], $0x5FFFF  }
0xac: {  	[dreg:$0x1] =	wrdreg $0xFFFFFFFF  }
0xad: {  	[dreg:$0x0] =	wrdreg $0x60  }
0xae: {  	[dreg:$0x2] =	wrdreg s24  }
0xaf: {  	[dreg:$0x3] =	wrdreg s2  }
0xb0: {  	[dreg:$0x4] =	wrdreg $0x190200  }
0xb1: {  	[dreg:$0x5] =	wrdreg $0x9  }
0xb2: {  	_ =	task.clear_ibuf [dreg:s7], $0x6FFFF;
	_ =	strace $0x9000004C  }
0xb3: {  	s29 =	simm.s32 $0x9;
	_ =	strace $0x8000004E  }
0xb4: {  	_ =	swait.ge [sflag:s29], $0x1  }
0xb5: {  	[sflag:s29] =	ssyncadd.s32 $0xFFFFFFFF  }
0xb6: {  	_ =	strace $0x9000004E  }
0xb7: {  	_ =	sfence  }
0xb8: {  	s30 =	sld [smem:$0x0];
	_ =	sdelay $0x2  }
0xb9: {  	s31 =	sshll.u32 s1, $0xD;
	s1 =	sshrl.u32 s1, $0x2  }
0xba: {  	s3 =	sand.u32 $0x4000, s31;
	s1 =	sadd.s32 s1, s30  }
0xbb: {  	s0 =	sor.u32 s3, s0;
	s1 =	sshll.u32 s1, $0x11  }
0xbc: {  	s0 =	sor.u32 s1, s0  }
0xbd: {  	s0 =	sadd.s32 $0x8F2B, s0  }
0xbe: {  	[sflag:s0] =	ssyncadd.remote.s32 $0x1  }
0xbf: {  	_ =	sfence.sel $0xFFFF  }
0xc0: {  	[dreg:$0x0] =	wrdreg $0xFFFFFFFF;
	(pc) =	sbr.abs _section_cstart, $3  }
0xc1: {  	[dreg:$0x1] =	wrdreg $0xFFFFFFFF  }
0xc2: {  	_ =	task.clear_ibuf [dreg:s7], $0x2FFFF;
	_ =	strace $0x9FFFFFFF  }
0xc3: {  	(tm) =	ssettm $0x7FFFFFFF  }
tec
execute0_lowered:
.L_overlay_start_1:
0x0: {  	(tag) =	ssettag $0x1  }
0x1: {  	s1 =	rddreg [dreg:$0x0]  }
0x2: {  	s0 =	srdreg.scid;
	s15 =	rddreg [dreg:$0x1]  }
0x3: {  	s9 =	stileid.u32;
	s2 =	rddreg [dreg:$0x2]  }
0x4: {  	s3 =	simm.s32 $0x0;
	s17 =	simm.s32 $0x2720;
	s5 =	smul.u32 $0x1390, s9  }
0x5: {  	s21 =	simm.s32 $0x1;
	s22 =	simm.s32 $0x7620;
	s7 =	smul.u32 $0x2800, s9  }
0x6: {  	s23 =	simm.s32 $0x4F0;
	s0 =	sand.u32 $0x1, s0;
	s26 =	smul.u32 $0x280, s9  }
0x7: {  	s28 =	simm.s32 $0x11420;
	s31 =	simm.s32 $0x16320;
	s4 =	smul.u32 $0x13900, s0  }
0x8: {  	[smem:$0x7FF] =	sst s3;
	s30 =	sshll.u32 s9, $0x6;
	s6 =	smul.u32 $0x28000, s0  }
0x9: {  	_ =	strace $0x8000004D;
	s0 =	ssub.s32 $0x2, s0;
	s9 =	sor.u32 $0x1C01, s30  }
0xa: {  	s29 =	sshrl.u32 s0, $0x1;
	s4 =	sadd.s32 s5, s4;
	s24 =	sadd.s32 s7, s6  }
0xb: {  	s5 =	sshrl.u32 s26, $0x3;
	s0 =	ssub.s32 s0, s29;
	s7 =	sadd.s32 s7, s2  }
0xc: {  	s26 =	simm.s32 $0x4E0;
	s25 =	sshll.u32 s4, $0x1;
	s16 =	sshrl.u32 s24, $0x3  }
0xd: {  	s4 =	sshrl.u32 s4, $0x3;
	s11 =	sadd.s32 s5, s1;
	s18 =	sshrl.u32 s7, $0x3  }
0xe: {  	s24 =	simm.s32 $0xC520;
	s14 =	sadd.s32 s25, s1;
	s8 =	sadd.s32 s16, s1  }
0xf: {  	s1 =	sadd.s32 s1, s4;
	s10 =	sadd.s32 $0xF200, s11;
	s11 =	sadd.s32 $0xF700, s11  }
0x10: {  	s15 =	sadd.s32 s15, s16;
	s16 =	smax.u32 s0, $0x1;
	s25 =	simm.s32 $0x2  }
0x11: {  	s0 =	simm.s32 $0x0;
	s4 =	sadd.s32 $0x14A00, s1;
	s5 =	sadd.s32 $0xA200, s1  }
0x12: {  	s6 =	sadd.s32 $0x23A00, s14;
	s8 =	sadd.s32 $0x19A00, s8;
	s12 =	sadd.s32 $0x243E0, s14  }
0x13: {  	s13 =	sadd.s32 $0x24DA0, s14;
	s14 =	sadd.s32 $0x25760, s14;
	s1 =	simm.s32 $0x3  }
.LBB2_1:
0x14: {  	[tilespmem:s3], [sflag:$0x1] =	stream.linear.gather [hbm4b:s4+s3], $0x1390, $0x38;
	[tilespmem:$0x1B820] =	vst v63  }
0x15: {  	s20 =	simm.s32 $0x1390  }
0x16: {  	[tilespmem:s20], [sflag:$0x1] =	stream.linear.gather [hbm4b:s5+s3], $0x1390, $0x38;
	[tilespmem:$0x1B820] =	vst v63  }
0x17: {  	s19 =	simm.s32 $0x18B20  }
0x18: {  	[tilespmem:s17], [sflag:$0x1] =	stream.linear.gather [hbm4b:s6+s3], $0x4F00, $0x38;
	[tilespmem:$0x1B820] =	vst v63  }
0x19: {  	[spmem:s18], [sflag:s9] =	dma.local [hbm:s8], $0x500  }
0x1a: {  	[tilespmem:s19], [sflag:$0x1] =	stream.linear.gather [hbm4b:s10+s3], $0x280, $0x38;
	[tilespmem:$0x1B820] =	vst v63  }
0x1b: {  	s30 =	simm.s32 $0x18DA0  }
0x1c: {  	[tilespmem:s30], [sflag:$0x1] =	stream.linear.gather [hbm4b:s11+s3], $0x280, $0x38;
	[tilespmem:$0x1B820] =	vst v63  }
0x1d: {  	_ =	swait.ge [sflag:s21], $0x500  }
0x1e: {  	[sflag:s21] =	ssyncset.done $0x0  }
0x1f: {  	[sflag:s21] =	ssyncadd.s32 $0xFFFFFB00  }
0x20: {  	_ =	swait.ge [sflag:s21], $0x280  }
0x21: {  	[sflag:s21] =	ssyncset.done $0x0  }
0x22: {  	[sflag:s21] =	ssyncadd.s32 $0xFFFFFD80  }
0x23: {  	_ =	swait.ge [sflag:s21], $0x280  }
0x24: {  	[sflag:s21] =	ssyncset.done $0x0  }
0x25: {  	[sflag:s21] =	ssyncadd.s32 $0xFFFFFD80  }
0x26: {  	_ =	swait.ge [sflag:s21], $0x1390  }
0x27: {  	[sflag:s21] =	ssyncset.done $0x0  }
0x28: {  	[sflag:s21] =	ssyncadd.s32 $0xFFFFEC70  }
0x29: {  	_ =	swait.ge [sflag:s21], $0x1390  }
0x2a: {  	[sflag:s21] =	ssyncset.done $0x0  }
0x2b: {  	[sflag:s21] =	ssyncadd.s32 $0xFFFFEC70  }
0x2c: {  	[bflag:$0x0] =	sbarrier.arrive $0xFFFF  }
0x2d: {  	_ =	swait.ge [sflag:s21], $0x4F00  }
0x2e: {  	[sflag:s21] =	ssyncset.done $0x0  }
0x2f: {  	s19 =	simm.s32 $0x0;
	[sflag:s21] =	ssyncadd.s32 $0xFFFFB100  }
0x30: {  	[tilespmem:s22], [sflag:$0x1] =	stream.linear.gather [hbm4b:s12+s3], $0x4E00, $0x38;
	[tilespmem:$0x1B820] =	vst v63  }
0x31: {  	v1 =	vld [tilespmem:s19+$0x2720]  }
0x32: {  	s29 =	simm.s32 $0x400;
	v0 =	vld [tilespmem:s20+$0x0]  }
.LBB2_2:
0x33: {  	p0 =	sne.s32 s29, $0x13800;
	v2 =	vld [tilespmem:s19+$0x2730]  }
0x34: {  	v3 =	vld [tilespmem:s19+$0x2740]  }
0x35: {  	v4 =	vld [tilespmem:s19+$0x2750]  }
0x36: {  	v5 =	vld [tilespmem:s19+$0x2760]  }
0x37: {  	v6 =	vbroadcast v0, $0x0;
	v7 =	vbroadcast v0, $0x1;
	v8 =	vld [tilespmem:s19+$0x2770]  }
0x38: {  	v9 =	vbroadcast v0, $0x2;
	v10 =	vbroadcast v0, $0x3;
	v11 =	vld [tilespmem:s19+$0x2780]  }
0x39: {  	v1 =	vmul.f32 v6, v1;
	v2 =	vmul.f32 v2, v7;
	v6 =	vld [tilespmem:s19+$0x2790]  }
0x3a: {  	v3 =	vmul.f32 v3, v9;
	v4 =	vmul.f32 v4, v10;
	v7 =	vld [tilespmem:s19+$0x27A0]  }
0x3b: {  	v9 =	vbroadcast v0, $0x5;
	[tilespmem:s19+$0xC520] =	vst v1;
	v1 =	vbroadcast v0, $0x4;
	v10 =	vld [tilespmem:s19+$0x27B0]  }
0x3c: {  	v12 =	vbroadcast v0, $0x7;
	[tilespmem:s19+$0xC530] =	vst v2;
	v2 =	vbroadcast v0, $0x6;
	v13 =	vld [tilespmem:s19+$0x27C0]  }
0x3d: {  	[tilespmem:s19+$0xC540] =	vst v3;
	v1 =	vmul.f32 v5, v1;
	v3 =	vmul.f32 v8, v9;
	v5 =	vld [tilespmem:s19+$0x27D0]  }
0x3e: {  	[tilespmem:s19+$0xC550] =	vst v4;
	v2 =	vmul.f32 v11, v2;
	v4 =	vmul.f32 v6, v12;
	v6 =	vld [tilespmem:s19+$0x27E0]  }
0x3f: {  	v8 =	vbroadcast v0, $0x9;
	[tilespmem:s19+$0xC560] =	vst v1;
	v1 =	vbroadcast v0, $0x8;
	v9 =	vld [tilespmem:s19+$0x27F0]  }
0x40: {  	v11 =	vbroadcast v0, $0xB;
	[tilespmem:s19+$0xC570] =	vst v3;
	v3 =	vbroadcast v0, $0xA;
	v12 =	vld [tilespmem:s19+$0x2800]  }
0x41: {  	[tilespmem:s19+$0xC580] =	vst v2;
	v1 =	vmul.f32 v7, v1;
	v2 =	vmul.f32 v10, v8;
	v7 =	vld [tilespmem:s19+$0x2810]  }
0x42: {  	[tilespmem:s19+$0xC590] =	vst v4;
	v3 =	vmul.f32 v13, v3;
	v4 =	vmul.f32 v5, v11  }
0x43: {  	v5 =	vbroadcast v0, $0xD;
	[tilespmem:s19+$0xC5A0] =	vst v1;
	v1 =	vbroadcast v0, $0xC  }
0x44: {  	[tilespmem:s19+$0xC5B0] =	vst v2;
	v2 =	vbroadcast v0, $0xE;
	v0 =	vbroadcast v0, $0xF  }
0x45: {  	[tilespmem:s19+$0xC5C0] =	vst v3;
	v1 =	vmul.f32 v6, v1;
	v3 =	vmul.f32 v9, v5  }
0x46: {  	[tilespmem:s19+$0xC5D0] =	vst v4;
	v2 =	vmul.f32 v12, v2;
	v0 =	vmul.f32 v7, v0  }
.Ltmp0:
0x47: {  	[tilespmem:s19+$0xC5E0] =	vst v1;
	(pc) =	sbr.rel @p0 .LBB2_2-.Ltmp0, $4  }
0x48: {  	[tilespmem:s19+$0xC5F0] =	vst v3  }
0x49: {  	s30 =	sshra.s32 s29, $0x2;
	[tilespmem:s19+$0xC600] =	vst v2  }
0x4a: {  	s20 =	sadd.s32 $0x10, s20;
	v1 =	vld [tilespmem:s30+$0x2720];
	[tilespmem:s19+$0xC610] =	vst v0;
	s19 =	smov.u32 s30  }
0x4b: {  	s29 =	sadd.s32 $0x400, s29;
	v0 =	vld [tilespmem:s20+$0x0]  }
0x4c: {  	_ =	sdelay $0x1  }
0x4d: {  	v2 =	vld [tilespmem:s19+$0x2730]  }
0x4e: {  	v3 =	vld [tilespmem:s19+$0x2740]  }
0x4f: {  	v4 =	vld [tilespmem:s19+$0x2750];
	v6 =	vbroadcast v0, $0x0  }
0x50: {  	v5 =	vld [tilespmem:s19+$0x2760];
	v9 =	vbroadcast v0, $0x1  }
0x51: {  	v7 =	vld [tilespmem:s19+$0x2770];
	v11 =	vbroadcast v0, $0x2;
	v1 =	vmul.f32 v6, v1  }
0x52: {  	v8 =	vld [tilespmem:s19+$0x2780];
	v49 =	vbroadcast v0, $0x3;
	v2 =	vmul.f32 v2, v9  }
0x53: {  	v48 =	vld [tilespmem:s19+$0x2790];
	v50 =	vbroadcast v0, $0x4;
	v3 =	vmul.f32 v3, v11;
	[tilespmem:s19+$0xC520] =	vst v1  }
0x54: {  	v54 =	vld [tilespmem:s19+$0x27F0];
	v51 =	vbroadcast v0, $0x5;
	v4 =	vmul.f32 v4, v49;
	[tilespmem:s19+$0xC530] =	vst v2  }
0x55: {  	v10 =	vld [tilespmem:s19+$0x27A0];
	v53 =	vbroadcast v0, $0x6;
	v5 =	vmul.f32 v5, v50;
	[tilespmem:s19+$0xC540] =	vst v3  }
0x56: {  	v55 =	vbroadcast v0, $0x7;
	v7 =	vmul.f32 v7, v51;
	v1 =	vld [tilespmem:s19+$0x27B0];
	[tilespmem:s19+$0xC550] =	vst v4  }
0x57: {  	v62 =	vbroadcast v0, $0xD;
	v8 =	vmul.f32 v8, v53;
	v2 =	vld [tilespmem:s19+$0x27C0];
	[tilespmem:s19+$0xC560] =	vst v5  }
0x58: {  	v56 =	vbroadcast v0, $0x8;
	v6 =	vmul.f32 v48, v55;
	v3 =	vld [tilespmem:s19+$0x27D0];
	[tilespmem:s19+$0xC570] =	vst v7  }
0x59: {  	v52 =	vld [tilespmem:s19+$0x27E0];
	v58 =	vbroadcast v0, $0x9;
	v63 =	vmul.f32 v54, v62;
	[tilespmem:s19+$0xC580] =	vst v8  }
0x5a: {  	v57 =	vld [tilespmem:s19+$0x2800];
	v59 =	vbroadcast v0, $0xA;
	v7 =	vmul.f32 v10, v56;
	[tilespmem:s19+$0xC590] =	vst v6  }
0x5b: {  	v60 =	vld [tilespmem:s19+$0x2810];
	v12 =	vbroadcast v0, $0xB;
	[tilespmem:s19+$0xC5F0] =	vst v63;
	v1 =	vmul.f32 v1, v58  }
0x5c: {  	v61 =	vbroadcast v0, $0xC;
	[tilespmem:s19+$0xC5A0] =	vst v7;
	v2 =	vmul.f32 v2, v59  }
0x5d: {  	v3 =	vmul.f32 v3, v12;
	[tilespmem:s19+$0xC5B0] =	vst v1;
	v1 =	vbroadcast v0, $0xE  }
0x5e: {  	[tilespmem:s19+$0xC5C0] =	vst v2;
	v2 =	vmul.f32 v52, v61;
	v0 =	vbroadcast v0, $0xF  }
0x5f: {  	[tilespmem:s19+$0xC5D0] =	vst v3;
	v1 =	vmul.f32 v57, v1  }
0x60: {  	[tilespmem:s19+$0xC5E0] =	vst v2;
	v0 =	vmul.f32 v60, v0  }
0x61: {  	[tilespmem:s19+$0xC600] =	vst v1  }
0x62: {  	s30 =	simm.s32 $0x0;
	[tilespmem:s19+$0xC610] =	vst v0  }
0x63: {  	[spmem:s2] =	stream.indirect.scatter.add.f32 [tilespmem:s24], [sflag:$0x2], $0x10, s30, s23, $0xb8;
	[tilespmem:$0x1B820] =	vst v63  }
0x64: {  	_ =	swait.ge [sflag:s21], $0x4E00  }
0x65: {  	[sflag:s21] =	ssyncset.done $0x0  }
0x66: {  	s19 =	simm.s32 $0x0;
	[sflag:s21] =	ssyncadd.s32 $0xFFFFB200  }
0x67: {  	[tilespmem:s17], [sflag:$0x1] =	stream.linear.gather [hbm4b:s13+s30], $0x4E00, $0x38;
	[tilespmem:$0x1B820] =	vst v63  }
0x68: {  	s20 =	simm.s32 $0x1880;
	v1 =	vld [tilespmem:s19+$0x7620]  }
0x69: {  	s29 =	simm.s32 $0x400;
	v0 =	vld [tilespmem:s20+$0x0]  }
.LBB2_4:
0x6a: {  	p0 =	sne.s32 s29, $0x13400;
	v2 =	vld [tilespmem:s19+$0x7630]  }
0x6b: {  	v3 =	vld [tilespmem:s19+$0x7640]  }
0x6c: {  	v4 =	vld [tilespmem:s19+$0x7650]  }
0x6d: {  	v5 =	vld [tilespmem:s19+$0x7660]  }
0x6e: {  	v6 =	vbroadcast v0, $0x0;
	v7 =	vbroadcast v0, $0x1;
	v8 =	vld [tilespmem:s19+$0x7670]  }
0x6f: {  	v9 =	vbroadcast v0, $0x2;
	v10 =	vbroadcast v0, $0x3;
	v11 =	vld [tilespmem:s19+$0x7680]  }
0x70: {  	v1 =	vmul.f32 v6, v1;
	v2 =	vmul.f32 v2, v7;
	v6 =	vld [tilespmem:s19+$0x7690]  }
0x71: {  	v3 =	vmul.f32 v3, v9;
	v4 =	vmul.f32 v4, v10;
	v7 =	vld [tilespmem:s19+$0x76A0]  }
0x72: {  	v9 =	vbroadcast v0, $0x5;
	[tilespmem:s19+$0x11420] =	vst v1;
	v1 =	vbroadcast v0, $0x4;
	v10 =	vld [tilespmem:s19+$0x76B0]  }
0x73: {  	v12 =	vbroadcast v0, $0x7;
	[tilespmem:s19+$0x11430] =	vst v2;
	v2 =	vbroadcast v0, $0x6;
	v13 =	vld [tilespmem:s19+$0x76C0]  }
0x74: {  	[tilespmem:s19+$0x11440] =	vst v3;
	v1 =	vmul.f32 v5, v1;
	v3 =	vmul.f32 v8, v9;
	v5 =	vld [tilespmem:s19+$0x76D0]  }
0x75: {  	[tilespmem:s19+$0x11450] =	vst v4;
	v2 =	vmul.f32 v11, v2;
	v4 =	vmul.f32 v6, v12;
	v6 =	vld [tilespmem:s19+$0x76E0]  }
0x76: {  	v8 =	vbroadcast v0, $0x9;
	[tilespmem:s19+$0x11460] =	vst v1;
	v1 =	vbroadcast v0, $0x8;
	v9 =	vld [tilespmem:s19+$0x76F0]  }
0x77: {  	v11 =	vbroadcast v0, $0xB;
	[tilespmem:s19+$0x11470] =	vst v3;
	v3 =	vbroadcast v0, $0xA;
	v12 =	vld [tilespmem:s19+$0x7700]  }
0x78: {  	[tilespmem:s19+$0x11480] =	vst v2;
	v1 =	vmul.f32 v7, v1;
	v2 =	vmul.f32 v10, v8;
	v7 =	vld [tilespmem:s19+$0x7710]  }
0x79: {  	[tilespmem:s19+$0x11490] =	vst v4;
	v3 =	vmul.f32 v13, v3;
	v4 =	vmul.f32 v5, v11  }
0x7a: {  	v5 =	vbroadcast v0, $0xD;
	[tilespmem:s19+$0x114A0] =	vst v1;
	v1 =	vbroadcast v0, $0xC  }
0x7b: {  	[tilespmem:s19+$0x114B0] =	vst v2;
	v2 =	vbroadcast v0, $0xE;
	v0 =	vbroadcast v0, $0xF  }
0x7c: {  	[tilespmem:s19+$0x114C0] =	vst v3;
	v1 =	vmul.f32 v6, v1;
	v3 =	vmul.f32 v9, v5  }
0x7d: {  	[tilespmem:s19+$0x114D0] =	vst v4;
	v2 =	vmul.f32 v12, v2;
	v0 =	vmul.f32 v7, v0  }
.Ltmp1:
0x7e: {  	[tilespmem:s19+$0x114E0] =	vst v1;
	(pc) =	sbr.rel @p0 .LBB2_4-.Ltmp1, $4  }
0x7f: {  	[tilespmem:s19+$0x114F0] =	vst v3  }
0x80: {  	s30 =	sshra.s32 s29, $0x2;
	[tilespmem:s19+$0x11500] =	vst v2  }
0x81: {  	s20 =	sadd.s32 $0x10, s20;
	v1 =	vld [tilespmem:s30+$0x7620];
	[tilespmem:s19+$0x11510] =	vst v0;
	s19 =	smov.u32 s30  }
0x82: {  	s29 =	sadd.s32 $0x400, s29;
	v0 =	vld [tilespmem:s20+$0x0]  }
0x83: {  	_ =	sdelay $0x1  }
0x84: {  	v2 =	vld [tilespmem:s19+$0x7630]  }
0x85: {  	v3 =	vld [tilespmem:s19+$0x7640]  }
0x86: {  	v4 =	vld [tilespmem:s19+$0x7650];
	v6 =	vbroadcast v0, $0x0  }
0x87: {  	v5 =	vld [tilespmem:s19+$0x7660];
	v9 =	vbroadcast v0, $0x1  }
0x88: {  	v7 =	vld [tilespmem:s19+$0x7670];
	v11 =	vbroadcast v0, $0x2;
	v1 =	vmul.f32 v6, v1  }
0x89: {  	v8 =	vld [tilespmem:s19+$0x7680];
	v49 =	vbroadcast v0, $0x3;
	v2 =	vmul.f32 v2, v9  }
0x8a: {  	v48 =	vld [tilespmem:s19+$0x7690];
	v50 =	vbroadcast v0, $0x4;
	v3 =	vmul.f32 v3, v11;
	[tilespmem:s19+$0x11420] =	vst v1  }
0x8b: {  	v54 =	vld [tilespmem:s19+$0x76F0];
	v51 =	vbroadcast v0, $0x5;
	v4 =	vmul.f32 v4, v49;
	[tilespmem:s19+$0x11430] =	vst v2  }
0x8c: {  	v10 =	vld [tilespmem:s19+$0x76A0];
	v53 =	vbroadcast v0, $0x6;
	v5 =	vmul.f32 v5, v50;
	[tilespmem:s19+$0x11440] =	vst v3  }
0x8d: {  	v55 =	vbroadcast v0, $0x7;
	v7 =	vmul.f32 v7, v51;
	v1 =	vld [tilespmem:s19+$0x76B0];
	[tilespmem:s19+$0x11450] =	vst v4  }
0x8e: {  	v62 =	vbroadcast v0, $0xD;
	v8 =	vmul.f32 v8, v53;
	v2 =	vld [tilespmem:s19+$0x76C0];
	[tilespmem:s19+$0x11460] =	vst v5  }
0x8f: {  	v56 =	vbroadcast v0, $0x8;
	v6 =	vmul.f32 v48, v55;
	v3 =	vld [tilespmem:s19+$0x76D0];
	[tilespmem:s19+$0x11470] =	vst v7  }
0x90: {  	v52 =	vld [tilespmem:s19+$0x76E0];
	v58 =	vbroadcast v0, $0x9;
	v63 =	vmul.f32 v54, v62;
	[tilespmem:s19+$0x11480] =	vst v8  }
0x91: {  	v57 =	vld [tilespmem:s19+$0x7700];
	v59 =	vbroadcast v0, $0xA;
	v7 =	vmul.f32 v10, v56;
	[tilespmem:s19+$0x11490] =	vst v6  }
0x92: {  	v60 =	vld [tilespmem:s19+$0x7710];
	v12 =	vbroadcast v0, $0xB;
	[tilespmem:s19+$0x114F0] =	vst v63;
	v1 =	vmul.f32 v1, v58  }
0x93: {  	v61 =	vbroadcast v0, $0xC;
	[tilespmem:s19+$0x114A0] =	vst v7;
	v2 =	vmul.f32 v2, v59  }
0x94: {  	v3 =	vmul.f32 v3, v12;
	[tilespmem:s19+$0x114B0] =	vst v1;
	v1 =	vbroadcast v0, $0xE  }
0x95: {  	[tilespmem:s19+$0x114C0] =	vst v2;
	v2 =	vmul.f32 v52, v61;
	v0 =	vbroadcast v0, $0xF  }
0x96: {  	[tilespmem:s19+$0x114D0] =	vst v3;
	v1 =	vmul.f32 v57, v1  }
0x97: {  	[tilespmem:s19+$0x114E0] =	vst v2;
	v0 =	vmul.f32 v60, v0  }
0x98: {  	[tilespmem:s19+$0x11500] =	vst v1  }
0x99: {  	[tilespmem:s19+$0x11510] =	vst v0  }
0x9a: {  	_ =	swait.ge [sflag:s25], $0x4F00  }
0x9b: {  	[sflag:s25] =	ssyncset.done $0x0  }
0x9c: {  	[sflag:s25] =	ssyncadd.s32 $0xFFFFB100  }
0x9d: {  	[spmem:s2] =	stream.indirect.scatter.add.f32 [tilespmem:s28], [sflag:$0x2], $0x10, s23, s26, $0xb8;
	[tilespmem:$0x1B820] =	vst v63  }
0x9e: {  	_ =	swait.ge [sflag:s21], $0x4E00  }
0x9f: {  	[sflag:s21] =	ssyncset.done $0x0  }
0xa0: {  	s30 =	simm.s32 $0x0;
	s19 =	simm.s32 $0x0;
	[sflag:s21] =	ssyncadd.s32 $0xFFFFB200  }
0xa1: {  	[tilespmem:s22], [sflag:$0x1] =	stream.linear.gather [hbm4b:s14+s30], $0x4E00, $0x38;
	[tilespmem:$0x1B820] =	vst v63  }
0xa2: {  	s20 =	simm.s32 $0x1D60;
	v1 =	vld [tilespmem:s19+$0x2720]  }
0xa3: {  	s29 =	simm.s32 $0x400;
	v0 =	vld [tilespmem:s20+$0x0]  }
.LBB2_6:
0xa4: {  	p0 =	sne.s32 s29, $0x13400;
	v2 =	vld [tilespmem:s19+$0x2730]  }
0xa5: {  	v3 =	vld [tilespmem:s19+$0x2740]  }
0xa6: {  	v4 =	vld [tilespmem:s19+$0x2750]  }
0xa7: {  	v5 =	vld [tilespmem:s19+$0x2760]  }
0xa8: {  	v6 =	vbroadcast v0, $0x0;
	v7 =	vbroadcast v0, $0x1;
	v8 =	vld [tilespmem:s19+$0x2770]  }
0xa9: {  	v9 =	vbroadcast v0, $0x2;
	v10 =	vbroadcast v0, $0x3;
	v11 =	vld [tilespmem:s19+$0x2780]  }
0xaa: {  	v1 =	vmul.f32 v6, v1;
	v2 =	vmul.f32 v2, v7;
	v6 =	vld [tilespmem:s19+$0x2790]  }
0xab: {  	v3 =	vmul.f32 v3, v9;
	v4 =	vmul.f32 v4, v10;
	v7 =	vld [tilespmem:s19+$0x27A0]  }
0xac: {  	v9 =	vbroadcast v0, $0x5;
	[tilespmem:s19+$0xC520] =	vst v1;
	v1 =	vbroadcast v0, $0x4;
	v10 =	vld [tilespmem:s19+$0x27B0]  }
0xad: {  	v12 =	vbroadcast v0, $0x7;
	[tilespmem:s19+$0xC530] =	vst v2;
	v2 =	vbroadcast v0, $0x6;
	v13 =	vld [tilespmem:s19+$0x27C0]  }
0xae: {  	[tilespmem:s19+$0xC540] =	vst v3;
	v1 =	vmul.f32 v5, v1;
	v3 =	vmul.f32 v8, v9;
	v5 =	vld [tilespmem:s19+$0x27D0]  }
0xaf: {  	[tilespmem:s19+$0xC550] =	vst v4;
	v2 =	vmul.f32 v11, v2;
	v4 =	vmul.f32 v6, v12;
	v6 =	vld [tilespmem:s19+$0x27E0]  }
0xb0: {  	v8 =	vbroadcast v0, $0x9;
	[tilespmem:s19+$0xC560] =	vst v1;
	v1 =	vbroadcast v0, $0x8;
	v9 =	vld [tilespmem:s19+$0x27F0]  }
0xb1: {  	v11 =	vbroadcast v0, $0xB;
	[tilespmem:s19+$0xC570] =	vst v3;
	v3 =	vbroadcast v0, $0xA;
	v12 =	vld [tilespmem:s19+$0x2800]  }
0xb2: {  	[tilespmem:s19+$0xC580] =	vst v2;
	v1 =	vmul.f32 v7, v1;
	v2 =	vmul.f32 v10, v8;
	v7 =	vld [tilespmem:s19+$0x2810]  }
0xb3: {  	[tilespmem:s19+$0xC590] =	vst v4;
	v3 =	vmul.f32 v13, v3;
	v4 =	vmul.f32 v5, v11  }
0xb4: {  	v5 =	vbroadcast v0, $0xD;
	[tilespmem:s19+$0xC5A0] =	vst v1;
	v1 =	vbroadcast v0, $0xC  }
0xb5: {  	[tilespmem:s19+$0xC5B0] =	vst v2;
	v2 =	vbroadcast v0, $0xE;
	v0 =	vbroadcast v0, $0xF  }
0xb6: {  	[tilespmem:s19+$0xC5C0] =	vst v3;
	v1 =	vmul.f32 v6, v1;
	v3 =	vmul.f32 v9, v5  }
0xb7: {  	[tilespmem:s19+$0xC5D0] =	vst v4;
	v2 =	vmul.f32 v12, v2;
	v0 =	vmul.f32 v7, v0  }
.Ltmp2:
0xb8: {  	[tilespmem:s19+$0xC5E0] =	vst v1;
	(pc) =	sbr.rel @p0 .LBB2_6-.Ltmp2, $4  }
0xb9: {  	[tilespmem:s19+$0xC5F0] =	vst v3  }
0xba: {  	s30 =	sshra.s32 s29, $0x2;
	[tilespmem:s19+$0xC600] =	vst v2  }
0xbb: {  	s20 =	sadd.s32 $0x10, s20;
	v1 =	vld [tilespmem:s30+$0x2720];
	[tilespmem:s19+$0xC610] =	vst v0;
	s19 =	smov.u32 s30  }
0xbc: {  	s29 =	sadd.s32 $0x400, s29;
	v0 =	vld [tilespmem:s20+$0x0]  }
0xbd: {  	_ =	sdelay $0x1  }
0xbe: {  	v2 =	vld [tilespmem:s19+$0x2730]  }
0xbf: {  	v3 =	vld [tilespmem:s19+$0x2740]  }
0xc0: {  	v4 =	vld [tilespmem:s19+$0x2750];
	v6 =	vbroadcast v0, $0x0  }
0xc1: {  	v5 =	vld [tilespmem:s19+$0x2760];
	v9 =	vbroadcast v0, $0x1  }
0xc2: {  	v7 =	vld [tilespmem:s19+$0x2770];
	v11 =	vbroadcast v0, $0x2;
	v1 =	vmul.f32 v6, v1  }
0xc3: {  	v8 =	vld [tilespmem:s19+$0x2780];
	v49 =	vbroadcast v0, $0x3;
	v2 =	vmul.f32 v2, v9  }
0xc4: {  	v48 =	vld [tilespmem:s19+$0x2790];
	v50 =	vbroadcast v0, $0x4;
	v3 =	vmul.f32 v3, v11;
	[tilespmem:s19+$0xC520] =	vst v1  }
0xc5: {  	v54 =	vld [tilespmem:s19+$0x27F0];
	v51 =	vbroadcast v0, $0x5;
	v4 =	vmul.f32 v4, v49;
	[tilespmem:s19+$0xC530] =	vst v2  }
0xc6: {  	v10 =	vld [tilespmem:s19+$0x27A0];
	v53 =	vbroadcast v0, $0x6;
	v5 =	vmul.f32 v5, v50;
	[tilespmem:s19+$0xC540] =	vst v3  }
0xc7: {  	v55 =	vbroadcast v0, $0x7;
	v7 =	vmul.f32 v7, v51;
	v1 =	vld [tilespmem:s19+$0x27B0];
	[tilespmem:s19+$0xC550] =	vst v4  }
0xc8: {  	v62 =	vbroadcast v0, $0xD;
	v8 =	vmul.f32 v8, v53;
	v2 =	vld [tilespmem:s19+$0x27C0];
	[tilespmem:s19+$0xC560] =	vst v5  }
0xc9: {  	v56 =	vbroadcast v0, $0x8;
	v6 =	vmul.f32 v48, v55;
	v3 =	vld [tilespmem:s19+$0x27D0];
	[tilespmem:s19+$0xC570] =	vst v7  }
0xca: {  	v52 =	vld [tilespmem:s19+$0x27E0];
	v58 =	vbroadcast v0, $0x9;
	v63 =	vmul.f32 v54, v62;
	[tilespmem:s19+$0xC580] =	vst v8  }
0xcb: {  	v57 =	vld [tilespmem:s19+$0x2800];
	v59 =	vbroadcast v0, $0xA;
	v7 =	vmul.f32 v10, v56;
	[tilespmem:s19+$0xC590] =	vst v6  }
0xcc: {  	v60 =	vld [tilespmem:s19+$0x2810];
	v12 =	vbroadcast v0, $0xB;
	[tilespmem:s19+$0xC5F0] =	vst v63;
	v1 =	vmul.f32 v1, v58  }
0xcd: {  	v61 =	vbroadcast v0, $0xC;
	[tilespmem:s19+$0xC5A0] =	vst v7;
	v2 =	vmul.f32 v2, v59  }
0xce: {  	v3 =	vmul.f32 v3, v12;
	[tilespmem:s19+$0xC5B0] =	vst v1;
	v1 =	vbroadcast v0, $0xE  }
0xcf: {  	[tilespmem:s19+$0xC5C0] =	vst v2;
	v2 =	vmul.f32 v52, v61;
	v0 =	vbroadcast v0, $0xF  }
0xd0: {  	[tilespmem:s19+$0xC5D0] =	vst v3;
	v1 =	vmul.f32 v57, v1  }
0xd1: {  	[tilespmem:s19+$0xC5E0] =	vst v2;
	v0 =	vmul.f32 v60, v0  }
0xd2: {  	[tilespmem:s19+$0xC600] =	vst v1  }
0xd3: {  	[tilespmem:s19+$0xC610] =	vst v0  }
0xd4: {  	_ =	swait.ge [sflag:s25], $0x4E00  }
0xd5: {  	[sflag:s25] =	ssyncset.done $0x0  }
0xd6: {  	s30 =	simm.s32 $0x9D0;
	[sflag:s25] =	ssyncadd.s32 $0xFFFFB200  }
0xd7: {  	[spmem:s2] =	stream.indirect.scatter.add.f32 [tilespmem:s24], [sflag:$0x2], $0x10, s30, s26, $0xb8;
	[tilespmem:$0x1B820] =	vst v63  }
0xd8: {  	_ =	swait.ge [sflag:s21], $0x4E00  }
0xd9: {  	[sflag:s21] =	ssyncset.done $0x0  }
0xda: {  	s19 =	simm.s32 $0x0;
	[sflag:s21] =	ssyncadd.s32 $0xFFFFB200  }
0xdb: {  	s20 =	simm.s32 $0x2240;
	v1 =	vld [tilespmem:s19+$0x7620]  }
0xdc: {  	s29 =	simm.s32 $0x400;
	v0 =	vld [tilespmem:s20+$0x0]  }
.LBB2_8:
0xdd: {  	p0 =	sne.s32 s29, $0x13400;
	v2 =	vld [tilespmem:s19+$0x7630]  }
0xde: {  	v3 =	vld [tilespmem:s19+$0x7640]  }
0xdf: {  	v4 =	vld [tilespmem:s19+$0x7650]  }
0xe0: {  	v5 =	vld [tilespmem:s19+$0x7660]  }
0xe1: {  	v6 =	vbroadcast v0, $0x0;
	v7 =	vbroadcast v0, $0x1;
	v8 =	vld [tilespmem:s19+$0x7670]  }
0xe2: {  	v9 =	vbroadcast v0, $0x2;
	v10 =	vbroadcast v0, $0x3;
	v11 =	vld [tilespmem:s19+$0x7680]  }
0xe3: {  	v1 =	vmul.f32 v6, v1;
	v2 =	vmul.f32 v2, v7;
	v6 =	vld [tilespmem:s19+$0x7690]  }
0xe4: {  	v3 =	vmul.f32 v3, v9;
	v4 =	vmul.f32 v4, v10;
	v7 =	vld [tilespmem:s19+$0x76A0]  }
0xe5: {  	v9 =	vbroadcast v0, $0x5;
	[tilespmem:s19+$0x11420] =	vst v1;
	v1 =	vbroadcast v0, $0x4;
	v10 =	vld [tilespmem:s19+$0x76B0]  }
0xe6: {  	v12 =	vbroadcast v0, $0x7;
	[tilespmem:s19+$0x11430] =	vst v2;
	v2 =	vbroadcast v0, $0x6;
	v13 =	vld [tilespmem:s19+$0x76C0]  }
0xe7: {  	[tilespmem:s19+$0x11440] =	vst v3;
	v1 =	vmul.f32 v5, v1;
	v3 =	vmul.f32 v8, v9;
	v5 =	vld [tilespmem:s19+$0x76D0]  }
0xe8: {  	[tilespmem:s19+$0x11450] =	vst v4;
	v2 =	vmul.f32 v11, v2;
	v4 =	vmul.f32 v6, v12;
	v6 =	vld [tilespmem:s19+$0x76E0]  }
0xe9: {  	v8 =	vbroadcast v0, $0x9;
	[tilespmem:s19+$0x11460] =	vst v1;
	v1 =	vbroadcast v0, $0x8;
	v9 =	vld [tilespmem:s19+$0x76F0]  }
0xea: {  	v11 =	vbroadcast v0, $0xB;
	[tilespmem:s19+$0x11470] =	vst v3;
	v3 =	vbroadcast v0, $0xA;
	v12 =	vld [tilespmem:s19+$0x7700]  }
0xeb: {  	[tilespmem:s19+$0x11480] =	vst v2;
	v1 =	vmul.f32 v7, v1;
	v2 =	vmul.f32 v10, v8;
	v7 =	vld [tilespmem:s19+$0x7710]  }
0xec: {  	[tilespmem:s19+$0x11490] =	vst v4;
	v3 =	vmul.f32 v13, v3;
	v4 =	vmul.f32 v5, v11  }
0xed: {  	v5 =	vbroadcast v0, $0xD;
	[tilespmem:s19+$0x114A0] =	vst v1;
	v1 =	vbroadcast v0, $0xC  }
0xee: {  	[tilespmem:s19+$0x114B0] =	vst v2;
	v2 =	vbroadcast v0, $0xE;
	v0 =	vbroadcast v0, $0xF  }
0xef: {  	[tilespmem:s19+$0x114C0] =	vst v3;
	v1 =	vmul.f32 v6, v1;
	v3 =	vmul.f32 v9, v5  }
0xf0: {  	[tilespmem:s19+$0x114D0] =	vst v4;
	v2 =	vmul.f32 v12, v2;
	v0 =	vmul.f32 v7, v0  }
.Ltmp3:
0xf1: {  	[tilespmem:s19+$0x114E0] =	vst v1;
	(pc) =	sbr.rel @p0 .LBB2_8-.Ltmp3, $4  }
0xf2: {  	[tilespmem:s19+$0x114F0] =	vst v3  }
0xf3: {  	s30 =	sshra.s32 s29, $0x2;
	[tilespmem:s19+$0x11500] =	vst v2  }
0xf4: {  	s20 =	sadd.s32 $0x10, s20;
	v1 =	vld [tilespmem:s30+$0x7620];
	[tilespmem:s19+$0x11510] =	vst v0;
	s19 =	smov.u32 s30  }
0xf5: {  	s29 =	sadd.s32 $0x400, s29;
	v0 =	vld [tilespmem:s20+$0x0]  }
0xf6: {  	_ =	sdelay $0x1  }
0xf7: {  	v2 =	vld [tilespmem:s19+$0x7630]  }
0xf8: {  	v3 =	vld [tilespmem:s19+$0x7640]  }
0xf9: {  	v4 =	vld [tilespmem:s19+$0x7650];
	v6 =	vbroadcast v0, $0x0  }
0xfa: {  	v5 =	vld [tilespmem:s19+$0x7660];
	v9 =	vbroadcast v0, $0x1  }
0xfb: {  	v7 =	vld [tilespmem:s19+$0x7670];
	v11 =	vbroadcast v0, $0x2;
	v1 =	vmul.f32 v6, v1  }
0xfc: {  	v8 =	vld [tilespmem:s19+$0x7680];
	v23 =	vbroadcast v0, $0x3;
	v2 =	vmul.f32 v2, v9  }
0xfd: {  	v22 =	vld [tilespmem:s19+$0x7690];
	v24 =	vbroadcast v0, $0x4;
	v3 =	vmul.f32 v3, v11;
	[tilespmem:s19+$0x11420] =	vst v1  }
0xfe: {  	v28 =	vld [tilespmem:s19+$0x76F0];
	v25 =	vbroadcast v0, $0x5;
	v4 =	vmul.f32 v4, v23;
	[tilespmem:s19+$0x11430] =	vst v2  }
0xff: {  	v10 =	vld [tilespmem:s19+$0x76A0];
	v27 =	vbroadcast v0, $0x6;
	v5 =	vmul.f32 v5, v24;
	[tilespmem:s19+$0x11440] =	vst v3  }
0x100: {  	v29 =	vbroadcast v0, $0x7;
	v7 =	vmul.f32 v7, v25;
	v1 =	vld [tilespmem:s19+$0x76B0];
	[tilespmem:s19+$0x11450] =	vst v4  }
0x101: {  	v36 =	vbroadcast v0, $0xD;
	v8 =	vmul.f32 v8, v27;
	v2 =	vld [tilespmem:s19+$0x76C0];
	[tilespmem:s19+$0x11460] =	vst v5  }
0x102: {  	v30 =	vbroadcast v0, $0x8;
	v6 =	vmul.f32 v22, v29;
	v3 =	vld [tilespmem:s19+$0x76D0];
	[tilespmem:s19+$0x11470] =	vst v7  }
0x103: {  	v26 =	vld [tilespmem:s19+$0x76E0];
	v32 =	vbroadcast v0, $0x9;
	v37 =	vmul.f32 v28, v36;
	[tilespmem:s19+$0x11480] =	vst v8  }
0x104: {  	v31 =	vld [tilespmem:s19+$0x7700];
	v33 =	vbroadcast v0, $0xA;
	v7 =	vmul.f32 v10, v30;
	[tilespmem:s19+$0x11490] =	vst v6  }
0x105: {  	v34 =	vld [tilespmem:s19+$0x7710];
	v12 =	vbroadcast v0, $0xB;
	[tilespmem:s19+$0x114F0] =	vst v37;
	v1 =	vmul.f32 v1, v32  }
0x106: {  	v35 =	vbroadcast v0, $0xC;
	[tilespmem:s19+$0x114A0] =	vst v7;
	v2 =	vmul.f32 v2, v33  }
0x107: {  	v3 =	vmul.f32 v3, v12;
	[tilespmem:s19+$0x114B0] =	vst v1;
	v1 =	vbroadcast v0, $0xE  }
0x108: {  	[tilespmem:s19+$0x114C0] =	vst v2;
	v2 =	vmul.f32 v26, v35;
	v0 =	vbroadcast v0, $0xF  }
0x109: {  	[tilespmem:s19+$0x114D0] =	vst v3;
	v1 =	vmul.f32 v31, v1  }
0x10a: {  	[tilespmem:s19+$0x114E0] =	vst v2;
	v0 =	vmul.f32 v34, v0  }
0x10b: {  	[tilespmem:s19+$0x11500] =	vst v1  }
0x10c: {  	[tilespmem:s19+$0x11510] =	vst v0  }
0x10d: {  	_ =	swait.ge [sflag:s25], $0x4E00  }
0x10e: {  	[sflag:s25] =	ssyncset.done $0x0  }
0x10f: {  	s20 =	simm.s32 $0xEB0;
	[sflag:s25] =	ssyncadd.s32 $0xFFFFB200  }
0x110: {  	[spmem:s2] =	stream.indirect.scatter.add.f32 [tilespmem:s28], [sflag:$0x2], $0x10, s20, s26, $0xb8;
	[tilespmem:$0x1B820] =	vst v63  }
0x111: {  	_ =	swait.ge [sflag:s25], $0x4E00  }
0x112: {  	[sflag:s25] =	ssyncset.done $0x0  }
0x113: {  	[sflag:s25] =	ssyncadd.s32 $0xFFFFB200  }
0x114: {  	[bflag:$0x0] =	sbarrier.arrive $0xFFFF  }
0x115: {  	[tilespmem:s31], [sflag:$0x3] =	stream.linear.gather [spmem:s7], $0x2800, $0x38;
	[tilespmem:$0x1B820] =	vst v63  }
0x116: {  	_ =	swait.ge [sflag:s1], $0x2800  }
0x117: {  	[sflag:s1] =	ssyncset.done $0x0  }
0x118: {  	s30 =	simm.s32 $0x0;
	[sflag:s1] =	ssyncadd.s32 $0xFFFFD800  }
0x119: {  	v0 =	vld [tilespmem:s30+$0x18DA0]  }
0x11a: {  	v1 =	vld [tilespmem:s30+$0x18B20];
	_ =	sdelay $0x4  }
0x11b: {  	v0 =	vadd.f32 v0, v1;
	_ =	sdelay $0x1  }
0x11c: {  	(erf) = vrcp.f32 v0;
	_ =	sdelay $0x6  }
0x11d: {  	s19 =	simm.s32 $0x163A0  }
0x11e: {  	v1 =	vld [tilespmem:s19+$0x70]  }
0x11f: {  	v2 =	vld [tilespmem:s19+$0x60];
	vm0 =	vgt.f32 v0, $0.0e+00;
	v0 =	vpop (erf)  }
0x120: {  	v3 =	vld [tilespmem:s19+$0x50];
	v0 =	vnsel vm0, $0x0, v0  }
0x121: {  	v38 =	vld [tilespmem:s19+$0x40];
	v39 =	vbroadcast v0, $0xF  }
0x122: {  	v40 =	vld [tilespmem:s19+$0x30];
	v41 =	vbroadcast v0, $0xE  }
0x123: {  	v42 =	vld [tilespmem:s19+$0x20];
	v43 =	vbroadcast v0, $0xD;
	v1 =	vmul.f32 v1, v39  }
0x124: {  	v44 =	vld [tilespmem:s19+$0x10];
	v45 =	vbroadcast v0, $0xC;
	v2 =	vmul.f32 v2, v41  }
0x125: {  	v46 =	vld [tilespmem:s19+$0x0];
	v47 =	vbroadcast v0, $0xB;
	v3 =	vmul.f32 v3, v43;
	[tilespmem:s19+$0x70] =	vst v1  }
0x126: {  	v54 =	vld [tilespmem:s19+$0xFFFFFFB0];
	v48 =	vbroadcast v0, $0xA;
	v4 =	vmul.f32 v38, v45;
	[tilespmem:s19+$0x60] =	vst v2  }
0x127: {  	v49 =	vbroadcast v0, $0x9;
	v6 =	vmul.f32 v40, v47;
	v1 =	vld [tilespmem:s19+$0xFFFFFFF0];
	[tilespmem:s19+$0x50] =	vst v3  }
0x128: {  	v50 =	vbroadcast v0, $0x8;
	v8 =	vmul.f32 v42, v48;
	v2 =	vld [tilespmem:s19+$0xFFFFFFE0];
	[tilespmem:s19+$0x40] =	vst v4  }
0x129: {  	v61 =	vbroadcast v0, $0x3;
	v5 =	vmul.f32 v44, v49;
	v3 =	vld [tilespmem:s19+$0xFFFFFFD0];
	[tilespmem:s19+$0x30] =	vst v6  }
0x12a: {  	v51 =	vld [tilespmem:s19+$0xFFFFFFC0];
	v52 =	vbroadcast v0, $0x7;
	v53 =	vmul.f32 v46, v50;
	[tilespmem:s19+$0x20] =	vst v8  }
0x12b: {  	v56 =	vld [tilespmem:s19+$0xFFFFFFA0];
	v55 =	vbroadcast v0, $0x6;
	v63 =	vmul.f32 v54, v61;
	[tilespmem:s19+$0x10] =	vst v5  }
0x12c: {  	v59 =	vld [tilespmem:s19+$0xFFFFFF90];
	v57 =	vbroadcast v0, $0x5;
	[tilespmem:s19+$0x0] =	vst v53;
	v1 =	vmul.f32 v1, v52  }
0x12d: {  	v60 =	vld [tilespmem:s19+$0xFFFFFF80];
	v58 =	vbroadcast v0, $0x4;
	[tilespmem:s19+$0xFFFFFFB0] =	vst v63;
	v2 =	vmul.f32 v2, v55  }
0x12e: {  	v62 =	vbroadcast v0, $0x2;
	v3 =	vmul.f32 v3, v57;
	[tilespmem:s19+$0xFFFFFFF0] =	vst v1  }
0x12f: {  	v1 =	vmul.f32 v51, v58;
	[tilespmem:s19+$0xFFFFFFE0] =	vst v2;
	v2 =	vbroadcast v0, $0x1  }
0x130: {  	[tilespmem:s19+$0xFFFFFFD0] =	vst v3;
	v0 =	vbroadcast v0, $0x0;
	v3 =	vmul.f32 v56, v62  }
0x131: {  	[tilespmem:s19+$0xFFFFFFC0] =	vst v1;
	v1 =	vmul.f32 v2, v59  }
0x132: {  	v0 =	vmul.f32 v0, v60;
	[tilespmem:s19+$0xFFFFFFA0] =	vst v3  }
0x133: {  	[tilespmem:s19+$0xFFFFFF90] =	vst v1  }
0x134: {  	s29 =	simm.s32 $0x10;
	[tilespmem:s19+$0xFFFFFF80] =	vst v0  }
0x135: {  	s20 =	simm.s32 $0x80;
	v0 =	vld [tilespmem:s29+$0x18DA0]  }
.LBB2_10:
0x136: {  	p0 =	sne.s32 s20, $0x9C0;
	v1 =	vld [tilespmem:s29+$0x18B20];
	_ =	sdelay $0x4  }
0x137: {  	v0 =	vadd.f32 v0, v1;
	_ =	sdelay $0x1  }
0x138: {  	(erf) = vrcp.f32 v0;
	_ =	sdelay $0x4  }
0x139: {  	s19 =	sadd.s32 $0x100, s19  }
0x13a: {  	v1 =	vld [tilespmem:s19+$0x70]  }
0x13b: {  	v2 =	vld [tilespmem:s19+$0x60]  }
0x13c: {  	v3 =	vld [tilespmem:s19+$0x50]  }
0x13d: {  	vm0 =	vgt.f32 v0, $0.0e+00;
	v0 =	vld [tilespmem:s19+$0x40];
	v4 =	vpop (erf)  }
0x13e: {  	v4 =	vnsel vm0, $0x0, v4;
	v5 =	vld [tilespmem:s19+$0x30]  }
0x13f: {  	v6 =	vld [tilespmem:s19+$0x20];
	v7 =	vbroadcast v4, $0xE;
	v8 =	vbroadcast v4, $0xF  }
0x140: {  	v10 =	vbroadcast v4, $0xC;
	v11 =	vbroadcast v4, $0xD;
	v9 =	vld [tilespmem:s19+$0x10]  }
0x141: {  	v12 =	vld [tilespmem:s19+$0x0];
	v2 =	vmul.f32 v2, v7;
	v1 =	vmul.f32 v1, v8  }
0x142: {  	v3 =	vmul.f32 v3, v11;
	v7 =	vld [tilespmem:s19+$0xFFFFFFF0];
	v0 =	vmul.f32 v0, v10  }
0x143: {  	v11 =	vbroadcast v4, $0xB;
	v10 =	vbroadcast v4, $0xA;
	v8 =	vld [tilespmem:s19+$0xFFFFFFE0];
	[tilespmem:s19+$0x70] =	vst v1  }
0x144: {  	v13 =	vbroadcast v4, $0x8;
	v14 =	vbroadcast v4, $0x9;
	v1 =	vld [tilespmem:s19+$0xFFFFFFD0];
	[tilespmem:s19+$0x60] =	vst v2  }
0x145: {  	v5 =	vmul.f32 v5, v11;
	v6 =	vmul.f32 v6, v10;
	v2 =	vld [tilespmem:s19+$0xFFFFFFC0];
	[tilespmem:s19+$0x50] =	vst v3  }
0x146: {  	v9 =	vmul.f32 v9, v14;
	v3 =	vld [tilespmem:s19+$0xFFFFFF80];
	v10 =	vmul.f32 v12, v13;
	[tilespmem:s19+$0x40] =	vst v0  }
0x147: {  	v11 =	vbroadcast v4, $0x6;
	v12 =	vbroadcast v4, $0x7;
	v0 =	vld [tilespmem:s19+$0xFFFFFFB0];
	[tilespmem:s19+$0x30] =	vst v5  }
0x148: {  	v14 =	vbroadcast v4, $0x5;
	v13 =	vbroadcast v4, $0x4;
	v5 =	vld [tilespmem:s19+$0xFFFFFFA0];
	[tilespmem:s19+$0x20] =	vst v6  }
0x149: {  	v8 =	vmul.f32 v8, v11;
	v7 =	vmul.f32 v7, v12;
	v6 =	vld [tilespmem:s19+$0xFFFFFF90];
	[tilespmem:s19+$0x10] =	vst v9  }
0x14a: {  	v1 =	vmul.f32 v1, v14;
	v2 =	vmul.f32 v2, v13;
	[tilespmem:s19+$0x0] =	vst v10  }
0x14b: {  	v9 =	vbroadcast v4, $0x2;
	v10 =	vbroadcast v4, $0x3;
	[tilespmem:s19+$0xFFFFFFF0] =	vst v7  }
0x14c: {  	v7 =	vbroadcast v4, $0x0;
	v4 =	vbroadcast v4, $0x1;
	[tilespmem:s19+$0xFFFFFFE0] =	vst v8  }
0x14d: {  	v0 =	vmul.f32 v0, v10;
	v5 =	vmul.f32 v5, v9;
	[tilespmem:s19+$0xFFFFFFD0] =	vst v1  }
0x14e: {  	v1 =	vmul.f32 v7, v3;
	v3 =	vmul.f32 v4, v6;
	[tilespmem:s19+$0xFFFFFFC0] =	vst v2  }
.Ltmp4:
0x14f: {  	[tilespmem:s19+$0xFFFFFFB0] =	vst v0;
	(pc) =	sbr.rel @p0 .LBB2_10-.Ltmp4, $4  }
0x150: {  	[tilespmem:s19+$0xFFFFFFA0] =	vst v5  }
0x151: {  	[tilespmem:s19+$0xFFFFFF90] =	vst v3  }
0x152: {  	s29 =	sshra.s32 s20, $0x2;
	[tilespmem:s19+$0xFFFFFF80] =	vst v1  }
0x153: {  	s20 =	sadd.s32 $0x40, s20;
	v0 =	vld [tilespmem:s29+$0x18DA0]  }
0x154: {  	v1 =	vld [tilespmem:s29+$0x18B20];
	_ =	sdelay $0x4  }
0x155: {  	v0 =	vadd.f32 v0, v1;
	_ =	sdelay $0x1  }
0x156: {  	(erf) = vrcp.f32 v0;
	_ =	sdelay $0x7  }
0x157: {  	s19 =	sadd.s32 $0x100, s19  }
0x158: {  	v37 =	vld [tilespmem:s19+$0x70];
	vm0 =	vgt.f32 v0, $0.0e+00;
	v38 =	vpop (erf)  }
0x159: {  	v2 =	vld [tilespmem:s19+$0x60];
	v0 =	vnsel vm0, $0x0, v38  }
0x15a: {  	v3 =	vld [tilespmem:s19+$0x50];
	v5 =	vbroadcast v0, $0xF  }
0x15b: {  	v4 =	vld [tilespmem:s19+$0x40];
	v7 =	vbroadcast v0, $0xE;
	v9 =	vbroadcast v0, $0xD  }
0x15c: {  	v6 =	vld [tilespmem:s19+$0x30];
	v10 =	vbroadcast v0, $0xC;
	v41 =	vbroadcast v0, $0xB  }
0x15d: {  	v8 =	vld [tilespmem:s19+$0x20];
	v43 =	vbroadcast v0, $0xA;
	v1 =	vmul.f32 v37, v5  }
0x15e: {  	v39 =	vld [tilespmem:s19+$0x10];
	v11 =	vbroadcast v0, $0x9;
	v2 =	vmul.f32 v2, v7  }
0x15f: {  	v40 =	vld [tilespmem:s19+$0x0];
	v46 =	vbroadcast v0, $0x8;
	v3 =	vmul.f32 v3, v9;
	[tilespmem:s19+$0x70] =	vst v1  }
0x160: {  	v47 =	vld [tilespmem:s19+$0xFFFFFFC0];
	v48 =	vbroadcast v0, $0x7;
	v4 =	vmul.f32 v4, v10;
	[tilespmem:s19+$0x60] =	vst v2  }
0x161: {  	v50 =	vld [tilespmem:s19+$0xFFFFFFB0];
	v51 =	vbroadcast v0, $0x6;
	v6 =	vmul.f32 v6, v41;
	[tilespmem:s19+$0x50] =	vst v3  }
0x162: {  	v52 =	vld [tilespmem:s19+$0xFFFFFFA0];
	v53 =	vbroadcast v0, $0x5;
	v8 =	vmul.f32 v8, v43;
	[tilespmem:s19+$0x40] =	vst v4  }
0x163: {  	v55 =	vld [tilespmem:s19+$0xFFFFFF90];
	v54 =	vbroadcast v0, $0x4;
	v5 =	vmul.f32 v39, v11;
	[tilespmem:s19+$0x30] =	vst v6  }
0x164: {  	v56 =	vld [tilespmem:s19+$0xFFFFFF80];
	v57 =	vbroadcast v0, $0x3;
	v49 =	vmul.f32 v40, v46;
	[tilespmem:s19+$0x20] =	vst v8  }
0x165: {  	v42 =	vld [tilespmem:s19+$0xFFFFFFF0];
	v59 =	vbroadcast v0, $0x2;
	v58 =	vmul.f32 v47, v54;
	[tilespmem:s19+$0x10] =	vst v5  }
0x166: {  	v44 =	vld [tilespmem:s19+$0xFFFFFFE0];
	v60 =	vbroadcast v0, $0x1;
	v61 =	vmul.f32 v50, v57;
	[tilespmem:s19+$0x0] =	vst v49  }
0x167: {  	v45 =	vld [tilespmem:s19+$0xFFFFFFD0];
	v0 =	vbroadcast v0, $0x0;
	v62 =	vmul.f32 v52, v59;
	[tilespmem:s19+$0xFFFFFFC0] =	vst v58  }
0x168: {  	v63 =	vmul.f32 v60, v55;
	[tilespmem:s19+$0xFFFFFFB0] =	vst v61  }
0x169: {  	v0 =	vmul.f32 v0, v56;
	[tilespmem:s19+$0xFFFFFFA0] =	vst v62  }
0x16a: {  	v1 =	vmul.f32 v42, v48;
	[tilespmem:s19+$0xFFFFFF90] =	vst v63  }
0x16b: {  	v2 =	vmul.f32 v44, v51;
	[tilespmem:s19+$0xFFFFFF80] =	vst v0  }
0x16c: {  	s0 =	sadd.s32 $0x1, s0;
	v3 =	vmul.f32 v45, v53;
	[tilespmem:s19+$0xFFFFFFF0] =	vst v1  }
0x16d: {  	p0 =	sne.s32 s0, s16;
	[tilespmem:s19+$0xFFFFFFE0] =	vst v2  }
.Ltmp5:
0x16e: {  	[tilespmem:s19+$0xFFFFFFD0] =	vst v3;
	(pc) =	sbr.rel @p0 .LBB2_1-.Ltmp5, $4  }
0x16f: {  	[hbm4b:s15+s3] =	stream.linear.scatter [tilespmem:s31], [sflag:$0x3], $0x2800, $0x38;
	[tilespmem:$0x1B820] =	vst v63  }
0x170: {  	_ =	swait.ge [sflag:s1], $0x2800  }
0x171: {  	[sflag:s1] =	ssyncset.done $0x0  }
0x172: {  	[sflag:s1] =	ssyncadd.s32 $0xFFFFD800  }
0x173: {  	_ =	sfence.sel $0x180000  }
0x174: {  	[bflag:$0x0] =	sbarrier.arrive $0xFFFF  }
0x175: {  	_ =	strace $0x9000004D  }
0x176: {  	s0 =	stileid.u32;
	[bflag:$0x2] =	sbarrier.arrive $0xFFFF  }
0x177: {  	p0 =	sne.s32 s0, $0x0;
	s0 =	rddreg [dreg:$0x3]  }
0x178: {  	s0 =	sadd.s32 @!p0 $0x100000, s0  }
0x179: {  	[sflag:s0] =	ssyncadd.tile.s32 @!p0 $0x1;
	_ =	shalt  }
.Lfunc_end2:
_tile_overlayer_lowered:
.L_overlay_start_2:
0x17a: {  	(tag) =	ssettag $0x2  }
0x17b: {  	s0 =	rddreg [dreg:$0x0];
	s2 =	stileid.u32  }
0x17c: {  	s1 =	rddreg [dreg:$0x1];
	p0 =	sne.s32 s2, $0x0  }
0x17d: {  	s3 =	rddreg [dreg:$0x2];
	[bflag:$0x3] =	sbarrier.arrive $0xFFFF;
	s2 =	simm.s32 @!p0 $0x1C03  }
0x17e: {  	[timem:s3], [sflag:s2] =	dma.local @!p0 [hbm:s0], s1  }
0x17f: {  	s0 =	simm.s32 @!p0 $0x3  }
0x180: {  	_ =	swait.ge @!p0 [sflag:s0], s1  }
0x181: {  	s1 =	ssub.s32 @!p0 $0x0, s1;
	[sflag:s0] =	ssyncset.done @!p0 $0x0  }
0x182: {  	[sflag:s0] =	ssyncadd.s32 @!p0 s1  }
0x183: {  	[bflag:$0x3] =	sbarrier.arrive $0xFFFF  }
0x184: {  	_ =	shalt  }

// kernel: kernel.7.cloned.1.call-start
scs
__scs_entry_jumppad:
0x0: {  	(pc) =	sbr.rel $0x88, $3  }
0x1: {  	(tag) =	ssettag $0x0;
	lr =	simm.s32 $0x1  }
0x2: {  	[smem:$0x3F9A] =	sst lr;
	_ =	strace $0xD0000000  }
0x3: {  	_ = 	snop  }
0x4: {  	_ = 	snop  }
0x5: {  	_ = 	snop  }
0x6: {  	_ = 	snop  }
0x7: {  	_ = 	snop  }
__scs_overlays_trampoline_lowered:
0x8: {  	[smem:$0x3FA9] =	sst s0  }
0x9: {  	[smem:$0x3FAA] =	sst s1  }
0xa: {  	[smem:$0x3FAB] =	sst s2  }
0xb: {  	[smem:$0x3FAC] =	sst s3  }
0xc: {  	[smem:$0x3FAD] =	sst s4  }
0xd: {  	[smem:$0x3FAE] =	sst s5  }
0xe: {  	[smem:$0x3FAF] =	sst s6  }
0xf: {  	[smem:$0x3FB0] =	sst s7  }
0x10: {  	[smem:$0x3FB1] =	sst s8  }
0x11: {  	[smem:$0x3FB2] =	sst s9;
	s0 =	simm.s32 @!p0 $0x0  }
0x12: {  	s1 =	sld [smem:$0x3F98];
	s0 =	simm.s32 @p0 $0x1  }
0x13: {  	[smem:$0x3FB3] =	sst s0;
	s0 =	simm.s32 @!p1 $0x0  }
0x14: {  	s2 =	sld [smem:$0x3F97];
	s0 =	simm.s32 @p1 $0x1  }
0x15: {  	[smem:$0x3FB4] =	sst s0;
	s0 =	simm.s32 @!p2 $0x0  }
0x16: {  	s3 =	sld [smem:$0x3FDB];
	s0 =	simm.s32 @p2 $0x1  }
0x17: {  	s4 =	simm.s32 $0x1BF5;
	[smem:$0x3FB6] =	sst s0  }
0x18: {  	s0 =	sld [smem:$0x3F99];
	_ =	swait.ge [sflag:s4], $0x0  }
0x19: {  	s7 =	sld [smem:$0x3F9A]  }
0x1a: {  	s8 =	sadd.s32 $0xFFFFE003, lr  }
0x1b: {  	s9 =	sadd.s32 $0xFFFFFEF7, lr;
	s5 =	simm.s32 $0xFFFFFFFF;
	p2 =	slt.u32 s8, $0xFFFFF086  }
0x1c: {  	p1 =	slt.u32 s9, $0xF7A;
	s5 =	simm.s32 @!p2 $0x0  }
0x1d: {  	s5 =	simm.s32 @p1 $0x1;
	p0 =	seq.s32 s7, s2  }
0x1e: {  	s7 =	smul.u32 @!p0 $0xF7A, s2;
	p2 =	seq.s32 @!p0 s5, $0x0  }
0x1f: {  	s9 =	smul.u32 $0xF7A, s1;
	s8 =	simm.s32 @!p0 $0x1BF5;
	p2 =	por !p2, p0  }
0x20: {  	[sflag:s8] =	ssyncset.s32 @!p0 $0xFFFFF086;
	s6 =	sadd.s32 @!p0 s3, s7;
	s7 =	simm.s32 @!p0 $0x108  }
0x21: {  	s3 =	sadd.s32 s3, s9;
	s6 =	sadd.s32 @!p0 $0x88, s6;
	s7 =	simm.s32 @p2 $0x1082  }
0x22: {  	[simem:s7], [sflag:s8] =	dma.local @!p0 [hbm:s6], $0xF7A  }
0x23: {  	s9 =	sor.u32 $0xD0000000, s2;
	s6 =	simm.s32 $0x108;
	_ =	swait.ge @!p0 [sflag:s8], $0x0  }
0x24: {  	s3 =	sadd.s32 $0x88, s3;
	s6 =	simm.s32 @!p1 $0x1082;
	[sflag:s4] =	ssyncset.s32 $0xFFFFF086  }
0x25: {  	[simem:s6], [sflag:s4] =	dma.local [hbm:s3], $0xF7A  }
0x26: {  	[smem:$0x3F9A] =	sst s1;
	(tag) =	ssettag s2;
	_ =	strace s9  }
0x27: {  	s1 =	sld [smem:$0x3FAA]  }
0x28: {  	s2 =	sld [smem:$0x3FAB]  }
0x29: {  	s4 =	sld [smem:$0x3FAD]  }
0x2a: {  	p0 =	seq.s32 s5, $0x0;
	s5 =	sld [smem:$0x3FAE]  }
0x2b: {  	s6 =	sld [smem:$0x3FAF]  }
0x2c: {  	s7 =	sld [smem:$0x3FB0]  }
0x2d: {  	s3 =	simm.s32 $0x108;
	s8 =	sld [smem:$0x3FB1]  }
0x2e: {  	s3 =	simm.s32 @!p0 $0x1082;
	s9 =	sld [smem:$0x3FB2]  }
0x2f: {  	lr =	sadd.s32 s0, s3;
	s0 =	sld [smem:$0x3FA9]  }
0x30: {  	s3 =	sld [smem:$0x3FAC]  }
0x31: {  	[smem:$0x3FB5] =	sst s10  }
0x32: {  	s10 =	sld [smem:$0x3FB3];
	_ =	sdelay $0x3  }
0x33: {  	p0 =	seq.s32 s10, $0x1;
	s10 =	sld [smem:$0x3FB5];
	_ =	sdelay $0x3  }
0x34: {  	[smem:$0x3FB5] =	sst s10  }
0x35: {  	s10 =	sld [smem:$0x3FB4];
	_ =	sdelay $0x3  }
0x36: {  	p1 =	seq.s32 s10, $0x1;
	s10 =	sld [smem:$0x3FB5];
	_ =	sdelay $0x3  }
0x37: {  	[smem:$0x3FB5] =	sst s10  }
0x38: {  	s10 =	sld [smem:$0x3FB6]  }
0x39: {  	_ = 	snop;
	(pc) =	sbr.ind lr, $3  }
0x3a: {  	_ = 	snop  }
0x3b: {  	_ = 	snop  }
0x3c: {  	p2 =	seq.s32 s10, $0x1;
	s10 =	sld [smem:$0x3FB5]  }
0x3d: {  	_ =	shalt  }
0x3e: {  	_ =	shalt  }
0x3f: {  	_ =	shalt  }
0x40: {  	_ =	shalt  }
0x41: {  	_ =	shalt  }
0x42: {  	_ =	shalt  }
0x43: {  	_ =	shalt  }
0x44: {  	_ =	shalt  }
0x45: {  	_ =	shalt  }
0x46: {  	_ =	shalt  }
0x47: {  	_ =	shalt  }
0x48: {  	_ =	shalt  }
0x49: {  	_ =	shalt  }
0x4a: {  	_ =	shalt  }
0x4b: {  	_ =	shalt  }
0x4c: {  	_ =	shalt  }
0x4d: {  	_ =	shalt  }
0x4e: {  	_ =	shalt  }
0x4f: {  	_ =	shalt  }
0x50: {  	_ =	shalt  }
0x51: {  	_ =	shalt  }
0x52: {  	_ =	shalt  }
0x53: {  	_ =	shalt  }
0x54: {  	_ =	shalt  }
0x55: {  	_ =	shalt  }
0x56: {  	_ =	shalt  }
0x57: {  	_ =	shalt  }
0x58: {  	_ =	shalt  }
0x59: {  	_ =	shalt  }
0x5a: {  	_ =	shalt  }
0x5b: {  	_ =	shalt  }
0x5c: {  	_ =	shalt  }
0x5d: {  	_ =	shalt  }
0x5e: {  	_ =	shalt  }
0x5f: {  	_ =	shalt  }
0x60: {  	_ =	shalt  }
0x61: {  	_ =	shalt  }
0x62: {  	_ =	shalt  }
0x63: {  	_ =	shalt  }
0x64: {  	_ =	shalt  }
0x65: {  	_ =	shalt  }
0x66: {  	_ =	shalt  }
0x67: {  	_ =	shalt  }
0x68: {  	_ =	shalt  }
0x69: {  	_ =	shalt  }
0x6a: {  	_ =	shalt  }
0x6b: {  	_ =	shalt  }
0x6c: {  	_ =	shalt  }
0x6d: {  	_ =	shalt  }
0x6e: {  	_ =	shalt  }
0x6f: {  	_ =	shalt  }
0x70: {  	_ =	shalt  }
0x71: {  	_ =	shalt  }
0x72: {  	_ =	shalt  }
0x73: {  	_ =	shalt  }
0x74: {  	_ =	shalt  }
0x75: {  	_ =	shalt  }
0x76: {  	_ =	shalt  }
0x77: {  	_ =	shalt  }
0x78: {  	_ =	shalt  }
0x79: {  	_ =	shalt  }
0x7a: {  	_ =	shalt  }
0x7b: {  	_ =	shalt  }
0x7c: {  	_ =	shalt  }
0x7d: {  	_ =	shalt  }
0x7e: {  	_ =	shalt  }
0x7f: {  	_ =	shalt  }
0x80: {  	_ =	shalt  }
0x81: {  	_ =	shalt  }
0x82: {  	_ =	shalt  }
0x83: {  	_ =	shalt  }
0x84: {  	_ =	shalt  }
0x85: {  	_ =	shalt  }
0x86: {  	_ =	shalt  }
0x87: {  	_ =	shalt  }
.Lfunc_end0:
.L_simem_size_0:
called_computation_lowered:
.L_overlay_start_0:
0x88: {  	s2 =	sld [smem:$0x3FD9]  }
0x89: {  	s3 =	sld [smem:$0x3FFE];
	_ =	sdelay $0x1  }
0x8a: {  	s1 =	srdreg.scid  }
0x8b: {  	s0 =	sand.u32 $0x1, s1  }
0x8c: {  	s17 =	sshll.u32 s0, $0xA;
	s2 =	sadd.s32 s3, s2  }
0x8d: {  	s2 =	sadd.s32 s2, s17  }
0x8e: {  	[smem:$0x3FC1] =	sst s2  }
0x8f: {  	_ = 	snop  }
0x90: {  	s2 =	sld [smem:$0x3FD0];
	(tm) =	ssettm $0x1  }
0x91: {  	s18 =	sld [smem:$0x3FFB];
	_ =	sdelay $0x3  }
0x92: {  	_ =	strace s18  }
0x93: {  	s3 =	sld [smem:$0x3FFC];
	_ =	sdelay $0x3  }
0x94: {  	_ =	strace s3  }
0x95: {  	s3 =	sld [smem:$0x3FFD];
	_ =	sdelay $0x3  }
0x96: {  	_ =	strace s3  }
0x97: {  	_ =	strace $0x8FFFFFFF  }
0x98: {  	s19 =	sld [smem:$0x3FDB];
	_ =	sdelay $0x1  }
0x99: {  	s4 =	simm.s32 $_scs_section_size  }
0x9a: {  	s5 =	simm.s32 $_size__tile_overlayer_lowered;
	s6 =	simm.s32 $_tile_overlayer_lowered  }
0x9b: {  	s22 =	simm.s32 $0x1BFF;
	s21 =	sshll.u32 s6, $0x1;
	s3 =	sadd.s32 s4, s19  }
0x9c: {  	s7 =	simm.s32 $0x0;
	s20 =	sshll.u32 s5, $0x1;
	s5 =	sadd.s32 s21, s3  }
0x9d: {  	[timem:s7], [sflag:s22] =	dma.local [hbm:s5], s20  }
0x9e: {  	_ =	swait.ge [sflag:s22], s20  }
0x9f: {  	s4 =	ssub.s32 $0x0, s20;
	[sflag:s22] =	ssyncset.done $0x0  }
0xa0: {  	[sflag:s22] =	ssyncadd.s32 s4;
	_ =	sdelay $0x1  }
0xa1: {  	s23 =	simm.s32 $0x1B8B  }
0xa2: {  	_ =	swait.ge [sflag:s23], $0x1  }
0xa3: {  	[sflag:s23] =	ssyncset.done $0x0  }
0xa4: {  	s25 =	simm.s32 $0x1B8E;
	s24 =	sld [smem:$0x3FFE];
	[sflag:s23] =	ssyncadd.s32 $0xFFFFFFFF  }
0xa5: {  	s26 =	simm.s32 $execute0_lowered;
	[smem:$0x3FD2] =	sst s25  }
0xa6: {  	s5 =	sshll.u32 s26, $0x1;
	_ =	strace $0x80000046;
	[dreg:$0x1] =	wrdreg $0xFFFFFFFF  }
0xa7: {  	s28 =	simm.s32 $_size_execute0_lowered;
	s3 =	sadd.s32 s3, s5;
	[dreg:$0x0] =	wrdreg $0x0  }
0xa8: {  	s5 =	sshll.u32 s28, $0x1;
	[dreg:$0x2] =	wrdreg s3  }
0xa9: {  	[dreg:$0x3] =	wrdreg s5  }
0xaa: {  	[dreg:$0x4] =	wrdreg $0xC0  }
0xab: {  	_ =	task [dreg:s7], $0x5FFFF  }
0xac: {  	[dreg:$0x1] =	wrdreg $0xFFFFFFFF  }
0xad: {  	[dreg:$0x0] =	wrdreg $0x60  }
0xae: {  	[dreg:$0x2] =	wrdreg s24  }
0xaf: {  	[dreg:$0x3] =	wrdreg s2  }
0xb0: {  	[dreg:$0x4] =	wrdreg $0xC5D00  }
0xb1: {  	[dreg:$0x5] =	wrdreg $0x9  }
0xb2: {  	_ =	task.clear_ibuf [dreg:s7], $0x6FFFF;
	_ =	strace $0x90000046  }
0xb3: {  	s29 =	simm.s32 $0x9;
	_ =	strace $0x80000048  }
0xb4: {  	_ =	swait.ge [sflag:s29], $0x1  }
0xb5: {  	[sflag:s29] =	ssyncadd.s32 $0xFFFFFFFF  }
0xb6: {  	_ =	strace $0x90000048  }
0xb7: {  	_ =	sfence  }
0xb8: {  	s30 =	sld [smem:$0x0];
	_ =	sdelay $0x2  }
0xb9: {  	s31 =	sshll.u32 s1, $0xD;
	s1 =	sshrl.u32 s1, $0x2  }
0xba: {  	s3 =	sand.u32 $0x4000, s31;
	s1 =	sadd.s32 s1, s30  }
0xbb: {  	s0 =	sor.u32 s3, s0;
	s1 =	sshll.u32 s1, $0x11  }
0xbc: {  	s0 =	sor.u32 s1, s0  }
0xbd: {  	s0 =	sadd.s32 $0x8F2B, s0  }
0xbe: {  	[sflag:s0] =	ssyncadd.remote.s32 $0x1  }
0xbf: {  	_ =	sfence.sel $0xFFFF  }
0xc0: {  	[dreg:$0x0] =	wrdreg $0xFFFFFFFF;
	(pc) =	sbr.abs _section_cstart, $3  }
0xc1: {  	[dreg:$0x1] =	wrdreg $0xFFFFFFFF  }
0xc2: {  	_ =	task.clear_ibuf [dreg:s7], $0x2FFFF;
	_ =	strace $0x9FFFFFFF  }
0xc3: {  	(tm) =	ssettm $0x7FFFFFFF  }
tec
execute0_lowered:
.L_overlay_start_1:
0x0: {  	(tag) =	ssettag $0x1  }
0x1: {  	s6 =	rddreg [dreg:$0x0]  }
0x2: {  	s1 =	srdreg.scid;
	s7 =	rddreg [dreg:$0x1]  }
0x3: {  	s0 =	stileid.u32;
	s2 =	rddreg [dreg:$0x2];
	s3 =	simm.s32 $0x0  }
0x4: {  	s15 =	simm.s32 $0x2710;
	s16 =	simm.s32 $0x4E20;
	s17 =	simm.s32 $0x7530  }
0x5: {  	s18 =	simm.s32 $0x9C40;
	s21 =	simm.s32 $0x0;
	s8 =	smul.u32 $0x280, s0  }
0x6: {  	s5 =	sand.u32 $0x1, s1;
	s1 =	rddreg [dreg:$0x3];
	s11 =	smul.u32 $0x2710, s0  }
0x7: {  	[smem:$0x7FF] =	sst s3;
	s4 =	sadd.s32 $0x2C00, s6;
	s9 =	smul.u32 $0x2800, s5  }
0x8: {  	s19 =	sshll.u32 s0, $0x6;
	s10 =	smul.u32 $0x27100, s5;
	s5 =	ssub.s32 $0x2, s5  }
0x9: {  	_ =	strace $0x80000047;
	s19 =	sor.u32 $0x1C01, s19;
	s31 =	sshrl.u32 s5, $0x1  }
0xa: {  	s9 =	sadd.s32 s8, s9;
	s10 =	sadd.s32 s11, s10;
	s14 =	ssub.s32 s5, s31  }
0xb: {  	s5 =	sadd.s32 s8, s2;
	s9 =	sshrl.u32 s9, $0x3;
	s10 =	sshrl.u32 s10, $0x3  }
0xc: {  	s20 =	sshrl.u32 s5, $0x3;
	s12 =	sadd.s32 s9, s6;
	s7 =	sadd.s32 s7, s10  }
0xd: {  	s13 =	sadd.s32 s10, s6;
	s6 =	sadd.s32 $0x30E2, s6;
	s8 =	sadd.s32 $0x9C40, s7  }
0xe: {  	s9 =	sadd.s32 $0x5400, s13;
	s10 =	sadd.s32 $0xFC00, s13;
	s11 =	sadd.s32 $0xF200, s12  }
0xf: {  	v0 =	vimm.f32 $0.0e+00;
	s12 =	smax.u32 s14, $0x1;
	s13 =	simm.s32 $0xC350;
	s14 =	simm.s32 $0x1  }
.LBB2_1:
0x10: {  	[tilespmem:$0xC350] =	vst v0  }
0x11: {  	[tilespmem:$0xC360] =	vst v0  }
0x12: {  	[tilespmem:$0xC370] =	vst v0  }
0x13: {  	[tilespmem:$0xC380] =	vst v0  }
0x14: {  	[tilespmem:$0xC390] =	vst v0  }
0x15: {  	[tilespmem:$0xC3A0] =	vst v0  }
0x16: {  	[tilespmem:$0xC3B0] =	vst v0  }
0x17: {  	[tilespmem:$0xC3C0] =	vst v0  }
0x18: {  	[tilespmem:$0xC3D0] =	vst v0  }
0x19: {  	[tilespmem:$0xC3E0] =	vst v0  }
0x1a: {  	[tilespmem:$0xC3F0] =	vst v0  }
0x1b: {  	[tilespmem:$0xC400] =	vst v0  }
0x1c: {  	[tilespmem:$0xC410] =	vst v0  }
0x1d: {  	[tilespmem:$0xC420] =	vst v0  }
0x1e: {  	[tilespmem:$0xC430] =	vst v0  }
0x1f: {  	[tilespmem:$0xC440] =	vst v0  }
0x20: {  	[tilespmem:$0xC450] =	vst v0  }
0x21: {  	[tilespmem:$0xC460] =	vst v0  }
0x22: {  	[tilespmem:$0xC470] =	vst v0  }
0x23: {  	[tilespmem:$0xC480] =	vst v0  }
0x24: {  	[tilespmem:$0xC490] =	vst v0  }
0x25: {  	[tilespmem:$0xC4A0] =	vst v0  }
0x26: {  	[tilespmem:$0xC4B0] =	vst v0  }
0x27: {  	[tilespmem:$0xC4C0] =	vst v0  }
0x28: {  	[tilespmem:$0xC4D0] =	vst v0  }
0x29: {  	[tilespmem:$0xC4E0] =	vst v0  }
0x2a: {  	[tilespmem:$0xC4F0] =	vst v0  }
0x2b: {  	[tilespmem:$0xC500] =	vst v0  }
0x2c: {  	[tilespmem:$0xC510] =	vst v0  }
0x2d: {  	[tilespmem:$0xC520] =	vst v0  }
0x2e: {  	[tilespmem:$0xC530] =	vst v0  }
0x2f: {  	[tilespmem:$0xC540] =	vst v0  }
0x30: {  	[tilespmem:$0xC550] =	vst v0  }
0x31: {  	[tilespmem:$0xC560] =	vst v0  }
0x32: {  	[tilespmem:$0xC570] =	vst v0  }
0x33: {  	[tilespmem:$0xC580] =	vst v0  }
0x34: {  	[tilespmem:$0xC590] =	vst v0  }
0x35: {  	[tilespmem:$0xC5A0] =	vst v0  }
0x36: {  	[tilespmem:$0xC5B0] =	vst v0  }
0x37: {  	[tilespmem:$0xC5C0] =	vst v0  }
0x38: {  	[spmem:s5] =	stream.linear.scatter [tilespmem:s13], [sflag:$0x1], $0x280, $0x38;
	[tilespmem:$0xC850] =	vst v63  }
0x39: {  	_ =	swait.ge [sflag:s14], $0x280  }
0x3a: {  	[sflag:s14] =	ssyncset.done $0x0  }
0x3b: {  	[sflag:s14] =	ssyncadd.s32 $0xFFFFFD80  }
0x3c: {  	[tilespmem:s3], [sflag:$0x1] =	stream.linear.gather [hbm4b:s4+s3], $0x2710, $0x38;
	[tilespmem:$0xC850] =	vst v63  }
0x3d: {  	_ =	swait.ge [sflag:s14], $0x2710  }
0x3e: {  	[sflag:s14] =	ssyncset.done $0x0  }
0x3f: {  	[sflag:s14] =	ssyncadd.s32 $0xFFFFD8F0  }
0x40: {  	[tilespmem:s15], [sflag:$0x1] =	stream.linear.gather [hbm4b:s6+s3], $0x2710, $0x38;
	[tilespmem:$0xC850] =	vst v63  }
0x41: {  	_ =	swait.ge [sflag:s14], $0x2710  }
0x42: {  	[sflag:s14] =	ssyncset.done $0x0  }
0x43: {  	[sflag:s14] =	ssyncadd.s32 $0xFFFFD8F0  }
0x44: {  	[tilespmem:s16], [sflag:$0x1] =	stream.linear.gather [hbm4b:s7+s3], $0x2710, $0x38;
	[tilespmem:$0xC850] =	vst v63  }
0x45: {  	_ =	swait.ge [sflag:s14], $0x2710  }
0x46: {  	[sflag:s14] =	ssyncset.done $0x0  }
0x47: {  	[sflag:s14] =	ssyncadd.s32 $0xFFFFD8F0  }
0x48: {  	[tilespmem:s17], [sflag:$0x1] =	stream.linear.gather [hbm4b:s8+s3], $0x2710, $0x38;
	[tilespmem:$0xC850] =	vst v63  }
0x49: {  	_ =	swait.ge [sflag:s14], $0x2710  }
0x4a: {  	[sflag:s14] =	ssyncset.done $0x0  }
0x4b: {  	[sflag:s14] =	ssyncadd.s32 $0xFFFFD8F0  }
0x4c: {  	s22 =	simm.s32 $0x0;
	[bflag:$0x0] =	sbarrier.arrive $0xFFFF  }
0x4d: {  	v1 =	vld [tilespmem:s22+$0x7530]  }
0x4e: {  	v2 =	vld [tilespmem:s22+$0x4E20];
	_ =	sdelay $0x6  }
0x4f: {  	v1 =	vld.idx.msk [tilespmem:v1+s15+$0x0], $0xffff  }
0x50: {  	v2 =	vld.idx.msk [tilespmem:v2+s3+$0x0], $0xffff;
	_ =	sdelay $0x4  }
0x51: {  	v1 =	vadd.f32 v1, v2;
	_ =	sdelay $0x1  }
0x52: {  	v1 =	vmax.f32 v1, $0.0e+00  }
0x53: {  	v1 =	vmul.f32 $1.442695020e+00, v1;
	_ =	sdelay $0x1  }
0x54: {  	(erf) = vpow2.f32 v1;
	_ =	sdelay $0x1  }
0x55: {  	s24 =	simm.s32 $0x10  }
0x56: {  	s23 =	simm.s32 $0x80;
	v1 =	vld [tilespmem:s24+$0x7530]  }
.LBB2_2:
0x57: {  	p0 =	sne.s32 s23, $0x9C00;
	v2 =	vld [tilespmem:s24+$0x4E20];
	_ =	sdelay $0x4  }
0x58: {  	v3 =	vpop (erf)  }
0x59: {  	[tilespmem:s22+$0x9C40] =	vst v3;
	s22 =	smov.u32 s24  }
0x5a: {  	v1 =	vld.idx.msk [tilespmem:v1+s15+$0x0], $0xffff  }
0x5b: {  	v2 =	vld.idx.msk [tilespmem:v2+s3+$0x0], $0xffff;
	_ =	sdelay $0x5  }
0x5c: {  	v1 =	vadd.f32 v1, v2;
	_ =	sdelay $0x1  }
0x5d: {  	v1 =	vmax.f32 v1, $0.0e+00  }
0x5e: {  	v1 =	vmul.f32 $1.442695020e+00, v1  }
.Ltmp0:
0x5f: {  	(pc) =	sbr.rel @p0 .LBB2_2-.Ltmp0, $3  }
0x60: {  	(erf) = vpow2.f32 v1;
	_ =	sdelay $0x1  }
0x61: {  	s24 =	sshra.s32 s23, $0x2  }
0x62: {  	s23 =	sadd.s32 $0x40, s23;
	v1 =	vld [tilespmem:s24+$0x7530]  }
0x63: {  	_ = 	snop  }
0x64: {  	v2 =	vld [tilespmem:s24+$0x4E20];
	_ =	sdelay $0x4  }
0x65: {  	v3 =	vpop (erf)  }
0x66: {  	[tilespmem:s22+$0x9C40] =	vst v3  }
0x67: {  	v1 =	vld.idx.msk [tilespmem:v1+s15+$0x0], $0xffff  }
0x68: {  	v2 =	vld.idx.msk [tilespmem:v2+s3+$0x0], $0xffff;
	_ =	sdelay $0x4  }
0x69: {  	v1 =	vadd.f32 v1, v2;
	_ =	sdelay $0x1  }
0x6a: {  	v1 =	vmax.f32 v1, $0.0e+00  }
0x6b: {  	v1 =	vmul.f32 $1.442695020e+00, v1;
	_ =	sdelay $0x1  }
0x6c: {  	(erf) = vpow2.f32 v1;
	_ =	sdelay $0x8  }
0x6d: {  	v1 =	vpop (erf)  }
0x6e: {  	[tilespmem:s24+$0x9C40] =	vst v1  }
0x6f: {  	[hbm4b:s9+s3] =	stream.linear.scatter [tilespmem:s18], [sflag:$0x1], $0x2710, $0x38;
	[tilespmem:$0xC850] =	vst v63  }
0x70: {  	_ =	swait.ge [sflag:s14], $0x2710  }
0x71: {  	[sflag:s14] =	ssyncset.done $0x0  }
0x72: {  	[sflag:s14] =	ssyncadd.s32 $0xFFFFD8F0  }
0x73: {  	[hbm4b:s10+s3] =	stream.linear.scatter [tilespmem:s17], [sflag:$0x1], $0x2710, $0x38;
	[tilespmem:$0xC850] =	vst v63  }
0x74: {  	_ =	swait.ge [sflag:s14], $0x2710  }
0x75: {  	[sflag:s14] =	ssyncset.done $0x0  }
0x76: {  	[sflag:s14] =	ssyncadd.s32 $0xFFFFD8F0  }
0x77: {  	[spmem:s2] =	stream.indirect.scatter.add.f32 [tilespmem:s18], [sflag:$0x1], $0x1, s17, s15, $0xb8;
	[tilespmem:$0xC850] =	vst v63  }
0x78: {  	_ =	swait.ge [sflag:s14], $0x2710  }
0x79: {  	s21 =	sadd.s32 $0x1, s21;
	[sflag:s14] =	ssyncset.done $0x0  }
0x7a: {  	p0 =	sne.s32 s21, s12;
	[sflag:s14] =	ssyncadd.s32 $0xFFFFD8F0  }
.Ltmp1:
0x7b: {  	[bflag:$0x0] =	sbarrier.arrive $0xFFFF;
	(pc) =	sbr.rel @p0 .LBB2_1-.Ltmp1, $4  }
0x7c: {  	[hbm:s11], [sflag:s19] =	dma.local [spmem:s20], $0x50  }
0x7d: {  	_ =	swait.ge [sflag:s14], $0x50  }
0x7e: {  	[sflag:s14] =	ssyncset.done $0x0  }
0x7f: {  	[sflag:s14] =	ssyncadd.s32 $0xFFFFFFB0  }
0x80: {  	_ =	sfence.sel $0x180000  }
0x81: {  	[bflag:$0x0] =	sbarrier.arrive $0xFFFF  }
0x82: {  	p0 =	sne.s32 s0, $0x0;
	_ =	strace $0x90000047  }
0x83: {  	s0 =	sadd.s32 @!p0 $0x100000, s1;
	[bflag:$0x2] =	sbarrier.arrive $0xFFFF  }
0x84: {  	[sflag:s0] =	ssyncadd.tile.s32 @!p0 $0x1;
	_ =	shalt  }
.Lfunc_end2:
_tile_overlayer_lowered:
.L_overlay_start_2:
0x85: {  	(tag) =	ssettag $0x2  }
0x86: {  	s0 =	rddreg [dreg:$0x0];
	s2 =	stileid.u32  }
0x87: {  	s1 =	rddreg [dreg:$0x1];
	p0 =	sne.s32 s2, $0x0  }
0x88: {  	s3 =	rddreg [dreg:$0x2];
	[bflag:$0x3] =	sbarrier.arrive $0xFFFF;
	s2 =	simm.s32 @!p0 $0x1C01  }
0x89: {  	[timem:s3], [sflag:s2] =	dma.local @!p0 [hbm:s0], s1  }
0x8a: {  	s0 =	simm.s32 @!p0 $0x1  }
0x8b: {  	_ =	swait.ge @!p0 [sflag:s0], s1  }
0x8c: {  	s1 =	ssub.s32 @!p0 $0x0, s1;
	[sflag:s0] =	ssyncset.done @!p0 $0x0  }
0x8d: {  	[sflag:s0] =	ssyncadd.s32 @!p0 s1  }
0x8e: {  	[bflag:$0x3] =	sbarrier.arrive $0xFFFF  }
0x8f: {  	_ =	shalt  }

</sc_bundles>
